<compile_context>
chip_gen: v7x
topology: tpu7x:2x2x1
jax: 0.10.2.dev20260603
libtpu: 0.0.44.dev20260713+nightly
codegen_flags: <defaults>
</compile_context>

<pallas_src>
import functools

import jax
import jax.numpy as jnp
from jax import lax
from jax.experimental import pallas as pl
from jax.experimental.pallas import tpu as pltpu
from jax.experimental.pallas import tpu_sc as plsc

N = 10000
E = 320000
H_DIM = 128
HEADS = 8
DH = 16
L = 4
G = 64

NC = 2
NS = 16
NW = NC * NS
EPW = E // NW
RPS = 624
TAIL = N - NS * RPS

BN = 2000
GRID = N // BN

CK_E = 1000
NIT_E = EPW // CK_E
CK_M = 80
NIT_M = EPW // CK_M

_f32 = jnp.float32



def _x0_body(h_ref, we_ref, x_ref):
    x_ref[...] = jnp.dot(h_ref[...], we_ref[...], preferred_element_type=_f32)


def _x0_call(h, W_embed):
    return pl.pallas_call(
        _x0_body,
        grid=(GRID,),
        in_specs=[_ROW_SPEC, _W_SPEC],
        out_specs=_ROW_SPEC,
        out_shape=jax.ShapeDtypeStruct((N, H_DIM), _f32),
    )(h, W_embed)


def _al_body(xp_ref, o0_ref, o1_ref, sn_ref, w_ref, aser_ref,
             x_ref, wh_ref, el_ref, er_ref, m_ref):
    i = pl.program_id(0)
    z = (o0_ref[...] + o1_ref[...]) * sn_ref[...]
    z = jnp.where(z > 0, z, jnp.exp(z) - 1.0)
    x = xp_ref[...] + z
    x_ref[...] = x
    wh = jnp.dot(x, w_ref[...], preferred_element_type=_f32)
    wh_ref[...] = wh
    eler = jnp.dot(wh, aser_ref[...], preferred_element_type=_f32)
    el_ref[...] = eler[:, :16]
    er_ref[...] = eler[:, 16:]
    blkmax = jnp.max(eler[:, :16], axis=0, keepdims=True)

    @pl.when(i == 0)
    def _():
        m_ref[...] = blkmax

    @pl.when(i > 0)
    def _():
        m_ref[...] = jnp.maximum(m_ref[...], blkmax)


_A_OUT_SHAPES = [
    jax.ShapeDtypeStruct((N, H_DIM), _f32),
    jax.ShapeDtypeStruct((N, H_DIM), _f32),
    jax.ShapeDtypeStruct((N, 16), _f32),
    jax.ShapeDtypeStruct((N, 16), _f32),
    jax.ShapeDtypeStruct((1, 16), _f32),
]

_A_OUT_SPECS = [
    pl.BlockSpec((BN, H_DIM), lambda i: (i, 0)),
    pl.BlockSpec((BN, H_DIM), lambda i: (i, 0)),
    pl.BlockSpec((BN, 16), lambda i: (i, 0)),
    pl.BlockSpec((BN, 16), lambda i: (i, 0)),
    pl.BlockSpec((1, 16), lambda i: (0, 0)),
]

_W_SPEC = pl.BlockSpec((H_DIM, H_DIM), lambda i: (0, 0))
_ASER_SPEC = pl.BlockSpec((H_DIM, 32), lambda i: (0, 0))
_ROW_SPEC = pl.BlockSpec((BN, H_DIM), lambda i: (i, 0))
_COL_SPEC = pl.BlockSpec((BN, 1), lambda i: (i, 0))


def _al_call(x_prev, o0, o1, snorm, W, aser):
    return pl.pallas_call(
        _al_body,
        grid=(GRID,),
        in_specs=[_ROW_SPEC, _ROW_SPEC, _ROW_SPEC, _COL_SPEC, _W_SPEC, _ASER_SPEC],
        out_specs=_A_OUT_SPECS,
        out_shape=_A_OUT_SHAPES,
    )(x_prev, o0, o1, snorm, W, aser)


def _ro_body(xp_ref, o0_ref, o1_ref, sn_ref, gid_ref, wro_ref, wp_ref, bp_ref,
             out_ref, sums_ref, cnts_ref):
    i = pl.program_id(0)
    z = (o0_ref[...] + o1_ref[...]) * sn_ref[...]
    z = jnp.where(z > 0, z, jnp.exp(z) - 1.0)
    y = xp_ref[...] + z
    hn = jnp.dot(y, wro_ref[...], preferred_element_type=_f32)
    gid = gid_ref[...]
    iota = lax.broadcasted_iota(jnp.int32, (BN, G), 1)
    p = (gid == iota).astype(_f32)
    psum = lax.dot_general(p, hn, (((0,), (0,)), ((), ())),
                           preferred_element_type=_f32)
    ones = jnp.ones((BN, H_DIM), _f32)
    pcnt = lax.dot_general(p, ones, (((0,), (0,)), ((), ())),
                           preferred_element_type=_f32)

    @pl.when(i == 0)
    def _():
        sums_ref[...] = psum
        cnts_ref[...] = pcnt

    @pl.when(i > 0)
    def _():
        sums_ref[...] = sums_ref[...] + psum
        cnts_ref[...] = cnts_ref[...] + pcnt

    @pl.when(i == GRID - 1)
    def _():
        hg = sums_ref[...] / jnp.maximum(cnts_ref[...], 1.0)
        out_ref[...] = jnp.dot(hg, wp_ref[...], preferred_element_type=_f32) + bp_ref[...]


def _ro_call(x_prev, o0, o1, snorm, gid2d, W_ro, W_pred, b_pred2d):
    return pl.pallas_call(
        _ro_body,
        grid=(GRID,),
        in_specs=[
            _ROW_SPEC, _ROW_SPEC, _ROW_SPEC, _COL_SPEC,
            pl.BlockSpec((BN, 1), lambda i: (i, 0)),
            pl.BlockSpec((H_DIM, H_DIM), lambda i: (0, 0)),
            pl.BlockSpec((H_DIM, 1), lambda i: (0, 0)),
            pl.BlockSpec((1, 1), lambda i: (0, 0)),
        ],
        out_specs=pl.BlockSpec((G, 1), lambda i: (0, 0)),
        out_shape=jax.ShapeDtypeStruct((G, 1), _f32),
        scratch_shapes=[
            pltpu.VMEM((G, H_DIM), _f32),
            pltpu.VMEM((G, H_DIM), _f32),
        ],
    )(x_prev, o0, o1, snorm, gid2d, W_ro, W_pred, b_pred2d)


def _r_body(d0_ref, d1_ref, r_ref):
    r_ref[...] = 1.0 / (d0_ref[...] + d1_ref[...] + 1e-9)


def _r_call(den0, den1):
    return pl.pallas_call(
        _r_body,
        grid=(GRID,),
        in_specs=[pl.BlockSpec((BN, 16), lambda i: (i, 0)),
                  pl.BlockSpec((BN, 16), lambda i: (i, 0))],
        out_specs=pl.BlockSpec((BN, 16), lambda i: (i, 0)),
        out_shape=jax.ShapeDtypeStruct((N, 16), _f32),
    )(den0, den1)



_MESH = plsc.VectorSubcoreMesh(core_axis_name="c", subcore_axis_name="s")


@functools.partial(
    pl.kernel,
    out_type=[
        jax.ShapeDtypeStruct((E, 16), _f32),
        jax.ShapeDtypeStruct((N, 16), _f32),
        jax.ShapeDtypeStruct((N, 16), _f32),
    ],
    mesh=_MESH,
    compiler_params=pltpu.CompilerParams(use_tc_tiling_on_sc=False),
    scratch_types=[
        pltpu.VMEM((NIT_E, CK_E), jnp.int32),
        pltpu.VMEM((NIT_E, CK_E), jnp.int32),
        pltpu.VMEM((CK_E, 16), _f32),
        pltpu.VMEM((CK_E, 16), _f32),
        pltpu.VMEM((CK_E, 16), _f32),
        pltpu.VMEM((CK_E, 16), _f32),
        pltpu.VMEM((CK_E, 16), _f32),
        pltpu.VMEM((CK_E, 16), _f32),
        pltpu.VMEM((16,), _f32),
        pltpu.VMEM_SHARED((N, 16), _f32),
        pltpu.SemaphoreType.DMA,
        pltpu.SemaphoreType.DMA,
        pltpu.SemaphoreType.DMA,
        pltpu.SemaphoreType.DMA,
    ],
)
def _e_kernel(src3_hbm, dst3_hbm, el_hbm, er_hbm, m_hbm, z16_hbm,
              w_hbm, den0_hbm, den1_hbm,
              idx_s2d, idx_d2d, ab0, ab1, bb0, bb1, wb0, wb1, mvec, den_sh,
              sem_a, sem_b, sem_w, semsc):
    c = lax.axis_index("c")
    s = lax.axis_index("s")
    wid = s * NC + c

    pltpu.sync_copy(z16_hbm.at[pl.ds(s * RPS, RPS)], den_sh.at[pl.ds(s * RPS, RPS)])

    @pl.when(s == NS - 1)
    def _():
        pltpu.sync_copy(z16_hbm.at[pl.ds(NS * RPS, TAIL)],
                        den_sh.at[pl.ds(NS * RPS, TAIL)])

    pltpu.sync_copy(m_hbm, mvec)
    pltpu.sync_copy(src3_hbm.at[wid], idx_s2d)
    pltpu.sync_copy(dst3_hbm.at[wid], idx_d2d)
    plsc.subcore_barrier()

    mv = mvec[...]

    def issue_gathers(j, abx, bbx):
        pltpu.async_copy(el_hbm.at[idx_s2d.at[j]], abx, sem_a)
        pltpu.async_copy(er_hbm.at[idx_d2d.at[j]], bbx, sem_b)

    def drain_gathers(abx, bbx):
        pltpu.make_async_copy(el_hbm.at[idx_s2d.at[0]], abx, sem_a).wait()
        pltpu.make_async_copy(er_hbm.at[idx_d2d.at[0]], bbx, sem_b).wait()

    def drain_wsc(wbx):
        pltpu.make_async_copy(wbx, w_hbm.at[pl.ds(0, CK_E)], sem_w).wait()
        pltpu.make_async_copy(wbx, den_sh.at[idx_d2d.at[0]], semsc).wait()

    def compute_and_store(j, abx, bbx, wbx):
        @plsc.parallel_loop(0, CK_E, unroll=8)
        def vbody(i):
            a = abx[i, :]
            b = bbx[i, :]
            e = a + b
            e = jnp.maximum(e, 0.2 * e)
            cb = mv + b
            cb = jnp.maximum(cb, 0.2 * cb)
            wbx[i, :] = jnp.exp(e - cb)
        pltpu.async_copy(wbx, w_hbm.at[pl.ds(wid * EPW + j * CK_E, CK_E)], sem_w)
        pltpu.async_copy(wbx, den_sh.at[idx_d2d.at[j]], semsc, add=True)

    issue_gathers(0, ab0, bb0)

    def pair(t, carry):
        j0 = 2 * t
        drain_gathers(ab0, bb0)

        @pl.when(t > 0)
        def _():
            drain_wsc(wb1)

        issue_gathers(j0 + 1, ab1, bb1)
        compute_and_store(j0, ab0, bb0, wb0)

        drain_gathers(ab1, bb1)
        drain_wsc(wb0)

        @pl.when(t < NIT_E // 2 - 1)
        def _():
            issue_gathers(j0 + 2, ab0, bb0)

        compute_and_store(j0 + 1, ab1, bb1, wb1)
        return carry

    lax.fori_loop(0, NIT_E // 2, pair, 0)
    drain_wsc(wb1)

    plsc.subcore_barrier()

    @pl.when(c == 0)
    def _():
        pltpu.sync_copy(den_sh.at[pl.ds(s * RPS, RPS)], den0_hbm.at[pl.ds(s * RPS, RPS)])

        @pl.when(s == NS - 1)
        def _():
            pltpu.sync_copy(den_sh.at[pl.ds(NS * RPS, TAIL)],
                            den0_hbm.at[pl.ds(NS * RPS, TAIL)])

    @pl.when(c == 1)
    def _():
        pltpu.sync_copy(den_sh.at[pl.ds(s * RPS, RPS)], den1_hbm.at[pl.ds(s * RPS, RPS)])

        @pl.when(s == NS - 1)
        def _():
            pltpu.sync_copy(den_sh.at[pl.ds(NS * RPS, TAIL)],
                            den1_hbm.at[pl.ds(NS * RPS, TAIL)])


@functools.partial(
    pl.kernel,
    out_type=[
        jax.ShapeDtypeStruct((N, H_DIM), _f32),
        jax.ShapeDtypeStruct((N, H_DIM), _f32),
    ],
    mesh=_MESH,
    compiler_params=pltpu.CompilerParams(use_tc_tiling_on_sc=False),
    scratch_types=[
        pltpu.VMEM((NIT_M, CK_M), jnp.int32),
        pltpu.VMEM((NIT_M, CK_M), jnp.int32),
        pltpu.VMEM((CK_M, H_DIM), _f32),
        pltpu.VMEM((CK_M, H_DIM), _f32),
        pltpu.VMEM((CK_M, 16), _f32),
        pltpu.VMEM((CK_M, 16), _f32),
        pltpu.VMEM((CK_M, 16), _f32),
        pltpu.VMEM((CK_M, 16), _f32),
        pltpu.VMEM_SHARED((N, H_DIM), _f32),
        pltpu.SemaphoreType.DMA,
        pltpu.SemaphoreType.DMA,
        pltpu.SemaphoreType.DMA,
        pltpu.SemaphoreType.DMA,
    ],
)
def _m_kernel(src3_hbm, dst3_hbm, wh_hbm, w_hbm, r_hbm, z128_hbm,
              o0_hbm, o1_hbm,
              idx_s2d, idx_d2d, gb0, gb1, wb0, wb1, rg0, rg1, out_sh,
              sem_wh, sem_r, sem_w, semsc):
    c = lax.axis_index("c")
    s = lax.axis_index("s")
    wid = s * NC + c

    pltpu.sync_copy(z128_hbm.at[pl.ds(s * RPS, RPS)], out_sh.at[pl.ds(s * RPS, RPS)])

    @pl.when(s == NS - 1)
    def _():
        pltpu.sync_copy(z128_hbm.at[pl.ds(NS * RPS, TAIL)],
                        out_sh.at[pl.ds(NS * RPS, TAIL)])

    pltpu.sync_copy(src3_hbm.at[wid], idx_s2d)
    pltpu.sync_copy(dst3_hbm.at[wid], idx_d2d)
    plsc.subcore_barrier()

    def issue_gathers(j, gb, wbx, rgx):
        pltpu.async_copy(wh_hbm.at[idx_s2d.at[j]], gb, sem_wh)
        pltpu.async_copy(r_hbm.at[idx_d2d.at[j]], rgx, sem_r)
        pltpu.async_copy(w_hbm.at[pl.ds(wid * EPW + j * CK_M, CK_M)], wbx, sem_w)

    def drain_gathers(gb, wbx, rgx):
        pltpu.make_async_copy(wh_hbm.at[idx_s2d.at[0]], gb, sem_wh).wait()
        pltpu.make_async_copy(r_hbm.at[idx_d2d.at[0]], rgx, sem_r).wait()
        pltpu.make_async_copy(w_hbm.at[pl.ds(0, CK_M)], wbx, sem_w).wait()

    def drain_scatter():
        pltpu.make_async_copy(gb0, out_sh.at[idx_d2d.at[0]], semsc).wait()

    def compute_and_scatter(j, gb, wbx, rgx):
        @plsc.parallel_loop(0, CK_M, unroll=8)
        def vbody(i):
            aw = wbx[i, :] * rgx[i, :]
            for hd in range(HEADS):
                gb[i, 16 * hd:16 * (hd + 1)] = (
                    gb[i, 16 * hd:16 * (hd + 1)] * aw[hd])

        pltpu.async_copy(gb, out_sh.at[idx_d2d.at[j]], semsc, add=True)

    issue_gathers(0, gb0, wb0, rg0)

    def pair(t, carry):
        j0 = 2 * t
        drain_gathers(gb0, wb0, rg0)

        @pl.when(t > 0)
        def _():
            drain_scatter()

        issue_gathers(j0 + 1, gb1, wb1, rg1)
        compute_and_scatter(j0, gb0, wb0, rg0)

        drain_gathers(gb1, wb1, rg1)
        drain_scatter()
        issue_gathers(j0 + 2, gb0, wb0, rg0)
        compute_and_scatter(j0 + 1, gb1, wb1, rg1)
        return carry

    lax.fori_loop(0, NIT_M // 2, pair, 0)
    drain_gathers(gb0, wb0, rg0)
    drain_scatter()
    compute_and_scatter(NIT_M - 1, gb0, wb0, rg0)
    drain_scatter()
    plsc.subcore_barrier()

    @pl.when(c == 0)
    def _():
        pltpu.sync_copy(out_sh.at[pl.ds(s * RPS, RPS)], o0_hbm.at[pl.ds(s * RPS, RPS)])

        @pl.when(s == NS - 1)
        def _():
            pltpu.sync_copy(out_sh.at[pl.ds(NS * RPS, TAIL)],
                            o0_hbm.at[pl.ds(NS * RPS, TAIL)])

    @pl.when(c == 1)
    def _():
        pltpu.sync_copy(out_sh.at[pl.ds(s * RPS, RPS)], o1_hbm.at[pl.ds(s * RPS, RPS)])

        @pl.when(s == NS - 1)
        def _():
            pltpu.sync_copy(out_sh.at[pl.ds(NS * RPS, TAIL)],
                            o1_hbm.at[pl.ds(NS * RPS, TAIL)])



def kernel(h, edge_index, node_graph_id, snorm_n, W_embed, Ws, a_srcs, a_dsts,
           W_ro, W_pred, b_pred):
    src = edge_index[0]
    dst = edge_index[1]

    head_of = jnp.arange(H_DIM, dtype=jnp.int32) // DH
    delta = (head_of[:, None] == jnp.arange(HEADS)[None, :]).astype(_f32)
    asv = a_srcs.reshape(L, H_DIM)[:, :, None] * delta[None]
    adv = a_dsts.reshape(L, H_DIM)[:, :, None] * delta[None]
    aser = jnp.concatenate([asv, asv, adv, adv], axis=2)

    zeros16 = jnp.zeros((N, 16), _f32)
    zeros128 = jnp.zeros((N, H_DIM), _f32)
    snorm = snorm_n.astype(_f32)
    src3 = src.reshape(NW, NIT_M, CK_M)
    dst3 = dst.reshape(NW, NIT_M, CK_M)
    src3e = src.reshape(NW, NIT_E, CK_E)
    dst3e = dst.reshape(NW, NIT_E, CK_E)

    x0 = _x0_call(h.astype(_f32), W_embed)

    def layer(l, carry):
        x, o0, o1 = carry
        W_l = lax.dynamic_index_in_dim(Ws, l, 0, keepdims=False)
        aser_l = lax.dynamic_index_in_dim(aser, l, 0, keepdims=False)
        x, wh, el, er, m = _al_call(x, o0, o1, snorm, W_l, aser_l)
        w, den0, den1 = _e_kernel(src3e, dst3e, el, er, m.reshape(16), zeros16)
        r = _r_call(den0, den1)
        o0, o1 = _m_kernel(src3, dst3, wh, w, r, zeros128)
        return (x, o0, o1)

    x, o0, o1 = lax.fori_loop(0, L, layer, (x0, zeros128, zeros128))

    gid2d = node_graph_id.reshape(N, 1)
    b2d = b_pred.reshape(1, 1)
    return _ro_call(x, o0, o1, snorm, gid2d, W_ro, W_pred, b2d)

# --- scband reference (transcript-rebuilt; emitter-appended) ---
"""Pipeline reference for scband-gatnet-53309134078294 (READ-ONLY COPY).

The authoritative reference and input builder live on the scoring server;
editing this copy changes nothing except your own understanding.
"""

import jax, jax.numpy as jnp
import numpy as np

N = 10000
E = 320000
F_IN = 128
H_DIM = 128
HEADS = 8
DH = H_DIM // HEADS
L = 4
OUT = 128
G = 64


def setup_inputs(seed: int = 0) -> dict:
    key = jax.random.key(seed)
    ks = jax.random.split(key, 12)
    h = jax.random.normal(ks[0], (N, F_IN), dtype=jnp.float32)
    edge_index = jax.random.randint(ks[1], (2, E), 0, N, dtype=jnp.int32)
    node_graph_id = jnp.sort(jax.random.randint(ks[2], (N,), 0, G, dtype=jnp.int32))
    snorm_n = jax.random.uniform(ks[3], (N, 1), dtype=jnp.float32)
    W_embed = jax.random.normal(ks[4], (F_IN, H_DIM), dtype=jnp.float32) * (1.0 / np.sqrt(F_IN))
    Ws = jax.random.normal(ks[5], (L, H_DIM, H_DIM), dtype=jnp.float32) * (1.0 / np.sqrt(H_DIM))
    a_srcs = jax.random.normal(ks[6], (L, HEADS, DH), dtype=jnp.float32) * 0.1
    a_dsts = jax.random.normal(ks[7], (L, HEADS, DH), dtype=jnp.float32) * 0.1
    W_ro = jax.random.normal(ks[8], (H_DIM, OUT), dtype=jnp.float32) * (1.0 / np.sqrt(H_DIM))
    W_pred = jax.random.normal(ks[9], (OUT, 1), dtype=jnp.float32) * (1.0 / np.sqrt(OUT))
    b_pred = jnp.zeros((1,), dtype=jnp.float32)
    return {"h": h, "edge_index": edge_index, "node_graph_id": node_graph_id,
            "snorm_n": snorm_n, "W_embed": W_embed, "Ws": Ws, "a_srcs": a_srcs,
            "a_dsts": a_dsts, "W_ro": W_ro, "W_pred": W_pred, "b_pred": b_pred}


def _gat_layer(x, W, a_s, a_d, src, dst, snorm_n):
    Wh = (x @ W).reshape(N, HEADS, DH)
    el = jnp.sum(Wh * a_s[None, :, :], axis=-1)  # [N, HEADS]
    er = jnp.sum(Wh * a_d[None, :, :], axis=-1)  # [N, HEADS]
    e = jax.nn.leaky_relu(el[src] + er[dst], 0.2)  # [E, HEADS]
    emax = jax.ops.segment_max(e, dst, num_segments=N)
    emax = jnp.where(jnp.isfinite(emax), emax, 0.0)
    ex = jnp.exp(e - emax[dst])
    denom = jax.ops.segment_sum(ex, dst, num_segments=N) + 1e-9
    alpha = ex / denom[dst]  # edge softmax over incoming edges per dst
    msg = alpha[:, :, None] * Wh[src]
    out = jax.ops.segment_sum(msg, dst, num_segments=N).reshape(N, H_DIM)
    out = out * snorm_n  # graph_norm
    out = jax.nn.elu(out)
    return out


def reference(h, edge_index, node_graph_id, snorm_n, W_embed, Ws, a_srcs, a_dsts, W_ro, W_pred, b_pred):
    src = edge_index[0]
    dst = edge_index[1]
    x = h.astype(jnp.float32) @ W_embed  # embedding_lin (Bayesian mean weight)
    for i in range(L):
        x_in = x
        x = _gat_layer(x, Ws[i], a_srcs[i], a_dsts[i], src, dst, snorm_n)
        x = x + x_in  # residual
    hn = x @ W_ro  # linear_ro
    sums = jax.ops.segment_sum(hn, node_graph_id, num_segments=G)
    counts = jax.ops.segment_sum(jnp.ones((N, 1), dtype=jnp.float32), node_graph_id, num_segments=G)
    hg = sums / jnp.maximum(counts, 1.0)  # dgl.mean_nodes
    return hg @ W_pred + b_pred  # linear_predict

if __name__ == "__main__":
    import jax
    _d = setup_inputs()
    print(jax.jit(kernel)(*tuple(_d.values())))

</pallas_src>

<mosaic_0001>
#map = affine_map<(d0, d1) -> (0, 0, 0)>
#map1 = affine_map<(d0, d1) -> (0, 0)>
#map2 = affine_map<(d0, d1) -> (0)>
module attributes {stable_mosaic.version = 14 : i64} {
  func.func @_e_kernel(%arg0: i32, %arg1: i32, %arg2: memref<32x10x1000xi32, #tpu.memory_space<hbm>>, %arg3: memref<32x10x1000xi32, #tpu.memory_space<hbm>>, %arg4: memref<10000x16xf32, #tpu.memory_space<hbm>>, %arg5: memref<10000x16xf32, #tpu.memory_space<hbm>>, %arg6: memref<16xf32, #tpu.memory_space<hbm>>, %arg7: memref<10000x16xf32, #tpu.memory_space<hbm>>, %arg8: memref<320000x16xf32, #tpu.memory_space<hbm>>, %arg9: memref<10000x16xf32, #tpu.memory_space<hbm>>, %arg10: memref<10000x16xf32, #tpu.memory_space<hbm>>, %arg11: memref<10x1000xi32, #tpu.memory_space<vmem>>, %arg12: memref<10x1000xi32, #tpu.memory_space<vmem>>, %arg13: memref<1000x16xf32, #tpu.memory_space<vmem>>, %arg14: memref<1000x16xf32, #tpu.memory_space<vmem>>, %arg15: memref<1000x16xf32, #tpu.memory_space<vmem>>, %arg16: memref<1000x16xf32, #tpu.memory_space<vmem>>, %arg17: memref<1000x16xf32, #tpu.memory_space<vmem>>, %arg18: memref<1000x16xf32, #tpu.memory_space<vmem>>, %arg19: memref<16xf32, #tpu.memory_space<vmem>>, %arg20: memref<10000x16xf32, #tpu.memory_space<vmem_shared>>, %arg21: memref<!tpu.dma_semaphore, #tpu.memory_space<semaphore_mem>>, %arg22: memref<!tpu.dma_semaphore, #tpu.memory_space<semaphore_mem>>, %arg23: memref<!tpu.dma_semaphore, #tpu.memory_space<semaphore_mem>>, %arg24: memref<!tpu.dma_semaphore, #tpu.memory_space<semaphore_mem>>) attributes {dimension_semantics = [#tpu.dimension_semantics<core_parallel>, #tpu.dimension_semantics<subcore_parallel>], iteration_bounds = array<i64: 2, 16>, scalar_prefetch = 0 : i64, scratch_operands = 14 : i64, tpu.core_type = #tpu.core_type<sc_vector_subcore>, window_params = [{transform_indices = #map}, {transform_indices = #map}, {transform_indices = #map1}, {transform_indices = #map1}, {transform_indices = #map2}, {transform_indices = #map1}, {transform_indices = #map1}, {transform_indices = #map1}, {transform_indices = #map1}]} {
    %mul3A = arith.constant 2 : i32
    %mul3A_0 = arith.muli %arg1, %mul3A : i32
    %add3A = arith.addi %mul3A_0, %arg0 : i32
    %mul3A_1 = arith.constant 624 : i32
    %mul3A_2 = arith.muli %arg1, %mul3A_1 : i32
    %mul3A_3 = arith.constant 624 : i32
    %mul3A_4 = arith.muli %arg1, %mul3A_3 : i32
    "tpu.region"() ({
      %run_scoped3A = tpu.sem_alloc : memref<!tpu.dma_semaphore, #tpu.memory_space<semaphore_mem>>
      %dma_start3A_50 = arith.constant 0 : i32
      %dma_start3A_51 = tpu.memref_slice %arg20[%mul3A_4, %dma_start3A_50] : memref<10000x16xf32, #tpu.memory_space<vmem_shared>> -> memref<624x16xf32, #tpu.memory_space<vmem_shared>>
      %dma_start3A_52 = arith.constant 0 : i32
      %dma_start3A_53 = tpu.memref_slice %arg7[%mul3A_2, %dma_start3A_52] : memref<10000x16xf32, #tpu.memory_space<hbm>> -> memref<624x16xf32, #tpu.memory_space<hbm>>
      tpu.enqueue_dma source(%dma_start3A_53 : memref<624x16xf32, #tpu.memory_space<hbm>>) target(%dma_start3A_51 : memref<624x16xf32, #tpu.memory_space<vmem_shared>>) target_semaphore(%run_scoped3A : memref<!tpu.dma_semaphore, #tpu.memory_space<semaphore_mem>>)
      %dma_wait3A_54 = arith.constant 0 : i32
      %dma_wait3A_55 = tpu.memref_slice %arg20[%mul3A_4, %dma_wait3A_54] : memref<10000x16xf32, #tpu.memory_space<vmem_shared>> -> memref<624x16xf32, #tpu.memory_space<vmem_shared>>
      %dma_wait3A_56 = arith.constant 0 : i32
      %dma_wait3A_57 = tpu.memref_slice %arg7[%mul3A_2, %dma_wait3A_56] : memref<10000x16xf32, #tpu.memory_space<hbm>> -> memref<624x16xf32, #tpu.memory_space<hbm>>
      tpu.wait_dma2 semaphore(%run_scoped3A : memref<!tpu.dma_semaphore, #tpu.memory_space<semaphore_mem>>) src(%dma_wait3A_57 : memref<624x16xf32, #tpu.memory_space<hbm>>) dst(%dma_wait3A_55 : memref<624x16xf32, #tpu.memory_space<vmem_shared>>)
      tpu.yield
    }) : () -> ()
    %eq3A = arith.constant 15 : i32
    %eq3A_5 = arith.cmpi eq, %arg1, %eq3A : i32
    %convert_element_type3A = arith.extui %eq3A_5 : i1 to i32
    %cond3A = arith.constant 0 : i32
    %cond3A_6 = arith.cmpi ne, %convert_element_type3A, %cond3A : i32
    scf.if %cond3A_6 {
      "tpu.region"() ({
        %run_scoped3A = tpu.sem_alloc : memref<!tpu.dma_semaphore, #tpu.memory_space<semaphore_mem>>
        %dma_start3A_50 = arith.constant 9984 : i32
        %dma_start3A_51 = arith.constant 0 : i32
        %dma_start3A_52 = tpu.memref_slice %arg20[%dma_start3A_50, %dma_start3A_51] : memref<10000x16xf32, #tpu.memory_space<vmem_shared>> -> memref<16x16xf32, #tpu.memory_space<vmem_shared>>
        %dma_start3A_53 = arith.constant 9984 : i32
        %dma_start3A_54 = arith.constant 0 : i32
        %dma_start3A_55 = tpu.memref_slice %arg7[%dma_start3A_53, %dma_start3A_54] : memref<10000x16xf32, #tpu.memory_space<hbm>> -> memref<16x16xf32, #tpu.memory_space<hbm>>
        tpu.enqueue_dma source(%dma_start3A_55 : memref<16x16xf32, #tpu.memory_space<hbm>>) target(%dma_start3A_52 : memref<16x16xf32, #tpu.memory_space<vmem_shared>>) target_semaphore(%run_scoped3A : memref<!tpu.dma_semaphore, #tpu.memory_space<semaphore_mem>>)
        %dma_wait3A_56 = arith.constant 9984 : i32
        %dma_wait3A_57 = arith.constant 0 : i32
        %dma_wait3A_58 = tpu.memref_slice %arg20[%dma_wait3A_56, %dma_wait3A_57] : memref<10000x16xf32, #tpu.memory_space<vmem_shared>> -> memref<16x16xf32, #tpu.memory_space<vmem_shared>>
        %dma_wait3A_59 = arith.constant 9984 : i32
        %dma_wait3A_60 = arith.constant 0 : i32
        %dma_wait3A_61 = tpu.memref_slice %arg7[%dma_wait3A_59, %dma_wait3A_60] : memref<10000x16xf32, #tpu.memory_space<hbm>> -> memref<16x16xf32, #tpu.memory_space<hbm>>
        tpu.wait_dma2 semaphore(%run_scoped3A : memref<!tpu.dma_semaphore, #tpu.memory_space<semaphore_mem>>) src(%dma_wait3A_61 : memref<16x16xf32, #tpu.memory_space<hbm>>) dst(%dma_wait3A_58 : memref<16x16xf32, #tpu.memory_space<vmem_shared>>)
        tpu.yield
      }) : () -> ()
    } else {
    }
    "tpu.region"() ({
      %run_scoped3A = tpu.sem_alloc : memref<!tpu.dma_semaphore, #tpu.memory_space<semaphore_mem>>
      tpu.enqueue_dma source(%arg6 : memref<16xf32, #tpu.memory_space<hbm>>) target(%arg19 : memref<16xf32, #tpu.memory_space<vmem>>) target_semaphore(%run_scoped3A : memref<!tpu.dma_semaphore, #tpu.memory_space<semaphore_mem>>)
      tpu.wait_dma2 semaphore(%run_scoped3A : memref<!tpu.dma_semaphore, #tpu.memory_space<semaphore_mem>>) src(%arg6 : memref<16xf32, #tpu.memory_space<hbm>>) dst(%arg19 : memref<16xf32, #tpu.memory_space<vmem>>)
      tpu.yield
    }) : () -> ()
    "tpu.region"() ({
      %run_scoped3A = tpu.sem_alloc : memref<!tpu.dma_semaphore, #tpu.memory_space<semaphore_mem>>
      %dma_start3A_50 = arith.constant 0 : i32
      %dma_start3A_51 = arith.constant 0 : i32
      %dma_start3A_52 = tpu.memref_slice %arg2[%add3A, %dma_start3A_50, %dma_start3A_51] : memref<32x10x1000xi32, #tpu.memory_space<hbm>> -> memref<1x10x1000xi32, #tpu.memory_space<hbm>>
      %dma_start3A_53 = tpu.memref_squeeze %dma_start3A_52 : memref<1x10x1000xi32, #tpu.memory_space<hbm>> -> memref<10x1000xi32, #tpu.memory_space<hbm>>
      %dma_start3A_54 = arith.constant 0 : i32
      %dma_start3A_55 = arith.constant 0 : i32
      %dma_start3A_56 = tpu.memref_slice %arg2[%add3A, %dma_start3A_54, %dma_start3A_55] : memref<32x10x1000xi32, #tpu.memory_space<hbm>> -> memref<1x10x1000xi32, #tpu.memory_space<hbm>>
      %dma_start3A_57 = tpu.memref_squeeze %dma_start3A_56 : memref<1x10x1000xi32, #tpu.memory_space<hbm>> -> memref<10x1000xi32, #tpu.memory_space<hbm>>
      tpu.enqueue_dma source(%dma_start3A_57 : memref<10x1000xi32, #tpu.memory_space<hbm>>) target(%arg11 : memref<10x1000xi32, #tpu.memory_space<vmem>>) target_semaphore(%run_scoped3A : memref<!tpu.dma_semaphore, #tpu.memory_space<semaphore_mem>>)
      %dma_wait3A_58 = arith.constant 0 : i32
      %dma_wait3A_59 = arith.constant 0 : i32
      %dma_wait3A_60 = tpu.memref_slice %arg2[%add3A, %dma_wait3A_58, %dma_wait3A_59] : memref<32x10x1000xi32, #tpu.memory_space<hbm>> -> memref<1x10x1000xi32, #tpu.memory_space<hbm>>
      %dma_wait3A_61 = tpu.memref_squeeze %dma_wait3A_60 : memref<1x10x1000xi32, #tpu.memory_space<hbm>> -> memref<10x1000xi32, #tpu.memory_space<hbm>>
      %dma_wait3A_62 = arith.constant 0 : i32
      %dma_wait3A_63 = arith.constant 0 : i32
      %dma_wait3A_64 = tpu.memref_slice %arg2[%add3A, %dma_wait3A_62, %dma_wait3A_63] : memref<32x10x1000xi32, #tpu.memory_space<hbm>> -> memref<1x10x1000xi32, #tpu.memory_space<hbm>>
      %dma_wait3A_65 = tpu.memref_squeeze %dma_wait3A_64 : memref<1x10x1000xi32, #tpu.memory_space<hbm>> -> memref<10x1000xi32, #tpu.memory_space<hbm>>
      tpu.wait_dma2 semaphore(%run_scoped3A : memref<!tpu.dma_semaphore, #tpu.memory_space<semaphore_mem>>) src(%dma_wait3A_65 : memref<10x1000xi32, #tpu.memory_space<hbm>>) dst(%arg11 : memref<10x1000xi32, #tpu.memory_space<vmem>>)
      tpu.yield
    }) : () -> ()
    "tpu.region"() ({
      %run_scoped3A = tpu.sem_alloc : memref<!tpu.dma_semaphore, #tpu.memory_space<semaphore_mem>>
      %dma_start3A_50 = arith.constant 0 : i32
      %dma_start3A_51 = arith.constant 0 : i32
      %dma_start3A_52 = tpu.memref_slice %arg3[%add3A, %dma_start3A_50, %dma_start3A_51] : memref<32x10x1000xi32, #tpu.memory_space<hbm>> -> memref<1x10x1000xi32, #tpu.memory_space<hbm>>
      %dma_start3A_53 = tpu.memref_squeeze %dma_start3A_52 : memref<1x10x1000xi32, #tpu.memory_space<hbm>> -> memref<10x1000xi32, #tpu.memory_space<hbm>>
      %dma_start3A_54 = arith.constant 0 : i32
      %dma_start3A_55 = arith.constant 0 : i32
      %dma_start3A_56 = tpu.memref_slice %arg3[%add3A, %dma_start3A_54, %dma_start3A_55] : memref<32x10x1000xi32, #tpu.memory_space<hbm>> -> memref<1x10x1000xi32, #tpu.memory_space<hbm>>
      %dma_start3A_57 = tpu.memref_squeeze %dma_start3A_56 : memref<1x10x1000xi32, #tpu.memory_space<hbm>> -> memref<10x1000xi32, #tpu.memory_space<hbm>>
      tpu.enqueue_dma source(%dma_start3A_57 : memref<10x1000xi32, #tpu.memory_space<hbm>>) target(%arg12 : memref<10x1000xi32, #tpu.memory_space<vmem>>) target_semaphore(%run_scoped3A : memref<!tpu.dma_semaphore, #tpu.memory_space<semaphore_mem>>)
      %dma_wait3A_58 = arith.constant 0 : i32
      %dma_wait3A_59 = arith.constant 0 : i32
      %dma_wait3A_60 = tpu.memref_slice %arg3[%add3A, %dma_wait3A_58, %dma_wait3A_59] : memref<32x10x1000xi32, #tpu.memory_space<hbm>> -> memref<1x10x1000xi32, #tpu.memory_space<hbm>>
      %dma_wait3A_61 = tpu.memref_squeeze %dma_wait3A_60 : memref<1x10x1000xi32, #tpu.memory_space<hbm>> -> memref<10x1000xi32, #tpu.memory_space<hbm>>
      %dma_wait3A_62 = arith.constant 0 : i32
      %dma_wait3A_63 = arith.constant 0 : i32
      %dma_wait3A_64 = tpu.memref_slice %arg3[%add3A, %dma_wait3A_62, %dma_wait3A_63] : memref<32x10x1000xi32, #tpu.memory_space<hbm>> -> memref<1x10x1000xi32, #tpu.memory_space<hbm>>
      %dma_wait3A_65 = tpu.memref_squeeze %dma_wait3A_64 : memref<1x10x1000xi32, #tpu.memory_space<hbm>> -> memref<10x1000xi32, #tpu.memory_space<hbm>>
      tpu.wait_dma2 semaphore(%run_scoped3A : memref<!tpu.dma_semaphore, #tpu.memory_space<semaphore_mem>>) src(%dma_wait3A_65 : memref<10x1000xi32, #tpu.memory_space<hbm>>) dst(%arg12 : memref<10x1000xi32, #tpu.memory_space<vmem>>)
      tpu.yield
    }) : () -> ()
    %barrier3A = arith.constant 0 : index
    tpu.barrier barrier_id(%barrier3A)
    %get3A = arith.constant 0 : index
    %get3A_7 = tpu.vector_load %arg19[%get3A] {strides = array<i32>} : memref<16xf32, #tpu.memory_space<vmem>>, vector<16xf32>,
    %get3A_8 = vector.shape_cast %get3A_7 : vector<16xf32> to vector<16xf32>
    %dma_start3A = arith.constant 0 : i32
    %dma_start3A_9 = arith.constant 0 : i32
    %dma_start3A_10 = tpu.memref_slice %arg11[%dma_start3A, %dma_start3A_9] : memref<10x1000xi32, #tpu.memory_space<vmem>> -> memref<1x1000xi32, #tpu.memory_space<vmem>>
    %dma_start3A_11 = tpu.memref_squeeze %dma_start3A_10 : memref<1x1000xi32, #tpu.memory_space<vmem>> -> memref<1000xi32, #tpu.memory_space<vmem>>
    %dma_start3A_12 = arith.constant 0 : i32
    %dma_start3A_13 = arith.constant 0 : i32
    %dma_start3A_14 = tpu.memref_slice %arg4[%dma_start3A_12, %dma_start3A_13] : memref<10000x16xf32, #tpu.memory_space<hbm>> -> memref<10000x16xf32, #tpu.memory_space<hbm>>
    tpu.enqueue_indirect_dma source(%dma_start3A_14 : memref<10000x16xf32, #tpu.memory_space<hbm>>) target(%arg13 : memref<1000x16xf32, #tpu.memory_space<vmem>>) offsets(%dma_start3A_11 : memref<1000xi32, #tpu.memory_space<vmem>>) semaphore(%arg21 : memref<!tpu.dma_semaphore, #tpu.memory_space<semaphore_mem>>)
    %dma_start3A_15 = arith.constant 0 : i32
    %dma_start3A_16 = arith.constant 0 : i32
    %dma_start3A_17 = tpu.memref_slice %arg12[%dma_start3A_15, %dma_start3A_16] : memref<10x1000xi32, #tpu.memory_space<vmem>> -> memref<1x1000xi32, #tpu.memory_space<vmem>>
    %dma_start3A_18 = tpu.memref_squeeze %dma_start3A_17 : memref<1x1000xi32, #tpu.memory_space<vmem>> -> memref<1000xi32, #tpu.memory_space<vmem>>
    %dma_start3A_19 = arith.constant 0 : i32
    %dma_start3A_20 = arith.constant 0 : i32
    %dma_start3A_21 = tpu.memref_slice %arg5[%dma_start3A_19, %dma_start3A_20] : memref<10000x16xf32, #tpu.memory_space<hbm>> -> memref<10000x16xf32, #tpu.memory_space<hbm>>
    tpu.enqueue_indirect_dma source(%dma_start3A_21 : memref<10000x16xf32, #tpu.memory_space<hbm>>) target(%arg15 : memref<1000x16xf32, #tpu.memory_space<vmem>>) offsets(%dma_start3A_18 : memref<1000xi32, #tpu.memory_space<vmem>>) semaphore(%arg22 : memref<!tpu.dma_semaphore, #tpu.memory_space<semaphore_mem>>)
    %scan3A = arith.constant 0 : i32
    %scan3A_22 = arith.constant 0 : i32
    %scan3A_23 = arith.constant 5 : i32
    %scan3A_24 = arith.addi %scan3A_22, %scan3A_23 : i32
    %scan3A_25 = arith.constant 1 : i32
    scf.for %scan3A_50 = %scan3A_22 to %scan3A_24 step %scan3A_25  : i32 {
      %mul3A_51 = arith.constant 2 : i32
      %mul3A_52 = arith.muli %mul3A_51, %scan3A_50 : i32
      %dma_wait3A_53 = arith.constant 0 : i32
      %dma_wait3A_54 = arith.constant 0 : i32
      %dma_wait3A_55 = tpu.memref_slice %arg11[%dma_wait3A_53, %dma_wait3A_54] : memref<10x1000xi32, #tpu.memory_space<vmem>> -> memref<1x1000xi32, #tpu.memory_space<vmem>>
      %dma_wait3A_56 = tpu.memref_squeeze %dma_wait3A_55 : memref<1x1000xi32, #tpu.memory_space<vmem>> -> memref<1000xi32, #tpu.memory_space<vmem>>
      %dma_wait3A_57 = arith.constant 0 : i32
      %dma_wait3A_58 = arith.constant 0 : i32
      %dma_wait3A_59 = tpu.memref_slice %arg4[%dma_wait3A_57, %dma_wait3A_58] : memref<10000x16xf32, #tpu.memory_space<hbm>> -> memref<10000x16xf32, #tpu.memory_space<hbm>>
      tpu.wait_indirect_dma semaphore(%arg21 : memref<!tpu.dma_semaphore, #tpu.memory_space<semaphore_mem>>) src(%dma_wait3A_59 : memref<10000x16xf32, #tpu.memory_space<hbm>>) dst(%arg13 : memref<1000x16xf32, #tpu.memory_space<vmem>>)
      %dma_wait3A_60 = arith.constant 0 : i32
      %dma_wait3A_61 = arith.constant 0 : i32
      %dma_wait3A_62 = tpu.memref_slice %arg12[%dma_wait3A_60, %dma_wait3A_61] : memref<10x1000xi32, #tpu.memory_space<vmem>> -> memref<1x1000xi32, #tpu.memory_space<vmem>>
      %dma_wait3A_63 = tpu.memref_squeeze %dma_wait3A_62 : memref<1x1000xi32, #tpu.memory_space<vmem>> -> memref<1000xi32, #tpu.memory_space<vmem>>
      %dma_wait3A_64 = arith.constant 0 : i32
      %dma_wait3A_65 = arith.constant 0 : i32
      %dma_wait3A_66 = tpu.memref_slice %arg5[%dma_wait3A_64, %dma_wait3A_65] : memref<10000x16xf32, #tpu.memory_space<hbm>> -> memref<10000x16xf32, #tpu.memory_space<hbm>>
      tpu.wait_indirect_dma semaphore(%arg22 : memref<!tpu.dma_semaphore, #tpu.memory_space<semaphore_mem>>) src(%dma_wait3A_66 : memref<10000x16xf32, #tpu.memory_space<hbm>>) dst(%arg15 : memref<1000x16xf32, #tpu.memory_space<vmem>>)
      %gt3A = arith.constant 0 : i32
      %gt3A_67 = arith.cmpi sgt, %scan3A_50, %gt3A : i32
      %convert_element_type3A_68 = arith.extui %gt3A_67 : i1 to i32
      %cond3A_69 = arith.constant 0 : i32
      %cond3A_70 = arith.cmpi ne, %convert_element_type3A_68, %cond3A_69 : i32
      scf.if %cond3A_70 {
        %dma_wait3A_153 = arith.constant 0 : i32
        %dma_wait3A_154 = arith.constant 0 : i32
        %dma_wait3A_155 = tpu.memref_slice %arg8[%dma_wait3A_153, %dma_wait3A_154] : memref<320000x16xf32, #tpu.memory_space<hbm>> -> memref<1000x16xf32, #tpu.memory_space<hbm>>
        %dma_wait3A_156 = arith.constant 0 : i32
        %dma_wait3A_157 = arith.constant 0 : i32
        %dma_wait3A_158 = tpu.memref_slice %arg8[%dma_wait3A_156, %dma_wait3A_157] : memref<320000x16xf32, #tpu.memory_space<hbm>> -> memref<1000x16xf32, #tpu.memory_space<hbm>>
        tpu.wait_dma2 semaphore(%arg23 : memref<!tpu.dma_semaphore, #tpu.memory_space<semaphore_mem>>) src(%arg18 : memref<1000x16xf32, #tpu.memory_space<vmem>>) dst(%dma_wait3A_158 : memref<1000x16xf32, #tpu.memory_space<hbm>>)
        %dma_wait3A_159 = arith.constant 0 : i32
        %dma_wait3A_160 = arith.constant 0 : i32
        %dma_wait3A_161 = tpu.memref_slice %arg12[%dma_wait3A_159, %dma_wait3A_160] : memref<10x1000xi32, #tpu.memory_space<vmem>> -> memref<1x1000xi32, #tpu.memory_space<vmem>>
        %dma_wait3A_162 = tpu.memref_squeeze %dma_wait3A_161 : memref<1x1000xi32, #tpu.memory_space<vmem>> -> memref<1000xi32, #tpu.memory_space<vmem>>
        %dma_wait3A_163 = arith.constant 0 : i32
        %dma_wait3A_164 = arith.constant 0 : i32
        %dma_wait3A_165 = tpu.memref_slice %arg20[%dma_wait3A_163, %dma_wait3A_164] : memref<10000x16xf32, #tpu.memory_space<vmem_shared>> -> memref<10000x16xf32, #tpu.memory_space<vmem_shared>>
        tpu.wait_indirect_dma semaphore(%arg24 : memref<!tpu.dma_semaphore, #tpu.memory_space<semaphore_mem>>) src(%arg18 : memref<1000x16xf32, #tpu.memory_space<vmem>>) dst(%dma_wait3A_165 : memref<10000x16xf32, #tpu.memory_space<vmem_shared>>)
      } else {
      }
      %add3A_71 = arith.constant 1 : i32
      %add3A_72 = arith.addi %mul3A_52, %add3A_71 : i32
      %dma_start3A_73 = arith.constant 0 : i32
      %dma_start3A_74 = tpu.memref_slice %arg11[%add3A_72, %dma_start3A_73] : memref<10x1000xi32, #tpu.memory_space<vmem>> -> memref<1x1000xi32, #tpu.memory_space<vmem>>
      %dma_start3A_75 = tpu.memref_squeeze %dma_start3A_74 : memref<1x1000xi32, #tpu.memory_space<vmem>> -> memref<1000xi32, #tpu.memory_space<vmem>>
      %dma_start3A_76 = arith.constant 0 : i32
      %dma_start3A_77 = arith.constant 0 : i32
      %dma_start3A_78 = tpu.memref_slice %arg4[%dma_start3A_76, %dma_start3A_77] : memref<10000x16xf32, #tpu.memory_space<hbm>> -> memref<10000x16xf32, #tpu.memory_space<hbm>>
      tpu.enqueue_indirect_dma source(%dma_start3A_78 : memref<10000x16xf32, #tpu.memory_space<hbm>>) target(%arg14 : memref<1000x16xf32, #tpu.memory_space<vmem>>) offsets(%dma_start3A_75 : memref<1000xi32, #tpu.memory_space<vmem>>) semaphore(%arg21 : memref<!tpu.dma_semaphore, #tpu.memory_space<semaphore_mem>>)
      %dma_start3A_79 = arith.constant 0 : i32
      %dma_start3A_80 = tpu.memref_slice %arg12[%add3A_72, %dma_start3A_79] : memref<10x1000xi32, #tpu.memory_space<vmem>> -> memref<1x1000xi32, #tpu.memory_space<vmem>>
      %dma_start3A_81 = tpu.memref_squeeze %dma_start3A_80 : memref<1x1000xi32, #tpu.memory_space<vmem>> -> memref<1000xi32, #tpu.memory_space<vmem>>
      %dma_start3A_82 = arith.constant 0 : i32
      %dma_start3A_83 = arith.constant 0 : i32
      %dma_start3A_84 = tpu.memref_slice %arg5[%dma_start3A_82, %dma_start3A_83] : memref<10000x16xf32, #tpu.memory_space<hbm>> -> memref<10000x16xf32, #tpu.memory_space<hbm>>
      tpu.enqueue_indirect_dma source(%dma_start3A_84 : memref<10000x16xf32, #tpu.memory_space<hbm>>) target(%arg16 : memref<1000x16xf32, #tpu.memory_space<vmem>>) offsets(%dma_start3A_81 : memref<1000xi32, #tpu.memory_space<vmem>>) semaphore(%arg22 : memref<!tpu.dma_semaphore, #tpu.memory_space<semaphore_mem>>)
      %parallel_loop3A = arith.constant 0 : i32
      %parallel_loop3A_85 = arith.constant 1000 : i32
      %parallel_loop3A_86 = arith.constant 1 : i32
      scf.for %parallel_loop3A_153 = %parallel_loop3A to %parallel_loop3A_85 step %parallel_loop3A_86  : i32 {
        %parallel_loop3A_154 = arith.index_cast %parallel_loop3A_153 : i32 to index
        %parallel_loop3A_155 = arith.constant 0 : index
        %parallel_loop3A_156 = tpu.vector_load %arg13[%parallel_loop3A_154, %parallel_loop3A_155] {strides = array<i32>} : memref<1000x16xf32, #tpu.memory_space<vmem>>, vector<1x16xf32>,
        %parallel_loop3A_157 = vector.shape_cast %parallel_loop3A_156 : vector<1x16xf32> to vector<16xf32>
        %parallel_loop3A_158 = arith.index_cast %parallel_loop3A_153 : i32 to index
        %parallel_loop3A_159 = arith.constant 0 : index
        %parallel_loop3A_160 = tpu.vector_load %arg15[%parallel_loop3A_158, %parallel_loop3A_159] {strides = array<i32>} : memref<1000x16xf32, #tpu.memory_space<vmem>>, vector<1x16xf32>,
        %parallel_loop3A_161 = vector.shape_cast %parallel_loop3A_160 : vector<1x16xf32> to vector<16xf32>
        %parallel_loop3A_162 = arith.addf %parallel_loop3A_157, %parallel_loop3A_161 : vector<16xf32>
        %parallel_loop3A_163 = arith.constant 2.000000e-01 : f32
        %parallel_loop3A_164 = vector.broadcast %parallel_loop3A_163 : f32 to vector<16xf32>
        %parallel_loop3A_165 = arith.mulf %parallel_loop3A_164, %parallel_loop3A_162 : vector<16xf32>
        %parallel_loop3A_166 = arith.maximumf %parallel_loop3A_162, %parallel_loop3A_165 : vector<16xf32>
        %parallel_loop3A_167 = arith.addf %get3A_8, %parallel_loop3A_161 : vector<16xf32>
        %parallel_loop3A_168 = arith.constant 2.000000e-01 : f32
        %parallel_loop3A_169 = vector.broadcast %parallel_loop3A_168 : f32 to vector<16xf32>
        %parallel_loop3A_170 = arith.mulf %parallel_loop3A_169, %parallel_loop3A_167 : vector<16xf32>
        %parallel_loop3A_171 = arith.maximumf %parallel_loop3A_167, %parallel_loop3A_170 : vector<16xf32>
        %parallel_loop3A_172 = arith.subf %parallel_loop3A_166, %parallel_loop3A_171 : vector<16xf32>
        %parallel_loop3A_173 = math.exp %parallel_loop3A_172 : vector<16xf32>
        %parallel_loop3A_174 = arith.index_cast %parallel_loop3A_153 : i32 to index
        %parallel_loop3A_175 = arith.constant 0 : index
        %parallel_loop3A_176 = tpu.vector_load %arg17[%parallel_loop3A_174, %parallel_loop3A_175] {strides = array<i32>} : memref<1000x16xf32, #tpu.memory_space<vmem>>, vector<1x16xf32>,
        %parallel_loop3A_177 = vector.shape_cast %parallel_loop3A_176 : vector<1x16xf32> to vector<16xf32>
        %parallel_loop3A_178 = vector.shape_cast %parallel_loop3A_173 : vector<16xf32> to vector<1x16xf32>
        tpu.vector_store %arg17[%parallel_loop3A_174, %parallel_loop3A_175], %parallel_loop3A_178 {strides = array<i32>} : memref<1000x16xf32, #tpu.memory_space<vmem>>, vector<1x16xf32>,
      } {sc.loop_unroll_factor = 8 : i64, sc.parallel_access}
      %mul3A_87 = arith.constant 10000 : i32
      %mul3A_88 = arith.muli %add3A, %mul3A_87 : i32
      %mul3A_89 = arith.constant 1000 : i32
      %mul3A_90 = arith.muli %mul3A_52, %mul3A_89 : i32
      %add3A_91 = arith.addi %mul3A_88, %mul3A_90 : i32
      %dma_start3A_92 = arith.constant 0 : i32
      %dma_start3A_93 = tpu.memref_slice %arg8[%add3A_91, %dma_start3A_92] : memref<320000x16xf32, #tpu.memory_space<hbm>> -> memref<1000x16xf32, #tpu.memory_space<hbm>>
      %dma_start3A_94 = arith.constant 0 : i32
      %dma_start3A_95 = tpu.memref_slice %arg8[%add3A_91, %dma_start3A_94] : memref<320000x16xf32, #tpu.memory_space<hbm>> -> memref<1000x16xf32, #tpu.memory_space<hbm>>
      tpu.enqueue_dma source(%arg17 : memref<1000x16xf32, #tpu.memory_space<vmem>>) target(%dma_start3A_95 : memref<1000x16xf32, #tpu.memory_space<hbm>>) target_semaphore(%arg23 : memref<!tpu.dma_semaphore, #tpu.memory_space<semaphore_mem>>)
      %dma_start3A_96 = arith.constant 0 : i32
      %dma_start3A_97 = tpu.memref_slice %arg12[%mul3A_52, %dma_start3A_96] : memref<10x1000xi32, #tpu.memory_space<vmem>> -> memref<1x1000xi32, #tpu.memory_space<vmem>>
      %dma_start3A_98 = tpu.memref_squeeze %dma_start3A_97 : memref<1x1000xi32, #tpu.memory_space<vmem>> -> memref<1000xi32, #tpu.memory_space<vmem>>
      %dma_start3A_99 = arith.constant 0 : i32
      %dma_start3A_100 = arith.constant 0 : i32
      %dma_start3A_101 = tpu.memref_slice %arg20[%dma_start3A_99, %dma_start3A_100] : memref<10000x16xf32, #tpu.memory_space<vmem_shared>> -> memref<10000x16xf32, #tpu.memory_space<vmem_shared>>
      tpu.enqueue_indirect_dma source(%arg17 : memref<1000x16xf32, #tpu.memory_space<vmem>>) target(%dma_start3A_101 : memref<10000x16xf32, #tpu.memory_space<vmem_shared>>) offsets(%dma_start3A_98 : memref<1000xi32, #tpu.memory_space<vmem>>) semaphore(%arg24 : memref<!tpu.dma_semaphore, #tpu.memory_space<semaphore_mem>>) {add = true}
      %dma_wait3A_102 = arith.constant 0 : i32
      %dma_wait3A_103 = arith.constant 0 : i32
      %dma_wait3A_104 = tpu.memref_slice %arg11[%dma_wait3A_102, %dma_wait3A_103] : memref<10x1000xi32, #tpu.memory_space<vmem>> -> memref<1x1000xi32, #tpu.memory_space<vmem>>
      %dma_wait3A_105 = tpu.memref_squeeze %dma_wait3A_104 : memref<1x1000xi32, #tpu.memory_space<vmem>> -> memref<1000xi32, #tpu.memory_space<vmem>>
      %dma_wait3A_106 = arith.constant 0 : i32
      %dma_wait3A_107 = arith.constant 0 : i32
      %dma_wait3A_108 = tpu.memref_slice %arg4[%dma_wait3A_106, %dma_wait3A_107] : memref<10000x16xf32, #tpu.memory_space<hbm>> -> memref<10000x16xf32, #tpu.memory_space<hbm>>
      tpu.wait_indirect_dma semaphore(%arg21 : memref<!tpu.dma_semaphore, #tpu.memory_space<semaphore_mem>>) src(%dma_wait3A_108 : memref<10000x16xf32, #tpu.memory_space<hbm>>) dst(%arg14 : memref<1000x16xf32, #tpu.memory_space<vmem>>)
      %dma_wait3A_109 = arith.constant 0 : i32
      %dma_wait3A_110 = arith.constant 0 : i32
      %dma_wait3A_111 = tpu.memref_slice %arg12[%dma_wait3A_109, %dma_wait3A_110] : memref<10x1000xi32, #tpu.memory_space<vmem>> -> memref<1x1000xi32, #tpu.memory_space<vmem>>
      %dma_wait3A_112 = tpu.memref_squeeze %dma_wait3A_111 : memref<1x1000xi32, #tpu.memory_space<vmem>> -> memref<1000xi32, #tpu.memory_space<vmem>>
      %dma_wait3A_113 = arith.constant 0 : i32
      %dma_wait3A_114 = arith.constant 0 : i32
      %dma_wait3A_115 = tpu.memref_slice %arg5[%dma_wait3A_113, %dma_wait3A_114] : memref<10000x16xf32, #tpu.memory_space<hbm>> -> memref<10000x16xf32, #tpu.memory_space<hbm>>
      tpu.wait_indirect_dma semaphore(%arg22 : memref<!tpu.dma_semaphore, #tpu.memory_space<semaphore_mem>>) src(%dma_wait3A_115 : memref<10000x16xf32, #tpu.memory_space<hbm>>) dst(%arg16 : memref<1000x16xf32, #tpu.memory_space<vmem>>)
      %dma_wait3A_116 = arith.constant 0 : i32
      %dma_wait3A_117 = arith.constant 0 : i32
      %dma_wait3A_118 = tpu.memref_slice %arg8[%dma_wait3A_116, %dma_wait3A_117] : memref<320000x16xf32, #tpu.memory_space<hbm>> -> memref<1000x16xf32, #tpu.memory_space<hbm>>
      %dma_wait3A_119 = arith.constant 0 : i32
      %dma_wait3A_120 = arith.constant 0 : i32
      %dma_wait3A_121 = tpu.memref_slice %arg8[%dma_wait3A_119, %dma_wait3A_120] : memref<320000x16xf32, #tpu.memory_space<hbm>> -> memref<1000x16xf32, #tpu.memory_space<hbm>>
      tpu.wait_dma2 semaphore(%arg23 : memref<!tpu.dma_semaphore, #tpu.memory_space<semaphore_mem>>) src(%arg17 : memref<1000x16xf32, #tpu.memory_space<vmem>>) dst(%dma_wait3A_121 : memref<1000x16xf32, #tpu.memory_space<hbm>>)
      %dma_wait3A_122 = arith.constant 0 : i32
      %dma_wait3A_123 = arith.constant 0 : i32
      %dma_wait3A_124 = tpu.memref_slice %arg12[%dma_wait3A_122, %dma_wait3A_123] : memref<10x1000xi32, #tpu.memory_space<vmem>> -> memref<1x1000xi32, #tpu.memory_space<vmem>>
      %dma_wait3A_125 = tpu.memref_squeeze %dma_wait3A_124 : memref<1x1000xi32, #tpu.memory_space<vmem>> -> memref<1000xi32, #tpu.memory_space<vmem>>
      %dma_wait3A_126 = arith.constant 0 : i32
      %dma_wait3A_127 = arith.constant 0 : i32
      %dma_wait3A_128 = tpu.memref_slice %arg20[%dma_wait3A_126, %dma_wait3A_127] : memref<10000x16xf32, #tpu.memory_space<vmem_shared>> -> memref<10000x16xf32, #tpu.memory_space<vmem_shared>>
      tpu.wait_indirect_dma semaphore(%arg24 : memref<!tpu.dma_semaphore, #tpu.memory_space<semaphore_mem>>) src(%arg17 : memref<1000x16xf32, #tpu.memory_space<vmem>>) dst(%dma_wait3A_128 : memref<10000x16xf32, #tpu.memory_space<vmem_shared>>)
      %lt3A = arith.constant 4 : i32
      %lt3A_129 = arith.cmpi slt, %scan3A_50, %lt3A : i32
      %convert_element_type3A_130 = arith.extui %lt3A_129 : i1 to i32
      %cond3A_131 = arith.constant 0 : i32
      %cond3A_132 = arith.cmpi ne, %convert_element_type3A_130, %cond3A_131 : i32
      scf.if %cond3A_132 {
        %add3A_153 = arith.constant 2 : i32
        %add3A_154 = arith.addi %mul3A_52, %add3A_153 : i32
        %dma_start3A_155 = arith.constant 0 : i32
        %dma_start3A_156 = tpu.memref_slice %arg11[%add3A_154, %dma_start3A_155] : memref<10x1000xi32, #tpu.memory_space<vmem>> -> memref<1x1000xi32, #tpu.memory_space<vmem>>
        %dma_start3A_157 = tpu.memref_squeeze %dma_start3A_156 : memref<1x1000xi32, #tpu.memory_space<vmem>> -> memref<1000xi32, #tpu.memory_space<vmem>>
        %dma_start3A_158 = arith.constant 0 : i32
        %dma_start3A_159 = arith.constant 0 : i32
        %dma_start3A_160 = tpu.memref_slice %arg4[%dma_start3A_158, %dma_start3A_159] : memref<10000x16xf32, #tpu.memory_space<hbm>> -> memref<10000x16xf32, #tpu.memory_space<hbm>>
        tpu.enqueue_indirect_dma source(%dma_start3A_160 : memref<10000x16xf32, #tpu.memory_space<hbm>>) target(%arg13 : memref<1000x16xf32, #tpu.memory_space<vmem>>) offsets(%dma_start3A_157 : memref<1000xi32, #tpu.memory_space<vmem>>) semaphore(%arg21 : memref<!tpu.dma_semaphore, #tpu.memory_space<semaphore_mem>>)
        %dma_start3A_161 = arith.constant 0 : i32
        %dma_start3A_162 = tpu.memref_slice %arg12[%add3A_154, %dma_start3A_161] : memref<10x1000xi32, #tpu.memory_space<vmem>> -> memref<1x1000xi32, #tpu.memory_space<vmem>>
        %dma_start3A_163 = tpu.memref_squeeze %dma_start3A_162 : memref<1x1000xi32, #tpu.memory_space<vmem>> -> memref<1000xi32, #tpu.memory_space<vmem>>
        %dma_start3A_164 = arith.constant 0 : i32
        %dma_start3A_165 = arith.constant 0 : i32
        %dma_start3A_166 = tpu.memref_slice %arg5[%dma_start3A_164, %dma_start3A_165] : memref<10000x16xf32, #tpu.memory_space<hbm>> -> memref<10000x16xf32, #tpu.memory_space<hbm>>
        tpu.enqueue_indirect_dma source(%dma_start3A_166 : memref<10000x16xf32, #tpu.memory_space<hbm>>) target(%arg15 : memref<1000x16xf32, #tpu.memory_space<vmem>>) offsets(%dma_start3A_163 : memref<1000xi32, #tpu.memory_space<vmem>>) semaphore(%arg22 : memref<!tpu.dma_semaphore, #tpu.memory_space<semaphore_mem>>)
      } else {
      }
      %add3A_133 = arith.constant 1 : i32
      %add3A_134 = arith.addi %mul3A_52, %add3A_133 : i32
      %parallel_loop3A_135 = arith.constant 0 : i32
      %parallel_loop3A_136 = arith.constant 1000 : i32
      %parallel_loop3A_137 = arith.constant 1 : i32
      scf.for %parallel_loop3A_153 = %parallel_loop3A_135 to %parallel_loop3A_136 step %parallel_loop3A_137  : i32 {
        %parallel_loop3A_154 = arith.index_cast %parallel_loop3A_153 : i32 to index
        %parallel_loop3A_155 = arith.constant 0 : index
        %parallel_loop3A_156 = tpu.vector_load %arg14[%parallel_loop3A_154, %parallel_loop3A_155] {strides = array<i32>} : memref<1000x16xf32, #tpu.memory_space<vmem>>, vector<1x16xf32>,
        %parallel_loop3A_157 = vector.shape_cast %parallel_loop3A_156 : vector<1x16xf32> to vector<16xf32>
        %parallel_loop3A_158 = arith.index_cast %parallel_loop3A_153 : i32 to index
        %parallel_loop3A_159 = arith.constant 0 : index
        %parallel_loop3A_160 = tpu.vector_load %arg16[%parallel_loop3A_158, %parallel_loop3A_159] {strides = array<i32>} : memref<1000x16xf32, #tpu.memory_space<vmem>>, vector<1x16xf32>,
        %parallel_loop3A_161 = vector.shape_cast %parallel_loop3A_160 : vector<1x16xf32> to vector<16xf32>
        %parallel_loop3A_162 = arith.addf %parallel_loop3A_157, %parallel_loop3A_161 : vector<16xf32>
        %parallel_loop3A_163 = arith.constant 2.000000e-01 : f32
        %parallel_loop3A_164 = vector.broadcast %parallel_loop3A_163 : f32 to vector<16xf32>
        %parallel_loop3A_165 = arith.mulf %parallel_loop3A_164, %parallel_loop3A_162 : vector<16xf32>
        %parallel_loop3A_166 = arith.maximumf %parallel_loop3A_162, %parallel_loop3A_165 : vector<16xf32>
        %parallel_loop3A_167 = arith.addf %get3A_8, %parallel_loop3A_161 : vector<16xf32>
        %parallel_loop3A_168 = arith.constant 2.000000e-01 : f32
        %parallel_loop3A_169 = vector.broadcast %parallel_loop3A_168 : f32 to vector<16xf32>
        %parallel_loop3A_170 = arith.mulf %parallel_loop3A_169, %parallel_loop3A_167 : vector<16xf32>
        %parallel_loop3A_171 = arith.maximumf %parallel_loop3A_167, %parallel_loop3A_170 : vector<16xf32>
        %parallel_loop3A_172 = arith.subf %parallel_loop3A_166, %parallel_loop3A_171 : vector<16xf32>
        %parallel_loop3A_173 = math.exp %parallel_loop3A_172 : vector<16xf32>
        %parallel_loop3A_174 = arith.index_cast %parallel_loop3A_153 : i32 to index
        %parallel_loop3A_175 = arith.constant 0 : index
        %parallel_loop3A_176 = tpu.vector_load %arg18[%parallel_loop3A_174, %parallel_loop3A_175] {strides = array<i32>} : memref<1000x16xf32, #tpu.memory_space<vmem>>, vector<1x16xf32>,
        %parallel_loop3A_177 = vector.shape_cast %parallel_loop3A_176 : vector<1x16xf32> to vector<16xf32>
        %parallel_loop3A_178 = vector.shape_cast %parallel_loop3A_173 : vector<16xf32> to vector<1x16xf32>
        tpu.vector_store %arg18[%parallel_loop3A_174, %parallel_loop3A_175], %parallel_loop3A_178 {strides = array<i32>} : memref<1000x16xf32, #tpu.memory_space<vmem>>, vector<1x16xf32>,
      } {sc.loop_unroll_factor = 8 : i64, sc.parallel_access}
      %mul3A_138 = arith.constant 10000 : i32
      %mul3A_139 = arith.muli %add3A, %mul3A_138 : i32
      %mul3A_140 = arith.constant 1000 : i32
      %mul3A_141 = arith.muli %add3A_134, %mul3A_140 : i32
      %add3A_142 = arith.addi %mul3A_139, %mul3A_141 : i32
      %dma_start3A_143 = arith.constant 0 : i32
      %dma_start3A_144 = tpu.memref_slice %arg8[%add3A_142, %dma_start3A_143] : memref<320000x16xf32, #tpu.memory_space<hbm>> -> memref<1000x16xf32, #tpu.memory_space<hbm>>
      %dma_start3A_145 = arith.constant 0 : i32
      %dma_start3A_146 = tpu.memref_slice %arg8[%add3A_142, %dma_start3A_145] : memref<320000x16xf32, #tpu.memory_space<hbm>> -> memref<1000x16xf32, #tpu.memory_space<hbm>>
      tpu.enqueue_dma source(%arg18 : memref<1000x16xf32, #tpu.memory_space<vmem>>) target(%dma_start3A_146 : memref<1000x16xf32, #tpu.memory_space<hbm>>) target_semaphore(%arg23 : memref<!tpu.dma_semaphore, #tpu.memory_space<semaphore_mem>>)
      %dma_start3A_147 = arith.constant 0 : i32
      %dma_start3A_148 = tpu.memref_slice %arg12[%add3A_134, %dma_start3A_147] : memref<10x1000xi32, #tpu.memory_space<vmem>> -> memref<1x1000xi32, #tpu.memory_space<vmem>>
      %dma_start3A_149 = tpu.memref_squeeze %dma_start3A_148 : memref<1x1000xi32, #tpu.memory_space<vmem>> -> memref<1000xi32, #tpu.memory_space<vmem>>
      %dma_start3A_150 = arith.constant 0 : i32
      %dma_start3A_151 = arith.constant 0 : i32
      %dma_start3A_152 = tpu.memref_slice %arg20[%dma_start3A_150, %dma_start3A_151] : memref<10000x16xf32, #tpu.memory_space<vmem_shared>> -> memref<10000x16xf32, #tpu.memory_space<vmem_shared>>
      tpu.enqueue_indirect_dma source(%arg18 : memref<1000x16xf32, #tpu.memory_space<vmem>>) target(%dma_start3A_152 : memref<10000x16xf32, #tpu.memory_space<vmem_shared>>) offsets(%dma_start3A_149 : memref<1000xi32, #tpu.memory_space<vmem>>) semaphore(%arg24 : memref<!tpu.dma_semaphore, #tpu.memory_space<semaphore_mem>>) {add = true}
    }
    %scan3A_26 = arith.constant 5 : i32
    %dma_wait3A = arith.constant 0 : i32
    %dma_wait3A_27 = arith.constant 0 : i32
    %dma_wait3A_28 = tpu.memref_slice %arg8[%dma_wait3A, %dma_wait3A_27] : memref<320000x16xf32, #tpu.memory_space<hbm>> -> memref<1000x16xf32, #tpu.memory_space<hbm>>
    %dma_wait3A_29 = arith.constant 0 : i32
    %dma_wait3A_30 = arith.constant 0 : i32
    %dma_wait3A_31 = tpu.memref_slice %arg8[%dma_wait3A_29, %dma_wait3A_30] : memref<320000x16xf32, #tpu.memory_space<hbm>> -> memref<1000x16xf32, #tpu.memory_space<hbm>>
    tpu.wait_dma2 semaphore(%arg23 : memref<!tpu.dma_semaphore, #tpu.memory_space<semaphore_mem>>) src(%arg18 : memref<1000x16xf32, #tpu.memory_space<vmem>>) dst(%dma_wait3A_31 : memref<1000x16xf32, #tpu.memory_space<hbm>>)
    %dma_wait3A_32 = arith.constant 0 : i32
    %dma_wait3A_33 = arith.constant 0 : i32
    %dma_wait3A_34 = tpu.memref_slice %arg12[%dma_wait3A_32, %dma_wait3A_33] : memref<10x1000xi32, #tpu.memory_space<vmem>> -> memref<1x1000xi32, #tpu.memory_space<vmem>>
    %dma_wait3A_35 = tpu.memref_squeeze %dma_wait3A_34 : memref<1x1000xi32, #tpu.memory_space<vmem>> -> memref<1000xi32, #tpu.memory_space<vmem>>
    %dma_wait3A_36 = arith.constant 0 : i32
    %dma_wait3A_37 = arith.constant 0 : i32
    %dma_wait3A_38 = tpu.memref_slice %arg20[%dma_wait3A_36, %dma_wait3A_37] : memref<10000x16xf32, #tpu.memory_space<vmem_shared>> -> memref<10000x16xf32, #tpu.memory_space<vmem_shared>>
    tpu.wait_indirect_dma semaphore(%arg24 : memref<!tpu.dma_semaphore, #tpu.memory_space<semaphore_mem>>) src(%arg18 : memref<1000x16xf32, #tpu.memory_space<vmem>>) dst(%dma_wait3A_38 : memref<10000x16xf32, #tpu.memory_space<vmem_shared>>)
    %barrier3A_39 = arith.constant 0 : index
    tpu.barrier barrier_id(%barrier3A_39)
    %eq3A_40 = arith.constant 0 : i32
    %eq3A_41 = arith.cmpi eq, %arg0, %eq3A_40 : i32
    %convert_element_type3A_42 = arith.extui %eq3A_41 : i1 to i32
    %cond3A_43 = arith.constant 0 : i32
    %cond3A_44 = arith.cmpi ne, %convert_element_type3A_42, %cond3A_43 : i32
    scf.if %cond3A_44 {
      %mul3A_50 = arith.constant 624 : i32
      %mul3A_51 = arith.muli %arg1, %mul3A_50 : i32
      %mul3A_52 = arith.constant 624 : i32
      %mul3A_53 = arith.muli %arg1, %mul3A_52 : i32
      "tpu.region"() ({
        %run_scoped3A = tpu.sem_alloc : memref<!tpu.dma_semaphore, #tpu.memory_space<semaphore_mem>>
        %dma_start3A_59 = arith.constant 0 : i32
        %dma_start3A_60 = tpu.memref_slice %arg9[%mul3A_53, %dma_start3A_59] : memref<10000x16xf32, #tpu.memory_space<hbm>> -> memref<624x16xf32, #tpu.memory_space<hbm>>
        %dma_start3A_61 = arith.constant 0 : i32
        %dma_start3A_62 = tpu.memref_slice %arg20[%mul3A_51, %dma_start3A_61] : memref<10000x16xf32, #tpu.memory_space<vmem_shared>> -> memref<624x16xf32, #tpu.memory_space<vmem_shared>>
        tpu.enqueue_dma source(%dma_start3A_62 : memref<624x16xf32, #tpu.memory_space<vmem_shared>>) target(%dma_start3A_60 : memref<624x16xf32, #tpu.memory_space<hbm>>) target_semaphore(%run_scoped3A : memref<!tpu.dma_semaphore, #tpu.memory_space<semaphore_mem>>)
        %dma_wait3A_63 = arith.constant 0 : i32
        %dma_wait3A_64 = tpu.memref_slice %arg9[%mul3A_53, %dma_wait3A_63] : memref<10000x16xf32, #tpu.memory_space<hbm>> -> memref<624x16xf32, #tpu.memory_space<hbm>>
        %dma_wait3A_65 = arith.constant 0 : i32
        %dma_wait3A_66 = tpu.memref_slice %arg20[%mul3A_51, %dma_wait3A_65] : memref<10000x16xf32, #tpu.memory_space<vmem_shared>> -> memref<624x16xf32, #tpu.memory_space<vmem_shared>>
        tpu.wait_dma2 semaphore(%run_scoped3A : memref<!tpu.dma_semaphore, #tpu.memory_space<semaphore_mem>>) src(%dma_wait3A_66 : memref<624x16xf32, #tpu.memory_space<vmem_shared>>) dst(%dma_wait3A_64 : memref<624x16xf32, #tpu.memory_space<hbm>>)
        tpu.yield
      }) : () -> ()
      %eq3A_54 = arith.constant 15 : i32
      %eq3A_55 = arith.cmpi eq, %arg1, %eq3A_54 : i32
      %convert_element_type3A_56 = arith.extui %eq3A_55 : i1 to i32
      %cond3A_57 = arith.constant 0 : i32
      %cond3A_58 = arith.cmpi ne, %convert_element_type3A_56, %cond3A_57 : i32
      scf.if %cond3A_58 {
        "tpu.region"() ({
          %run_scoped3A = tpu.sem_alloc : memref<!tpu.dma_semaphore, #tpu.memory_space<semaphore_mem>>
          %dma_start3A_59 = arith.constant 9984 : i32
          %dma_start3A_60 = arith.constant 0 : i32
          %dma_start3A_61 = tpu.memref_slice %arg9[%dma_start3A_59, %dma_start3A_60] : memref<10000x16xf32, #tpu.memory_space<hbm>> -> memref<16x16xf32, #tpu.memory_space<hbm>>
          %dma_start3A_62 = arith.constant 9984 : i32
          %dma_start3A_63 = arith.constant 0 : i32
          %dma_start3A_64 = tpu.memref_slice %arg20[%dma_start3A_62, %dma_start3A_63] : memref<10000x16xf32, #tpu.memory_space<vmem_shared>> -> memref<16x16xf32, #tpu.memory_space<vmem_shared>>
          tpu.enqueue_dma source(%dma_start3A_64 : memref<16x16xf32, #tpu.memory_space<vmem_shared>>) target(%dma_start3A_61 : memref<16x16xf32, #tpu.memory_space<hbm>>) target_semaphore(%run_scoped3A : memref<!tpu.dma_semaphore, #tpu.memory_space<semaphore_mem>>)
          %dma_wait3A_65 = arith.constant 9984 : i32
          %dma_wait3A_66 = arith.constant 0 : i32
          %dma_wait3A_67 = tpu.memref_slice %arg9[%dma_wait3A_65, %dma_wait3A_66] : memref<10000x16xf32, #tpu.memory_space<hbm>> -> memref<16x16xf32, #tpu.memory_space<hbm>>
          %dma_wait3A_68 = arith.constant 9984 : i32
          %dma_wait3A_69 = arith.constant 0 : i32
          %dma_wait3A_70 = tpu.memref_slice %arg20[%dma_wait3A_68, %dma_wait3A_69] : memref<10000x16xf32, #tpu.memory_space<vmem_shared>> -> memref<16x16xf32, #tpu.memory_space<vmem_shared>>
          tpu.wait_dma2 semaphore(%run_scoped3A : memref<!tpu.dma_semaphore, #tpu.memory_space<semaphore_mem>>) src(%dma_wait3A_70 : memref<16x16xf32, #tpu.memory_space<vmem_shared>>) dst(%dma_wait3A_67 : memref<16x16xf32, #tpu.memory_space<hbm>>)
          tpu.yield
        }) : () -> ()
      } else {
      }
    } else {
    }
    %eq3A_45 = arith.constant 1 : i32
    %eq3A_46 = arith.cmpi eq, %arg0, %eq3A_45 : i32
    %convert_element_type3A_47 = arith.extui %eq3A_46 : i1 to i32
    %cond3A_48 = arith.constant 0 : i32
    %cond3A_49 = arith.cmpi ne, %convert_element_type3A_47, %cond3A_48 : i32
    scf.if %cond3A_49 {
      %mul3A_50 = arith.constant 624 : i32
      %mul3A_51 = arith.muli %arg1, %mul3A_50 : i32
      %mul3A_52 = arith.constant 624 : i32
      %mul3A_53 = arith.muli %arg1, %mul3A_52 : i32
      "tpu.region"() ({
        %run_scoped3A = tpu.sem_alloc : memref<!tpu.dma_semaphore, #tpu.memory_space<semaphore_mem>>
        %dma_start3A_59 = arith.constant 0 : i32
        %dma_start3A_60 = tpu.memref_slice %arg10[%mul3A_53, %dma_start3A_59] : memref<10000x16xf32, #tpu.memory_space<hbm>> -> memref<624x16xf32, #tpu.memory_space<hbm>>
        %dma_start3A_61 = arith.constant 0 : i32
        %dma_start3A_62 = tpu.memref_slice %arg20[%mul3A_51, %dma_start3A_61] : memref<10000x16xf32, #tpu.memory_space<vmem_shared>> -> memref<624x16xf32, #tpu.memory_space<vmem_shared>>
        tpu.enqueue_dma source(%dma_start3A_62 : memref<624x16xf32, #tpu.memory_space<vmem_shared>>) target(%dma_start3A_60 : memref<624x16xf32, #tpu.memory_space<hbm>>) target_semaphore(%run_scoped3A : memref<!tpu.dma_semaphore, #tpu.memory_space<semaphore_mem>>)
        %dma_wait3A_63 = arith.constant 0 : i32
        %dma_wait3A_64 = tpu.memref_slice %arg10[%mul3A_53, %dma_wait3A_63] : memref<10000x16xf32, #tpu.memory_space<hbm>> -> memref<624x16xf32, #tpu.memory_space<hbm>>
        %dma_wait3A_65 = arith.constant 0 : i32
        %dma_wait3A_66 = tpu.memref_slice %arg20[%mul3A_51, %dma_wait3A_65] : memref<10000x16xf32, #tpu.memory_space<vmem_shared>> -> memref<624x16xf32, #tpu.memory_space<vmem_shared>>
        tpu.wait_dma2 semaphore(%run_scoped3A : memref<!tpu.dma_semaphore, #tpu.memory_space<semaphore_mem>>) src(%dma_wait3A_66 : memref<624x16xf32, #tpu.memory_space<vmem_shared>>) dst(%dma_wait3A_64 : memref<624x16xf32, #tpu.memory_space<hbm>>)
        tpu.yield
      }) : () -> ()
      %eq3A_54 = arith.constant 15 : i32
      %eq3A_55 = arith.cmpi eq, %arg1, %eq3A_54 : i32
      %convert_element_type3A_56 = arith.extui %eq3A_55 : i1 to i32
      %cond3A_57 = arith.constant 0 : i32
      %cond3A_58 = arith.cmpi ne, %convert_element_type3A_56, %cond3A_57 : i32
      scf.if %cond3A_58 {
        "tpu.region"() ({
          %run_scoped3A = tpu.sem_alloc : memref<!tpu.dma_semaphore, #tpu.memory_space<semaphore_mem>>
          %dma_start3A_59 = arith.constant 9984 : i32
          %dma_start3A_60 = arith.constant 0 : i32
          %dma_start3A_61 = tpu.memref_slice %arg10[%dma_start3A_59, %dma_start3A_60] : memref<10000x16xf32, #tpu.memory_space<hbm>> -> memref<16x16xf32, #tpu.memory_space<hbm>>
          %dma_start3A_62 = arith.constant 9984 : i32
          %dma_start3A_63 = arith.constant 0 : i32
          %dma_start3A_64 = tpu.memref_slice %arg20[%dma_start3A_62, %dma_start3A_63] : memref<10000x16xf32, #tpu.memory_space<vmem_shared>> -> memref<16x16xf32, #tpu.memory_space<vmem_shared>>
          tpu.enqueue_dma source(%dma_start3A_64 : memref<16x16xf32, #tpu.memory_space<vmem_shared>>) target(%dma_start3A_61 : memref<16x16xf32, #tpu.memory_space<hbm>>) target_semaphore(%run_scoped3A : memref<!tpu.dma_semaphore, #tpu.memory_space<semaphore_mem>>)
          %dma_wait3A_65 = arith.constant 9984 : i32
          %dma_wait3A_66 = arith.constant 0 : i32
          %dma_wait3A_67 = tpu.memref_slice %arg10[%dma_wait3A_65, %dma_wait3A_66] : memref<10000x16xf32, #tpu.memory_space<hbm>> -> memref<16x16xf32, #tpu.memory_space<hbm>>
          %dma_wait3A_68 = arith.constant 9984 : i32
          %dma_wait3A_69 = arith.constant 0 : i32
          %dma_wait3A_70 = tpu.memref_slice %arg20[%dma_wait3A_68, %dma_wait3A_69] : memref<10000x16xf32, #tpu.memory_space<vmem_shared>> -> memref<16x16xf32, #tpu.memory_space<vmem_shared>>
          tpu.wait_dma2 semaphore(%run_scoped3A : memref<!tpu.dma_semaphore, #tpu.memory_space<semaphore_mem>>) src(%dma_wait3A_70 : memref<16x16xf32, #tpu.memory_space<vmem_shared>>) dst(%dma_wait3A_67 : memref<16x16xf32, #tpu.memory_space<hbm>>)
          tpu.yield
        }) : () -> ()
      } else {
      }
    } else {
    }
    return
  }
}

#map = affine_map<(d0, d1) -> (0, 0, 0)>
#map1 = affine_map<(d0, d1) -> (0, 0)>
module attributes {stable_mosaic.version = 14 : i64} {
  func.func @_m_kernel(%arg0: i32, %arg1: i32, %arg2: memref<32x125x80xi32, #tpu.memory_space<hbm>>, %arg3: memref<32x125x80xi32, #tpu.memory_space<hbm>>, %arg4: memref<10000x128xf32, #tpu.memory_space<hbm>>, %arg5: memref<320000x16xf32, #tpu.memory_space<hbm>>, %arg6: memref<10000x16xf32, #tpu.memory_space<hbm>>, %arg7: memref<10000x128xf32, #tpu.memory_space<hbm>>, %arg8: memref<10000x128xf32, #tpu.memory_space<hbm>>, %arg9: memref<10000x128xf32, #tpu.memory_space<hbm>>, %arg10: memref<125x80xi32, #tpu.memory_space<vmem>>, %arg11: memref<125x80xi32, #tpu.memory_space<vmem>>, %arg12: memref<80x128xf32, #tpu.memory_space<vmem>>, %arg13: memref<80x128xf32, #tpu.memory_space<vmem>>, %arg14: memref<80x16xf32, #tpu.memory_space<vmem>>, %arg15: memref<80x16xf32, #tpu.memory_space<vmem>>, %arg16: memref<80x16xf32, #tpu.memory_space<vmem>>, %arg17: memref<80x16xf32, #tpu.memory_space<vmem>>, %arg18: memref<10000x128xf32, #tpu.memory_space<vmem_shared>>, %arg19: memref<!tpu.dma_semaphore, #tpu.memory_space<semaphore_mem>>, %arg20: memref<!tpu.dma_semaphore, #tpu.memory_space<semaphore_mem>>, %arg21: memref<!tpu.dma_semaphore, #tpu.memory_space<semaphore_mem>>, %arg22: memref<!tpu.dma_semaphore, #tpu.memory_space<semaphore_mem>>) attributes {dimension_semantics = [#tpu.dimension_semantics<core_parallel>, #tpu.dimension_semantics<subcore_parallel>], iteration_bounds = array<i64: 2, 16>, scalar_prefetch = 0 : i64, scratch_operands = 13 : i64, tpu.core_type = #tpu.core_type<sc_vector_subcore>, window_params = [{transform_indices = #map}, {transform_indices = #map}, {transform_indices = #map1}, {transform_indices = #map1}, {transform_indices = #map1}, {transform_indices = #map1}, {transform_indices = #map1}, {transform_indices = #map1}]} {
    %mul3A = arith.constant 2 : i32
    %mul3A_0 = arith.muli %arg1, %mul3A : i32
    %add3A = arith.addi %mul3A_0, %arg0 : i32
    %mul3A_1 = arith.constant 624 : i32
    %mul3A_2 = arith.muli %arg1, %mul3A_1 : i32
    %mul3A_3 = arith.constant 624 : i32
    %mul3A_4 = arith.muli %arg1, %mul3A_3 : i32
    "tpu.region"() ({
      %run_scoped3A = tpu.sem_alloc : memref<!tpu.dma_semaphore, #tpu.memory_space<semaphore_mem>>
      %dma_start3A_86 = arith.constant 0 : i32
      %dma_start3A_87 = tpu.memref_slice %arg18[%mul3A_4, %dma_start3A_86] : memref<10000x128xf32, #tpu.memory_space<vmem_shared>> -> memref<624x128xf32, #tpu.memory_space<vmem_shared>>
      %dma_start3A_88 = arith.constant 0 : i32
      %dma_start3A_89 = tpu.memref_slice %arg7[%mul3A_2, %dma_start3A_88] : memref<10000x128xf32, #tpu.memory_space<hbm>> -> memref<624x128xf32, #tpu.memory_space<hbm>>
      tpu.enqueue_dma source(%dma_start3A_89 : memref<624x128xf32, #tpu.memory_space<hbm>>) target(%dma_start3A_87 : memref<624x128xf32, #tpu.memory_space<vmem_shared>>) target_semaphore(%run_scoped3A : memref<!tpu.dma_semaphore, #tpu.memory_space<semaphore_mem>>)
      %dma_wait3A_90 = arith.constant 0 : i32
      %dma_wait3A_91 = tpu.memref_slice %arg18[%mul3A_4, %dma_wait3A_90] : memref<10000x128xf32, #tpu.memory_space<vmem_shared>> -> memref<624x128xf32, #tpu.memory_space<vmem_shared>>
      %dma_wait3A_92 = arith.constant 0 : i32
      %dma_wait3A_93 = tpu.memref_slice %arg7[%mul3A_2, %dma_wait3A_92] : memref<10000x128xf32, #tpu.memory_space<hbm>> -> memref<624x128xf32, #tpu.memory_space<hbm>>
      tpu.wait_dma2 semaphore(%run_scoped3A : memref<!tpu.dma_semaphore, #tpu.memory_space<semaphore_mem>>) src(%dma_wait3A_93 : memref<624x128xf32, #tpu.memory_space<hbm>>) dst(%dma_wait3A_91 : memref<624x128xf32, #tpu.memory_space<vmem_shared>>)
      tpu.yield
    }) : () -> ()
    %eq3A = arith.constant 15 : i32
    %eq3A_5 = arith.cmpi eq, %arg1, %eq3A : i32
    %convert_element_type3A = arith.extui %eq3A_5 : i1 to i32
    %cond3A = arith.constant 0 : i32
    %cond3A_6 = arith.cmpi ne, %convert_element_type3A, %cond3A : i32
    scf.if %cond3A_6 {
      "tpu.region"() ({
        %run_scoped3A = tpu.sem_alloc : memref<!tpu.dma_semaphore, #tpu.memory_space<semaphore_mem>>
        %dma_start3A_86 = arith.constant 9984 : i32
        %dma_start3A_87 = arith.constant 0 : i32
        %dma_start3A_88 = tpu.memref_slice %arg18[%dma_start3A_86, %dma_start3A_87] : memref<10000x128xf32, #tpu.memory_space<vmem_shared>> -> memref<16x128xf32, #tpu.memory_space<vmem_shared>>
        %dma_start3A_89 = arith.constant 9984 : i32
        %dma_start3A_90 = arith.constant 0 : i32
        %dma_start3A_91 = tpu.memref_slice %arg7[%dma_start3A_89, %dma_start3A_90] : memref<10000x128xf32, #tpu.memory_space<hbm>> -> memref<16x128xf32, #tpu.memory_space<hbm>>
        tpu.enqueue_dma source(%dma_start3A_91 : memref<16x128xf32, #tpu.memory_space<hbm>>) target(%dma_start3A_88 : memref<16x128xf32, #tpu.memory_space<vmem_shared>>) target_semaphore(%run_scoped3A : memref<!tpu.dma_semaphore, #tpu.memory_space<semaphore_mem>>)
        %dma_wait3A_92 = arith.constant 9984 : i32
        %dma_wait3A_93 = arith.constant 0 : i32
        %dma_wait3A_94 = tpu.memref_slice %arg18[%dma_wait3A_92, %dma_wait3A_93] : memref<10000x128xf32, #tpu.memory_space<vmem_shared>> -> memref<16x128xf32, #tpu.memory_space<vmem_shared>>
        %dma_wait3A_95 = arith.constant 9984 : i32
        %dma_wait3A_96 = arith.constant 0 : i32
        %dma_wait3A_97 = tpu.memref_slice %arg7[%dma_wait3A_95, %dma_wait3A_96] : memref<10000x128xf32, #tpu.memory_space<hbm>> -> memref<16x128xf32, #tpu.memory_space<hbm>>
        tpu.wait_dma2 semaphore(%run_scoped3A : memref<!tpu.dma_semaphore, #tpu.memory_space<semaphore_mem>>) src(%dma_wait3A_97 : memref<16x128xf32, #tpu.memory_space<hbm>>) dst(%dma_wait3A_94 : memref<16x128xf32, #tpu.memory_space<vmem_shared>>)
        tpu.yield
      }) : () -> ()
    } else {
    }
    "tpu.region"() ({
      %run_scoped3A = tpu.sem_alloc : memref<!tpu.dma_semaphore, #tpu.memory_space<semaphore_mem>>
      %dma_start3A_86 = arith.constant 0 : i32
      %dma_start3A_87 = arith.constant 0 : i32
      %dma_start3A_88 = tpu.memref_slice %arg2[%add3A, %dma_start3A_86, %dma_start3A_87] : memref<32x125x80xi32, #tpu.memory_space<hbm>> -> memref<1x125x80xi32, #tpu.memory_space<hbm>>
      %dma_start3A_89 = tpu.memref_squeeze %dma_start3A_88 : memref<1x125x80xi32, #tpu.memory_space<hbm>> -> memref<125x80xi32, #tpu.memory_space<hbm>>
      %dma_start3A_90 = arith.constant 0 : i32
      %dma_start3A_91 = arith.constant 0 : i32
      %dma_start3A_92 = tpu.memref_slice %arg2[%add3A, %dma_start3A_90, %dma_start3A_91] : memref<32x125x80xi32, #tpu.memory_space<hbm>> -> memref<1x125x80xi32, #tpu.memory_space<hbm>>
      %dma_start3A_93 = tpu.memref_squeeze %dma_start3A_92 : memref<1x125x80xi32, #tpu.memory_space<hbm>> -> memref<125x80xi32, #tpu.memory_space<hbm>>
      tpu.enqueue_dma source(%dma_start3A_93 : memref<125x80xi32, #tpu.memory_space<hbm>>) target(%arg10 : memref<125x80xi32, #tpu.memory_space<vmem>>) target_semaphore(%run_scoped3A : memref<!tpu.dma_semaphore, #tpu.memory_space<semaphore_mem>>)
      %dma_wait3A_94 = arith.constant 0 : i32
      %dma_wait3A_95 = arith.constant 0 : i32
      %dma_wait3A_96 = tpu.memref_slice %arg2[%add3A, %dma_wait3A_94, %dma_wait3A_95] : memref<32x125x80xi32, #tpu.memory_space<hbm>> -> memref<1x125x80xi32, #tpu.memory_space<hbm>>
      %dma_wait3A_97 = tpu.memref_squeeze %dma_wait3A_96 : memref<1x125x80xi32, #tpu.memory_space<hbm>> -> memref<125x80xi32, #tpu.memory_space<hbm>>
      %dma_wait3A_98 = arith.constant 0 : i32
      %dma_wait3A_99 = arith.constant 0 : i32
      %dma_wait3A_100 = tpu.memref_slice %arg2[%add3A, %dma_wait3A_98, %dma_wait3A_99] : memref<32x125x80xi32, #tpu.memory_space<hbm>> -> memref<1x125x80xi32, #tpu.memory_space<hbm>>
      %dma_wait3A_101 = tpu.memref_squeeze %dma_wait3A_100 : memref<1x125x80xi32, #tpu.memory_space<hbm>> -> memref<125x80xi32, #tpu.memory_space<hbm>>
      tpu.wait_dma2 semaphore(%run_scoped3A : memref<!tpu.dma_semaphore, #tpu.memory_space<semaphore_mem>>) src(%dma_wait3A_101 : memref<125x80xi32, #tpu.memory_space<hbm>>) dst(%arg10 : memref<125x80xi32, #tpu.memory_space<vmem>>)
      tpu.yield
    }) : () -> ()
    "tpu.region"() ({
      %run_scoped3A = tpu.sem_alloc : memref<!tpu.dma_semaphore, #tpu.memory_space<semaphore_mem>>
      %dma_start3A_86 = arith.constant 0 : i32
      %dma_start3A_87 = arith.constant 0 : i32
      %dma_start3A_88 = tpu.memref_slice %arg3[%add3A, %dma_start3A_86, %dma_start3A_87] : memref<32x125x80xi32, #tpu.memory_space<hbm>> -> memref<1x125x80xi32, #tpu.memory_space<hbm>>
      %dma_start3A_89 = tpu.memref_squeeze %dma_start3A_88 : memref<1x125x80xi32, #tpu.memory_space<hbm>> -> memref<125x80xi32, #tpu.memory_space<hbm>>
      %dma_start3A_90 = arith.constant 0 : i32
      %dma_start3A_91 = arith.constant 0 : i32
      %dma_start3A_92 = tpu.memref_slice %arg3[%add3A, %dma_start3A_90, %dma_start3A_91] : memref<32x125x80xi32, #tpu.memory_space<hbm>> -> memref<1x125x80xi32, #tpu.memory_space<hbm>>
      %dma_start3A_93 = tpu.memref_squeeze %dma_start3A_92 : memref<1x125x80xi32, #tpu.memory_space<hbm>> -> memref<125x80xi32, #tpu.memory_space<hbm>>
      tpu.enqueue_dma source(%dma_start3A_93 : memref<125x80xi32, #tpu.memory_space<hbm>>) target(%arg11 : memref<125x80xi32, #tpu.memory_space<vmem>>) target_semaphore(%run_scoped3A : memref<!tpu.dma_semaphore, #tpu.memory_space<semaphore_mem>>)
      %dma_wait3A_94 = arith.constant 0 : i32
      %dma_wait3A_95 = arith.constant 0 : i32
      %dma_wait3A_96 = tpu.memref_slice %arg3[%add3A, %dma_wait3A_94, %dma_wait3A_95] : memref<32x125x80xi32, #tpu.memory_space<hbm>> -> memref<1x125x80xi32, #tpu.memory_space<hbm>>
      %dma_wait3A_97 = tpu.memref_squeeze %dma_wait3A_96 : memref<1x125x80xi32, #tpu.memory_space<hbm>> -> memref<125x80xi32, #tpu.memory_space<hbm>>
      %dma_wait3A_98 = arith.constant 0 : i32
      %dma_wait3A_99 = arith.constant 0 : i32
      %dma_wait3A_100 = tpu.memref_slice %arg3[%add3A, %dma_wait3A_98, %dma_wait3A_99] : memref<32x125x80xi32, #tpu.memory_space<hbm>> -> memref<1x125x80xi32, #tpu.memory_space<hbm>>
      %dma_wait3A_101 = tpu.memref_squeeze %dma_wait3A_100 : memref<1x125x80xi32, #tpu.memory_space<hbm>> -> memref<125x80xi32, #tpu.memory_space<hbm>>
      tpu.wait_dma2 semaphore(%run_scoped3A : memref<!tpu.dma_semaphore, #tpu.memory_space<semaphore_mem>>) src(%dma_wait3A_101 : memref<125x80xi32, #tpu.memory_space<hbm>>) dst(%arg11 : memref<125x80xi32, #tpu.memory_space<vmem>>)
      tpu.yield
    }) : () -> ()
    %barrier3A = arith.constant 0 : index
    tpu.barrier barrier_id(%barrier3A)
    %dma_start3A = arith.constant 0 : i32
    %dma_start3A_7 = arith.constant 0 : i32
    %dma_start3A_8 = tpu.memref_slice %arg10[%dma_start3A, %dma_start3A_7] : memref<125x80xi32, #tpu.memory_space<vmem>> -> memref<1x80xi32, #tpu.memory_space<vmem>>
    %dma_start3A_9 = tpu.memref_squeeze %dma_start3A_8 : memref<1x80xi32, #tpu.memory_space<vmem>> -> memref<80xi32, #tpu.memory_space<vmem>>
    %dma_start3A_10 = arith.constant 0 : i32
    %dma_start3A_11 = arith.constant 0 : i32
    %dma_start3A_12 = tpu.memref_slice %arg4[%dma_start3A_10, %dma_start3A_11] : memref<10000x128xf32, #tpu.memory_space<hbm>> -> memref<10000x128xf32, #tpu.memory_space<hbm>>
    tpu.enqueue_indirect_dma source(%dma_start3A_12 : memref<10000x128xf32, #tpu.memory_space<hbm>>) target(%arg12 : memref<80x128xf32, #tpu.memory_space<vmem>>) offsets(%dma_start3A_9 : memref<80xi32, #tpu.memory_space<vmem>>) semaphore(%arg19 : memref<!tpu.dma_semaphore, #tpu.memory_space<semaphore_mem>>)
    %dma_start3A_13 = arith.constant 0 : i32
    %dma_start3A_14 = arith.constant 0 : i32
    %dma_start3A_15 = tpu.memref_slice %arg11[%dma_start3A_13, %dma_start3A_14] : memref<125x80xi32, #tpu.memory_space<vmem>> -> memref<1x80xi32, #tpu.memory_space<vmem>>
    %dma_start3A_16 = tpu.memref_squeeze %dma_start3A_15 : memref<1x80xi32, #tpu.memory_space<vmem>> -> memref<80xi32, #tpu.memory_space<vmem>>
    %dma_start3A_17 = arith.constant 0 : i32
    %dma_start3A_18 = arith.constant 0 : i32
    %dma_start3A_19 = tpu.memref_slice %arg6[%dma_start3A_17, %dma_start3A_18] : memref<10000x16xf32, #tpu.memory_space<hbm>> -> memref<10000x16xf32, #tpu.memory_space<hbm>>
    tpu.enqueue_indirect_dma source(%dma_start3A_19 : memref<10000x16xf32, #tpu.memory_space<hbm>>) target(%arg16 : memref<80x16xf32, #tpu.memory_space<vmem>>) offsets(%dma_start3A_16 : memref<80xi32, #tpu.memory_space<vmem>>) semaphore(%arg20 : memref<!tpu.dma_semaphore, #tpu.memory_space<semaphore_mem>>)
    %mul3A_20 = arith.constant 10000 : i32
    %mul3A_21 = arith.muli %add3A, %mul3A_20 : i32
    %add3A_22 = arith.constant 0 : i32
    %add3A_23 = arith.addi %mul3A_21, %add3A_22 : i32
    %dma_start3A_24 = arith.constant 0 : i32
    %dma_start3A_25 = tpu.memref_slice %arg5[%add3A_23, %dma_start3A_24] : memref<320000x16xf32, #tpu.memory_space<hbm>> -> memref<80x16xf32, #tpu.memory_space<hbm>>
    %dma_start3A_26 = arith.constant 0 : i32
    %dma_start3A_27 = tpu.memref_slice %arg5[%add3A_23, %dma_start3A_26] : memref<320000x16xf32, #tpu.memory_space<hbm>> -> memref<80x16xf32, #tpu.memory_space<hbm>>
    tpu.enqueue_dma source(%dma_start3A_27 : memref<80x16xf32, #tpu.memory_space<hbm>>) target(%arg14 : memref<80x16xf32, #tpu.memory_space<vmem>>) target_semaphore(%arg21 : memref<!tpu.dma_semaphore, #tpu.memory_space<semaphore_mem>>)
    %scan3A = arith.constant 0 : i32
    %scan3A_28 = arith.constant 0 : i32
    %scan3A_29 = arith.constant 62 : i32
    %scan3A_30 = arith.addi %scan3A_28, %scan3A_29 : i32
    %scan3A_31 = arith.constant 1 : i32
    scf.for %scan3A_86 = %scan3A_28 to %scan3A_30 step %scan3A_31  : i32 {
      %mul3A_87 = arith.constant 2 : i32
      %mul3A_88 = arith.muli %mul3A_87, %scan3A_86 : i32
      %dma_wait3A_89 = arith.constant 0 : i32
      %dma_wait3A_90 = arith.constant 0 : i32
      %dma_wait3A_91 = tpu.memref_slice %arg10[%dma_wait3A_89, %dma_wait3A_90] : memref<125x80xi32, #tpu.memory_space<vmem>> -> memref<1x80xi32, #tpu.memory_space<vmem>>
      %dma_wait3A_92 = tpu.memref_squeeze %dma_wait3A_91 : memref<1x80xi32, #tpu.memory_space<vmem>> -> memref<80xi32, #tpu.memory_space<vmem>>
      %dma_wait3A_93 = arith.constant 0 : i32
      %dma_wait3A_94 = arith.constant 0 : i32
      %dma_wait3A_95 = tpu.memref_slice %arg4[%dma_wait3A_93, %dma_wait3A_94] : memref<10000x128xf32, #tpu.memory_space<hbm>> -> memref<10000x128xf32, #tpu.memory_space<hbm>>
      tpu.wait_indirect_dma semaphore(%arg19 : memref<!tpu.dma_semaphore, #tpu.memory_space<semaphore_mem>>) src(%dma_wait3A_95 : memref<10000x128xf32, #tpu.memory_space<hbm>>) dst(%arg12 : memref<80x128xf32, #tpu.memory_space<vmem>>)
      %dma_wait3A_96 = arith.constant 0 : i32
      %dma_wait3A_97 = arith.constant 0 : i32
      %dma_wait3A_98 = tpu.memref_slice %arg11[%dma_wait3A_96, %dma_wait3A_97] : memref<125x80xi32, #tpu.memory_space<vmem>> -> memref<1x80xi32, #tpu.memory_space<vmem>>
      %dma_wait3A_99 = tpu.memref_squeeze %dma_wait3A_98 : memref<1x80xi32, #tpu.memory_space<vmem>> -> memref<80xi32, #tpu.memory_space<vmem>>
      %dma_wait3A_100 = arith.constant 0 : i32
      %dma_wait3A_101 = arith.constant 0 : i32
      %dma_wait3A_102 = tpu.memref_slice %arg6[%dma_wait3A_100, %dma_wait3A_101] : memref<10000x16xf32, #tpu.memory_space<hbm>> -> memref<10000x16xf32, #tpu.memory_space<hbm>>
      tpu.wait_indirect_dma semaphore(%arg20 : memref<!tpu.dma_semaphore, #tpu.memory_space<semaphore_mem>>) src(%dma_wait3A_102 : memref<10000x16xf32, #tpu.memory_space<hbm>>) dst(%arg16 : memref<80x16xf32, #tpu.memory_space<vmem>>)
      %dma_wait3A_103 = arith.constant 0 : i32
      %dma_wait3A_104 = arith.constant 0 : i32
      %dma_wait3A_105 = tpu.memref_slice %arg5[%dma_wait3A_103, %dma_wait3A_104] : memref<320000x16xf32, #tpu.memory_space<hbm>> -> memref<80x16xf32, #tpu.memory_space<hbm>>
      %dma_wait3A_106 = arith.constant 0 : i32
      %dma_wait3A_107 = arith.constant 0 : i32
      %dma_wait3A_108 = tpu.memref_slice %arg5[%dma_wait3A_106, %dma_wait3A_107] : memref<320000x16xf32, #tpu.memory_space<hbm>> -> memref<80x16xf32, #tpu.memory_space<hbm>>
      tpu.wait_dma2 semaphore(%arg21 : memref<!tpu.dma_semaphore, #tpu.memory_space<semaphore_mem>>) src(%dma_wait3A_108 : memref<80x16xf32, #tpu.memory_space<hbm>>) dst(%arg14 : memref<80x16xf32, #tpu.memory_space<vmem>>)
      %gt3A = arith.constant 0 : i32
      %gt3A_109 = arith.cmpi sgt, %scan3A_86, %gt3A : i32
      %convert_element_type3A_110 = arith.extui %gt3A_109 : i1 to i32
      %cond3A_111 = arith.constant 0 : i32
      %cond3A_112 = arith.cmpi ne, %convert_element_type3A_110, %cond3A_111 : i32
      scf.if %cond3A_112 {
        %dma_wait3A_206 = arith.constant 0 : i32
        %dma_wait3A_207 = arith.constant 0 : i32
        %dma_wait3A_208 = tpu.memref_slice %arg11[%dma_wait3A_206, %dma_wait3A_207] : memref<125x80xi32, #tpu.memory_space<vmem>> -> memref<1x80xi32, #tpu.memory_space<vmem>>
        %dma_wait3A_209 = tpu.memref_squeeze %dma_wait3A_208 : memref<1x80xi32, #tpu.memory_space<vmem>> -> memref<80xi32, #tpu.memory_space<vmem>>
        %dma_wait3A_210 = arith.constant 0 : i32
        %dma_wait3A_211 = arith.constant 0 : i32
        %dma_wait3A_212 = tpu.memref_slice %arg18[%dma_wait3A_210, %dma_wait3A_211] : memref<10000x128xf32, #tpu.memory_space<vmem_shared>> -> memref<10000x128xf32, #tpu.memory_space<vmem_shared>>
        tpu.wait_indirect_dma semaphore(%arg22 : memref<!tpu.dma_semaphore, #tpu.memory_space<semaphore_mem>>) src(%arg12 : memref<80x128xf32, #tpu.memory_space<vmem>>) dst(%dma_wait3A_212 : memref<10000x128xf32, #tpu.memory_space<vmem_shared>>)
      } else {
      }
      %add3A_113 = arith.constant 1 : i32
      %add3A_114 = arith.addi %mul3A_88, %add3A_113 : i32
      %dma_start3A_115 = arith.constant 0 : i32
      %dma_start3A_116 = tpu.memref_slice %arg10[%add3A_114, %dma_start3A_115] : memref<125x80xi32, #tpu.memory_space<vmem>> -> memref<1x80xi32, #tpu.memory_space<vmem>>
      %dma_start3A_117 = tpu.memref_squeeze %dma_start3A_116 : memref<1x80xi32, #tpu.memory_space<vmem>> -> memref<80xi32, #tpu.memory_space<vmem>>
      %dma_start3A_118 = arith.constant 0 : i32
      %dma_start3A_119 = arith.constant 0 : i32
      %dma_start3A_120 = tpu.memref_slice %arg4[%dma_start3A_118, %dma_start3A_119] : memref<10000x128xf32, #tpu.memory_space<hbm>> -> memref<10000x128xf32, #tpu.memory_space<hbm>>
      tpu.enqueue_indirect_dma source(%dma_start3A_120 : memref<10000x128xf32, #tpu.memory_space<hbm>>) target(%arg13 : memref<80x128xf32, #tpu.memory_space<vmem>>) offsets(%dma_start3A_117 : memref<80xi32, #tpu.memory_space<vmem>>) semaphore(%arg19 : memref<!tpu.dma_semaphore, #tpu.memory_space<semaphore_mem>>)
      %dma_start3A_121 = arith.constant 0 : i32
      %dma_start3A_122 = tpu.memref_slice %arg11[%add3A_114, %dma_start3A_121] : memref<125x80xi32, #tpu.memory_space<vmem>> -> memref<1x80xi32, #tpu.memory_space<vmem>>
      %dma_start3A_123 = tpu.memref_squeeze %dma_start3A_122 : memref<1x80xi32, #tpu.memory_space<vmem>> -> memref<80xi32, #tpu.memory_space<vmem>>
      %dma_start3A_124 = arith.constant 0 : i32
      %dma_start3A_125 = arith.constant 0 : i32
      %dma_start3A_126 = tpu.memref_slice %arg6[%dma_start3A_124, %dma_start3A_125] : memref<10000x16xf32, #tpu.memory_space<hbm>> -> memref<10000x16xf32, #tpu.memory_space<hbm>>
      tpu.enqueue_indirect_dma source(%dma_start3A_126 : memref<10000x16xf32, #tpu.memory_space<hbm>>) target(%arg17 : memref<80x16xf32, #tpu.memory_space<vmem>>) offsets(%dma_start3A_123 : memref<80xi32, #tpu.memory_space<vmem>>) semaphore(%arg20 : memref<!tpu.dma_semaphore, #tpu.memory_space<semaphore_mem>>)
      %mul3A_127 = arith.constant 10000 : i32
      %mul3A_128 = arith.muli %add3A, %mul3A_127 : i32
      %mul3A_129 = arith.constant 80 : i32
      %mul3A_130 = arith.muli %add3A_114, %mul3A_129 : i32
      %add3A_131 = arith.addi %mul3A_128, %mul3A_130 : i32
      %dma_start3A_132 = arith.constant 0 : i32
      %dma_start3A_133 = tpu.memref_slice %arg5[%add3A_131, %dma_start3A_132] : memref<320000x16xf32, #tpu.memory_space<hbm>> -> memref<80x16xf32, #tpu.memory_space<hbm>>
      %dma_start3A_134 = arith.constant 0 : i32
      %dma_start3A_135 = tpu.memref_slice %arg5[%add3A_131, %dma_start3A_134] : memref<320000x16xf32, #tpu.memory_space<hbm>> -> memref<80x16xf32, #tpu.memory_space<hbm>>
      tpu.enqueue_dma source(%dma_start3A_135 : memref<80x16xf32, #tpu.memory_space<hbm>>) target(%arg15 : memref<80x16xf32, #tpu.memory_space<vmem>>) target_semaphore(%arg21 : memref<!tpu.dma_semaphore, #tpu.memory_space<semaphore_mem>>)
      %parallel_loop3A_136 = arith.constant 0 : i32
      %parallel_loop3A_137 = arith.constant 80 : i32
      %parallel_loop3A_138 = arith.constant 1 : i32
      scf.for %parallel_loop3A_206 = %parallel_loop3A_136 to %parallel_loop3A_137 step %parallel_loop3A_138  : i32 {
        %parallel_loop3A_207 = arith.index_cast %parallel_loop3A_206 : i32 to index
        %parallel_loop3A_208 = arith.constant 0 : index
        %parallel_loop3A_209 = tpu.vector_load %arg14[%parallel_loop3A_207, %parallel_loop3A_208] {strides = array<i32>} : memref<80x16xf32, #tpu.memory_space<vmem>>, vector<1x16xf32>,
        %parallel_loop3A_210 = vector.shape_cast %parallel_loop3A_209 : vector<1x16xf32> to vector<16xf32>
        %parallel_loop3A_211 = arith.index_cast %parallel_loop3A_206 : i32 to index
        %parallel_loop3A_212 = arith.constant 0 : index
        %parallel_loop3A_213 = tpu.vector_load %arg16[%parallel_loop3A_211, %parallel_loop3A_212] {strides = array<i32>} : memref<80x16xf32, #tpu.memory_space<vmem>>, vector<1x16xf32>,
        %parallel_loop3A_214 = vector.shape_cast %parallel_loop3A_213 : vector<1x16xf32> to vector<16xf32>
        %parallel_loop3A_215 = arith.mulf %parallel_loop3A_210, %parallel_loop3A_214 : vector<16xf32>
        %parallel_loop3A_216 = arith.index_cast %parallel_loop3A_206 : i32 to index
        %parallel_loop3A_217 = arith.constant 0 : index
        %parallel_loop3A_218 = tpu.vector_load %arg12[%parallel_loop3A_216, %parallel_loop3A_217] {strides = array<i32>} : memref<80x128xf32, #tpu.memory_space<vmem>>, vector<1x16xf32>,
        %parallel_loop3A_219 = vector.shape_cast %parallel_loop3A_218 : vector<1x16xf32> to vector<16xf32>
        %parallel_loop3A_220 = vector.extract_strided_slice %parallel_loop3A_215 {offsets = [0], sizes = [1], strides = [1]} : vector<16xf32> to vector<1xf32>
        %parallel_loop3A_221 = vector.extract %parallel_loop3A_220[0] : f32 from vector<1xf32>
        %parallel_loop3A_222 = vector.broadcast %parallel_loop3A_221 : f32 to vector<16xf32>
        %parallel_loop3A_223 = arith.mulf %parallel_loop3A_219, %parallel_loop3A_222 : vector<16xf32>
        %parallel_loop3A_224 = arith.index_cast %parallel_loop3A_206 : i32 to index
        %parallel_loop3A_225 = arith.constant 0 : index
        %parallel_loop3A_226 = tpu.vector_load %arg12[%parallel_loop3A_224, %parallel_loop3A_225] {strides = array<i32>} : memref<80x128xf32, #tpu.memory_space<vmem>>, vector<1x16xf32>,
        %parallel_loop3A_227 = vector.shape_cast %parallel_loop3A_226 : vector<1x16xf32> to vector<16xf32>
        %parallel_loop3A_228 = vector.shape_cast %parallel_loop3A_223 : vector<16xf32> to vector<1x16xf32>
        tpu.vector_store %arg12[%parallel_loop3A_224, %parallel_loop3A_225], %parallel_loop3A_228 {strides = array<i32>} : memref<80x128xf32, #tpu.memory_space<vmem>>, vector<1x16xf32>,
        %parallel_loop3A_229 = arith.index_cast %parallel_loop3A_206 : i32 to index
        %parallel_loop3A_230 = arith.constant 16 : index
        %parallel_loop3A_231 = tpu.vector_load %arg12[%parallel_loop3A_229, %parallel_loop3A_230] {strides = array<i32>} : memref<80x128xf32, #tpu.memory_space<vmem>>, vector<1x16xf32>,
        %parallel_loop3A_232 = vector.shape_cast %parallel_loop3A_231 : vector<1x16xf32> to vector<16xf32>
        %parallel_loop3A_233 = vector.extract_strided_slice %parallel_loop3A_215 {offsets = [1], sizes = [1], strides = [1]} : vector<16xf32> to vector<1xf32>
        %parallel_loop3A_234 = vector.extract %parallel_loop3A_233[0] : f32 from vector<1xf32>
        %parallel_loop3A_235 = vector.broadcast %parallel_loop3A_234 : f32 to vector<16xf32>
        %parallel_loop3A_236 = arith.mulf %parallel_loop3A_232, %parallel_loop3A_235 : vector<16xf32>
        %parallel_loop3A_237 = arith.index_cast %parallel_loop3A_206 : i32 to index
        %parallel_loop3A_238 = arith.constant 16 : index
        %parallel_loop3A_239 = tpu.vector_load %arg12[%parallel_loop3A_237, %parallel_loop3A_238] {strides = array<i32>} : memref<80x128xf32, #tpu.memory_space<vmem>>, vector<1x16xf32>,
        %parallel_loop3A_240 = vector.shape_cast %parallel_loop3A_239 : vector<1x16xf32> to vector<16xf32>
        %parallel_loop3A_241 = vector.shape_cast %parallel_loop3A_236 : vector<16xf32> to vector<1x16xf32>
        tpu.vector_store %arg12[%parallel_loop3A_237, %parallel_loop3A_238], %parallel_loop3A_241 {strides = array<i32>} : memref<80x128xf32, #tpu.memory_space<vmem>>, vector<1x16xf32>,
        %parallel_loop3A_242 = arith.index_cast %parallel_loop3A_206 : i32 to index
        %parallel_loop3A_243 = arith.constant 32 : index
        %parallel_loop3A_244 = tpu.vector_load %arg12[%parallel_loop3A_242, %parallel_loop3A_243] {strides = array<i32>} : memref<80x128xf32, #tpu.memory_space<vmem>>, vector<1x16xf32>,
        %parallel_loop3A_245 = vector.shape_cast %parallel_loop3A_244 : vector<1x16xf32> to vector<16xf32>
        %parallel_loop3A_246 = vector.extract_strided_slice %parallel_loop3A_215 {offsets = [2], sizes = [1], strides = [1]} : vector<16xf32> to vector<1xf32>
        %parallel_loop3A_247 = vector.extract %parallel_loop3A_246[0] : f32 from vector<1xf32>
        %parallel_loop3A_248 = vector.broadcast %parallel_loop3A_247 : f32 to vector<16xf32>
        %parallel_loop3A_249 = arith.mulf %parallel_loop3A_245, %parallel_loop3A_248 : vector<16xf32>
        %parallel_loop3A_250 = arith.index_cast %parallel_loop3A_206 : i32 to index
        %parallel_loop3A_251 = arith.constant 32 : index
        %parallel_loop3A_252 = tpu.vector_load %arg12[%parallel_loop3A_250, %parallel_loop3A_251] {strides = array<i32>} : memref<80x128xf32, #tpu.memory_space<vmem>>, vector<1x16xf32>,
        %parallel_loop3A_253 = vector.shape_cast %parallel_loop3A_252 : vector<1x16xf32> to vector<16xf32>
        %parallel_loop3A_254 = vector.shape_cast %parallel_loop3A_249 : vector<16xf32> to vector<1x16xf32>
        tpu.vector_store %arg12[%parallel_loop3A_250, %parallel_loop3A_251], %parallel_loop3A_254 {strides = array<i32>} : memref<80x128xf32, #tpu.memory_space<vmem>>, vector<1x16xf32>,
        %parallel_loop3A_255 = arith.index_cast %parallel_loop3A_206 : i32 to index
        %parallel_loop3A_256 = arith.constant 48 : index
        %parallel_loop3A_257 = tpu.vector_load %arg12[%parallel_loop3A_255, %parallel_loop3A_256] {strides = array<i32>} : memref<80x128xf32, #tpu.memory_space<vmem>>, vector<1x16xf32>,
        %parallel_loop3A_258 = vector.shape_cast %parallel_loop3A_257 : vector<1x16xf32> to vector<16xf32>
        %parallel_loop3A_259 = vector.extract_strided_slice %parallel_loop3A_215 {offsets = [3], sizes = [1], strides = [1]} : vector<16xf32> to vector<1xf32>
        %parallel_loop3A_260 = vector.extract %parallel_loop3A_259[0] : f32 from vector<1xf32>
        %parallel_loop3A_261 = vector.broadcast %parallel_loop3A_260 : f32 to vector<16xf32>
        %parallel_loop3A_262 = arith.mulf %parallel_loop3A_258, %parallel_loop3A_261 : vector<16xf32>
        %parallel_loop3A_263 = arith.index_cast %parallel_loop3A_206 : i32 to index
        %parallel_loop3A_264 = arith.constant 48 : index
        %parallel_loop3A_265 = tpu.vector_load %arg12[%parallel_loop3A_263, %parallel_loop3A_264] {strides = array<i32>} : memref<80x128xf32, #tpu.memory_space<vmem>>, vector<1x16xf32>,
        %parallel_loop3A_266 = vector.shape_cast %parallel_loop3A_265 : vector<1x16xf32> to vector<16xf32>
        %parallel_loop3A_267 = vector.shape_cast %parallel_loop3A_262 : vector<16xf32> to vector<1x16xf32>
        tpu.vector_store %arg12[%parallel_loop3A_263, %parallel_loop3A_264], %parallel_loop3A_267 {strides = array<i32>} : memref<80x128xf32, #tpu.memory_space<vmem>>, vector<1x16xf32>,
        %parallel_loop3A_268 = arith.index_cast %parallel_loop3A_206 : i32 to index
        %parallel_loop3A_269 = arith.constant 64 : index
        %parallel_loop3A_270 = tpu.vector_load %arg12[%parallel_loop3A_268, %parallel_loop3A_269] {strides = array<i32>} : memref<80x128xf32, #tpu.memory_space<vmem>>, vector<1x16xf32>,
        %parallel_loop3A_271 = vector.shape_cast %parallel_loop3A_270 : vector<1x16xf32> to vector<16xf32>
        %parallel_loop3A_272 = vector.extract_strided_slice %parallel_loop3A_215 {offsets = [4], sizes = [1], strides = [1]} : vector<16xf32> to vector<1xf32>
        %parallel_loop3A_273 = vector.extract %parallel_loop3A_272[0] : f32 from vector<1xf32>
        %parallel_loop3A_274 = vector.broadcast %parallel_loop3A_273 : f32 to vector<16xf32>
        %parallel_loop3A_275 = arith.mulf %parallel_loop3A_271, %parallel_loop3A_274 : vector<16xf32>
        %parallel_loop3A_276 = arith.index_cast %parallel_loop3A_206 : i32 to index
        %parallel_loop3A_277 = arith.constant 64 : index
        %parallel_loop3A_278 = tpu.vector_load %arg12[%parallel_loop3A_276, %parallel_loop3A_277] {strides = array<i32>} : memref<80x128xf32, #tpu.memory_space<vmem>>, vector<1x16xf32>,
        %parallel_loop3A_279 = vector.shape_cast %parallel_loop3A_278 : vector<1x16xf32> to vector<16xf32>
        %parallel_loop3A_280 = vector.shape_cast %parallel_loop3A_275 : vector<16xf32> to vector<1x16xf32>
        tpu.vector_store %arg12[%parallel_loop3A_276, %parallel_loop3A_277], %parallel_loop3A_280 {strides = array<i32>} : memref<80x128xf32, #tpu.memory_space<vmem>>, vector<1x16xf32>,
        %parallel_loop3A_281 = arith.index_cast %parallel_loop3A_206 : i32 to index
        %parallel_loop3A_282 = arith.constant 80 : index
        %parallel_loop3A_283 = tpu.vector_load %arg12[%parallel_loop3A_281, %parallel_loop3A_282] {strides = array<i32>} : memref<80x128xf32, #tpu.memory_space<vmem>>, vector<1x16xf32>,
        %parallel_loop3A_284 = vector.shape_cast %parallel_loop3A_283 : vector<1x16xf32> to vector<16xf32>
        %parallel_loop3A_285 = vector.extract_strided_slice %parallel_loop3A_215 {offsets = [5], sizes = [1], strides = [1]} : vector<16xf32> to vector<1xf32>
        %parallel_loop3A_286 = vector.extract %parallel_loop3A_285[0] : f32 from vector<1xf32>
        %parallel_loop3A_287 = vector.broadcast %parallel_loop3A_286 : f32 to vector<16xf32>
        %parallel_loop3A_288 = arith.mulf %parallel_loop3A_284, %parallel_loop3A_287 : vector<16xf32>
        %parallel_loop3A_289 = arith.index_cast %parallel_loop3A_206 : i32 to index
        %parallel_loop3A_290 = arith.constant 80 : index
        %parallel_loop3A_291 = tpu.vector_load %arg12[%parallel_loop3A_289, %parallel_loop3A_290] {strides = array<i32>} : memref<80x128xf32, #tpu.memory_space<vmem>>, vector<1x16xf32>,
        %parallel_loop3A_292 = vector.shape_cast %parallel_loop3A_291 : vector<1x16xf32> to vector<16xf32>
        %parallel_loop3A_293 = vector.shape_cast %parallel_loop3A_288 : vector<16xf32> to vector<1x16xf32>
        tpu.vector_store %arg12[%parallel_loop3A_289, %parallel_loop3A_290], %parallel_loop3A_293 {strides = array<i32>} : memref<80x128xf32, #tpu.memory_space<vmem>>, vector<1x16xf32>,
        %parallel_loop3A_294 = arith.index_cast %parallel_loop3A_206 : i32 to index
        %parallel_loop3A_295 = arith.constant 96 : index
        %parallel_loop3A_296 = tpu.vector_load %arg12[%parallel_loop3A_294, %parallel_loop3A_295] {strides = array<i32>} : memref<80x128xf32, #tpu.memory_space<vmem>>, vector<1x16xf32>,
        %parallel_loop3A_297 = vector.shape_cast %parallel_loop3A_296 : vector<1x16xf32> to vector<16xf32>
        %parallel_loop3A_298 = vector.extract_strided_slice %parallel_loop3A_215 {offsets = [6], sizes = [1], strides = [1]} : vector<16xf32> to vector<1xf32>
        %parallel_loop3A_299 = vector.extract %parallel_loop3A_298[0] : f32 from vector<1xf32>
        %parallel_loop3A_300 = vector.broadcast %parallel_loop3A_299 : f32 to vector<16xf32>
        %parallel_loop3A_301 = arith.mulf %parallel_loop3A_297, %parallel_loop3A_300 : vector<16xf32>
        %parallel_loop3A_302 = arith.index_cast %parallel_loop3A_206 : i32 to index
        %parallel_loop3A_303 = arith.constant 96 : index
        %parallel_loop3A_304 = tpu.vector_load %arg12[%parallel_loop3A_302, %parallel_loop3A_303] {strides = array<i32>} : memref<80x128xf32, #tpu.memory_space<vmem>>, vector<1x16xf32>,
        %parallel_loop3A_305 = vector.shape_cast %parallel_loop3A_304 : vector<1x16xf32> to vector<16xf32>
        %parallel_loop3A_306 = vector.shape_cast %parallel_loop3A_301 : vector<16xf32> to vector<1x16xf32>
        tpu.vector_store %arg12[%parallel_loop3A_302, %parallel_loop3A_303], %parallel_loop3A_306 {strides = array<i32>} : memref<80x128xf32, #tpu.memory_space<vmem>>, vector<1x16xf32>,
        %parallel_loop3A_307 = arith.index_cast %parallel_loop3A_206 : i32 to index
        %parallel_loop3A_308 = arith.constant 112 : index
        %parallel_loop3A_309 = tpu.vector_load %arg12[%parallel_loop3A_307, %parallel_loop3A_308] {strides = array<i32>} : memref<80x128xf32, #tpu.memory_space<vmem>>, vector<1x16xf32>,
        %parallel_loop3A_310 = vector.shape_cast %parallel_loop3A_309 : vector<1x16xf32> to vector<16xf32>
        %parallel_loop3A_311 = vector.extract_strided_slice %parallel_loop3A_215 {offsets = [7], sizes = [1], strides = [1]} : vector<16xf32> to vector<1xf32>
        %parallel_loop3A_312 = vector.extract %parallel_loop3A_311[0] : f32 from vector<1xf32>
        %parallel_loop3A_313 = vector.broadcast %parallel_loop3A_312 : f32 to vector<16xf32>
        %parallel_loop3A_314 = arith.mulf %parallel_loop3A_310, %parallel_loop3A_313 : vector<16xf32>
        %parallel_loop3A_315 = arith.index_cast %parallel_loop3A_206 : i32 to index
        %parallel_loop3A_316 = arith.constant 112 : index
        %parallel_loop3A_317 = tpu.vector_load %arg12[%parallel_loop3A_315, %parallel_loop3A_316] {strides = array<i32>} : memref<80x128xf32, #tpu.memory_space<vmem>>, vector<1x16xf32>,
        %parallel_loop3A_318 = vector.shape_cast %parallel_loop3A_317 : vector<1x16xf32> to vector<16xf32>
        %parallel_loop3A_319 = vector.shape_cast %parallel_loop3A_314 : vector<16xf32> to vector<1x16xf32>
        tpu.vector_store %arg12[%parallel_loop3A_315, %parallel_loop3A_316], %parallel_loop3A_319 {strides = array<i32>} : memref<80x128xf32, #tpu.memory_space<vmem>>, vector<1x16xf32>,
      } {sc.loop_unroll_factor = 8 : i64, sc.parallel_access}
      %dma_start3A_139 = arith.constant 0 : i32
      %dma_start3A_140 = tpu.memref_slice %arg11[%mul3A_88, %dma_start3A_139] : memref<125x80xi32, #tpu.memory_space<vmem>> -> memref<1x80xi32, #tpu.memory_space<vmem>>
      %dma_start3A_141 = tpu.memref_squeeze %dma_start3A_140 : memref<1x80xi32, #tpu.memory_space<vmem>> -> memref<80xi32, #tpu.memory_space<vmem>>
      %dma_start3A_142 = arith.constant 0 : i32
      %dma_start3A_143 = arith.constant 0 : i32
      %dma_start3A_144 = tpu.memref_slice %arg18[%dma_start3A_142, %dma_start3A_143] : memref<10000x128xf32, #tpu.memory_space<vmem_shared>> -> memref<10000x128xf32, #tpu.memory_space<vmem_shared>>
      tpu.enqueue_indirect_dma source(%arg12 : memref<80x128xf32, #tpu.memory_space<vmem>>) target(%dma_start3A_144 : memref<10000x128xf32, #tpu.memory_space<vmem_shared>>) offsets(%dma_start3A_141 : memref<80xi32, #tpu.memory_space<vmem>>) semaphore(%arg22 : memref<!tpu.dma_semaphore, #tpu.memory_space<semaphore_mem>>) {add = true}
      %dma_wait3A_145 = arith.constant 0 : i32
      %dma_wait3A_146 = arith.constant 0 : i32
      %dma_wait3A_147 = tpu.memref_slice %arg10[%dma_wait3A_145, %dma_wait3A_146] : memref<125x80xi32, #tpu.memory_space<vmem>> -> memref<1x80xi32, #tpu.memory_space<vmem>>
      %dma_wait3A_148 = tpu.memref_squeeze %dma_wait3A_147 : memref<1x80xi32, #tpu.memory_space<vmem>> -> memref<80xi32, #tpu.memory_space<vmem>>
      %dma_wait3A_149 = arith.constant 0 : i32
      %dma_wait3A_150 = arith.constant 0 : i32
      %dma_wait3A_151 = tpu.memref_slice %arg4[%dma_wait3A_149, %dma_wait3A_150] : memref<10000x128xf32, #tpu.memory_space<hbm>> -> memref<10000x128xf32, #tpu.memory_space<hbm>>
      tpu.wait_indirect_dma semaphore(%arg19 : memref<!tpu.dma_semaphore, #tpu.memory_space<semaphore_mem>>) src(%dma_wait3A_151 : memref<10000x128xf32, #tpu.memory_space<hbm>>) dst(%arg13 : memref<80x128xf32, #tpu.memory_space<vmem>>)
      %dma_wait3A_152 = arith.constant 0 : i32
      %dma_wait3A_153 = arith.constant 0 : i32
      %dma_wait3A_154 = tpu.memref_slice %arg11[%dma_wait3A_152, %dma_wait3A_153] : memref<125x80xi32, #tpu.memory_space<vmem>> -> memref<1x80xi32, #tpu.memory_space<vmem>>
      %dma_wait3A_155 = tpu.memref_squeeze %dma_wait3A_154 : memref<1x80xi32, #tpu.memory_space<vmem>> -> memref<80xi32, #tpu.memory_space<vmem>>
      %dma_wait3A_156 = arith.constant 0 : i32
      %dma_wait3A_157 = arith.constant 0 : i32
      %dma_wait3A_158 = tpu.memref_slice %arg6[%dma_wait3A_156, %dma_wait3A_157] : memref<10000x16xf32, #tpu.memory_space<hbm>> -> memref<10000x16xf32, #tpu.memory_space<hbm>>
      tpu.wait_indirect_dma semaphore(%arg20 : memref<!tpu.dma_semaphore, #tpu.memory_space<semaphore_mem>>) src(%dma_wait3A_158 : memref<10000x16xf32, #tpu.memory_space<hbm>>) dst(%arg17 : memref<80x16xf32, #tpu.memory_space<vmem>>)
      %dma_wait3A_159 = arith.constant 0 : i32
      %dma_wait3A_160 = arith.constant 0 : i32
      %dma_wait3A_161 = tpu.memref_slice %arg5[%dma_wait3A_159, %dma_wait3A_160] : memref<320000x16xf32, #tpu.memory_space<hbm>> -> memref<80x16xf32, #tpu.memory_space<hbm>>
      %dma_wait3A_162 = arith.constant 0 : i32
      %dma_wait3A_163 = arith.constant 0 : i32
      %dma_wait3A_164 = tpu.memref_slice %arg5[%dma_wait3A_162, %dma_wait3A_163] : memref<320000x16xf32, #tpu.memory_space<hbm>> -> memref<80x16xf32, #tpu.memory_space<hbm>>
      tpu.wait_dma2 semaphore(%arg21 : memref<!tpu.dma_semaphore, #tpu.memory_space<semaphore_mem>>) src(%dma_wait3A_164 : memref<80x16xf32, #tpu.memory_space<hbm>>) dst(%arg15 : memref<80x16xf32, #tpu.memory_space<vmem>>)
      %dma_wait3A_165 = arith.constant 0 : i32
      %dma_wait3A_166 = arith.constant 0 : i32
      %dma_wait3A_167 = tpu.memref_slice %arg11[%dma_wait3A_165, %dma_wait3A_166] : memref<125x80xi32, #tpu.memory_space<vmem>> -> memref<1x80xi32, #tpu.memory_space<vmem>>
      %dma_wait3A_168 = tpu.memref_squeeze %dma_wait3A_167 : memref<1x80xi32, #tpu.memory_space<vmem>> -> memref<80xi32, #tpu.memory_space<vmem>>
      %dma_wait3A_169 = arith.constant 0 : i32
      %dma_wait3A_170 = arith.constant 0 : i32
      %dma_wait3A_171 = tpu.memref_slice %arg18[%dma_wait3A_169, %dma_wait3A_170] : memref<10000x128xf32, #tpu.memory_space<vmem_shared>> -> memref<10000x128xf32, #tpu.memory_space<vmem_shared>>
      tpu.wait_indirect_dma semaphore(%arg22 : memref<!tpu.dma_semaphore, #tpu.memory_space<semaphore_mem>>) src(%arg12 : memref<80x128xf32, #tpu.memory_space<vmem>>) dst(%dma_wait3A_171 : memref<10000x128xf32, #tpu.memory_space<vmem_shared>>)
      %add3A_172 = arith.constant 2 : i32
      %add3A_173 = arith.addi %mul3A_88, %add3A_172 : i32
      %dma_start3A_174 = arith.constant 0 : i32
      %dma_start3A_175 = tpu.memref_slice %arg10[%add3A_173, %dma_start3A_174] : memref<125x80xi32, #tpu.memory_space<vmem>> -> memref<1x80xi32, #tpu.memory_space<vmem>>
      %dma_start3A_176 = tpu.memref_squeeze %dma_start3A_175 : memref<1x80xi32, #tpu.memory_space<vmem>> -> memref<80xi32, #tpu.memory_space<vmem>>
      %dma_start3A_177 = arith.constant 0 : i32
      %dma_start3A_178 = arith.constant 0 : i32
      %dma_start3A_179 = tpu.memref_slice %arg4[%dma_start3A_177, %dma_start3A_178] : memref<10000x128xf32, #tpu.memory_space<hbm>> -> memref<10000x128xf32, #tpu.memory_space<hbm>>
      tpu.enqueue_indirect_dma source(%dma_start3A_179 : memref<10000x128xf32, #tpu.memory_space<hbm>>) target(%arg12 : memref<80x128xf32, #tpu.memory_space<vmem>>) offsets(%dma_start3A_176 : memref<80xi32, #tpu.memory_space<vmem>>) semaphore(%arg19 : memref<!tpu.dma_semaphore, #tpu.memory_space<semaphore_mem>>)
      %dma_start3A_180 = arith.constant 0 : i32
      %dma_start3A_181 = tpu.memref_slice %arg11[%add3A_173, %dma_start3A_180] : memref<125x80xi32, #tpu.memory_space<vmem>> -> memref<1x80xi32, #tpu.memory_space<vmem>>
      %dma_start3A_182 = tpu.memref_squeeze %dma_start3A_181 : memref<1x80xi32, #tpu.memory_space<vmem>> -> memref<80xi32, #tpu.memory_space<vmem>>
      %dma_start3A_183 = arith.constant 0 : i32
      %dma_start3A_184 = arith.constant 0 : i32
      %dma_start3A_185 = tpu.memref_slice %arg6[%dma_start3A_183, %dma_start3A_184] : memref<10000x16xf32, #tpu.memory_space<hbm>> -> memref<10000x16xf32, #tpu.memory_space<hbm>>
      tpu.enqueue_indirect_dma source(%dma_start3A_185 : memref<10000x16xf32, #tpu.memory_space<hbm>>) target(%arg16 : memref<80x16xf32, #tpu.memory_space<vmem>>) offsets(%dma_start3A_182 : memref<80xi32, #tpu.memory_space<vmem>>) semaphore(%arg20 : memref<!tpu.dma_semaphore, #tpu.memory_space<semaphore_mem>>)
      %mul3A_186 = arith.constant 10000 : i32
      %mul3A_187 = arith.muli %add3A, %mul3A_186 : i32
      %mul3A_188 = arith.constant 80 : i32
      %mul3A_189 = arith.muli %add3A_173, %mul3A_188 : i32
      %add3A_190 = arith.addi %mul3A_187, %mul3A_189 : i32
      %dma_start3A_191 = arith.constant 0 : i32
      %dma_start3A_192 = tpu.memref_slice %arg5[%add3A_190, %dma_start3A_191] : memref<320000x16xf32, #tpu.memory_space<hbm>> -> memref<80x16xf32, #tpu.memory_space<hbm>>
      %dma_start3A_193 = arith.constant 0 : i32
      %dma_start3A_194 = tpu.memref_slice %arg5[%add3A_190, %dma_start3A_193] : memref<320000x16xf32, #tpu.memory_space<hbm>> -> memref<80x16xf32, #tpu.memory_space<hbm>>
      tpu.enqueue_dma source(%dma_start3A_194 : memref<80x16xf32, #tpu.memory_space<hbm>>) target(%arg14 : memref<80x16xf32, #tpu.memory_space<vmem>>) target_semaphore(%arg21 : memref<!tpu.dma_semaphore, #tpu.memory_space<semaphore_mem>>)
      %add3A_195 = arith.constant 1 : i32
      %add3A_196 = arith.addi %mul3A_88, %add3A_195 : i32
      %parallel_loop3A_197 = arith.constant 0 : i32
      %parallel_loop3A_198 = arith.constant 80 : i32
      %parallel_loop3A_199 = arith.constant 1 : i32
      scf.for %parallel_loop3A_206 = %parallel_loop3A_197 to %parallel_loop3A_198 step %parallel_loop3A_199  : i32 {
        %parallel_loop3A_207 = arith.index_cast %parallel_loop3A_206 : i32 to index
        %parallel_loop3A_208 = arith.constant 0 : index
        %parallel_loop3A_209 = tpu.vector_load %arg15[%parallel_loop3A_207, %parallel_loop3A_208] {strides = array<i32>} : memref<80x16xf32, #tpu.memory_space<vmem>>, vector<1x16xf32>,
        %parallel_loop3A_210 = vector.shape_cast %parallel_loop3A_209 : vector<1x16xf32> to vector<16xf32>
        %parallel_loop3A_211 = arith.index_cast %parallel_loop3A_206 : i32 to index
        %parallel_loop3A_212 = arith.constant 0 : index
        %parallel_loop3A_213 = tpu.vector_load %arg17[%parallel_loop3A_211, %parallel_loop3A_212] {strides = array<i32>} : memref<80x16xf32, #tpu.memory_space<vmem>>, vector<1x16xf32>,
        %parallel_loop3A_214 = vector.shape_cast %parallel_loop3A_213 : vector<1x16xf32> to vector<16xf32>
        %parallel_loop3A_215 = arith.mulf %parallel_loop3A_210, %parallel_loop3A_214 : vector<16xf32>
        %parallel_loop3A_216 = arith.index_cast %parallel_loop3A_206 : i32 to index
        %parallel_loop3A_217 = arith.constant 0 : index
        %parallel_loop3A_218 = tpu.vector_load %arg13[%parallel_loop3A_216, %parallel_loop3A_217] {strides = array<i32>} : memref<80x128xf32, #tpu.memory_space<vmem>>, vector<1x16xf32>,
        %parallel_loop3A_219 = vector.shape_cast %parallel_loop3A_218 : vector<1x16xf32> to vector<16xf32>
        %parallel_loop3A_220 = vector.extract_strided_slice %parallel_loop3A_215 {offsets = [0], sizes = [1], strides = [1]} : vector<16xf32> to vector<1xf32>
        %parallel_loop3A_221 = vector.extract %parallel_loop3A_220[0] : f32 from vector<1xf32>
        %parallel_loop3A_222 = vector.broadcast %parallel_loop3A_221 : f32 to vector<16xf32>
        %parallel_loop3A_223 = arith.mulf %parallel_loop3A_219, %parallel_loop3A_222 : vector<16xf32>
        %parallel_loop3A_224 = arith.index_cast %parallel_loop3A_206 : i32 to index
        %parallel_loop3A_225 = arith.constant 0 : index
        %parallel_loop3A_226 = tpu.vector_load %arg13[%parallel_loop3A_224, %parallel_loop3A_225] {strides = array<i32>} : memref<80x128xf32, #tpu.memory_space<vmem>>, vector<1x16xf32>,
        %parallel_loop3A_227 = vector.shape_cast %parallel_loop3A_226 : vector<1x16xf32> to vector<16xf32>
        %parallel_loop3A_228 = vector.shape_cast %parallel_loop3A_223 : vector<16xf32> to vector<1x16xf32>
        tpu.vector_store %arg13[%parallel_loop3A_224, %parallel_loop3A_225], %parallel_loop3A_228 {strides = array<i32>} : memref<80x128xf32, #tpu.memory_space<vmem>>, vector<1x16xf32>,
        %parallel_loop3A_229 = arith.index_cast %parallel_loop3A_206 : i32 to index
        %parallel_loop3A_230 = arith.constant 16 : index
        %parallel_loop3A_231 = tpu.vector_load %arg13[%parallel_loop3A_229, %parallel_loop3A_230] {strides = array<i32>} : memref<80x128xf32, #tpu.memory_space<vmem>>, vector<1x16xf32>,
        %parallel_loop3A_232 = vector.shape_cast %parallel_loop3A_231 : vector<1x16xf32> to vector<16xf32>
        %parallel_loop3A_233 = vector.extract_strided_slice %parallel_loop3A_215 {offsets = [1], sizes = [1], strides = [1]} : vector<16xf32> to vector<1xf32>
        %parallel_loop3A_234 = vector.extract %parallel_loop3A_233[0] : f32 from vector<1xf32>
        %parallel_loop3A_235 = vector.broadcast %parallel_loop3A_234 : f32 to vector<16xf32>
        %parallel_loop3A_236 = arith.mulf %parallel_loop3A_232, %parallel_loop3A_235 : vector<16xf32>
        %parallel_loop3A_237 = arith.index_cast %parallel_loop3A_206 : i32 to index
        %parallel_loop3A_238 = arith.constant 16 : index
        %parallel_loop3A_239 = tpu.vector_load %arg13[%parallel_loop3A_237, %parallel_loop3A_238] {strides = array<i32>} : memref<80x128xf32, #tpu.memory_space<vmem>>, vector<1x16xf32>,
        %parallel_loop3A_240 = vector.shape_cast %parallel_loop3A_239 : vector<1x16xf32> to vector<16xf32>
        %parallel_loop3A_241 = vector.shape_cast %parallel_loop3A_236 : vector<16xf32> to vector<1x16xf32>
        tpu.vector_store %arg13[%parallel_loop3A_237, %parallel_loop3A_238], %parallel_loop3A_241 {strides = array<i32>} : memref<80x128xf32, #tpu.memory_space<vmem>>, vector<1x16xf32>,
        %parallel_loop3A_242 = arith.index_cast %parallel_loop3A_206 : i32 to index
        %parallel_loop3A_243 = arith.constant 32 : index
        %parallel_loop3A_244 = tpu.vector_load %arg13[%parallel_loop3A_242, %parallel_loop3A_243] {strides = array<i32>} : memref<80x128xf32, #tpu.memory_space<vmem>>, vector<1x16xf32>,
        %parallel_loop3A_245 = vector.shape_cast %parallel_loop3A_244 : vector<1x16xf32> to vector<16xf32>
        %parallel_loop3A_246 = vector.extract_strided_slice %parallel_loop3A_215 {offsets = [2], sizes = [1], strides = [1]} : vector<16xf32> to vector<1xf32>
        %parallel_loop3A_247 = vector.extract %parallel_loop3A_246[0] : f32 from vector<1xf32>
        %parallel_loop3A_248 = vector.broadcast %parallel_loop3A_247 : f32 to vector<16xf32>
        %parallel_loop3A_249 = arith.mulf %parallel_loop3A_245, %parallel_loop3A_248 : vector<16xf32>
        %parallel_loop3A_250 = arith.index_cast %parallel_loop3A_206 : i32 to index
        %parallel_loop3A_251 = arith.constant 32 : index
        %parallel_loop3A_252 = tpu.vector_load %arg13[%parallel_loop3A_250, %parallel_loop3A_251] {strides = array<i32>} : memref<80x128xf32, #tpu.memory_space<vmem>>, vector<1x16xf32>,
        %parallel_loop3A_253 = vector.shape_cast %parallel_loop3A_252 : vector<1x16xf32> to vector<16xf32>
        %parallel_loop3A_254 = vector.shape_cast %parallel_loop3A_249 : vector<16xf32> to vector<1x16xf32>
        tpu.vector_store %arg13[%parallel_loop3A_250, %parallel_loop3A_251], %parallel_loop3A_254 {strides = array<i32>} : memref<80x128xf32, #tpu.memory_space<vmem>>, vector<1x16xf32>,
        %parallel_loop3A_255 = arith.index_cast %parallel_loop3A_206 : i32 to index
        %parallel_loop3A_256 = arith.constant 48 : index
        %parallel_loop3A_257 = tpu.vector_load %arg13[%parallel_loop3A_255, %parallel_loop3A_256] {strides = array<i32>} : memref<80x128xf32, #tpu.memory_space<vmem>>, vector<1x16xf32>,
        %parallel_loop3A_258 = vector.shape_cast %parallel_loop3A_257 : vector<1x16xf32> to vector<16xf32>
        %parallel_loop3A_259 = vector.extract_strided_slice %parallel_loop3A_215 {offsets = [3], sizes = [1], strides = [1]} : vector<16xf32> to vector<1xf32>
        %parallel_loop3A_260 = vector.extract %parallel_loop3A_259[0] : f32 from vector<1xf32>
        %parallel_loop3A_261 = vector.broadcast %parallel_loop3A_260 : f32 to vector<16xf32>
        %parallel_loop3A_262 = arith.mulf %parallel_loop3A_258, %parallel_loop3A_261 : vector<16xf32>
        %parallel_loop3A_263 = arith.index_cast %parallel_loop3A_206 : i32 to index
        %parallel_loop3A_264 = arith.constant 48 : index
        %parallel_loop3A_265 = tpu.vector_load %arg13[%parallel_loop3A_263, %parallel_loop3A_264] {strides = array<i32>} : memref<80x128xf32, #tpu.memory_space<vmem>>, vector<1x16xf32>,
        %parallel_loop3A_266 = vector.shape_cast %parallel_loop3A_265 : vector<1x16xf32> to vector<16xf32>
        %parallel_loop3A_267 = vector.shape_cast %parallel_loop3A_262 : vector<16xf32> to vector<1x16xf32>
        tpu.vector_store %arg13[%parallel_loop3A_263, %parallel_loop3A_264], %parallel_loop3A_267 {strides = array<i32>} : memref<80x128xf32, #tpu.memory_space<vmem>>, vector<1x16xf32>,
        %parallel_loop3A_268 = arith.index_cast %parallel_loop3A_206 : i32 to index
        %parallel_loop3A_269 = arith.constant 64 : index
        %parallel_loop3A_270 = tpu.vector_load %arg13[%parallel_loop3A_268, %parallel_loop3A_269] {strides = array<i32>} : memref<80x128xf32, #tpu.memory_space<vmem>>, vector<1x16xf32>,
        %parallel_loop3A_271 = vector.shape_cast %parallel_loop3A_270 : vector<1x16xf32> to vector<16xf32>
        %parallel_loop3A_272 = vector.extract_strided_slice %parallel_loop3A_215 {offsets = [4], sizes = [1], strides = [1]} : vector<16xf32> to vector<1xf32>
        %parallel_loop3A_273 = vector.extract %parallel_loop3A_272[0] : f32 from vector<1xf32>
        %parallel_loop3A_274 = vector.broadcast %parallel_loop3A_273 : f32 to vector<16xf32>
        %parallel_loop3A_275 = arith.mulf %parallel_loop3A_271, %parallel_loop3A_274 : vector<16xf32>
        %parallel_loop3A_276 = arith.index_cast %parallel_loop3A_206 : i32 to index
        %parallel_loop3A_277 = arith.constant 64 : index
        %parallel_loop3A_278 = tpu.vector_load %arg13[%parallel_loop3A_276, %parallel_loop3A_277] {strides = array<i32>} : memref<80x128xf32, #tpu.memory_space<vmem>>, vector<1x16xf32>,
        %parallel_loop3A_279 = vector.shape_cast %parallel_loop3A_278 : vector<1x16xf32> to vector<16xf32>
        %parallel_loop3A_280 = vector.shape_cast %parallel_loop3A_275 : vector<16xf32> to vector<1x16xf32>
        tpu.vector_store %arg13[%parallel_loop3A_276, %parallel_loop3A_277], %parallel_loop3A_280 {strides = array<i32>} : memref<80x128xf32, #tpu.memory_space<vmem>>, vector<1x16xf32>,
        %parallel_loop3A_281 = arith.index_cast %parallel_loop3A_206 : i32 to index
        %parallel_loop3A_282 = arith.constant 80 : index
        %parallel_loop3A_283 = tpu.vector_load %arg13[%parallel_loop3A_281, %parallel_loop3A_282] {strides = array<i32>} : memref<80x128xf32, #tpu.memory_space<vmem>>, vector<1x16xf32>,
        %parallel_loop3A_284 = vector.shape_cast %parallel_loop3A_283 : vector<1x16xf32> to vector<16xf32>
        %parallel_loop3A_285 = vector.extract_strided_slice %parallel_loop3A_215 {offsets = [5], sizes = [1], strides = [1]} : vector<16xf32> to vector<1xf32>
        %parallel_loop3A_286 = vector.extract %parallel_loop3A_285[0] : f32 from vector<1xf32>
        %parallel_loop3A_287 = vector.broadcast %parallel_loop3A_286 : f32 to vector<16xf32>
        %parallel_loop3A_288 = arith.mulf %parallel_loop3A_284, %parallel_loop3A_287 : vector<16xf32>
        %parallel_loop3A_289 = arith.index_cast %parallel_loop3A_206 : i32 to index
        %parallel_loop3A_290 = arith.constant 80 : index
        %parallel_loop3A_291 = tpu.vector_load %arg13[%parallel_loop3A_289, %parallel_loop3A_290] {strides = array<i32>} : memref<80x128xf32, #tpu.memory_space<vmem>>, vector<1x16xf32>,
        %parallel_loop3A_292 = vector.shape_cast %parallel_loop3A_291 : vector<1x16xf32> to vector<16xf32>
        %parallel_loop3A_293 = vector.shape_cast %parallel_loop3A_288 : vector<16xf32> to vector<1x16xf32>
        tpu.vector_store %arg13[%parallel_loop3A_289, %parallel_loop3A_290], %parallel_loop3A_293 {strides = array<i32>} : memref<80x128xf32, #tpu.memory_space<vmem>>, vector<1x16xf32>,
        %parallel_loop3A_294 = arith.index_cast %parallel_loop3A_206 : i32 to index
        %parallel_loop3A_295 = arith.constant 96 : index
        %parallel_loop3A_296 = tpu.vector_load %arg13[%parallel_loop3A_294, %parallel_loop3A_295] {strides = array<i32>} : memref<80x128xf32, #tpu.memory_space<vmem>>, vector<1x16xf32>,
        %parallel_loop3A_297 = vector.shape_cast %parallel_loop3A_296 : vector<1x16xf32> to vector<16xf32>
        %parallel_loop3A_298 = vector.extract_strided_slice %parallel_loop3A_215 {offsets = [6], sizes = [1], strides = [1]} : vector<16xf32> to vector<1xf32>
        %parallel_loop3A_299 = vector.extract %parallel_loop3A_298[0] : f32 from vector<1xf32>
        %parallel_loop3A_300 = vector.broadcast %parallel_loop3A_299 : f32 to vector<16xf32>
        %parallel_loop3A_301 = arith.mulf %parallel_loop3A_297, %parallel_loop3A_300 : vector<16xf32>
        %parallel_loop3A_302 = arith.index_cast %parallel_loop3A_206 : i32 to index
        %parallel_loop3A_303 = arith.constant 96 : index
        %parallel_loop3A_304 = tpu.vector_load %arg13[%parallel_loop3A_302, %parallel_loop3A_303] {strides = array<i32>} : memref<80x128xf32, #tpu.memory_space<vmem>>, vector<1x16xf32>,
        %parallel_loop3A_305 = vector.shape_cast %parallel_loop3A_304 : vector<1x16xf32> to vector<16xf32>
        %parallel_loop3A_306 = vector.shape_cast %parallel_loop3A_301 : vector<16xf32> to vector<1x16xf32>
        tpu.vector_store %arg13[%parallel_loop3A_302, %parallel_loop3A_303], %parallel_loop3A_306 {strides = array<i32>} : memref<80x128xf32, #tpu.memory_space<vmem>>, vector<1x16xf32>,
        %parallel_loop3A_307 = arith.index_cast %parallel_loop3A_206 : i32 to index
        %parallel_loop3A_308 = arith.constant 112 : index
        %parallel_loop3A_309 = tpu.vector_load %arg13[%parallel_loop3A_307, %parallel_loop3A_308] {strides = array<i32>} : memref<80x128xf32, #tpu.memory_space<vmem>>, vector<1x16xf32>,
        %parallel_loop3A_310 = vector.shape_cast %parallel_loop3A_309 : vector<1x16xf32> to vector<16xf32>
        %parallel_loop3A_311 = vector.extract_strided_slice %parallel_loop3A_215 {offsets = [7], sizes = [1], strides = [1]} : vector<16xf32> to vector<1xf32>
        %parallel_loop3A_312 = vector.extract %parallel_loop3A_311[0] : f32 from vector<1xf32>
        %parallel_loop3A_313 = vector.broadcast %parallel_loop3A_312 : f32 to vector<16xf32>
        %parallel_loop3A_314 = arith.mulf %parallel_loop3A_310, %parallel_loop3A_313 : vector<16xf32>
        %parallel_loop3A_315 = arith.index_cast %parallel_loop3A_206 : i32 to index
        %parallel_loop3A_316 = arith.constant 112 : index
        %parallel_loop3A_317 = tpu.vector_load %arg13[%parallel_loop3A_315, %parallel_loop3A_316] {strides = array<i32>} : memref<80x128xf32, #tpu.memory_space<vmem>>, vector<1x16xf32>,
        %parallel_loop3A_318 = vector.shape_cast %parallel_loop3A_317 : vector<1x16xf32> to vector<16xf32>
        %parallel_loop3A_319 = vector.shape_cast %parallel_loop3A_314 : vector<16xf32> to vector<1x16xf32>
        tpu.vector_store %arg13[%parallel_loop3A_315, %parallel_loop3A_316], %parallel_loop3A_319 {strides = array<i32>} : memref<80x128xf32, #tpu.memory_space<vmem>>, vector<1x16xf32>,
      } {sc.loop_unroll_factor = 8 : i64, sc.parallel_access}
      %dma_start3A_200 = arith.constant 0 : i32
      %dma_start3A_201 = tpu.memref_slice %arg11[%add3A_196, %dma_start3A_200] : memref<125x80xi32, #tpu.memory_space<vmem>> -> memref<1x80xi32, #tpu.memory_space<vmem>>
      %dma_start3A_202 = tpu.memref_squeeze %dma_start3A_201 : memref<1x80xi32, #tpu.memory_space<vmem>> -> memref<80xi32, #tpu.memory_space<vmem>>
      %dma_start3A_203 = arith.constant 0 : i32
      %dma_start3A_204 = arith.constant 0 : i32
      %dma_start3A_205 = tpu.memref_slice %arg18[%dma_start3A_203, %dma_start3A_204] : memref<10000x128xf32, #tpu.memory_space<vmem_shared>> -> memref<10000x128xf32, #tpu.memory_space<vmem_shared>>
      tpu.enqueue_indirect_dma source(%arg13 : memref<80x128xf32, #tpu.memory_space<vmem>>) target(%dma_start3A_205 : memref<10000x128xf32, #tpu.memory_space<vmem_shared>>) offsets(%dma_start3A_202 : memref<80xi32, #tpu.memory_space<vmem>>) semaphore(%arg22 : memref<!tpu.dma_semaphore, #tpu.memory_space<semaphore_mem>>) {add = true}
    }
    %scan3A_32 = arith.constant 62 : i32
    %dma_wait3A = arith.constant 0 : i32
    %dma_wait3A_33 = arith.constant 0 : i32
    %dma_wait3A_34 = tpu.memref_slice %arg10[%dma_wait3A, %dma_wait3A_33] : memref<125x80xi32, #tpu.memory_space<vmem>> -> memref<1x80xi32, #tpu.memory_space<vmem>>
    %dma_wait3A_35 = tpu.memref_squeeze %dma_wait3A_34 : memref<1x80xi32, #tpu.memory_space<vmem>> -> memref<80xi32, #tpu.memory_space<vmem>>
    %dma_wait3A_36 = arith.constant 0 : i32
    %dma_wait3A_37 = arith.constant 0 : i32
    %dma_wait3A_38 = tpu.memref_slice %arg4[%dma_wait3A_36, %dma_wait3A_37] : memref<10000x128xf32, #tpu.memory_space<hbm>> -> memref<10000x128xf32, #tpu.memory_space<hbm>>
    tpu.wait_indirect_dma semaphore(%arg19 : memref<!tpu.dma_semaphore, #tpu.memory_space<semaphore_mem>>) src(%dma_wait3A_38 : memref<10000x128xf32, #tpu.memory_space<hbm>>) dst(%arg12 : memref<80x128xf32, #tpu.memory_space<vmem>>)
    %dma_wait3A_39 = arith.constant 0 : i32
    %dma_wait3A_40 = arith.constant 0 : i32
    %dma_wait3A_41 = tpu.memref_slice %arg11[%dma_wait3A_39, %dma_wait3A_40] : memref<125x80xi32, #tpu.memory_space<vmem>> -> memref<1x80xi32, #tpu.memory_space<vmem>>
    %dma_wait3A_42 = tpu.memref_squeeze %dma_wait3A_41 : memref<1x80xi32, #tpu.memory_space<vmem>> -> memref<80xi32, #tpu.memory_space<vmem>>
    %dma_wait3A_43 = arith.constant 0 : i32
    %dma_wait3A_44 = arith.constant 0 : i32
    %dma_wait3A_45 = tpu.memref_slice %arg6[%dma_wait3A_43, %dma_wait3A_44] : memref<10000x16xf32, #tpu.memory_space<hbm>> -> memref<10000x16xf32, #tpu.memory_space<hbm>>
    tpu.wait_indirect_dma semaphore(%arg20 : memref<!tpu.dma_semaphore, #tpu.memory_space<semaphore_mem>>) src(%dma_wait3A_45 : memref<10000x16xf32, #tpu.memory_space<hbm>>) dst(%arg16 : memref<80x16xf32, #tpu.memory_space<vmem>>)
    %dma_wait3A_46 = arith.constant 0 : i32
    %dma_wait3A_47 = arith.constant 0 : i32
    %dma_wait3A_48 = tpu.memref_slice %arg5[%dma_wait3A_46, %dma_wait3A_47] : memref<320000x16xf32, #tpu.memory_space<hbm>> -> memref<80x16xf32, #tpu.memory_space<hbm>>
    %dma_wait3A_49 = arith.constant 0 : i32
    %dma_wait3A_50 = arith.constant 0 : i32
    %dma_wait3A_51 = tpu.memref_slice %arg5[%dma_wait3A_49, %dma_wait3A_50] : memref<320000x16xf32, #tpu.memory_space<hbm>> -> memref<80x16xf32, #tpu.memory_space<hbm>>
    tpu.wait_dma2 semaphore(%arg21 : memref<!tpu.dma_semaphore, #tpu.memory_space<semaphore_mem>>) src(%dma_wait3A_51 : memref<80x16xf32, #tpu.memory_space<hbm>>) dst(%arg14 : memref<80x16xf32, #tpu.memory_space<vmem>>)
    %dma_wait3A_52 = arith.constant 0 : i32
    %dma_wait3A_53 = arith.constant 0 : i32
    %dma_wait3A_54 = tpu.memref_slice %arg11[%dma_wait3A_52, %dma_wait3A_53] : memref<125x80xi32, #tpu.memory_space<vmem>> -> memref<1x80xi32, #tpu.memory_space<vmem>>
    %dma_wait3A_55 = tpu.memref_squeeze %dma_wait3A_54 : memref<1x80xi32, #tpu.memory_space<vmem>> -> memref<80xi32, #tpu.memory_space<vmem>>
    %dma_wait3A_56 = arith.constant 0 : i32
    %dma_wait3A_57 = arith.constant 0 : i32
    %dma_wait3A_58 = tpu.memref_slice %arg18[%dma_wait3A_56, %dma_wait3A_57] : memref<10000x128xf32, #tpu.memory_space<vmem_shared>> -> memref<10000x128xf32, #tpu.memory_space<vmem_shared>>
    tpu.wait_indirect_dma semaphore(%arg22 : memref<!tpu.dma_semaphore, #tpu.memory_space<semaphore_mem>>) src(%arg12 : memref<80x128xf32, #tpu.memory_space<vmem>>) dst(%dma_wait3A_58 : memref<10000x128xf32, #tpu.memory_space<vmem_shared>>)
    %parallel_loop3A = arith.constant 0 : i32
    %parallel_loop3A_59 = arith.constant 80 : i32
    %parallel_loop3A_60 = arith.constant 1 : i32
    scf.for %parallel_loop3A_86 = %parallel_loop3A to %parallel_loop3A_59 step %parallel_loop3A_60  : i32 {
      %parallel_loop3A_87 = arith.index_cast %parallel_loop3A_86 : i32 to index
      %parallel_loop3A_88 = arith.constant 0 : index
      %parallel_loop3A_89 = tpu.vector_load %arg14[%parallel_loop3A_87, %parallel_loop3A_88] {strides = array<i32>} : memref<80x16xf32, #tpu.memory_space<vmem>>, vector<1x16xf32>,
      %parallel_loop3A_90 = vector.shape_cast %parallel_loop3A_89 : vector<1x16xf32> to vector<16xf32>
      %parallel_loop3A_91 = arith.index_cast %parallel_loop3A_86 : i32 to index
      %parallel_loop3A_92 = arith.constant 0 : index
      %parallel_loop3A_93 = tpu.vector_load %arg16[%parallel_loop3A_91, %parallel_loop3A_92] {strides = array<i32>} : memref<80x16xf32, #tpu.memory_space<vmem>>, vector<1x16xf32>,
      %parallel_loop3A_94 = vector.shape_cast %parallel_loop3A_93 : vector<1x16xf32> to vector<16xf32>
      %parallel_loop3A_95 = arith.mulf %parallel_loop3A_90, %parallel_loop3A_94 : vector<16xf32>
      %parallel_loop3A_96 = arith.index_cast %parallel_loop3A_86 : i32 to index
      %parallel_loop3A_97 = arith.constant 0 : index
      %parallel_loop3A_98 = tpu.vector_load %arg12[%parallel_loop3A_96, %parallel_loop3A_97] {strides = array<i32>} : memref<80x128xf32, #tpu.memory_space<vmem>>, vector<1x16xf32>,
      %parallel_loop3A_99 = vector.shape_cast %parallel_loop3A_98 : vector<1x16xf32> to vector<16xf32>
      %parallel_loop3A_100 = vector.extract_strided_slice %parallel_loop3A_95 {offsets = [0], sizes = [1], strides = [1]} : vector<16xf32> to vector<1xf32>
      %parallel_loop3A_101 = vector.extract %parallel_loop3A_100[0] : f32 from vector<1xf32>
      %parallel_loop3A_102 = vector.broadcast %parallel_loop3A_101 : f32 to vector<16xf32>
      %parallel_loop3A_103 = arith.mulf %parallel_loop3A_99, %parallel_loop3A_102 : vector<16xf32>
      %parallel_loop3A_104 = arith.index_cast %parallel_loop3A_86 : i32 to index
      %parallel_loop3A_105 = arith.constant 0 : index
      %parallel_loop3A_106 = tpu.vector_load %arg12[%parallel_loop3A_104, %parallel_loop3A_105] {strides = array<i32>} : memref<80x128xf32, #tpu.memory_space<vmem>>, vector<1x16xf32>,
      %parallel_loop3A_107 = vector.shape_cast %parallel_loop3A_106 : vector<1x16xf32> to vector<16xf32>
      %parallel_loop3A_108 = vector.shape_cast %parallel_loop3A_103 : vector<16xf32> to vector<1x16xf32>
      tpu.vector_store %arg12[%parallel_loop3A_104, %parallel_loop3A_105], %parallel_loop3A_108 {strides = array<i32>} : memref<80x128xf32, #tpu.memory_space<vmem>>, vector<1x16xf32>,
      %parallel_loop3A_109 = arith.index_cast %parallel_loop3A_86 : i32 to index
      %parallel_loop3A_110 = arith.constant 16 : index
      %parallel_loop3A_111 = tpu.vector_load %arg12[%parallel_loop3A_109, %parallel_loop3A_110] {strides = array<i32>} : memref<80x128xf32, #tpu.memory_space<vmem>>, vector<1x16xf32>,
      %parallel_loop3A_112 = vector.shape_cast %parallel_loop3A_111 : vector<1x16xf32> to vector<16xf32>
      %parallel_loop3A_113 = vector.extract_strided_slice %parallel_loop3A_95 {offsets = [1], sizes = [1], strides = [1]} : vector<16xf32> to vector<1xf32>
      %parallel_loop3A_114 = vector.extract %parallel_loop3A_113[0] : f32 from vector<1xf32>
      %parallel_loop3A_115 = vector.broadcast %parallel_loop3A_114 : f32 to vector<16xf32>
      %parallel_loop3A_116 = arith.mulf %parallel_loop3A_112, %parallel_loop3A_115 : vector<16xf32>
      %parallel_loop3A_117 = arith.index_cast %parallel_loop3A_86 : i32 to index
      %parallel_loop3A_118 = arith.constant 16 : index
      %parallel_loop3A_119 = tpu.vector_load %arg12[%parallel_loop3A_117, %parallel_loop3A_118] {strides = array<i32>} : memref<80x128xf32, #tpu.memory_space<vmem>>, vector<1x16xf32>,
      %parallel_loop3A_120 = vector.shape_cast %parallel_loop3A_119 : vector<1x16xf32> to vector<16xf32>
      %parallel_loop3A_121 = vector.shape_cast %parallel_loop3A_116 : vector<16xf32> to vector<1x16xf32>
      tpu.vector_store %arg12[%parallel_loop3A_117, %parallel_loop3A_118], %parallel_loop3A_121 {strides = array<i32>} : memref<80x128xf32, #tpu.memory_space<vmem>>, vector<1x16xf32>,
      %parallel_loop3A_122 = arith.index_cast %parallel_loop3A_86 : i32 to index
      %parallel_loop3A_123 = arith.constant 32 : index
      %parallel_loop3A_124 = tpu.vector_load %arg12[%parallel_loop3A_122, %parallel_loop3A_123] {strides = array<i32>} : memref<80x128xf32, #tpu.memory_space<vmem>>, vector<1x16xf32>,
      %parallel_loop3A_125 = vector.shape_cast %parallel_loop3A_124 : vector<1x16xf32> to vector<16xf32>
      %parallel_loop3A_126 = vector.extract_strided_slice %parallel_loop3A_95 {offsets = [2], sizes = [1], strides = [1]} : vector<16xf32> to vector<1xf32>
      %parallel_loop3A_127 = vector.extract %parallel_loop3A_126[0] : f32 from vector<1xf32>
      %parallel_loop3A_128 = vector.broadcast %parallel_loop3A_127 : f32 to vector<16xf32>
      %parallel_loop3A_129 = arith.mulf %parallel_loop3A_125, %parallel_loop3A_128 : vector<16xf32>
      %parallel_loop3A_130 = arith.index_cast %parallel_loop3A_86 : i32 to index
      %parallel_loop3A_131 = arith.constant 32 : index
      %parallel_loop3A_132 = tpu.vector_load %arg12[%parallel_loop3A_130, %parallel_loop3A_131] {strides = array<i32>} : memref<80x128xf32, #tpu.memory_space<vmem>>, vector<1x16xf32>,
      %parallel_loop3A_133 = vector.shape_cast %parallel_loop3A_132 : vector<1x16xf32> to vector<16xf32>
      %parallel_loop3A_134 = vector.shape_cast %parallel_loop3A_129 : vector<16xf32> to vector<1x16xf32>
      tpu.vector_store %arg12[%parallel_loop3A_130, %parallel_loop3A_131], %parallel_loop3A_134 {strides = array<i32>} : memref<80x128xf32, #tpu.memory_space<vmem>>, vector<1x16xf32>,
      %parallel_loop3A_135 = arith.index_cast %parallel_loop3A_86 : i32 to index
      %parallel_loop3A_136 = arith.constant 48 : index
      %parallel_loop3A_137 = tpu.vector_load %arg12[%parallel_loop3A_135, %parallel_loop3A_136] {strides = array<i32>} : memref<80x128xf32, #tpu.memory_space<vmem>>, vector<1x16xf32>,
      %parallel_loop3A_138 = vector.shape_cast %parallel_loop3A_137 : vector<1x16xf32> to vector<16xf32>
      %parallel_loop3A_139 = vector.extract_strided_slice %parallel_loop3A_95 {offsets = [3], sizes = [1], strides = [1]} : vector<16xf32> to vector<1xf32>
      %parallel_loop3A_140 = vector.extract %parallel_loop3A_139[0] : f32 from vector<1xf32>
      %parallel_loop3A_141 = vector.broadcast %parallel_loop3A_140 : f32 to vector<16xf32>
      %parallel_loop3A_142 = arith.mulf %parallel_loop3A_138, %parallel_loop3A_141 : vector<16xf32>
      %parallel_loop3A_143 = arith.index_cast %parallel_loop3A_86 : i32 to index
      %parallel_loop3A_144 = arith.constant 48 : index
      %parallel_loop3A_145 = tpu.vector_load %arg12[%parallel_loop3A_143, %parallel_loop3A_144] {strides = array<i32>} : memref<80x128xf32, #tpu.memory_space<vmem>>, vector<1x16xf32>,
      %parallel_loop3A_146 = vector.shape_cast %parallel_loop3A_145 : vector<1x16xf32> to vector<16xf32>
      %parallel_loop3A_147 = vector.shape_cast %parallel_loop3A_142 : vector<16xf32> to vector<1x16xf32>
      tpu.vector_store %arg12[%parallel_loop3A_143, %parallel_loop3A_144], %parallel_loop3A_147 {strides = array<i32>} : memref<80x128xf32, #tpu.memory_space<vmem>>, vector<1x16xf32>,
      %parallel_loop3A_148 = arith.index_cast %parallel_loop3A_86 : i32 to index
      %parallel_loop3A_149 = arith.constant 64 : index
      %parallel_loop3A_150 = tpu.vector_load %arg12[%parallel_loop3A_148, %parallel_loop3A_149] {strides = array<i32>} : memref<80x128xf32, #tpu.memory_space<vmem>>, vector<1x16xf32>,
      %parallel_loop3A_151 = vector.shape_cast %parallel_loop3A_150 : vector<1x16xf32> to vector<16xf32>
      %parallel_loop3A_152 = vector.extract_strided_slice %parallel_loop3A_95 {offsets = [4], sizes = [1], strides = [1]} : vector<16xf32> to vector<1xf32>
      %parallel_loop3A_153 = vector.extract %parallel_loop3A_152[0] : f32 from vector<1xf32>
      %parallel_loop3A_154 = vector.broadcast %parallel_loop3A_153 : f32 to vector<16xf32>
      %parallel_loop3A_155 = arith.mulf %parallel_loop3A_151, %parallel_loop3A_154 : vector<16xf32>
      %parallel_loop3A_156 = arith.index_cast %parallel_loop3A_86 : i32 to index
      %parallel_loop3A_157 = arith.constant 64 : index
      %parallel_loop3A_158 = tpu.vector_load %arg12[%parallel_loop3A_156, %parallel_loop3A_157] {strides = array<i32>} : memref<80x128xf32, #tpu.memory_space<vmem>>, vector<1x16xf32>,
      %parallel_loop3A_159 = vector.shape_cast %parallel_loop3A_158 : vector<1x16xf32> to vector<16xf32>
      %parallel_loop3A_160 = vector.shape_cast %parallel_loop3A_155 : vector<16xf32> to vector<1x16xf32>
      tpu.vector_store %arg12[%parallel_loop3A_156, %parallel_loop3A_157], %parallel_loop3A_160 {strides = array<i32>} : memref<80x128xf32, #tpu.memory_space<vmem>>, vector<1x16xf32>,
      %parallel_loop3A_161 = arith.index_cast %parallel_loop3A_86 : i32 to index
      %parallel_loop3A_162 = arith.constant 80 : index
      %parallel_loop3A_163 = tpu.vector_load %arg12[%parallel_loop3A_161, %parallel_loop3A_162] {strides = array<i32>} : memref<80x128xf32, #tpu.memory_space<vmem>>, vector<1x16xf32>,
      %parallel_loop3A_164 = vector.shape_cast %parallel_loop3A_163 : vector<1x16xf32> to vector<16xf32>
      %parallel_loop3A_165 = vector.extract_strided_slice %parallel_loop3A_95 {offsets = [5], sizes = [1], strides = [1]} : vector<16xf32> to vector<1xf32>
      %parallel_loop3A_166 = vector.extract %parallel_loop3A_165[0] : f32 from vector<1xf32>
      %parallel_loop3A_167 = vector.broadcast %parallel_loop3A_166 : f32 to vector<16xf32>
      %parallel_loop3A_168 = arith.mulf %parallel_loop3A_164, %parallel_loop3A_167 : vector<16xf32>
      %parallel_loop3A_169 = arith.index_cast %parallel_loop3A_86 : i32 to index
      %parallel_loop3A_170 = arith.constant 80 : index
      %parallel_loop3A_171 = tpu.vector_load %arg12[%parallel_loop3A_169, %parallel_loop3A_170] {strides = array<i32>} : memref<80x128xf32, #tpu.memory_space<vmem>>, vector<1x16xf32>,
      %parallel_loop3A_172 = vector.shape_cast %parallel_loop3A_171 : vector<1x16xf32> to vector<16xf32>
      %parallel_loop3A_173 = vector.shape_cast %parallel_loop3A_168 : vector<16xf32> to vector<1x16xf32>
      tpu.vector_store %arg12[%parallel_loop3A_169, %parallel_loop3A_170], %parallel_loop3A_173 {strides = array<i32>} : memref<80x128xf32, #tpu.memory_space<vmem>>, vector<1x16xf32>,
      %parallel_loop3A_174 = arith.index_cast %parallel_loop3A_86 : i32 to index
      %parallel_loop3A_175 = arith.constant 96 : index
      %parallel_loop3A_176 = tpu.vector_load %arg12[%parallel_loop3A_174, %parallel_loop3A_175] {strides = array<i32>} : memref<80x128xf32, #tpu.memory_space<vmem>>, vector<1x16xf32>,
      %parallel_loop3A_177 = vector.shape_cast %parallel_loop3A_176 : vector<1x16xf32> to vector<16xf32>
      %parallel_loop3A_178 = vector.extract_strided_slice %parallel_loop3A_95 {offsets = [6], sizes = [1], strides = [1]} : vector<16xf32> to vector<1xf32>
      %parallel_loop3A_179 = vector.extract %parallel_loop3A_178[0] : f32 from vector<1xf32>
      %parallel_loop3A_180 = vector.broadcast %parallel_loop3A_179 : f32 to vector<16xf32>
      %parallel_loop3A_181 = arith.mulf %parallel_loop3A_177, %parallel_loop3A_180 : vector<16xf32>
      %parallel_loop3A_182 = arith.index_cast %parallel_loop3A_86 : i32 to index
      %parallel_loop3A_183 = arith.constant 96 : index
      %parallel_loop3A_184 = tpu.vector_load %arg12[%parallel_loop3A_182, %parallel_loop3A_183] {strides = array<i32>} : memref<80x128xf32, #tpu.memory_space<vmem>>, vector<1x16xf32>,
      %parallel_loop3A_185 = vector.shape_cast %parallel_loop3A_184 : vector<1x16xf32> to vector<16xf32>
      %parallel_loop3A_186 = vector.shape_cast %parallel_loop3A_181 : vector<16xf32> to vector<1x16xf32>
      tpu.vector_store %arg12[%parallel_loop3A_182, %parallel_loop3A_183], %parallel_loop3A_186 {strides = array<i32>} : memref<80x128xf32, #tpu.memory_space<vmem>>, vector<1x16xf32>,
      %parallel_loop3A_187 = arith.index_cast %parallel_loop3A_86 : i32 to index
      %parallel_loop3A_188 = arith.constant 112 : index
      %parallel_loop3A_189 = tpu.vector_load %arg12[%parallel_loop3A_187, %parallel_loop3A_188] {strides = array<i32>} : memref<80x128xf32, #tpu.memory_space<vmem>>, vector<1x16xf32>,
      %parallel_loop3A_190 = vector.shape_cast %parallel_loop3A_189 : vector<1x16xf32> to vector<16xf32>
      %parallel_loop3A_191 = vector.extract_strided_slice %parallel_loop3A_95 {offsets = [7], sizes = [1], strides = [1]} : vector<16xf32> to vector<1xf32>
      %parallel_loop3A_192 = vector.extract %parallel_loop3A_191[0] : f32 from vector<1xf32>
      %parallel_loop3A_193 = vector.broadcast %parallel_loop3A_192 : f32 to vector<16xf32>
      %parallel_loop3A_194 = arith.mulf %parallel_loop3A_190, %parallel_loop3A_193 : vector<16xf32>
      %parallel_loop3A_195 = arith.index_cast %parallel_loop3A_86 : i32 to index
      %parallel_loop3A_196 = arith.constant 112 : index
      %parallel_loop3A_197 = tpu.vector_load %arg12[%parallel_loop3A_195, %parallel_loop3A_196] {strides = array<i32>} : memref<80x128xf32, #tpu.memory_space<vmem>>, vector<1x16xf32>,
      %parallel_loop3A_198 = vector.shape_cast %parallel_loop3A_197 : vector<1x16xf32> to vector<16xf32>
      %parallel_loop3A_199 = vector.shape_cast %parallel_loop3A_194 : vector<16xf32> to vector<1x16xf32>
      tpu.vector_store %arg12[%parallel_loop3A_195, %parallel_loop3A_196], %parallel_loop3A_199 {strides = array<i32>} : memref<80x128xf32, #tpu.memory_space<vmem>>, vector<1x16xf32>,
    } {sc.loop_unroll_factor = 8 : i64, sc.parallel_access}
    %dma_start3A_61 = arith.constant 124 : i32
    %dma_start3A_62 = arith.constant 0 : i32
    %dma_start3A_63 = tpu.memref_slice %arg11[%dma_start3A_61, %dma_start3A_62] : memref<125x80xi32, #tpu.memory_space<vmem>> -> memref<1x80xi32, #tpu.memory_space<vmem>>
    %dma_start3A_64 = tpu.memref_squeeze %dma_start3A_63 : memref<1x80xi32, #tpu.memory_space<vmem>> -> memref<80xi32, #tpu.memory_space<vmem>>
    %dma_start3A_65 = arith.constant 0 : i32
    %dma_start3A_66 = arith.constant 0 : i32
    %dma_start3A_67 = tpu.memref_slice %arg18[%dma_start3A_65, %dma_start3A_66] : memref<10000x128xf32, #tpu.memory_space<vmem_shared>> -> memref<10000x128xf32, #tpu.memory_space<vmem_shared>>
    tpu.enqueue_indirect_dma source(%arg12 : memref<80x128xf32, #tpu.memory_space<vmem>>) target(%dma_start3A_67 : memref<10000x128xf32, #tpu.memory_space<vmem_shared>>) offsets(%dma_start3A_64 : memref<80xi32, #tpu.memory_space<vmem>>) semaphore(%arg22 : memref<!tpu.dma_semaphore, #tpu.memory_space<semaphore_mem>>) {add = true}
    %dma_wait3A_68 = arith.constant 0 : i32
    %dma_wait3A_69 = arith.constant 0 : i32
    %dma_wait3A_70 = tpu.memref_slice %arg11[%dma_wait3A_68, %dma_wait3A_69] : memref<125x80xi32, #tpu.memory_space<vmem>> -> memref<1x80xi32, #tpu.memory_space<vmem>>
    %dma_wait3A_71 = tpu.memref_squeeze %dma_wait3A_70 : memref<1x80xi32, #tpu.memory_space<vmem>> -> memref<80xi32, #tpu.memory_space<vmem>>
    %dma_wait3A_72 = arith.constant 0 : i32
    %dma_wait3A_73 = arith.constant 0 : i32
    %dma_wait3A_74 = tpu.memref_slice %arg18[%dma_wait3A_72, %dma_wait3A_73] : memref<10000x128xf32, #tpu.memory_space<vmem_shared>> -> memref<10000x128xf32, #tpu.memory_space<vmem_shared>>
    tpu.wait_indirect_dma semaphore(%arg22 : memref<!tpu.dma_semaphore, #tpu.memory_space<semaphore_mem>>) src(%arg12 : memref<80x128xf32, #tpu.memory_space<vmem>>) dst(%dma_wait3A_74 : memref<10000x128xf32, #tpu.memory_space<vmem_shared>>)
    %barrier3A_75 = arith.constant 0 : index
    tpu.barrier barrier_id(%barrier3A_75)
    %eq3A_76 = arith.constant 0 : i32
    %eq3A_77 = arith.cmpi eq, %arg0, %eq3A_76 : i32
    %convert_element_type3A_78 = arith.extui %eq3A_77 : i1 to i32
    %cond3A_79 = arith.constant 0 : i32
    %cond3A_80 = arith.cmpi ne, %convert_element_type3A_78, %cond3A_79 : i32
    scf.if %cond3A_80 {
      %mul3A_86 = arith.constant 624 : i32
      %mul3A_87 = arith.muli %arg1, %mul3A_86 : i32
      %mul3A_88 = arith.constant 624 : i32
      %mul3A_89 = arith.muli %arg1, %mul3A_88 : i32
      "tpu.region"() ({
        %run_scoped3A = tpu.sem_alloc : memref<!tpu.dma_semaphore, #tpu.memory_space<semaphore_mem>>
        %dma_start3A_95 = arith.constant 0 : i32
        %dma_start3A_96 = tpu.memref_slice %arg8[%mul3A_89, %dma_start3A_95] : memref<10000x128xf32, #tpu.memory_space<hbm>> -> memref<624x128xf32, #tpu.memory_space<hbm>>
        %dma_start3A_97 = arith.constant 0 : i32
        %dma_start3A_98 = tpu.memref_slice %arg18[%mul3A_87, %dma_start3A_97] : memref<10000x128xf32, #tpu.memory_space<vmem_shared>> -> memref<624x128xf32, #tpu.memory_space<vmem_shared>>
        tpu.enqueue_dma source(%dma_start3A_98 : memref<624x128xf32, #tpu.memory_space<vmem_shared>>) target(%dma_start3A_96 : memref<624x128xf32, #tpu.memory_space<hbm>>) target_semaphore(%run_scoped3A : memref<!tpu.dma_semaphore, #tpu.memory_space<semaphore_mem>>)
        %dma_wait3A_99 = arith.constant 0 : i32
        %dma_wait3A_100 = tpu.memref_slice %arg8[%mul3A_89, %dma_wait3A_99] : memref<10000x128xf32, #tpu.memory_space<hbm>> -> memref<624x128xf32, #tpu.memory_space<hbm>>
        %dma_wait3A_101 = arith.constant 0 : i32
        %dma_wait3A_102 = tpu.memref_slice %arg18[%mul3A_87, %dma_wait3A_101] : memref<10000x128xf32, #tpu.memory_space<vmem_shared>> -> memref<624x128xf32, #tpu.memory_space<vmem_shared>>
        tpu.wait_dma2 semaphore(%run_scoped3A : memref<!tpu.dma_semaphore, #tpu.memory_space<semaphore_mem>>) src(%dma_wait3A_102 : memref<624x128xf32, #tpu.memory_space<vmem_shared>>) dst(%dma_wait3A_100 : memref<624x128xf32, #tpu.memory_space<hbm>>)
        tpu.yield
      }) : () -> ()
      %eq3A_90 = arith.constant 15 : i32
      %eq3A_91 = arith.cmpi eq, %arg1, %eq3A_90 : i32
      %convert_element_type3A_92 = arith.extui %eq3A_91 : i1 to i32
      %cond3A_93 = arith.constant 0 : i32
      %cond3A_94 = arith.cmpi ne, %convert_element_type3A_92, %cond3A_93 : i32
      scf.if %cond3A_94 {
        "tpu.region"() ({
          %run_scoped3A = tpu.sem_alloc : memref<!tpu.dma_semaphore, #tpu.memory_space<semaphore_mem>>
          %dma_start3A_95 = arith.constant 9984 : i32
          %dma_start3A_96 = arith.constant 0 : i32
          %dma_start3A_97 = tpu.memref_slice %arg8[%dma_start3A_95, %dma_start3A_96] : memref<10000x128xf32, #tpu.memory_space<hbm>> -> memref<16x128xf32, #tpu.memory_space<hbm>>
          %dma_start3A_98 = arith.constant 9984 : i32
          %dma_start3A_99 = arith.constant 0 : i32
          %dma_start3A_100 = tpu.memref_slice %arg18[%dma_start3A_98, %dma_start3A_99] : memref<10000x128xf32, #tpu.memory_space<vmem_shared>> -> memref<16x128xf32, #tpu.memory_space<vmem_shared>>
          tpu.enqueue_dma source(%dma_start3A_100 : memref<16x128xf32, #tpu.memory_space<vmem_shared>>) target(%dma_start3A_97 : memref<16x128xf32, #tpu.memory_space<hbm>>) target_semaphore(%run_scoped3A : memref<!tpu.dma_semaphore, #tpu.memory_space<semaphore_mem>>)
          %dma_wait3A_101 = arith.constant 9984 : i32
          %dma_wait3A_102 = arith.constant 0 : i32
          %dma_wait3A_103 = tpu.memref_slice %arg8[%dma_wait3A_101, %dma_wait3A_102] : memref<10000x128xf32, #tpu.memory_space<hbm>> -> memref<16x128xf32, #tpu.memory_space<hbm>>
          %dma_wait3A_104 = arith.constant 9984 : i32
          %dma_wait3A_105 = arith.constant 0 : i32
          %dma_wait3A_106 = tpu.memref_slice %arg18[%dma_wait3A_104, %dma_wait3A_105] : memref<10000x128xf32, #tpu.memory_space<vmem_shared>> -> memref<16x128xf32, #tpu.memory_space<vmem_shared>>
          tpu.wait_dma2 semaphore(%run_scoped3A : memref<!tpu.dma_semaphore, #tpu.memory_space<semaphore_mem>>) src(%dma_wait3A_106 : memref<16x128xf32, #tpu.memory_space<vmem_shared>>) dst(%dma_wait3A_103 : memref<16x128xf32, #tpu.memory_space<hbm>>)
          tpu.yield
        }) : () -> ()
      } else {
      }
    } else {
    }
    %eq3A_81 = arith.constant 1 : i32
    %eq3A_82 = arith.cmpi eq, %arg0, %eq3A_81 : i32
    %convert_element_type3A_83 = arith.extui %eq3A_82 : i1 to i32
    %cond3A_84 = arith.constant 0 : i32
    %cond3A_85 = arith.cmpi ne, %convert_element_type3A_83, %cond3A_84 : i32
    scf.if %cond3A_85 {
      %mul3A_86 = arith.constant 624 : i32
      %mul3A_87 = arith.muli %arg1, %mul3A_86 : i32
      %mul3A_88 = arith.constant 624 : i32
      %mul3A_89 = arith.muli %arg1, %mul3A_88 : i32
      "tpu.region"() ({
        %run_scoped3A = tpu.sem_alloc : memref<!tpu.dma_semaphore, #tpu.memory_space<semaphore_mem>>
        %dma_start3A_95 = arith.constant 0 : i32
        %dma_start3A_96 = tpu.memref_slice %arg9[%mul3A_89, %dma_start3A_95] : memref<10000x128xf32, #tpu.memory_space<hbm>> -> memref<624x128xf32, #tpu.memory_space<hbm>>
        %dma_start3A_97 = arith.constant 0 : i32
        %dma_start3A_98 = tpu.memref_slice %arg18[%mul3A_87, %dma_start3A_97] : memref<10000x128xf32, #tpu.memory_space<vmem_shared>> -> memref<624x128xf32, #tpu.memory_space<vmem_shared>>
        tpu.enqueue_dma source(%dma_start3A_98 : memref<624x128xf32, #tpu.memory_space<vmem_shared>>) target(%dma_start3A_96 : memref<624x128xf32, #tpu.memory_space<hbm>>) target_semaphore(%run_scoped3A : memref<!tpu.dma_semaphore, #tpu.memory_space<semaphore_mem>>)
        %dma_wait3A_99 = arith.constant 0 : i32
        %dma_wait3A_100 = tpu.memref_slice %arg9[%mul3A_89, %dma_wait3A_99] : memref<10000x128xf32, #tpu.memory_space<hbm>> -> memref<624x128xf32, #tpu.memory_space<hbm>>
        %dma_wait3A_101 = arith.constant 0 : i32
        %dma_wait3A_102 = tpu.memref_slice %arg18[%mul3A_87, %dma_wait3A_101] : memref<10000x128xf32, #tpu.memory_space<vmem_shared>> -> memref<624x128xf32, #tpu.memory_space<vmem_shared>>
        tpu.wait_dma2 semaphore(%run_scoped3A : memref<!tpu.dma_semaphore, #tpu.memory_space<semaphore_mem>>) src(%dma_wait3A_102 : memref<624x128xf32, #tpu.memory_space<vmem_shared>>) dst(%dma_wait3A_100 : memref<624x128xf32, #tpu.memory_space<hbm>>)
        tpu.yield
      }) : () -> ()
      %eq3A_90 = arith.constant 15 : i32
      %eq3A_91 = arith.cmpi eq, %arg1, %eq3A_90 : i32
      %convert_element_type3A_92 = arith.extui %eq3A_91 : i1 to i32
      %cond3A_93 = arith.constant 0 : i32
      %cond3A_94 = arith.cmpi ne, %convert_element_type3A_92, %cond3A_93 : i32
      scf.if %cond3A_94 {
        "tpu.region"() ({
          %run_scoped3A = tpu.sem_alloc : memref<!tpu.dma_semaphore, #tpu.memory_space<semaphore_mem>>
          %dma_start3A_95 = arith.constant 9984 : i32
          %dma_start3A_96 = arith.constant 0 : i32
          %dma_start3A_97 = tpu.memref_slice %arg9[%dma_start3A_95, %dma_start3A_96] : memref<10000x128xf32, #tpu.memory_space<hbm>> -> memref<16x128xf32, #tpu.memory_space<hbm>>
          %dma_start3A_98 = arith.constant 9984 : i32
          %dma_start3A_99 = arith.constant 0 : i32
          %dma_start3A_100 = tpu.memref_slice %arg18[%dma_start3A_98, %dma_start3A_99] : memref<10000x128xf32, #tpu.memory_space<vmem_shared>> -> memref<16x128xf32, #tpu.memory_space<vmem_shared>>
          tpu.enqueue_dma source(%dma_start3A_100 : memref<16x128xf32, #tpu.memory_space<vmem_shared>>) target(%dma_start3A_97 : memref<16x128xf32, #tpu.memory_space<hbm>>) target_semaphore(%run_scoped3A : memref<!tpu.dma_semaphore, #tpu.memory_space<semaphore_mem>>)
          %dma_wait3A_101 = arith.constant 9984 : i32
          %dma_wait3A_102 = arith.constant 0 : i32
          %dma_wait3A_103 = tpu.memref_slice %arg9[%dma_wait3A_101, %dma_wait3A_102] : memref<10000x128xf32, #tpu.memory_space<hbm>> -> memref<16x128xf32, #tpu.memory_space<hbm>>
          %dma_wait3A_104 = arith.constant 9984 : i32
          %dma_wait3A_105 = arith.constant 0 : i32
          %dma_wait3A_106 = tpu.memref_slice %arg18[%dma_wait3A_104, %dma_wait3A_105] : memref<10000x128xf32, #tpu.memory_space<vmem_shared>> -> memref<16x128xf32, #tpu.memory_space<vmem_shared>>
          tpu.wait_dma2 semaphore(%run_scoped3A : memref<!tpu.dma_semaphore, #tpu.memory_space<semaphore_mem>>) src(%dma_wait3A_106 : memref<16x128xf32, #tpu.memory_space<vmem_shared>>) dst(%dma_wait3A_103 : memref<16x128xf32, #tpu.memory_space<hbm>>)
          tpu.yield
        }) : () -> ()
      } else {
      }
    } else {
    }
    return
  }
}

module attributes {stable_mosaic.version = 14 : i64} {
  func.func @_x0_body(%arg0: i32, %arg1: memref<2000x128xf32, #tpu.memory_space<vmem>>, %arg2: memref<128x128xf32, #tpu.memory_space<vmem>>, %arg3: memref<2000x128xf32, #tpu.memory_space<vmem>>) attributes {dimension_semantics = [#tpu.dimension_semantics<arbitrary>], iteration_bounds = array<i64: 5>, scalar_prefetch = 0 : i64, scratch_operands = 0 : i64, tpu.core_type = #tpu.core_type<tc>, window_params = [{transform_indices = @transform_0, window_bounds = array<i64: 2000, 128>}, {pipeline_mode = #tpu.pipeline_mode<synchronous>, transform_indices = @transform_1, window_bounds = array<i64: 128, 128>}, {transform_indices = @transform_2, window_bounds = array<i64: 2000, 128>}]} {
    %get3A = arith.constant 0 : index
    %get3A_0 = arith.constant 0 : index
    %get3A_1 = vector.load %arg1[%get3A, %get3A_0] : memref<2000x128xf32, #tpu.memory_space<vmem>>, vector<2000x128xf32>
    %get3A_2 = arith.constant 0 : index
    %get3A_3 = arith.constant 0 : index
    %get3A_4 = vector.load %arg2[%get3A_2, %get3A_3] : memref<128x128xf32, #tpu.memory_space<vmem>>, vector<128x128xf32>
    %dot_general3A = arith.constant dense<0.000000e+00> : vector<2000x128xf32>
    %dot_general3A_5 = tpu.matmul %get3A_1, %get3A_4, %dot_general3A {dimension_numbers = #tpu.dot_dimension_numbers<[1], [0], [0], [1], [0, 0, 1, 1], [], []>, transpose_lhs_hint = false} : vector<2000x128xf32>, vector<128x128xf32>, vector<2000x128xf32> -> vector<2000x128xf32>
    %swap3A = arith.constant 0 : index
    %swap3A_6 = arith.constant 0 : index
    %swap3A_7 = vector.load %arg3[%swap3A, %swap3A_6] : memref<2000x128xf32, #tpu.memory_space<vmem>>, vector<2000x128xf32>
    tpu.vector_store %arg3[%swap3A, %swap3A_6], %dot_general3A_5 {strides = array<i32>} : memref<2000x128xf32, #tpu.memory_space<vmem>>, vector<2000x128xf32>,
    return
  }
  func.func @transform_0(%arg0: i32) -> (i32, i32) {
    %c0_i32 = arith.constant 0 : i32
    %c0_i32_0 = arith.constant 0 : i32
    return %arg0, %c0_i32 : i32, i32
  }
  func.func @transform_1(%arg0: i32) -> (i32, i32) {
    %c0_i32 = arith.constant 0 : i32
    %c0_i32_0 = arith.constant 0 : i32
    %c0_i32_1 = arith.constant 0 : i32
    return %c0_i32, %c0_i32_0 : i32, i32
  }
  func.func @transform_2(%arg0: i32) -> (i32, i32) {
    %c0_i32 = arith.constant 0 : i32
    %c0_i32_0 = arith.constant 0 : i32
    return %arg0, %c0_i32 : i32, i32
  }
}

module attributes {stable_mosaic.version = 14 : i64} {
  func.func @_al_body(%arg0: i32, %arg1: memref<2000x128xf32, #tpu.memory_space<vmem>>, %arg2: memref<2000x128xf32, #tpu.memory_space<vmem>>, %arg3: memref<2000x128xf32, #tpu.memory_space<vmem>>, %arg4: memref<2000x1xf32, #tpu.memory_space<vmem>>, %arg5: memref<128x128xf32, #tpu.memory_space<vmem>>, %arg6: memref<128x32xf32, #tpu.memory_space<vmem>>, %arg7: memref<2000x128xf32, #tpu.memory_space<vmem>>, %arg8: memref<2000x128xf32, #tpu.memory_space<vmem>>, %arg9: memref<2000x16xf32, #tpu.memory_space<vmem>>, %arg10: memref<2000x16xf32, #tpu.memory_space<vmem>>, %arg11: memref<1x16xf32, #tpu.memory_space<vmem>>) attributes {dimension_semantics = [#tpu.dimension_semantics<arbitrary>], iteration_bounds = array<i64: 5>, scalar_prefetch = 0 : i64, scratch_operands = 0 : i64, tpu.core_type = #tpu.core_type<tc>, window_params = [{transform_indices = @transform_0, window_bounds = array<i64: 2000, 128>}, {transform_indices = @transform_1, window_bounds = array<i64: 2000, 128>}, {transform_indices = @transform_2, window_bounds = array<i64: 2000, 128>}, {transform_indices = @transform_3, window_bounds = array<i64: 2000, 1>}, {pipeline_mode = #tpu.pipeline_mode<synchronous>, transform_indices = @transform_4, window_bounds = array<i64: 128, 128>}, {pipeline_mode = #tpu.pipeline_mode<synchronous>, transform_indices = @transform_5, window_bounds = array<i64: 128, 32>}, {transform_indices = @transform_6, window_bounds = array<i64: 2000, 128>}, {transform_indices = @transform_7, window_bounds = array<i64: 2000, 128>}, {transform_indices = @transform_8, window_bounds = array<i64: 2000, 16>}, {transform_indices = @transform_9, window_bounds = array<i64: 2000, 16>}, {pipeline_mode = #tpu.pipeline_mode<synchronous>, transform_indices = @transform_10, window_bounds = array<i64: 1, 16>}]} {
    %get3A = arith.constant 0 : index
    %get3A_0 = arith.constant 0 : index
    %get3A_1 = vector.load %arg2[%get3A, %get3A_0] : memref<2000x128xf32, #tpu.memory_space<vmem>>, vector<2000x128xf32>
    %get3A_2 = arith.constant 0 : index
    %get3A_3 = arith.constant 0 : index
    %get3A_4 = vector.load %arg3[%get3A_2, %get3A_3] : memref<2000x128xf32, #tpu.memory_space<vmem>>, vector<2000x128xf32>
    %add3A = arith.addf %get3A_1, %get3A_4 : vector<2000x128xf32>
    %get3A_5 = arith.constant 0 : index
    %get3A_6 = arith.constant 0 : index
    %get3A_7 = vector.load %arg4[%get3A_5, %get3A_6] : memref<2000x1xf32, #tpu.memory_space<vmem>>, vector<2000x1xf32>
    %mul3A = vector.broadcast %get3A_7 : vector<2000x1xf32> to vector<2000x128xf32>
    %mul3A_8 = arith.mulf %add3A, %mul3A : vector<2000x128xf32>
    %gt3A = arith.constant 0.000000e+00 : f32
    %gt3A_9 = vector.broadcast %gt3A : f32 to vector<2000x128xf32>
    %gt3A_10 = arith.cmpf ogt, %mul3A_8, %gt3A_9 : vector<2000x128xf32>
    %exp3A = math.exp %mul3A_8 : vector<2000x128xf32>
    %sub3A = arith.constant 1.000000e+00 : f32
    %sub3A_11 = vector.broadcast %sub3A : f32 to vector<2000x128xf32>
    %sub3A_12 = arith.subf %exp3A, %sub3A_11 : vector<2000x128xf32>
    %select_n3A = arith.select %gt3A_10, %mul3A_8, %sub3A_12 : vector<2000x128xi1>, vector<2000x128xf32>
    %get3A_13 = arith.constant 0 : index
    %get3A_14 = arith.constant 0 : index
    %get3A_15 = vector.load %arg1[%get3A_13, %get3A_14] : memref<2000x128xf32, #tpu.memory_space<vmem>>, vector<2000x128xf32>
    %add3A_16 = arith.addf %get3A_15, %select_n3A : vector<2000x128xf32>
    %swap3A = arith.constant 0 : index
    %swap3A_17 = arith.constant 0 : index
    %swap3A_18 = vector.load %arg7[%swap3A, %swap3A_17] : memref<2000x128xf32, #tpu.memory_space<vmem>>, vector<2000x128xf32>
    tpu.vector_store %arg7[%swap3A, %swap3A_17], %add3A_16 {strides = array<i32>} : memref<2000x128xf32, #tpu.memory_space<vmem>>, vector<2000x128xf32>,
    %get3A_19 = arith.constant 0 : index
    %get3A_20 = arith.constant 0 : index
    %get3A_21 = vector.load %arg5[%get3A_19, %get3A_20] : memref<128x128xf32, #tpu.memory_space<vmem>>, vector<128x128xf32>
    %dot_general3A = arith.constant dense<0.000000e+00> : vector<2000x128xf32>
    %dot_general3A_22 = tpu.matmul %add3A_16, %get3A_21, %dot_general3A {dimension_numbers = #tpu.dot_dimension_numbers<[1], [0], [0], [1], [0, 0, 1, 1], [], []>, transpose_lhs_hint = false} : vector<2000x128xf32>, vector<128x128xf32>, vector<2000x128xf32> -> vector<2000x128xf32>
    %swap3A_23 = arith.constant 0 : index
    %swap3A_24 = arith.constant 0 : index
    %swap3A_25 = vector.load %arg8[%swap3A_23, %swap3A_24] : memref<2000x128xf32, #tpu.memory_space<vmem>>, vector<2000x128xf32>
    tpu.vector_store %arg8[%swap3A_23, %swap3A_24], %dot_general3A_22 {strides = array<i32>} : memref<2000x128xf32, #tpu.memory_space<vmem>>, vector<2000x128xf32>,
    %get3A_26 = arith.constant 0 : index
    %get3A_27 = arith.constant 0 : index
    %get3A_28 = vector.load %arg6[%get3A_26, %get3A_27] : memref<128x32xf32, #tpu.memory_space<vmem>>, vector<128x32xf32>
    %dot_general3A_29 = arith.constant dense<0.000000e+00> : vector<2000x32xf32>
    %dot_general3A_30 = tpu.matmul %dot_general3A_22, %get3A_28, %dot_general3A_29 {dimension_numbers = #tpu.dot_dimension_numbers<[1], [0], [0], [1], [0, 0, 1, 1], [], []>, transpose_lhs_hint = false} : vector<2000x128xf32>, vector<128x32xf32>, vector<2000x32xf32> -> vector<2000x32xf32>
    %slice3A = vector.extract_strided_slice %dot_general3A_30 {offsets = [0, 0], sizes = [2000, 16], strides = [1, 1]} : vector<2000x32xf32> to vector<2000x16xf32>
    %swap3A_31 = arith.constant 0 : index
    %swap3A_32 = arith.constant 0 : index
    %swap3A_33 = vector.load %arg9[%swap3A_31, %swap3A_32] : memref<2000x16xf32, #tpu.memory_space<vmem>>, vector<2000x16xf32>
    tpu.vector_store %arg9[%swap3A_31, %swap3A_32], %slice3A {strides = array<i32>} : memref<2000x16xf32, #tpu.memory_space<vmem>>, vector<2000x16xf32>,
    %slice3A_34 = vector.extract_strided_slice %dot_general3A_30 {offsets = [0, 16], sizes = [2000, 16], strides = [1, 1]} : vector<2000x32xf32> to vector<2000x16xf32>
    %swap3A_35 = arith.constant 0 : index
    %swap3A_36 = arith.constant 0 : index
    %swap3A_37 = vector.load %arg10[%swap3A_35, %swap3A_36] : memref<2000x16xf32, #tpu.memory_space<vmem>>, vector<2000x16xf32>
    tpu.vector_store %arg10[%swap3A_35, %swap3A_36], %slice3A_34 {strides = array<i32>} : memref<2000x16xf32, #tpu.memory_space<vmem>>, vector<2000x16xf32>,
    %slice3A_38 = vector.extract_strided_slice %dot_general3A_30 {offsets = [0, 0], sizes = [2000, 16], strides = [1, 1]} : vector<2000x32xf32> to vector<2000x16xf32>
    %reduce_max3A = arith.constant dense<0xFF800000> : vector<16xf32>
    %reduce_max3A_39 = vector.multi_reduction <maximumf>, %slice3A_38, %reduce_max3A [0] : vector<2000x16xf32> to vector<16xf32>
    %broadcast_in_dim3A = vector.shape_cast %reduce_max3A_39 : vector<16xf32> to vector<1x16xf32>
    %eq3A = arith.constant 0 : i32
    %eq3A_40 = arith.cmpi eq, %arg0, %eq3A : i32
    %convert_element_type3A = arith.extui %eq3A_40 : i1 to i32
    %cond3A = arith.constant 0 : i32
    %cond3A_41 = arith.cmpi ne, %convert_element_type3A, %cond3A : i32
    scf.if %cond3A_41 {
      %swap3A_47 = arith.constant 0 : index
      %swap3A_48 = arith.constant 0 : index
      %swap3A_49 = vector.load %arg11[%swap3A_47, %swap3A_48] : memref<1x16xf32, #tpu.memory_space<vmem>>, vector<1x16xf32>
      tpu.vector_store %arg11[%swap3A_47, %swap3A_48], %broadcast_in_dim3A {strides = array<i32>} : memref<1x16xf32, #tpu.memory_space<vmem>>, vector<1x16xf32>,
    } else {
    }
    %gt3A_42 = arith.constant 0 : i32
    %gt3A_43 = arith.cmpi sgt, %arg0, %gt3A_42 : i32
    %convert_element_type3A_44 = arith.extui %gt3A_43 : i1 to i32
    %cond3A_45 = arith.constant 0 : i32
    %cond3A_46 = arith.cmpi ne, %convert_element_type3A_44, %cond3A_45 : i32
    scf.if %cond3A_46 {
      %get3A_47 = arith.constant 0 : index
      %get3A_48 = arith.constant 0 : index
      %get3A_49 = vector.load %arg11[%get3A_47, %get3A_48] : memref<1x16xf32, #tpu.memory_space<vmem>>, vector<1x16xf32>
      %max3A = arith.maximumf %get3A_49, %broadcast_in_dim3A : vector<1x16xf32>
      %swap3A_50 = arith.constant 0 : index
      %swap3A_51 = arith.constant 0 : index
      %swap3A_52 = vector.load %arg11[%swap3A_50, %swap3A_51] : memref<1x16xf32, #tpu.memory_space<vmem>>, vector<1x16xf32>
      tpu.vector_store %arg11[%swap3A_50, %swap3A_51], %max3A {strides = array<i32>} : memref<1x16xf32, #tpu.memory_space<vmem>>, vector<1x16xf32>,
    } else {
    }
    return
  }
  func.func @transform_0(%arg0: i32) -> (i32, i32) {
    %c0_i32 = arith.constant 0 : i32
    %c0_i32_0 = arith.constant 0 : i32
    return %arg0, %c0_i32 : i32, i32
  }
  func.func @transform_1(%arg0: i32) -> (i32, i32) {
    %c0_i32 = arith.constant 0 : i32
    %c0_i32_0 = arith.constant 0 : i32
    return %arg0, %c0_i32 : i32, i32
  }
  func.func @transform_2(%arg0: i32) -> (i32, i32) {
    %c0_i32 = arith.constant 0 : i32
    %c0_i32_0 = arith.constant 0 : i32
    return %arg0, %c0_i32 : i32, i32
  }
  func.func @transform_3(%arg0: i32) -> (i32, i32) {
    %c0_i32 = arith.constant 0 : i32
    %c0_i32_0 = arith.constant 0 : i32
    return %arg0, %c0_i32 : i32, i32
  }
  func.func @transform_4(%arg0: i32) -> (i32, i32) {
    %c0_i32 = arith.constant 0 : i32
    %c0_i32_0 = arith.constant 0 : i32
    %c0_i32_1 = arith.constant 0 : i32
    return %c0_i32, %c0_i32_0 : i32, i32
  }
  func.func @transform_5(%arg0: i32) -> (i32, i32) {
    %c0_i32 = arith.constant 0 : i32
    %c0_i32_0 = arith.constant 0 : i32
    %c0_i32_1 = arith.constant 0 : i32
    return %c0_i32, %c0_i32_0 : i32, i32
  }
  func.func @transform_6(%arg0: i32) -> (i32, i32) {
    %c0_i32 = arith.constant 0 : i32
    %c0_i32_0 = arith.constant 0 : i32
    return %arg0, %c0_i32 : i32, i32
  }
  func.func @transform_7(%arg0: i32) -> (i32, i32) {
    %c0_i32 = arith.constant 0 : i32
    %c0_i32_0 = arith.constant 0 : i32
    return %arg0, %c0_i32 : i32, i32
  }
  func.func @transform_8(%arg0: i32) -> (i32, i32) {
    %c0_i32 = arith.constant 0 : i32
    %c0_i32_0 = arith.constant 0 : i32
    return %arg0, %c0_i32 : i32, i32
  }
  func.func @transform_9(%arg0: i32) -> (i32, i32) {
    %c0_i32 = arith.constant 0 : i32
    %c0_i32_0 = arith.constant 0 : i32
    return %arg0, %c0_i32 : i32, i32
  }
  func.func @transform_10(%arg0: i32) -> (i32, i32) {
    %c0_i32 = arith.constant 0 : i32
    %c0_i32_0 = arith.constant 0 : i32
    %c0_i32_1 = arith.constant 0 : i32
    return %c0_i32, %c0_i32_0 : i32, i32
  }
}

module attributes {stable_mosaic.version = 14 : i64} {
  func.func @_r_body(%arg0: i32, %arg1: memref<2000x16xf32, #tpu.memory_space<vmem>>, %arg2: memref<2000x16xf32, #tpu.memory_space<vmem>>, %arg3: memref<2000x16xf32, #tpu.memory_space<vmem>>) attributes {dimension_semantics = [#tpu.dimension_semantics<arbitrary>], iteration_bounds = array<i64: 5>, scalar_prefetch = 0 : i64, scratch_operands = 0 : i64, tpu.core_type = #tpu.core_type<tc>, window_params = [{transform_indices = @transform_0, window_bounds = array<i64: 2000, 16>}, {transform_indices = @transform_1, window_bounds = array<i64: 2000, 16>}, {transform_indices = @transform_2, window_bounds = array<i64: 2000, 16>}]} {
    %get3A = arith.constant 0 : index
    %get3A_0 = arith.constant 0 : index
    %get3A_1 = vector.load %arg1[%get3A, %get3A_0] : memref<2000x16xf32, #tpu.memory_space<vmem>>, vector<2000x16xf32>
    %get3A_2 = arith.constant 0 : index
    %get3A_3 = arith.constant 0 : index
    %get3A_4 = vector.load %arg2[%get3A_2, %get3A_3] : memref<2000x16xf32, #tpu.memory_space<vmem>>, vector<2000x16xf32>
    %add3A = arith.addf %get3A_1, %get3A_4 : vector<2000x16xf32>
    %add3A_5 = arith.constant 9.99999971E-10 : f32
    %add3A_6 = vector.broadcast %add3A_5 : f32 to vector<2000x16xf32>
    %add3A_7 = arith.addf %add3A, %add3A_6 : vector<2000x16xf32>
    %div3A = arith.constant 1.000000e+00 : f32
    %div3A_8 = vector.broadcast %div3A : f32 to vector<2000x16xf32>
    %div3A_9 = arith.divf %div3A_8, %add3A_7 : vector<2000x16xf32>
    %swap3A = arith.constant 0 : index
    %swap3A_10 = arith.constant 0 : index
    %swap3A_11 = vector.load %arg3[%swap3A, %swap3A_10] : memref<2000x16xf32, #tpu.memory_space<vmem>>, vector<2000x16xf32>
    tpu.vector_store %arg3[%swap3A, %swap3A_10], %div3A_9 {strides = array<i32>} : memref<2000x16xf32, #tpu.memory_space<vmem>>, vector<2000x16xf32>,
    return
  }
  func.func @transform_0(%arg0: i32) -> (i32, i32) {
    %c0_i32 = arith.constant 0 : i32
    %c0_i32_0 = arith.constant 0 : i32
    return %arg0, %c0_i32 : i32, i32
  }
  func.func @transform_1(%arg0: i32) -> (i32, i32) {
    %c0_i32 = arith.constant 0 : i32
    %c0_i32_0 = arith.constant 0 : i32
    return %arg0, %c0_i32 : i32, i32
  }
  func.func @transform_2(%arg0: i32) -> (i32, i32) {
    %c0_i32 = arith.constant 0 : i32
    %c0_i32_0 = arith.constant 0 : i32
    return %arg0, %c0_i32 : i32, i32
  }
}

module attributes {stable_mosaic.version = 14 : i64} {
  func.func @_ro_body(%arg0: i32, %arg1: memref<2000x128xf32, #tpu.memory_space<vmem>>, %arg2: memref<2000x128xf32, #tpu.memory_space<vmem>>, %arg3: memref<2000x128xf32, #tpu.memory_space<vmem>>, %arg4: memref<2000x1xf32, #tpu.memory_space<vmem>>, %arg5: memref<2000x1xi32, #tpu.memory_space<vmem>>, %arg6: memref<128x128xf32, #tpu.memory_space<vmem>>, %arg7: memref<128x1xf32, #tpu.memory_space<vmem>>, %arg8: memref<1x1xf32, #tpu.memory_space<vmem>>, %arg9: memref<64x1xf32, #tpu.memory_space<vmem>>, %arg10: memref<64x128xf32, #tpu.memory_space<vmem>>, %arg11: memref<64x128xf32, #tpu.memory_space<vmem>>) attributes {dimension_semantics = [#tpu.dimension_semantics<arbitrary>], iteration_bounds = array<i64: 5>, scalar_prefetch = 0 : i64, scratch_operands = 2 : i64, tpu.core_type = #tpu.core_type<tc>, window_params = [{transform_indices = @transform_0, window_bounds = array<i64: 2000, 128>}, {transform_indices = @transform_1, window_bounds = array<i64: 2000, 128>}, {transform_indices = @transform_2, window_bounds = array<i64: 2000, 128>}, {transform_indices = @transform_3, window_bounds = array<i64: 2000, 1>}, {transform_indices = @transform_4, window_bounds = array<i64: 2000, 1>}, {pipeline_mode = #tpu.pipeline_mode<synchronous>, transform_indices = @transform_5, window_bounds = array<i64: 128, 128>}, {pipeline_mode = #tpu.pipeline_mode<synchronous>, transform_indices = @transform_6, window_bounds = array<i64: 128, 1>}, {pipeline_mode = #tpu.pipeline_mode<synchronous>, transform_indices = @transform_7, window_bounds = array<i64: 1, 1>}, {pipeline_mode = #tpu.pipeline_mode<synchronous>, transform_indices = @transform_8, window_bounds = array<i64: 64, 1>}]} {
    %get3A = arith.constant 0 : index
    %get3A_0 = arith.constant 0 : index
    %get3A_1 = vector.load %arg2[%get3A, %get3A_0] : memref<2000x128xf32, #tpu.memory_space<vmem>>, vector<2000x128xf32>
    %get3A_2 = arith.constant 0 : index
    %get3A_3 = arith.constant 0 : index
    %get3A_4 = vector.load %arg3[%get3A_2, %get3A_3] : memref<2000x128xf32, #tpu.memory_space<vmem>>, vector<2000x128xf32>
    %add3A = arith.addf %get3A_1, %get3A_4 : vector<2000x128xf32>
    %get3A_5 = arith.constant 0 : index
    %get3A_6 = arith.constant 0 : index
    %get3A_7 = vector.load %arg4[%get3A_5, %get3A_6] : memref<2000x1xf32, #tpu.memory_space<vmem>>, vector<2000x1xf32>
    %mul3A = vector.broadcast %get3A_7 : vector<2000x1xf32> to vector<2000x128xf32>
    %mul3A_8 = arith.mulf %add3A, %mul3A : vector<2000x128xf32>
    %gt3A = arith.constant 0.000000e+00 : f32
    %gt3A_9 = vector.broadcast %gt3A : f32 to vector<2000x128xf32>
    %gt3A_10 = arith.cmpf ogt, %mul3A_8, %gt3A_9 : vector<2000x128xf32>
    %exp3A = math.exp %mul3A_8 : vector<2000x128xf32>
    %sub3A = arith.constant 1.000000e+00 : f32
    %sub3A_11 = vector.broadcast %sub3A : f32 to vector<2000x128xf32>
    %sub3A_12 = arith.subf %exp3A, %sub3A_11 : vector<2000x128xf32>
    %select_n3A = arith.select %gt3A_10, %mul3A_8, %sub3A_12 : vector<2000x128xi1>, vector<2000x128xf32>
    %get3A_13 = arith.constant 0 : index
    %get3A_14 = arith.constant 0 : index
    %get3A_15 = vector.load %arg1[%get3A_13, %get3A_14] : memref<2000x128xf32, #tpu.memory_space<vmem>>, vector<2000x128xf32>
    %add3A_16 = arith.addf %get3A_15, %select_n3A : vector<2000x128xf32>
    %get3A_17 = arith.constant 0 : index
    %get3A_18 = arith.constant 0 : index
    %get3A_19 = vector.load %arg6[%get3A_17, %get3A_18] : memref<128x128xf32, #tpu.memory_space<vmem>>, vector<128x128xf32>
    %dot_general3A = arith.constant dense<0.000000e+00> : vector<2000x128xf32>
    %dot_general3A_20 = tpu.matmul %add3A_16, %get3A_19, %dot_general3A {dimension_numbers = #tpu.dot_dimension_numbers<[1], [0], [0], [1], [0, 0, 1, 1], [], []>, transpose_lhs_hint = false} : vector<2000x128xf32>, vector<128x128xf32>, vector<2000x128xf32> -> vector<2000x128xf32>
    %get3A_21 = arith.constant 0 : index
    %get3A_22 = arith.constant 0 : index
    %get3A_23 = vector.load %arg5[%get3A_21, %get3A_22] : memref<2000x1xi32, #tpu.memory_space<vmem>>, vector<2000x1xi32>
    %iota3A = tpu.iota {dimensions = array<i32: 1>} : vector<2000x64xi32>
    %eq3A = vector.broadcast %get3A_23 : vector<2000x1xi32> to vector<2000x64xi32>
    %eq3A_24 = arith.cmpi eq, %eq3A, %iota3A : vector<2000x64xi32>
    %convert_element_type3A = arith.extui %eq3A_24 : vector<2000x64xi1> to vector<2000x64xi32>
    %convert_element_type3A_25 = arith.sitofp %convert_element_type3A : vector<2000x64xi32> to vector<2000x64xf32>
    %dot_general3A_26 = arith.constant dense<0.000000e+00> : vector<64x128xf32>
    %dot_general3A_27 = tpu.matmul %convert_element_type3A_25, %dot_general3A_20, %dot_general3A_26 {dimension_numbers = #tpu.dot_dimension_numbers<[0], [0], [1], [1], [0, 1, 1, 1], [], []>, transpose_lhs_hint = false} : vector<2000x64xf32>, vector<2000x128xf32>, vector<64x128xf32> -> vector<64x128xf32>
    %broadcast_in_dim3A = arith.constant 1.000000e+00 : f32
    %broadcast_in_dim3A_28 = vector.broadcast %broadcast_in_dim3A : f32 to vector<2000x128xf32>
    %dot_general3A_29 = arith.constant dense<0.000000e+00> : vector<64x128xf32>
    %dot_general3A_30 = tpu.matmul %convert_element_type3A_25, %broadcast_in_dim3A_28, %dot_general3A_29 {dimension_numbers = #tpu.dot_dimension_numbers<[0], [0], [1], [1], [0, 1, 1, 1], [], []>, transpose_lhs_hint = false} : vector<2000x64xf32>, vector<2000x128xf32>, vector<64x128xf32> -> vector<64x128xf32>
    %eq3A_31 = arith.constant 0 : i32
    %eq3A_32 = arith.cmpi eq, %arg0, %eq3A_31 : i32
    %convert_element_type3A_33 = arith.extui %eq3A_32 : i1 to i32
    %cond3A = arith.constant 0 : i32
    %cond3A_34 = arith.cmpi ne, %convert_element_type3A_33, %cond3A : i32
    scf.if %cond3A_34 {
      %swap3A = arith.constant 0 : index
      %swap3A_45 = arith.constant 0 : index
      %swap3A_46 = vector.load %arg10[%swap3A, %swap3A_45] : memref<64x128xf32, #tpu.memory_space<vmem>>, vector<64x128xf32>
      tpu.vector_store %arg10[%swap3A, %swap3A_45], %dot_general3A_27 {strides = array<i32>} : memref<64x128xf32, #tpu.memory_space<vmem>>, vector<64x128xf32>,
      %swap3A_47 = arith.constant 0 : index
      %swap3A_48 = arith.constant 0 : index
      %swap3A_49 = vector.load %arg11[%swap3A_47, %swap3A_48] : memref<64x128xf32, #tpu.memory_space<vmem>>, vector<64x128xf32>
      tpu.vector_store %arg11[%swap3A_47, %swap3A_48], %dot_general3A_30 {strides = array<i32>} : memref<64x128xf32, #tpu.memory_space<vmem>>, vector<64x128xf32>,
    } else {
    }
    %gt3A_35 = arith.constant 0 : i32
    %gt3A_36 = arith.cmpi sgt, %arg0, %gt3A_35 : i32
    %convert_element_type3A_37 = arith.extui %gt3A_36 : i1 to i32
    %cond3A_38 = arith.constant 0 : i32
    %cond3A_39 = arith.cmpi ne, %convert_element_type3A_37, %cond3A_38 : i32
    scf.if %cond3A_39 {
      %get3A_45 = arith.constant 0 : index
      %get3A_46 = arith.constant 0 : index
      %get3A_47 = vector.load %arg10[%get3A_45, %get3A_46] : memref<64x128xf32, #tpu.memory_space<vmem>>, vector<64x128xf32>
      %add3A_48 = arith.addf %get3A_47, %dot_general3A_27 : vector<64x128xf32>
      %swap3A = arith.constant 0 : index
      %swap3A_49 = arith.constant 0 : index
      %swap3A_50 = vector.load %arg10[%swap3A, %swap3A_49] : memref<64x128xf32, #tpu.memory_space<vmem>>, vector<64x128xf32>
      tpu.vector_store %arg10[%swap3A, %swap3A_49], %add3A_48 {strides = array<i32>} : memref<64x128xf32, #tpu.memory_space<vmem>>, vector<64x128xf32>,
      %get3A_51 = arith.constant 0 : index
      %get3A_52 = arith.constant 0 : index
      %get3A_53 = vector.load %arg11[%get3A_51, %get3A_52] : memref<64x128xf32, #tpu.memory_space<vmem>>, vector<64x128xf32>
      %add3A_54 = arith.addf %get3A_53, %dot_general3A_30 : vector<64x128xf32>
      %swap3A_55 = arith.constant 0 : index
      %swap3A_56 = arith.constant 0 : index
      %swap3A_57 = vector.load %arg11[%swap3A_55, %swap3A_56] : memref<64x128xf32, #tpu.memory_space<vmem>>, vector<64x128xf32>
      tpu.vector_store %arg11[%swap3A_55, %swap3A_56], %add3A_54 {strides = array<i32>} : memref<64x128xf32, #tpu.memory_space<vmem>>, vector<64x128xf32>,
    } else {
    }
    %eq3A_40 = arith.constant 4 : i32
    %eq3A_41 = arith.cmpi eq, %arg0, %eq3A_40 : i32
    %convert_element_type3A_42 = arith.extui %eq3A_41 : i1 to i32
    %cond3A_43 = arith.constant 0 : i32
    %cond3A_44 = arith.cmpi ne, %convert_element_type3A_42, %cond3A_43 : i32
    scf.if %cond3A_44 {
      %get3A_45 = arith.constant 0 : index
      %get3A_46 = arith.constant 0 : index
      %get3A_47 = vector.load %arg10[%get3A_45, %get3A_46] : memref<64x128xf32, #tpu.memory_space<vmem>>, vector<64x128xf32>
      %get3A_48 = arith.constant 0 : index
      %get3A_49 = arith.constant 0 : index
      %get3A_50 = vector.load %arg11[%get3A_48, %get3A_49] : memref<64x128xf32, #tpu.memory_space<vmem>>, vector<64x128xf32>
      %max3A = arith.constant 1.000000e+00 : f32
      %max3A_51 = vector.broadcast %max3A : f32 to vector<64x128xf32>
      %max3A_52 = arith.maximumf %get3A_50, %max3A_51 : vector<64x128xf32>
      %div3A = arith.divf %get3A_47, %max3A_52 : vector<64x128xf32>
      %get3A_53 = arith.constant 0 : index
      %get3A_54 = arith.constant 0 : index
      %get3A_55 = vector.load %arg7[%get3A_53, %get3A_54] : memref<128x1xf32, #tpu.memory_space<vmem>>, vector<128x1xf32>
      %dot_general3A_56 = arith.constant dense<0.000000e+00> : vector<64x1xf32>
      %dot_general3A_57 = tpu.matmul %div3A, %get3A_55, %dot_general3A_56 {dimension_numbers = #tpu.dot_dimension_numbers<[1], [0], [0], [1], [0, 0, 1, 1], [], []>, transpose_lhs_hint = false} : vector<64x128xf32>, vector<128x1xf32>, vector<64x1xf32> -> vector<64x1xf32>
      %get3A_58 = arith.constant 0 : index
      %get3A_59 = arith.constant 0 : index
      %get3A_60 = vector.load %arg8[%get3A_58, %get3A_59] : memref<1x1xf32, #tpu.memory_space<vmem>>, vector<1x1xf32>
      %add3A_61 = vector.broadcast %get3A_60 : vector<1x1xf32> to vector<64x1xf32>
      %add3A_62 = arith.addf %dot_general3A_57, %add3A_61 : vector<64x1xf32>
      %swap3A = arith.constant 0 : index
      %swap3A_63 = arith.constant 0 : index
      %swap3A_64 = vector.load %arg9[%swap3A, %swap3A_63] : memref<64x1xf32, #tpu.memory_space<vmem>>, vector<64x1xf32>
      tpu.vector_store %arg9[%swap3A, %swap3A_63], %add3A_62 {strides = array<i32>} : memref<64x1xf32, #tpu.memory_space<vmem>>, vector<64x1xf32>,
    } else {
    }
    return
  }
  func.func @transform_0(%arg0: i32) -> (i32, i32) {
    %c0_i32 = arith.constant 0 : i32
    %c0_i32_0 = arith.constant 0 : i32
    return %arg0, %c0_i32 : i32, i32
  }
  func.func @transform_1(%arg0: i32) -> (i32, i32) {
    %c0_i32 = arith.constant 0 : i32
    %c0_i32_0 = arith.constant 0 : i32
    return %arg0, %c0_i32 : i32, i32
  }
  func.func @transform_2(%arg0: i32) -> (i32, i32) {
    %c0_i32 = arith.constant 0 : i32
    %c0_i32_0 = arith.constant 0 : i32
    return %arg0, %c0_i32 : i32, i32
  }
  func.func @transform_3(%arg0: i32) -> (i32, i32) {
    %c0_i32 = arith.constant 0 : i32
    %c0_i32_0 = arith.constant 0 : i32
    return %arg0, %c0_i32 : i32, i32
  }
  func.func @transform_4(%arg0: i32) -> (i32, i32) {
    %c0_i32 = arith.constant 0 : i32
    %c0_i32_0 = arith.constant 0 : i32
    return %arg0, %c0_i32 : i32, i32
  }
  func.func @transform_5(%arg0: i32) -> (i32, i32) {
    %c0_i32 = arith.constant 0 : i32
    %c0_i32_0 = arith.constant 0 : i32
    %c0_i32_1 = arith.constant 0 : i32
    return %c0_i32, %c0_i32_0 : i32, i32
  }
  func.func @transform_6(%arg0: i32) -> (i32, i32) {
    %c0_i32 = arith.constant 0 : i32
    %c0_i32_0 = arith.constant 0 : i32
    %c0_i32_1 = arith.constant 0 : i32
    return %c0_i32, %c0_i32_0 : i32, i32
  }
  func.func @transform_7(%arg0: i32) -> (i32, i32) {
    %c0_i32 = arith.constant 0 : i32
    %c0_i32_0 = arith.constant 0 : i32
    %c0_i32_1 = arith.constant 0 : i32
    return %c0_i32, %c0_i32_0 : i32, i32
  }
  func.func @transform_8(%arg0: i32) -> (i32, i32) {
    %c0_i32 = arith.constant 0 : i32
    %c0_i32_0 = arith.constant 0 : i32
    %c0_i32_1 = arith.constant 0 : i32
    return %c0_i32, %c0_i32_0 : i32, i32
  }
}

</mosaic_0001>

<sc_bundles>
// kernel: closed_call.45.cloned.1.call-start
scs
__scs_entry_jumppad:
0x0: {  	(pc) =	sbr.rel $0x88, $3  }
0x1: {  	(tag) =	ssettag $0x0;
	lr =	simm.s32 $0x1  }
0x2: {  	[smem:$0x3F96] =	sst lr;
	_ =	strace $0xD0000000  }
0x3: {  	_ = 	snop  }
0x4: {  	_ = 	snop  }
0x5: {  	_ = 	snop  }
0x6: {  	_ = 	snop  }
0x7: {  	_ = 	snop  }
__scs_overlays_trampoline_lowered:
0x8: {  	[smem:$0x3FA5] =	sst s0  }
0x9: {  	[smem:$0x3FA6] =	sst s1  }
0xa: {  	[smem:$0x3FA7] =	sst s2  }
0xb: {  	[smem:$0x3FA8] =	sst s3  }
0xc: {  	[smem:$0x3FA9] =	sst s4  }
0xd: {  	[smem:$0x3FAA] =	sst s5  }
0xe: {  	[smem:$0x3FAB] =	sst s6  }
0xf: {  	[smem:$0x3FAC] =	sst s7  }
0x10: {  	[smem:$0x3FAD] =	sst s8  }
0x11: {  	[smem:$0x3FAE] =	sst s9;
	s0 =	simm.s32 @!p0 $0x0  }
0x12: {  	s1 =	sld [smem:$0x3F94];
	s0 =	simm.s32 @p0 $0x1  }
0x13: {  	[smem:$0x3FAF] =	sst s0;
	s0 =	simm.s32 @!p1 $0x0  }
0x14: {  	s2 =	sld [smem:$0x3F93];
	s0 =	simm.s32 @p1 $0x1  }
0x15: {  	[smem:$0x3FB0] =	sst s0;
	s0 =	simm.s32 @!p2 $0x0  }
0x16: {  	s3 =	sld [smem:$0x3FDB];
	s0 =	simm.s32 @p2 $0x1  }
0x17: {  	s4 =	simm.s32 $0x1BF5;
	[smem:$0x3FB2] =	sst s0  }
0x18: {  	s0 =	sld [smem:$0x3F95];
	_ =	swait.ge [sflag:s4], $0x0  }
0x19: {  	s7 =	sld [smem:$0x3F96]  }
0x1a: {  	s8 =	sadd.s32 $0xFFFFE003, lr  }
0x1b: {  	s9 =	sadd.s32 $0xFFFFFEF7, lr;
	s5 =	simm.s32 $0xFFFFFFFF;
	p2 =	slt.u32 s8, $0xFFFFF086  }
0x1c: {  	p1 =	slt.u32 s9, $0xF7A;
	s5 =	simm.s32 @!p2 $0x0  }
0x1d: {  	s5 =	simm.s32 @p1 $0x1;
	p0 =	seq.s32 s7, s2  }
0x1e: {  	s7 =	smul.u32 @!p0 $0xF7A, s2;
	p2 =	seq.s32 @!p0 s5, $0x0  }
0x1f: {  	s9 =	smul.u32 $0xF7A, s1;
	s8 =	simm.s32 @!p0 $0x1BF5;
	p2 =	por !p2, p0  }
0x20: {  	[sflag:s8] =	ssyncset.s32 @!p0 $0xFFFFF086;
	s6 =	sadd.s32 @!p0 s3, s7;
	s7 =	simm.s32 @!p0 $0x108  }
0x21: {  	s3 =	sadd.s32 s3, s9;
	s6 =	sadd.s32 @!p0 $0x88, s6;
	s7 =	simm.s32 @p2 $0x1082  }
0x22: {  	[simem:s7], [sflag:s8] =	dma.local @!p0 [hbm:s6], $0xF7A  }
0x23: {  	s9 =	sor.u32 $0xD0000000, s2;
	s6 =	simm.s32 $0x108;
	_ =	swait.ge @!p0 [sflag:s8], $0x0  }
0x24: {  	s3 =	sadd.s32 $0x88, s3;
	s6 =	simm.s32 @!p1 $0x1082;
	[sflag:s4] =	ssyncset.s32 $0xFFFFF086  }
0x25: {  	[simem:s6], [sflag:s4] =	dma.local [hbm:s3], $0xF7A  }
0x26: {  	[smem:$0x3F96] =	sst s1;
	(tag) =	ssettag s2;
	_ =	strace s9  }
0x27: {  	s1 =	sld [smem:$0x3FA6]  }
0x28: {  	s2 =	sld [smem:$0x3FA7]  }
0x29: {  	s4 =	sld [smem:$0x3FA9]  }
0x2a: {  	p0 =	seq.s32 s5, $0x0;
	s5 =	sld [smem:$0x3FAA]  }
0x2b: {  	s6 =	sld [smem:$0x3FAB]  }
0x2c: {  	s7 =	sld [smem:$0x3FAC]  }
0x2d: {  	s3 =	simm.s32 $0x108;
	s8 =	sld [smem:$0x3FAD]  }
0x2e: {  	s3 =	simm.s32 @!p0 $0x1082;
	s9 =	sld [smem:$0x3FAE]  }
0x2f: {  	lr =	sadd.s32 s0, s3;
	s0 =	sld [smem:$0x3FA5]  }
0x30: {  	s3 =	sld [smem:$0x3FA8]  }
0x31: {  	[smem:$0x3FB1] =	sst s10  }
0x32: {  	s10 =	sld [smem:$0x3FAF];
	_ =	sdelay $0x3  }
0x33: {  	p0 =	seq.s32 s10, $0x1;
	s10 =	sld [smem:$0x3FB1];
	_ =	sdelay $0x3  }
0x34: {  	[smem:$0x3FB1] =	sst s10  }
0x35: {  	s10 =	sld [smem:$0x3FB0];
	_ =	sdelay $0x3  }
0x36: {  	p1 =	seq.s32 s10, $0x1;
	s10 =	sld [smem:$0x3FB1];
	_ =	sdelay $0x3  }
0x37: {  	[smem:$0x3FB1] =	sst s10  }
0x38: {  	s10 =	sld [smem:$0x3FB2]  }
0x39: {  	_ = 	snop;
	(pc) =	sbr.ind lr, $3  }
0x3a: {  	_ = 	snop  }
0x3b: {  	_ = 	snop  }
0x3c: {  	p2 =	seq.s32 s10, $0x1;
	s10 =	sld [smem:$0x3FB1]  }
0x3d: {  	_ =	shalt  }
0x3e: {  	_ =	shalt  }
0x3f: {  	_ =	shalt  }
0x40: {  	_ =	shalt  }
0x41: {  	_ =	shalt  }
0x42: {  	_ =	shalt  }
0x43: {  	_ =	shalt  }
0x44: {  	_ =	shalt  }
0x45: {  	_ =	shalt  }
0x46: {  	_ =	shalt  }
0x47: {  	_ =	shalt  }
0x48: {  	_ =	shalt  }
0x49: {  	_ =	shalt  }
0x4a: {  	_ =	shalt  }
0x4b: {  	_ =	shalt  }
0x4c: {  	_ =	shalt  }
0x4d: {  	_ =	shalt  }
0x4e: {  	_ =	shalt  }
0x4f: {  	_ =	shalt  }
0x50: {  	_ =	shalt  }
0x51: {  	_ =	shalt  }
0x52: {  	_ =	shalt  }
0x53: {  	_ =	shalt  }
0x54: {  	_ =	shalt  }
0x55: {  	_ =	shalt  }
0x56: {  	_ =	shalt  }
0x57: {  	_ =	shalt  }
0x58: {  	_ =	shalt  }
0x59: {  	_ =	shalt  }
0x5a: {  	_ =	shalt  }
0x5b: {  	_ =	shalt  }
0x5c: {  	_ =	shalt  }
0x5d: {  	_ =	shalt  }
0x5e: {  	_ =	shalt  }
0x5f: {  	_ =	shalt  }
0x60: {  	_ =	shalt  }
0x61: {  	_ =	shalt  }
0x62: {  	_ =	shalt  }
0x63: {  	_ =	shalt  }
0x64: {  	_ =	shalt  }
0x65: {  	_ =	shalt  }
0x66: {  	_ =	shalt  }
0x67: {  	_ =	shalt  }
0x68: {  	_ =	shalt  }
0x69: {  	_ =	shalt  }
0x6a: {  	_ =	shalt  }
0x6b: {  	_ =	shalt  }
0x6c: {  	_ =	shalt  }
0x6d: {  	_ =	shalt  }
0x6e: {  	_ =	shalt  }
0x6f: {  	_ =	shalt  }
0x70: {  	_ =	shalt  }
0x71: {  	_ =	shalt  }
0x72: {  	_ =	shalt  }
0x73: {  	_ =	shalt  }
0x74: {  	_ =	shalt  }
0x75: {  	_ =	shalt  }
0x76: {  	_ =	shalt  }
0x77: {  	_ =	shalt  }
0x78: {  	_ =	shalt  }
0x79: {  	_ =	shalt  }
0x7a: {  	_ =	shalt  }
0x7b: {  	_ =	shalt  }
0x7c: {  	_ =	shalt  }
0x7d: {  	_ =	shalt  }
0x7e: {  	_ =	shalt  }
0x7f: {  	_ =	shalt  }
0x80: {  	_ =	shalt  }
0x81: {  	_ =	shalt  }
0x82: {  	_ =	shalt  }
0x83: {  	_ =	shalt  }
0x84: {  	_ =	shalt  }
0x85: {  	_ =	shalt  }
0x86: {  	_ =	shalt  }
0x87: {  	_ =	shalt  }
.Lfunc_end0:
.L_simem_size_0:
called_computation_lowered:
.L_overlay_start_0:
0x88: {  	s2 =	sld [smem:$0x3FD9]  }
0x89: {  	s3 =	sld [smem:$0x3FFE];
	_ =	sdelay $0x1  }
0x8a: {  	s1 =	srdreg.scid  }
0x8b: {  	s0 =	sand.u32 $0x1, s1  }
0x8c: {  	s16 =	sshll.u32 s0, $0xA;
	s2 =	sadd.s32 s3, s2  }
0x8d: {  	s2 =	sadd.s32 s2, s16  }
0x8e: {  	[smem:$0x3FBD] =	sst s2  }
0x8f: {  	_ = 	snop  }
0x90: {  	(tm) =	ssettm $0x1  }
0x91: {  	s17 =	sld [smem:$0x3FFB];
	_ =	sdelay $0x3  }
0x92: {  	_ =	strace s17  }
0x93: {  	s2 =	sld [smem:$0x3FFC];
	_ =	sdelay $0x3  }
0x94: {  	_ =	strace s2  }
0x95: {  	s2 =	sld [smem:$0x3FFD];
	_ =	sdelay $0x3  }
0x96: {  	_ =	strace s2  }
0x97: {  	_ =	strace $0x8FFFFFFF  }
0x98: {  	s18 =	sld [smem:$0x3FDB];
	_ =	sdelay $0x1  }
0x99: {  	s19 =	simm.s32 $_scs_section_size  }
0x9a: {  	s4 =	simm.s32 $_size__tile_overlayer_lowered;
	s5 =	simm.s32 $_tile_overlayer_lowered  }
0x9b: {  	s22 =	simm.s32 $0x1BFF;
	s21 =	sshll.u32 s5, $0x1;
	s2 =	sadd.s32 s19, s18  }
0x9c: {  	s6 =	simm.s32 $0x0;
	s20 =	sshll.u32 s4, $0x1;
	s4 =	sadd.s32 s21, s2  }
0x9d: {  	[timem:s6], [sflag:s22] =	dma.local [hbm:s4], s20  }
0x9e: {  	_ =	swait.ge [sflag:s22], s20  }
0x9f: {  	s3 =	ssub.s32 $0x0, s20;
	[sflag:s22] =	ssyncset.done $0x0  }
0xa0: {  	[sflag:s22] =	ssyncadd.s32 s3;
	_ =	sdelay $0x1  }
0xa1: {  	s23 =	simm.s32 $0x1B8B  }
0xa2: {  	_ =	swait.ge [sflag:s23], $0x1  }
0xa3: {  	[sflag:s23] =	ssyncset.done $0x0  }
0xa4: {  	s25 =	simm.s32 $0x1B8E;
	s24 =	sld [smem:$0x3FFE];
	[sflag:s23] =	ssyncadd.s32 $0xFFFFFFFF  }
0xa5: {  	s26 =	simm.s32 $execute0_lowered;
	[smem:$0x3FD2] =	sst s25  }
0xa6: {  	s4 =	sshll.u32 s26, $0x1;
	_ =	strace $0x80000046;
	[dreg:$0x1] =	wrdreg $0xFFFFFFFF  }
0xa7: {  	s28 =	simm.s32 $_size_execute0_lowered;
	s2 =	sadd.s32 s2, s4;
	[dreg:$0x0] =	wrdreg $0x0  }
0xa8: {  	s4 =	sshll.u32 s28, $0x1;
	[dreg:$0x2] =	wrdreg s2  }
0xa9: {  	[dreg:$0x3] =	wrdreg s4  }
0xaa: {  	[dreg:$0x4] =	wrdreg $0xC0  }
0xab: {  	_ =	task [dreg:s6], $0x5FFFF  }
0xac: {  	[dreg:$0x1] =	wrdreg $0xFFFFFFFF  }
0xad: {  	[dreg:$0x0] =	wrdreg $0x60  }
0xae: {  	[dreg:$0x2] =	wrdreg s24  }
0xaf: {  	[dreg:$0x3] =	wrdreg $0x1C5300  }
0xb0: {  	[dreg:$0x4] =	wrdreg $0x9  }
0xb1: {  	_ =	task.clear_ibuf [dreg:s6], $0x5FFFF;
	_ =	strace $0x90000046  }
0xb2: {  	s29 =	simm.s32 $0x9;
	_ =	strace $0x80000048  }
0xb3: {  	_ =	swait.ge [sflag:s29], $0x1  }
0xb4: {  	[sflag:s29] =	ssyncadd.s32 $0xFFFFFFFF  }
0xb5: {  	_ =	strace $0x90000048  }
0xb6: {  	_ =	sfence  }
0xb7: {  	s30 =	sld [smem:$0x0];
	_ =	sdelay $0x2  }
0xb8: {  	s31 =	sshll.u32 s1, $0xD;
	s1 =	sshrl.u32 s1, $0x2  }
0xb9: {  	s3 =	sand.u32 $0x4000, s31;
	s1 =	sadd.s32 s1, s30  }
0xba: {  	s0 =	sor.u32 s3, s0;
	s1 =	sshll.u32 s1, $0x11  }
0xbb: {  	s0 =	sor.u32 s1, s0  }
0xbc: {  	s0 =	sadd.s32 $0x8F2B, s0  }
0xbd: {  	[sflag:s0] =	ssyncadd.remote.s32 $0x1  }
0xbe: {  	_ =	sfence.sel $0xFFFF  }
0xbf: {  	[dreg:$0x0] =	wrdreg $0xFFFFFFFF;
	(pc) =	sbr.abs _section_cstart, $3  }
0xc0: {  	[dreg:$0x1] =	wrdreg $0xFFFFFFFF  }
0xc1: {  	_ =	task.clear_ibuf [dreg:s6], $0x2FFFF;
	_ =	strace $0x9FFFFFFF  }
0xc2: {  	(tm) =	ssettm $0x7FFFFFFF  }
0xc3: {  	_ =	shalt  }
tec
execute0_lowered:
.L_overlay_start_1:
0x0: {  	(tag) =	ssettag $0x1  }
0x1: {  	s0 =	srdreg.scid;
	s7 =	rddreg [dreg:$0x0]  }
0x2: {  	s14 =	stileid.u32;
	s2 =	rddreg [dreg:$0x1];
	s4 =	simm.s32 $0x0  }
0x3: {  	s21 =	simm.s32 $0x5;
	s29 =	simm.s32 $0x1;
	s30 =	simm.s32 $0x2  }
0x4: {  	s31 =	simm.s32 $0x8CA0;
	s28 =	simm.s32 $0x186A0;
	s0 =	sand.u32 $0x1, s0  }
0x5: {  	s1 =	sshll.u32 s14, $0x1;
	[smem:$0x7FF] =	sst s4;
	s5 =	sadd.s32 $0x108200, s7  }
0x6: {  	s9 =	smul.u32 $0x2700, s14;
	s6 =	sadd.s32 $0x10D200, s7;
	s8 =	sadd.s32 $0x108000, s7  }
0x7: {  	s15 =	sadd.s32 $0x117200, s7;
	s17 =	sadd.s32 $0x11C200, s7;
	s23 =	sshll.u32 s14, $0x6  }
0x8: {  	p1 =	sne.s32 s14, $0xF;
	p2 =	seq.s32 s14, $0xF;
	s1 =	sor.u32 s0, s1  }
0x9: {  	_ =	strace $0x80000047;
	[dreg:$0x3] =	wrdreg s8;
	s12 =	ssub.s32 $0x2, s0  }
0xa: {  	s8 =	sadd.s32 $0x121200, s7;
	p0 =	seq.s32 s0, $0x1;
	[dreg:$0x4] =	wrdreg s15  }
0xb: {  	[dreg:$0x5] =	wrdreg s17;
	s0 =	simm.s32 $0x14820;
	s3 =	smul.u32 $0x2710, s1  }
0xc: {  	s10 =	sshrl.u32 s9, $0x3;
	s13 =	sshrl.u32 s12, $0x1;
	s9 =	sadd.s32 s9, s2  }
0xd: {  	s11 =	sadd.s32 s10, s7;
	s13 =	ssub.s32 s12, s13;
	s12 =	sor.u32 $0x1C05, s23  }
0xe: {  	s25 =	sadd.s32 s15, s10;
	s26 =	sadd.s32 s17, s10;
	s20 =	sshrl.u32 s9, $0x3  }
0xf: {  	s23 =	simm.s32 $0x3;
	s17 =	simm.s32 $0x0;
	[dreg:$0xa] =	wrdreg s25  }
0x10: {  	s1 =	sshrl.u32 s3, $0x3;
	s11 =	sadd.s32 $0x112200, s11;
	[dreg:$0xb] =	wrdreg s26  }
.Ltmp0:
0x11: {  	s19 =	smax.u32 s13, $0x1;
	s25 =	simm.s32 $0x3E8;
	(pc) =	sbr.rel .LBB2_1-.Ltmp0, $4  }
0x12: {  	s1 =	sadd.s32 s1, s7;
	[dreg:$0x6] =	wrdreg s11;
	s7 =	sadd.s32 $0x117000, s7  }
0x13: {  	s26 =	simm.s32 $0x4;
	s11 =	sadd.s32 $0x27000, s2;
	[dreg:$0x8] =	wrdreg s7  }
0x14: {  	s24 =	sadd.s32 $0xB9600, s1;
	s16 =	sadd.s32 $0xD7000, s1;
	[dreg:$0x7] =	wrdreg s11  }
0x15: {  	s22 =	sshrl.u32 @!p1 s11, $0x3;
	s1 =	simm.s32 $0x109A0;
	[dreg:$0x9] =	wrdreg s24  }
.LBB2_10:
0x16: {  	s9 =	rddreg [dreg:$0x7]  }
0x17: {  	s7 =	sadd.s32 $0x4E00, s7;
	s9 =	sshrl.u32 s9, $0x3  }
0x18: {  	[hbm:s7], [sflag:s12] =	dma.local [spmem:s9], $0x20  }
0x19: {  	_ =	swait.ge [sflag:s21], $0x20  }
0x1a: {  	[sflag:s21] =	ssyncset.done $0x0  }
0x1b: {  	[sflag:s21] =	ssyncadd.s32 $0xFFFFFFE0  }
.LBB2_11:
0x1c: {  	s17 =	sadd.s32 $0x1, s17  }
0x1d: {  	p3 =	sne.s32 s17, s19  }
.Ltmp1:
0x1e: {  	_ = 	snop;
	(pc) =	sbr.rel @!p3 .LBB2_12-.Ltmp1, $1  }
0x1f: {  	_ =	sdelay $0x3  }
.LBB2_1:
0x20: {  	s7 =	rddreg [dreg:$0x6]  }
0x21: {  	[spmem:s20], [sflag:s12] =	dma.local [hbm:s7], $0x4E0  }
0x22: {  	_ =	swait.ge [sflag:s21], $0x4E0  }
0x23: {  	[sflag:s21] =	ssyncset.done $0x0  }
0x24: {  	s7 =	rddreg [dreg:$0x8];
	[sflag:s21] =	ssyncadd.s32 $0xFFFFFB20  }
0x25: {  	[spmem:s22], [sflag:s12] =	dma.local @!p1 [hbm:s7], $0x20  }
0x26: {  	s7 =	simm.s32 @!p1 $0x5  }
0x27: {  	_ =	swait.ge @!p1 [sflag:s7], $0x20  }
0x28: {  	[sflag:s7] =	ssyncset.done @!p1 $0x0  }
0x29: {  	s9 =	simm.s32 $0x1C520;
	s13 =	rddreg [dreg:$0x3];
	[sflag:s7] =	ssyncadd.s32 @!p1 $0xFFFFFFE0  }
0x2a: {  	[tilespmem:s9], [sflag:$0x5] =	stream.linear.gather [hbm4b:s13+s4], $0x10, $0x38;
	[tilespmem:$0x1EC40] =	vst v63  }
0x2b: {  	_ =	swait.ge [sflag:s21], $0x10  }
0x2c: {  	[sflag:s21] =	ssyncset.done $0x0  }
0x2d: {  	s14 =	rddreg [dreg:$0x9];
	[sflag:s21] =	ssyncadd.s32 $0xFFFFFFF0  }
0x2e: {  	[tilespmem:s4], [sflag:$0x5] =	stream.linear.gather [hbm4b:s14+s4], $0x2710, $0x38;
	[tilespmem:$0x1EC40] =	vst v63  }
0x2f: {  	_ =	swait.ge [sflag:s21], $0x2710  }
0x30: {  	[sflag:s21] =	ssyncset.done $0x0  }
0x31: {  	s15 =	simm.s32 $0x2710;
	[sflag:s21] =	ssyncadd.s32 $0xFFFFD8F0  }
0x32: {  	[tilespmem:s15], [sflag:$0x5] =	stream.linear.gather [hbm4b:s16+s4], $0x2710, $0x38;
	[tilespmem:$0x1EC40] =	vst v63  }
0x33: {  	_ =	swait.ge [sflag:s21], $0x2710  }
0x34: {  	[sflag:s21] =	ssyncset.done $0x0  }
0x35: {  	[sflag:s21] =	ssyncadd.s32 $0xFFFFD8F0  }
0x36: {  	[bflag:$0x0] =	sbarrier.arrive $0xFFFF  }
0x37: {  	s18 =	simm.s32 $0x4E20;
	v0 =	vld [tilespmem:$0x1C520]  }
0x38: {  	[tilespmem:s18], [sflag:$0x1] =	stream.indirect.gather [hbm4b:s5+s25], $0x10, s4, s25, $0xb8;
	[tilespmem:$0x1EC40] =	vst v63  }
0x39: {  	s24 =	simm.s32 $0xCB20;
	s18 =	simm.s32 $0x0  }
0x3a: {  	[tilespmem:s24], [sflag:$0x2] =	stream.indirect.gather [hbm4b:s6+s25], $0x10, s15, s25, $0xb8;
	[tilespmem:$0x1EC40] =	vst v63  }
.LBB2_2:
0x3b: {  	_ =	swait.ge [sflag:s29], $0x3E80  }
0x3c: {  	[sflag:s29] =	ssyncset.done $0x0  }
0x3d: {  	[sflag:s29] =	ssyncadd.s32 $0xFFFFC180  }
0x3e: {  	_ =	swait.ge [sflag:s30], $0x3E80  }
0x3f: {  	p3 =	seq.s32 s18, $0x0;
	[sflag:s30] =	ssyncset.done $0x0  }
0x40: {  	s7 =	simm.s32 @!p3 $0x3;
	[sflag:s30] =	ssyncadd.s32 $0xFFFFC180  }
0x41: {  	_ =	swait.ge @!p3 [sflag:s7], $0x3E80  }
0x42: {  	[sflag:s7] =	ssyncset.done @!p3 $0x0  }
0x43: {  	[sflag:s7] =	ssyncadd.s32 @!p3 $0xFFFFC180;
	s7 =	simm.s32 @!p3 $0x4  }
0x44: {  	s10 =	smul.u32 $0x7D0, s18;
	_ =	swait.ge @!p3 [sflag:s7], $0x3E80  }
0x45: {  	[sflag:s7] =	ssyncset.done @!p3 $0x0  }
0x46: {  	s9 =	sadd.s32 $0x3E8, s10;
	[sflag:s7] =	ssyncadd.s32 @!p3 $0xFFFFC180  }
0x47: {  	[tilespmem:s31], [sflag:$0x1] =	stream.indirect.gather [hbm4b:s5+s25], $0x10, s9, s25, $0xb8;
	[tilespmem:$0x1EC40] =	vst v63  }
0x48: {  	s14 =	simm.s32 $0xCB60;
	s13 =	sadd.s32 $0x2AF8, s10  }
0x49: {  	[tilespmem:s1], [sflag:$0x2] =	stream.indirect.gather [hbm4b:s6+s25], $0x10, s13, s25, $0xb8;
	[tilespmem:$0x1EC40] =	vst v63  }
0x4a: {  	v1 =	vld [tilespmem:s14+$0xFFFFFFC0]  }
0x4b: {  	s11 =	simm.s32 $0x4E60;
	v2 =	vld [tilespmem:s14+$0x30]  }
0x4c: {  	v3 =	vld [tilespmem:s11+$0x30]  }
0x4d: {  	v4 =	vld [tilespmem:s11+$0x20]  }
0x4e: {  	v6 =	vld [tilespmem:s14+$0x20];
	_ =	sdelay $0x1  }
0x4f: {  	v7 =	vld [tilespmem:s11+$0xFFFFFFC0]  }
0x50: {  	v9 =	vld [tilespmem:s11+$0xFFFFFFF0]  }
0x51: {  	v13 =	vld [tilespmem:s11+$0xFFFFFFE0];
	v8 =	vadd.f32 v2, v0;
	v2 =	vadd.f32 v2, v3  }
0x52: {  	v3 =	vld [tilespmem:s14+$0xFFFFFFE0];
	v10 =	vadd.f32 v1, v0;
	v4 =	vadd.f32 v6, v4  }
0x53: {  	s15 =	simm.s32 $0xCBE0;
	v14 =	vld [tilespmem:s14+$0xFFFFFFF0];
	v6 =	vadd.f32 v6, v0;
	v11 =	vmul.f32 $2.000000030e-01, v8;
	v12 =	vmul.f32 $2.000000030e-01, v2  }
0x54: {  	v22 =	vld [tilespmem:s15+$0x30];
	v1 =	vadd.f32 v1, v7;
	v15 =	vmul.f32 $2.000000030e-01, v10;
	v7 =	vmul.f32 $2.000000030e-01, v4  }
0x55: {  	v5 =	vld [tilespmem:s11+$0x10];
	v16 =	vmul.f32 $2.000000030e-01, v6;
	v8 =	vmax.f32 v8, v11  }
0x56: {  	v2 =	vmax.f32 v2, v12;
	v11 =	vld [tilespmem:s14+$0xFFFFFFD0];
	v10 =	vmax.f32 v10, v15;
	v4 =	vmax.f32 v4, v7  }
0x57: {  	v12 =	vld [tilespmem:s11+$0xFFFFFFD0];
	v6 =	vmax.f32 v6, v16;
	v15 =	vadd.f32 v3, v0;
	v2 =	vsub.f32 v2, v8  }
0x58: {  	v17 =	vld [tilespmem:s11+$0x0];
	v7 =	vmul.f32 $2.000000030e-01, v1;
	v4 =	vsub.f32 v4, v6;
	v6 =	vadd.f32 v14, v9  }
0x59: {  	v24 =	vadd.f32 v22, v0;
	v8 =	vld [tilespmem:s14+$0x10];
	v3 =	vadd.f32 v3, v13;
	v2 =	vmul.f32 $1.442695020e+00, v2  }
0x5a: {  	v9 =	vld [tilespmem:s14+$0x0];
	v7 =	vmax.f32 v1, v7;
	v16 =	vmul.f32 $2.000000030e-01, v15;
	v13 =	vmul.f32 $2.000000030e-01, v6  }
0x5b: {  	v4 =	vmul.f32 $1.442695020e+00, v4;
	v7 =	vsub.f32 v7, v10;
	v18 =	vadd.f32 v11, v0  }
0x5c: {  	v11 =	vadd.f32 v11, v12;
	v12 =	vadd.f32 v14, v0;
	v14 =	vmax.f32 v15, v16  }
0x5d: {  	v20 =	vld [tilespmem:s15+$0xFFFFFFC0];
	v16 =	vmul.f32 $2.000000030e-01, v3;
	v13 =	vmax.f32 v6, v13;
	(erf) = vpow2.f32 v4  }
0x5e: {  	v7 =	vmul.f32 $1.442695020e+00, v7;
	v5 =	vadd.f32 v8, v5;
	v15 =	vmul.f32 $2.000000030e-01, v18  }
0x5f: {  	s14 =	simm.s32 $0x4EE0;
	v17 =	vadd.f32 v9, v17;
	v8 =	vadd.f32 v8, v0;
	(erf) = vpow2.f32 v2  }
0x60: {  	v21 =	vmul.f32 $2.000000030e-01, v11;
	v3 =	vmax.f32 v3, v16;
	v15 =	vmax.f32 v18, v15;
	v18 =	vld [tilespmem:s14+$0x30]  }
0x61: {  	v19 =	vmul.f32 $2.000000030e-01, v12;
	v16 =	vmul.f32 $2.000000030e-01, v5;
	v3 =	vsub.f32 v3, v14  }
0x62: {  	v23 =	vld [tilespmem:s15+$0x20];
	v6 =	vmul.f32 $2.000000030e-01, v8;
	v11 =	vmax.f32 v11, v21;
	v21 =	vadd.f32 v20, v0  }
0x63: {  	v14 =	vmul.f32 $2.000000030e-01, v17;
	v11 =	vsub.f32 v11, v15;
	v15 =	vld [tilespmem:s14+$0x20];
	v4 =	vmax.f32 v5, v16  }
0x64: {  	v5 =	vmax.f32 v8, v6;
	v16 =	vmul.f32 $2.000000030e-01, v24;
	v1 =	vmul.f32 $2.000000030e-01, v21  }
0x65: {  	v14 =	vmax.f32 v17, v14;
	v6 =	vld [tilespmem:s14+$0xFFFFFFC0];
	v2 =	vsub.f32 v4, v5;
	v8 =	vadd.f32 v22, v18  }
0x66: {  	v11 =	vmul.f32 $1.442695020e+00, v11;
	v5 =	vmax.f32 v24, v16;
	v1 =	vmax.f32 v21, v1;
	v18 =	vld [tilespmem:s15+$0xFFFFFFE0]  }
0x67: {  	v16 =	vmul.f32 $1.442695020e+00, v2;
	v21 =	vmax.f32 v12, v19;
	v4 =	vmul.f32 $2.000000030e-01, v8  }
0x68: {  	(erf) = vpow2.f32 v11;
	v10 =	vadd.f32 v23, v15;
	v15 =	vadd.f32 v23, v0  }
0x69: {  	(erf) = vpow2.f32 v7;
	v4 =	vmax.f32 v8, v4;
	v8 =	vadd.f32 v9, v0  }
0x6a: {  	v19 =	vld [tilespmem:s15+$0xFFFFFFD0];
	v2 =	vadd.f32 v20, v6;
	v6 =	vmul.f32 $2.000000030e-01, v10;
	v12 =	vmul.f32 $2.000000030e-01, v15  }
0x6b: {  	v11 =	vld [tilespmem:s14+$0xFFFFFFD0];
	v9 =	vadd.f32 v18, v0;
	v4 =	vsub.f32 v4, v5;
	v5 =	vmul.f32 $2.000000030e-01, v8  }
0x6c: {  	v17 =	vld [tilespmem:s14+$0xFFFFFFF0];
	v7 =	vmax.f32 v10, v6;
	v10 =	vmax.f32 v15, v12;
	v15 =	vmul.f32 $1.442695020e+00, v3  }
0x6d: {  	v20 =	vld [tilespmem:s15+$0xFFFFFFF0];
	v3 =	vmul.f32 $1.442695020e+00, v4;
	v4 =	vmax.f32 v8, v5;
	v5 =	vmul.f32 $2.000000030e-01, v9  }
0x6e: {  	v22 =	vld [tilespmem:s14+$0xFFFFFFE0]  }
0x6f: {  	v23 =	vld [tilespmem:s14+$0x10];
	v10 =	vsub.f32 v7, v10  }
0x70: {  	(erf) = vpow2.f32 v16;
	v8 =	vld [tilespmem:s15+$0x10];
	v7 =	vsub.f32 v14, v4;
	v14 =	vadd.f32 v19, v11;
	v11 =	vpop (erf)  }
0x71: {  	s7 =	simm.s32 $0x14860;
	(erf) = vpow2.f32 v15;
	v15 =	vmax.f32 v9, v5;
	v9 =	vld [tilespmem:s14+$0x0];
	v5 =	vpop (erf)  }
0x72: {  	v12 =	vadd.f32 v20, v17;
	[tilespmem:s7+$0x30] =	vst v5;
	v5 =	vld [tilespmem:s15+$0x0]  }
0x73: {  	v6 =	vmul.f32 $2.000000030e-01, v2;
	v18 =	vadd.f32 v18, v22;
	v17 =	vadd.f32 v19, v0  }
0x74: {  	v16 =	vmul.f32 $2.000000030e-01, v12;
	v4 =	vadd.f32 v20, v0;
	v22 =	vmul.f32 $1.442695020e+00, v7  }
0x75: {  	s11 =	simm.s32 $0x14860;
	v21 =	vsub.f32 v13, v21;
	v19 =	vmul.f32 $2.000000030e-01, v17;
	v20 =	vmul.f32 $2.000000030e-01, v18;
	[tilespmem:s7+$0x20] =	vst v11;
	v11 =	vpop (erf)  }
0x76: {  	s24 =	simm.s32 $0x8;
	s14 =	simm.s32 $0xCC60;
	v7 =	vmul.f32 $2.000000030e-01, v4;
	v13 =	vadd.f32 v8, v23;
	s15 =	simm.s32 $0x4F60;
	(erf) = vpow2.f32 v22;
	[tilespmem:s7+$0xFFFFFFD0] =	vst v11;
	v11 =	vpop (erf)  }
.LBB2_3:
0x77: {  	v22 =	vld [tilespmem:s14+$0xFFFFFFC0];
	s24 =	sadd.s32 $0x8, s24;
	v23 =	vmul.f32 $2.000000030e-01, v14;
	v24 =	vadd.f32 v5, v9;
	v25 =	vmul.f32 $1.442695020e+00, v21;
	s7 =	sadd.s32 $0x80, s7  }
0x78: {  	v17 =	vmax.f32 v17, v19;
	v8 =	vadd.f32 v8, v0;
	v21 =	vld [tilespmem:s14+$0x30];
	p3 =	slt.u32 s24, $0x3E0;
	v18 =	vmax.f32 v18, v20  }
0x79: {  	v20 =	vmul.f32 $2.000000030e-01, v13;
	v19 =	vld [tilespmem:s15+$0x20];
	v14 =	vmax.f32 v14, v23;
	(erf) = vpow2.f32 v25  }
0x7a: {  	v15 =	vsub.f32 v18, v15;
	v23 =	vld [tilespmem:s15+$0x30];
	v14 =	vsub.f32 v14, v17;
	v17 =	vmul.f32 $2.000000030e-01, v24;
	v9 =	vpop (erf)  }
0x7b: {  	v26 =	vmax.f32 v12, v16;
	v10 =	vmul.f32 $1.442695020e+00, v10;
	v12 =	vmul.f32 $2.000000030e-01, v8;
	v25 =	vld [tilespmem:s15+$0x10];
	[tilespmem:s11+$0x10] =	vst v9;
	v16 =	vpop (erf)  }
0x7c: {  	v2 =	vmax.f32 v2, v6;
	v18 =	vadd.f32 v22, v0;
	v9 =	vld [tilespmem:s15+$0x0];
	v6 =	vmul.f32 $1.442695020e+00, v14;
	[tilespmem:s11+$0xFFFFFFE0] =	vst v16  }
0x7d: {  	v17 =	vmax.f32 v24, v17;
	v14 =	vld [tilespmem:s14+$0x20];
	v16 =	vadd.f32 v21, v0;
	(erf) = vpow2.f32 v10  }
0x7e: {  	v13 =	vmax.f32 v13, v20;
	v8 =	vmax.f32 v8, v12;
	v10 =	vmul.f32 $2.000000030e-01, v18;
	v24 =	vld [tilespmem:s15+$0xFFFFFFD0];
	[tilespmem:s11+$0xFFFFFFC0] =	vst v11  }
0x7f: {  	v11 =	vld [tilespmem:s15+$0xFFFFFFC0];
	v12 =	vadd.f32 v21, v23;
	v20 =	vmul.f32 $2.000000030e-01, v16;
	(erf) = vpow2.f32 v3;
	v3 =	vpop (erf)  }
0x80: {  	v13 =	vsub.f32 v13, v8;
	v10 =	vmax.f32 v18, v10;
	v18 =	vld [tilespmem:s14+$0xFFFFFFE0];
	(erf) = vpow2.f32 v6;
	[tilespmem:s11+$0x0] =	vst v3  }
0x81: {  	v2 =	vsub.f32 v2, v1;
	v8 =	vld [tilespmem:s14+$0x10];
	v3 =	vmul.f32 $2.000000030e-01, v12;
	v6 =	vmax.f32 v16, v20;
	v1 =	vmovc v10  }
0x82: {  	v13 =	vmul.f32 $1.442695020e+00, v13;
	v16 =	vld [tilespmem:s15+$0xFFFFFFF0];
	v10 =	vadd.f32 v14, v19;
	v14 =	vadd.f32 v14, v0;
	v19 =	vpop (erf)  }
0x83: {  	v21 =	vmax.f32 v4, v7;
	v20 =	vld [tilespmem:s15+$0xFFFFFFE0];
	v3 =	vmax.f32 v12, v3;
	v12 =	vmul.f32 $1.442695020e+00, v2;
	[tilespmem:s11+$0xFFFFFFF0] =	vst v19;
	s11 =	smov.u32 s7  }
0x84: {  	v5 =	vadd.f32 v5, v0;
	v2 =	vadd.f32 v22, v11;
	v4 =	vld [tilespmem:s14+$0xFFFFFFD0];
	v7 =	vmul.f32 $2.000000030e-01, v10  }
0x85: {  	v22 =	vmul.f32 $2.000000030e-01, v14;
	v11 =	vadd.f32 v18, v0;
	v19 =	vld [tilespmem:s14+$0xFFFFFFF0];
	(erf) = vpow2.f32 v12  }
0x86: {  	v3 =	vsub.f32 v3, v6;
	v12 =	vmul.f32 $2.000000030e-01, v5;
	v23 =	vmax.f32 v10, v7;
	v10 =	vpop (erf)  }
0x87: {  	v15 =	vmul.f32 $1.442695020e+00, v15;
	v6 =	vmul.f32 $2.000000030e-01, v2;
	v14 =	vmax.f32 v14, v22;
	[tilespmem:s7+$0x20] =	vst v10  }
0x88: {  	v3 =	vmul.f32 $1.442695020e+00, v3;
	v10 =	vsub.f32 v23, v14;
	v5 =	vmax.f32 v5, v12;
	v7 =	vpop (erf)  }
0x89: {  	v22 =	vmul.f32 $2.000000030e-01, v11;
	v23 =	vsub.f32 v17, v5;
	[tilespmem:s7+$0x30] =	vst v7;
	v7 =	vpop (erf);
	(erf) = vpow2.f32 v13  }
.Ltmp2:
0x8a: {  	v14 =	vadd.f32 v4, v24;
	v12 =	vadd.f32 v19, v16;
	v5 =	vld [tilespmem:s14+$0x0];
	[tilespmem:s7+$0xFFFFFFD0] =	vst v7;
	(erf) = vpow2.f32 v15;
	(pc) =	sbr.rel @p3 .LBB2_3-.Ltmp2, $4  }
0x8b: {  	v17 =	vadd.f32 v4, v0;
	v15 =	vmax.f32 v11, v22;
	v4 =	vadd.f32 v19, v0  }
0x8c: {  	v18 =	vadd.f32 v18, v20;
	v22 =	vmul.f32 $1.442695020e+00, v23;
	v16 =	vmul.f32 $2.000000030e-01, v12  }
0x8d: {  	v21 =	vsub.f32 v26, v21;
	v19 =	vmul.f32 $2.000000030e-01, v17;
	v7 =	vmul.f32 $2.000000030e-01, v4  }
0x8e: {  	s15 =	sadd.s32 $0x80, s15;
	v13 =	vadd.f32 v8, v25;
	v20 =	vmul.f32 $2.000000030e-01, v18;
	s14 =	sadd.s32 $0x80, s14;
	v11 =	vpop (erf);
	(erf) = vpow2.f32 v22  }
0x8f: {  	v22 =	vmul.f32 $2.000000030e-01, v14  }
0x90: {  	v9 =	vadd.f32 v5, v9;
	v21 =	vmul.f32 $1.442695020e+00, v21;
	v17 =	vmax.f32 v17, v19  }
0x91: {  	v8 =	vadd.f32 v8, v0;
	v10 =	vmul.f32 $1.442695020e+00, v10;
	v12 =	vmax.f32 v12, v16  }
0x92: {  	v2 =	vmax.f32 v2, v6;
	v5 =	vadd.f32 v5, v0;
	v4 =	vmax.f32 v4, v7  }
0x93: {  	v18 =	vmax.f32 v18, v20;
	v19 =	vmul.f32 $2.000000030e-01, v13;
	v1 =	vsub.f32 v2, v1  }
0x94: {  	v14 =	vmax.f32 v14, v22;
	(erf) = vpow2.f32 v21;
	v16 =	vmul.f32 $2.000000030e-01, v8  }
0x95: {  	v14 =	vsub.f32 v14, v17;
	v17 =	vmul.f32 $2.000000030e-01, v9;
	(erf) = vpow2.f32 v10  }
0x96: {  	v10 =	vmax.f32 v13, v19;
	v8 =	vmax.f32 v8, v16;
	(erf) = vpow2.f32 v3  }
0x97: {  	v3 =	vmul.f32 $2.000000030e-01, v5;
	v6 =	vmul.f32 $1.442695020e+00, v14;
	v2 =	vsub.f32 v10, v8  }
0x98: {  	v15 =	vsub.f32 v18, v15;
	v1 =	vmul.f32 $1.442695020e+00, v1;
	v8 =	vmax.f32 v9, v17  }
0x99: {  	v3 =	vmax.f32 v5, v3;
	(erf) = vpow2.f32 v6;
	v2 =	vmul.f32 $1.442695020e+00, v2  }
0x9a: {  	v3 =	vsub.f32 v8, v3;
	(erf) = vpow2.f32 v1;
	v1 =	vmul.f32 $1.442695020e+00, v15  }
0x9b: {  	(erf) = vpow2.f32 v2  }
0x9c: {  	v2 =	vsub.f32 v12, v4;
	v4 =	vpop (erf);
	(erf) = vpow2.f32 v1;
	v1 =	vmul.f32 $1.442695020e+00, v3;
	_ =	sdelay $0x1  }
0x9d: {  	[tilespmem:s11+$0xFFFFFFC0] =	vst v11;
	v3 =	vpop (erf);
	v2 =	vmul.f32 $1.442695020e+00, v2  }
0x9e: {  	[tilespmem:s11+$0xFFFFFFE0] =	vst v3;
	v3 =	vpop (erf);
	(erf) = vpow2.f32 v1  }
0x9f: {  	[tilespmem:s11+$0x10] =	vst v4;
	v1 =	vpop (erf);
	(erf) = vpow2.f32 v2  }
0xa0: {  	[tilespmem:s11+$0x0] =	vst v3  }
0xa1: {  	s7 =	sadd.s32 $0x80, s7;
	v2 =	vpop (erf);
	[tilespmem:s11+$0xFFFFFFF0] =	vst v1  }
0xa2: {  	v3 =	vpop (erf);
	[tilespmem:s7+$0x20] =	vst v2  }
0xa3: {  	v1 =	vpop (erf);
	[tilespmem:s7+$0x30] =	vst v3  }
0xa4: {  	v2 =	vpop (erf);
	[tilespmem:s7+$0xFFFFFFD0] =	vst v1  }
0xa5: {  	v1 =	vpop (erf);
	[tilespmem:s7+$0xFFFFFFC0] =	vst v2  }
0xa6: {  	[tilespmem:s7+$0x10] =	vst v1;
	v1 =	vpop (erf)  }
0xa7: {  	s24 =	sadd.s32 s3, s10;
	s15 =	smul.u32 $0x1F40, s18;
	[tilespmem:s7+$0xFFFFFFE0] =	vst v1;
	v1 =	vpop (erf)  }
0xa8: {  	s11 =	sshll.u32 s24, $0x1;
	[tilespmem:s7+$0x0] =	vst v1;
	v1 =	vpop (erf)  }
0xa9: {  	s24 =	sshra.s32 s15, $0x2;
	s14 =	sadd.s32 s8, s11;
	[tilespmem:s7+$0xFFFFFFF0] =	vst v1  }
0xaa: {  	[hbm4b:s14+s4] =	stream.linear.scatter [tilespmem:s0], [sflag:$0x3], $0x3E80, $0x38;
	[tilespmem:$0x1EC40] =	vst v63  }
0xab: {  	s7 =	sadd.s32 $0x2710, s24  }
0xac: {  	[spmem:s2] =	stream.indirect.scatter.add.f32 [tilespmem:s0], [sflag:$0x4], $0x10, s7, s25, $0xb8;
	[tilespmem:$0x1EC40] =	vst v63  }
0xad: {  	_ =	swait.ge [sflag:s29], $0x3E80  }
0xae: {  	[sflag:s29] =	ssyncset.done $0x0  }
0xaf: {  	[sflag:s29] =	ssyncadd.s32 $0xFFFFC180  }
0xb0: {  	_ =	swait.ge [sflag:s30], $0x3E80  }
0xb1: {  	[sflag:s30] =	ssyncset.done $0x0  }
0xb2: {  	[sflag:s30] =	ssyncadd.s32 $0xFFFFC180  }
0xb3: {  	_ =	swait.ge [sflag:s23], $0x3E80  }
0xb4: {  	[sflag:s23] =	ssyncset.done $0x0  }
0xb5: {  	[sflag:s23] =	ssyncadd.s32 $0xFFFFC180  }
0xb6: {  	p3 =	seq.s32 s18, $0x4;
	_ =	swait.ge [sflag:s26], $0x3E80  }
0xb7: {  	s11 =	simm.s32 @!p3 $0x3E8;
	[sflag:s26] =	ssyncset.done $0x0  }
0xb8: {  	s14 =	simm.s32 @!p3 $0x4E20;
	s7 =	sadd.s32 @!p3 $0x7D0, s10;
	[sflag:s26] =	ssyncadd.s32 $0xFFFFC180  }
0xb9: {  	[tilespmem:s14], [sflag:$0x1] =	stream.indirect.gather @!p3 [hbm4b:s5+s11], $0x10, s7, s11, $0xb8;
	[tilespmem:$0x1EC40] =	vst v63  }
0xba: {  	s7 =	sadd.s32 @!p3 $0x2EE0, s10;
	s10 =	simm.s32 @!p3 $0xCB20  }
0xbb: {  	[tilespmem:s10], [sflag:$0x2] =	stream.indirect.gather @!p3 [hbm4b:s6+s11], $0x10, s7, s11, $0xb8;
	[tilespmem:$0x1EC40] =	vst v63  }
0xbc: {  	s11 =	simm.s32 $0x109E0  }
0xbd: {  	v1 =	vld [tilespmem:s11+$0xFFFFFFC0]  }
0xbe: {  	s14 =	simm.s32 $0x8CE0;
	v2 =	vld [tilespmem:s11+$0x30]  }
0xbf: {  	v3 =	vld [tilespmem:s14+$0x30]  }
0xc0: {  	v4 =	vld [tilespmem:s14+$0x20]  }
0xc1: {  	v6 =	vld [tilespmem:s11+$0x20];
	_ =	sdelay $0x1  }
0xc2: {  	v7 =	vld [tilespmem:s14+$0xFFFFFFC0]  }
0xc3: {  	v9 =	vld [tilespmem:s14+$0xFFFFFFF0]  }
0xc4: {  	v13 =	vld [tilespmem:s14+$0xFFFFFFE0];
	v8 =	vadd.f32 v2, v0;
	v2 =	vadd.f32 v2, v3  }
0xc5: {  	v3 =	vld [tilespmem:s11+$0xFFFFFFE0];
	v10 =	vadd.f32 v1, v0;
	v4 =	vadd.f32 v6, v4  }
0xc6: {  	s15 =	simm.s32 $0x10A60;
	v14 =	vld [tilespmem:s11+$0xFFFFFFF0];
	v6 =	vadd.f32 v6, v0;
	v11 =	vmul.f32 $2.000000030e-01, v8;
	v12 =	vmul.f32 $2.000000030e-01, v2  }
0xc7: {  	v22 =	vld [tilespmem:s15+$0x30];
	v1 =	vadd.f32 v1, v7;
	v15 =	vmul.f32 $2.000000030e-01, v10;
	v7 =	vmul.f32 $2.000000030e-01, v4  }
0xc8: {  	v5 =	vld [tilespmem:s14+$0x10];
	v16 =	vmul.f32 $2.000000030e-01, v6;
	v8 =	vmax.f32 v8, v11  }
0xc9: {  	v2 =	vmax.f32 v2, v12;
	v11 =	vld [tilespmem:s11+$0xFFFFFFD0];
	v10 =	vmax.f32 v10, v15;
	v4 =	vmax.f32 v4, v7  }
0xca: {  	v12 =	vld [tilespmem:s14+$0xFFFFFFD0];
	v6 =	vmax.f32 v6, v16;
	v15 =	vadd.f32 v3, v0;
	v2 =	vsub.f32 v2, v8  }
0xcb: {  	v17 =	vld [tilespmem:s14+$0x0];
	v7 =	vmul.f32 $2.000000030e-01, v1;
	v4 =	vsub.f32 v4, v6;
	v6 =	vadd.f32 v14, v9  }
0xcc: {  	v24 =	vadd.f32 v22, v0;
	v8 =	vld [tilespmem:s11+$0x10];
	v3 =	vadd.f32 v3, v13;
	v2 =	vmul.f32 $1.442695020e+00, v2  }
0xcd: {  	v9 =	vld [tilespmem:s11+$0x0];
	v7 =	vmax.f32 v1, v7;
	v16 =	vmul.f32 $2.000000030e-01, v15;
	v13 =	vmul.f32 $2.000000030e-01, v6  }
0xce: {  	v4 =	vmul.f32 $1.442695020e+00, v4;
	v7 =	vsub.f32 v7, v10;
	v18 =	vadd.f32 v11, v0  }
0xcf: {  	v11 =	vadd.f32 v11, v12;
	v12 =	vadd.f32 v14, v0;
	v14 =	vmax.f32 v15, v16  }
0xd0: {  	v20 =	vld [tilespmem:s15+$0xFFFFFFC0];
	v16 =	vmul.f32 $2.000000030e-01, v3;
	v13 =	vmax.f32 v6, v13;
	(erf) = vpow2.f32 v4  }
0xd1: {  	v7 =	vmul.f32 $1.442695020e+00, v7;
	v5 =	vadd.f32 v8, v5;
	v15 =	vmul.f32 $2.000000030e-01, v18  }
0xd2: {  	s24 =	simm.s32 $0x8D60;
	v17 =	vadd.f32 v9, v17;
	v8 =	vadd.f32 v8, v0;
	(erf) = vpow2.f32 v2  }
0xd3: {  	v21 =	vmul.f32 $2.000000030e-01, v11;
	v3 =	vmax.f32 v3, v16;
	v15 =	vmax.f32 v18, v15;
	v18 =	vld [tilespmem:s24+$0x30]  }
0xd4: {  	v19 =	vmul.f32 $2.000000030e-01, v12;
	v16 =	vmul.f32 $2.000000030e-01, v5;
	v3 =	vsub.f32 v3, v14  }
0xd5: {  	v23 =	vld [tilespmem:s15+$0x20];
	v6 =	vmul.f32 $2.000000030e-01, v8;
	v11 =	vmax.f32 v11, v21;
	v21 =	vadd.f32 v20, v0  }
0xd6: {  	v14 =	vmul.f32 $2.000000030e-01, v17;
	v11 =	vsub.f32 v11, v15;
	v15 =	vld [tilespmem:s24+$0x20];
	v4 =	vmax.f32 v5, v16  }
0xd7: {  	v5 =	vmax.f32 v8, v6;
	v16 =	vmul.f32 $2.000000030e-01, v24;
	v1 =	vmul.f32 $2.000000030e-01, v21  }
0xd8: {  	v14 =	vmax.f32 v17, v14;
	v6 =	vld [tilespmem:s24+$0xFFFFFFC0];
	v2 =	vsub.f32 v4, v5;
	v8 =	vadd.f32 v22, v18  }
0xd9: {  	v11 =	vmul.f32 $1.442695020e+00, v11;
	v5 =	vmax.f32 v24, v16;
	v1 =	vmax.f32 v21, v1;
	v18 =	vld [tilespmem:s15+$0xFFFFFFE0]  }
0xda: {  	v16 =	vmul.f32 $1.442695020e+00, v2;
	v21 =	vmax.f32 v12, v19;
	v4 =	vmul.f32 $2.000000030e-01, v8  }
0xdb: {  	(erf) = vpow2.f32 v11;
	v10 =	vadd.f32 v23, v15;
	v15 =	vadd.f32 v23, v0  }
0xdc: {  	(erf) = vpow2.f32 v7;
	v4 =	vmax.f32 v8, v4;
	v8 =	vadd.f32 v9, v0  }
0xdd: {  	v19 =	vld [tilespmem:s15+$0xFFFFFFD0];
	v2 =	vadd.f32 v20, v6;
	v6 =	vmul.f32 $2.000000030e-01, v10;
	v12 =	vmul.f32 $2.000000030e-01, v15  }
0xde: {  	v11 =	vld [tilespmem:s24+$0xFFFFFFD0];
	v9 =	vadd.f32 v18, v0;
	v4 =	vsub.f32 v4, v5;
	v5 =	vmul.f32 $2.000000030e-01, v8  }
0xdf: {  	v17 =	vld [tilespmem:s24+$0xFFFFFFF0];
	v7 =	vmax.f32 v10, v6;
	v10 =	vmax.f32 v15, v12;
	v15 =	vmul.f32 $1.442695020e+00, v3  }
0xe0: {  	v20 =	vld [tilespmem:s15+$0xFFFFFFF0];
	v3 =	vmul.f32 $1.442695020e+00, v4;
	v4 =	vmax.f32 v8, v5;
	v5 =	vmul.f32 $2.000000030e-01, v9  }
0xe1: {  	v22 =	vld [tilespmem:s24+$0xFFFFFFE0]  }
0xe2: {  	v23 =	vld [tilespmem:s24+$0x10];
	v10 =	vsub.f32 v7, v10  }
0xe3: {  	(erf) = vpow2.f32 v16;
	v8 =	vld [tilespmem:s15+$0x10];
	v7 =	vsub.f32 v14, v4;
	v14 =	vadd.f32 v19, v11;
	v11 =	vpop (erf)  }
0xe4: {  	s7 =	simm.s32 $0x186E0;
	(erf) = vpow2.f32 v15;
	v15 =	vmax.f32 v9, v5;
	v9 =	vld [tilespmem:s24+$0x0];
	v5 =	vpop (erf)  }
0xe5: {  	v12 =	vadd.f32 v20, v17;
	[tilespmem:s7+$0x30] =	vst v5;
	v5 =	vld [tilespmem:s15+$0x0]  }
0xe6: {  	v6 =	vmul.f32 $2.000000030e-01, v2;
	v18 =	vadd.f32 v18, v22;
	v17 =	vadd.f32 v19, v0  }
0xe7: {  	v16 =	vmul.f32 $2.000000030e-01, v12;
	v4 =	vadd.f32 v20, v0;
	v22 =	vmul.f32 $1.442695020e+00, v7  }
0xe8: {  	s10 =	simm.s32 $0x186E0;
	v21 =	vsub.f32 v13, v21;
	v19 =	vmul.f32 $2.000000030e-01, v17;
	v20 =	vmul.f32 $2.000000030e-01, v18;
	[tilespmem:s7+$0x20] =	vst v11;
	v11 =	vpop (erf)  }
0xe9: {  	s14 =	simm.s32 $0x10AE0;
	s11 =	simm.s32 $0x8;
	v7 =	vmul.f32 $2.000000030e-01, v4;
	v13 =	vadd.f32 v8, v23;
	s15 =	simm.s32 $0x8DE0;
	(erf) = vpow2.f32 v22;
	[tilespmem:s7+$0xFFFFFFD0] =	vst v11;
	v11 =	vpop (erf)  }
.LBB2_5:
0xea: {  	v22 =	vld [tilespmem:s14+$0xFFFFFFC0];
	s11 =	sadd.s32 $0x8, s11;
	v23 =	vmul.f32 $2.000000030e-01, v14;
	v24 =	vadd.f32 v5, v9;
	v25 =	vmul.f32 $1.442695020e+00, v21;
	s7 =	sadd.s32 $0x80, s7  }
0xeb: {  	v17 =	vmax.f32 v17, v19;
	v8 =	vadd.f32 v8, v0;
	v21 =	vld [tilespmem:s14+$0x30];
	p3 =	slt.u32 s11, $0x3E0;
	v18 =	vmax.f32 v18, v20  }
0xec: {  	v20 =	vmul.f32 $2.000000030e-01, v13;
	v19 =	vld [tilespmem:s15+$0x20];
	v14 =	vmax.f32 v14, v23;
	(erf) = vpow2.f32 v25  }
0xed: {  	v15 =	vsub.f32 v18, v15;
	v23 =	vld [tilespmem:s15+$0x30];
	v14 =	vsub.f32 v14, v17;
	v17 =	vmul.f32 $2.000000030e-01, v24;
	v9 =	vpop (erf)  }
0xee: {  	v26 =	vmax.f32 v12, v16;
	v10 =	vmul.f32 $1.442695020e+00, v10;
	v12 =	vmul.f32 $2.000000030e-01, v8;
	v25 =	vld [tilespmem:s15+$0x10];
	[tilespmem:s10+$0x10] =	vst v9;
	v16 =	vpop (erf)  }
0xef: {  	v2 =	vmax.f32 v2, v6;
	v18 =	vadd.f32 v22, v0;
	v9 =	vld [tilespmem:s15+$0x0];
	v6 =	vmul.f32 $1.442695020e+00, v14;
	[tilespmem:s10+$0xFFFFFFE0] =	vst v16  }
0xf0: {  	v17 =	vmax.f32 v24, v17;
	v14 =	vld [tilespmem:s14+$0x20];
	v16 =	vadd.f32 v21, v0;
	(erf) = vpow2.f32 v10  }
0xf1: {  	v13 =	vmax.f32 v13, v20;
	v8 =	vmax.f32 v8, v12;
	v10 =	vmul.f32 $2.000000030e-01, v18;
	v24 =	vld [tilespmem:s15+$0xFFFFFFD0];
	[tilespmem:s10+$0xFFFFFFC0] =	vst v11  }
0xf2: {  	v11 =	vld [tilespmem:s15+$0xFFFFFFC0];
	v12 =	vadd.f32 v21, v23;
	v20 =	vmul.f32 $2.000000030e-01, v16;
	(erf) = vpow2.f32 v3;
	v3 =	vpop (erf)  }
0xf3: {  	v13 =	vsub.f32 v13, v8;
	v10 =	vmax.f32 v18, v10;
	v18 =	vld [tilespmem:s14+$0xFFFFFFE0];
	(erf) = vpow2.f32 v6;
	[tilespmem:s10+$0x0] =	vst v3  }
0xf4: {  	v2 =	vsub.f32 v2, v1;
	v8 =	vld [tilespmem:s14+$0x10];
	v3 =	vmul.f32 $2.000000030e-01, v12;
	v6 =	vmax.f32 v16, v20;
	v1 =	vmovc v10  }
0xf5: {  	v13 =	vmul.f32 $1.442695020e+00, v13;
	v16 =	vld [tilespmem:s15+$0xFFFFFFF0];
	v10 =	vadd.f32 v14, v19;
	v14 =	vadd.f32 v14, v0;
	v19 =	vpop (erf)  }
0xf6: {  	v21 =	vmax.f32 v4, v7;
	v20 =	vld [tilespmem:s15+$0xFFFFFFE0];
	v3 =	vmax.f32 v12, v3;
	v12 =	vmul.f32 $1.442695020e+00, v2;
	[tilespmem:s10+$0xFFFFFFF0] =	vst v19;
	s10 =	smov.u32 s7  }
0xf7: {  	v5 =	vadd.f32 v5, v0;
	v2 =	vadd.f32 v22, v11;
	v4 =	vld [tilespmem:s14+$0xFFFFFFD0];
	v7 =	vmul.f32 $2.000000030e-01, v10  }
0xf8: {  	v22 =	vmul.f32 $2.000000030e-01, v14;
	v11 =	vadd.f32 v18, v0;
	v19 =	vld [tilespmem:s14+$0xFFFFFFF0];
	(erf) = vpow2.f32 v12  }
0xf9: {  	v3 =	vsub.f32 v3, v6;
	v12 =	vmul.f32 $2.000000030e-01, v5;
	v23 =	vmax.f32 v10, v7;
	v10 =	vpop (erf)  }
0xfa: {  	v15 =	vmul.f32 $1.442695020e+00, v15;
	v6 =	vmul.f32 $2.000000030e-01, v2;
	v14 =	vmax.f32 v14, v22;
	[tilespmem:s7+$0x20] =	vst v10  }
0xfb: {  	v3 =	vmul.f32 $1.442695020e+00, v3;
	v10 =	vsub.f32 v23, v14;
	v5 =	vmax.f32 v5, v12;
	v7 =	vpop (erf)  }
0xfc: {  	v22 =	vmul.f32 $2.000000030e-01, v11;
	v23 =	vsub.f32 v17, v5;
	[tilespmem:s7+$0x30] =	vst v7;
	v7 =	vpop (erf);
	(erf) = vpow2.f32 v13  }
.Ltmp3:
0xfd: {  	v14 =	vadd.f32 v4, v24;
	v12 =	vadd.f32 v19, v16;
	v5 =	vld [tilespmem:s14+$0x0];
	[tilespmem:s7+$0xFFFFFFD0] =	vst v7;
	(erf) = vpow2.f32 v15;
	(pc) =	sbr.rel @p3 .LBB2_5-.Ltmp3, $4  }
0xfe: {  	v17 =	vadd.f32 v4, v0;
	v15 =	vmax.f32 v11, v22;
	v4 =	vadd.f32 v19, v0  }
0xff: {  	v18 =	vadd.f32 v18, v20;
	v22 =	vmul.f32 $1.442695020e+00, v23;
	v16 =	vmul.f32 $2.000000030e-01, v12  }
0x100: {  	v21 =	vsub.f32 v26, v21;
	v19 =	vmul.f32 $2.000000030e-01, v17;
	v7 =	vmul.f32 $2.000000030e-01, v4  }
0x101: {  	s15 =	sadd.s32 $0x80, s15;
	v13 =	vadd.f32 v8, v25;
	v20 =	vmul.f32 $2.000000030e-01, v18;
	s14 =	sadd.s32 $0x80, s14;
	v11 =	vpop (erf);
	(erf) = vpow2.f32 v22  }
0x102: {  	v22 =	vmul.f32 $2.000000030e-01, v14  }
0x103: {  	v9 =	vadd.f32 v5, v9;
	v21 =	vmul.f32 $1.442695020e+00, v21;
	v17 =	vmax.f32 v17, v19  }
0x104: {  	v8 =	vadd.f32 v8, v0;
	v10 =	vmul.f32 $1.442695020e+00, v10;
	v12 =	vmax.f32 v12, v16  }
0x105: {  	v2 =	vmax.f32 v2, v6;
	v60 =	vadd.f32 v5, v0;
	v4 =	vmax.f32 v4, v7  }
0x106: {  	v18 =	vmax.f32 v18, v20;
	v56 =	vmul.f32 $2.000000030e-01, v13;
	v1 =	vsub.f32 v2, v1  }
0x107: {  	v14 =	vmax.f32 v14, v22;
	(erf) = vpow2.f32 v21;
	v58 =	vmul.f32 $2.000000030e-01, v8  }
0x108: {  	v57 =	vmul.f32 $2.000000030e-01, v9;
	v14 =	vsub.f32 v14, v17;
	(erf) = vpow2.f32 v10  }
0x109: {  	v61 =	vmax.f32 v13, v56;
	v8 =	vmax.f32 v8, v58;
	(erf) = vpow2.f32 v3  }
0x10a: {  	v3 =	vmul.f32 $2.000000030e-01, v60;
	v59 =	vmul.f32 $1.442695020e+00, v14;
	v2 =	vsub.f32 v61, v8  }
0x10b: {  	v15 =	vsub.f32 v18, v15;
	v1 =	vmul.f32 $1.442695020e+00, v1;
	v62 =	vmax.f32 v9, v57  }
0x10c: {  	v3 =	vmax.f32 v60, v3;
	(erf) = vpow2.f32 v59;
	v2 =	vmul.f32 $1.442695020e+00, v2  }
0x10d: {  	v3 =	vsub.f32 v62, v3;
	(erf) = vpow2.f32 v1;
	v1 =	vmul.f32 $1.442695020e+00, v15  }
0x10e: {  	(erf) = vpow2.f32 v2;
	v2 =	vsub.f32 v12, v4  }
0x10f: {  	v63 =	vpop (erf);
	(erf) = vpow2.f32 v1;
	v1 =	vmul.f32 $1.442695020e+00, v3  }
0x110: {  	[tilespmem:s10+$0xFFFFFFC0] =	vst v11;
	v2 =	vmul.f32 $1.442695020e+00, v2  }
0x111: {  	[tilespmem:s10+$0x10] =	vst v63;
	v3 =	vpop (erf);
	(erf) = vpow2.f32 v1  }
0x112: {  	[tilespmem:s10+$0xFFFFFFE0] =	vst v3;
	v3 =	vpop (erf);
	(erf) = vpow2.f32 v2  }
0x113: {  	[tilespmem:s10+$0x0] =	vst v3;
	v1 =	vpop (erf)  }
0x114: {  	s7 =	sadd.s32 $0x80, s7;
	v2 =	vpop (erf);
	[tilespmem:s10+$0xFFFFFFF0] =	vst v1  }
0x115: {  	v3 =	vpop (erf);
	[tilespmem:s7+$0x20] =	vst v2  }
0x116: {  	v1 =	vpop (erf);
	[tilespmem:s7+$0x30] =	vst v3  }
0x117: {  	v2 =	vpop (erf);
	[tilespmem:s7+$0xFFFFFFD0] =	vst v1  }
0x118: {  	v1 =	vpop (erf);
	[tilespmem:s7+$0xFFFFFFC0] =	vst v2  }
0x119: {  	s9 =	sadd.s32 s3, s9;
	s18 =	sadd.s32 $0x1, s18;
	[tilespmem:s7+$0x10] =	vst v1;
	v1 =	vpop (erf)  }
0x11a: {  	s9 =	sshll.u32 s9, $0x1;
	p3 =	sne.s32 s18, $0x5;
	[tilespmem:s7+$0xFFFFFFE0] =	vst v1;
	v1 =	vpop (erf)  }
.Ltmp4:
0x11b: {  	s9 =	sand.u32 $0x1FFFFFF0, s9;
	[tilespmem:s7+$0x0] =	vst v1;
	v1 =	vpop (erf);
	(pc) =	sbr.rel @p3 .LBB2_2-.Ltmp4, $4  }
0x11c: {  	s24 =	sadd.s32 s8, s9;
	[tilespmem:s7+$0xFFFFFFF0] =	vst v1  }
0x11d: {  	[hbm4b:s24+s4] =	stream.linear.scatter [tilespmem:s28], [sflag:$0x3], $0x3E80, $0x38;
	[tilespmem:$0x1EC40] =	vst v63  }
0x11e: {  	_ = 	snop  }
0x11f: {  	[spmem:s2] =	stream.indirect.scatter.add.f32 [tilespmem:s28], [sflag:$0x4], $0x10, s13, s25, $0xb8;
	[tilespmem:$0x1EC40] =	vst v63  }
0x120: {  	_ =	swait.ge [sflag:s23], $0x3E80  }
0x121: {  	[sflag:s23] =	ssyncset.done $0x0  }
0x122: {  	[sflag:s23] =	ssyncadd.s32 $0xFFFFC180  }
.Ltmp5:
0x123: {  	_ =	swait.ge [sflag:s26], $0x3E80;
	(pc) =	sbr.rel @!p0 .LBB2_8-.Ltmp5, $3  }
0x124: {  	[sflag:s26] =	ssyncset.done $0x0  }
0x125: {  	[sflag:s26] =	ssyncadd.s32 $0xFFFFC180  }
0x126: {  	[bflag:$0x0] =	sbarrier.arrive $0xFFFF;
	_ =	sdelay $0x1  }
0x127: {  	s7 =	rddreg [dreg:$0xb]  }
0x128: {  	[hbm:s7], [sflag:s12] =	dma.local [spmem:s20], $0x4E0  }
.Ltmp6:
0x129: {  	_ = 	snop;
	(pc) =	sbr.rel @p1 .LBB2_11-.Ltmp6, $4  }
.Ltmp7:
0x12a: {  	_ = 	snop;
	(pc) =	sbr.rel @!p1 .LBB2_10-.Ltmp7, $4  }
0x12b: {  	_ =	swait.ge [sflag:s21], $0x4E0  }
0x12c: {  	[sflag:s21] =	ssyncset.done $0x0  }
0x12d: {  	s7 =	rddreg [dreg:$0x5];
	[sflag:s21] =	ssyncadd.s32 $0xFFFFFB20  }
0x12e: {  	_ = 	snop  }
.LBB2_8:
0x12f: {  	s7 =	rddreg [dreg:$0xa]  }
0x130: {  	[hbm:s7], [sflag:s12] =	dma.local [spmem:s20], $0x4E0  }
.Ltmp8:
0x131: {  	_ = 	snop;
	(pc) =	sbr.rel @p2 .LBB2_10-.Ltmp8, $4  }
.Ltmp9:
0x132: {  	_ = 	snop;
	(pc) =	sbr.rel @!p2 .LBB2_11-.Ltmp9, $4  }
0x133: {  	_ =	swait.ge [sflag:s21], $0x4E0  }
0x134: {  	[sflag:s21] =	ssyncset.done $0x0  }
0x135: {  	s7 =	rddreg [dreg:$0x4];
	[sflag:s21] =	ssyncadd.s32 $0xFFFFFB20  }
0x136: {  	_ = 	snop  }
.LBB2_12:
0x137: {  	_ =	sfence.sel $0x180000  }
0x138: {  	[bflag:$0x0] =	sbarrier.arrive $0xFFFF  }
0x139: {  	_ =	strace $0x90000047  }
0x13a: {  	s0 =	stileid.u32;
	[bflag:$0x2] =	sbarrier.arrive $0xFFFF  }
0x13b: {  	p0 =	sne.s32 s0, $0x0;
	s0 =	rddreg [dreg:$0x2]  }
0x13c: {  	s0 =	sadd.s32 @!p0 $0x100000, s0  }
0x13d: {  	[sflag:s0] =	ssyncadd.tile.s32 @!p0 $0x1;
	_ =	shalt  }
.Lfunc_end2:
_tile_overlayer_lowered:
.L_overlay_start_2:
0x13e: {  	(tag) =	ssettag $0x2  }
0x13f: {  	s0 =	rddreg [dreg:$0x0];
	s2 =	stileid.u32  }
0x140: {  	s1 =	rddreg [dreg:$0x1];
	p0 =	sne.s32 s2, $0x0  }
0x141: {  	s3 =	rddreg [dreg:$0x2];
	[bflag:$0x3] =	sbarrier.arrive $0xFFFF;
	s2 =	simm.s32 @!p0 $0x1C05  }
0x142: {  	[timem:s3], [sflag:s2] =	dma.local @!p0 [hbm:s0], s1  }
0x143: {  	s0 =	simm.s32 @!p0 $0x5  }
0x144: {  	_ =	swait.ge @!p0 [sflag:s0], s1  }
0x145: {  	s1 =	ssub.s32 @!p0 $0x0, s1;
	[sflag:s0] =	ssyncset.done @!p0 $0x0  }
0x146: {  	[sflag:s0] =	ssyncadd.s32 @!p0 s1  }
0x147: {  	[bflag:$0x3] =	sbarrier.arrive $0xFFFF  }
0x148: {  	_ =	shalt  }

// kernel: closed_call.48.cloned.1.call-start
scs
__scs_entry_jumppad:
0x0: {  	(pc) =	sbr.rel $0x88, $3  }
0x1: {  	(tag) =	ssettag $0x0;
	lr =	simm.s32 $0x1  }
0x2: {  	[smem:$0x3F96] =	sst lr;
	_ =	strace $0xD0000000  }
0x3: {  	_ = 	snop  }
0x4: {  	_ = 	snop  }
0x5: {  	_ = 	snop  }
0x6: {  	_ = 	snop  }
0x7: {  	_ = 	snop  }
__scs_overlays_trampoline_lowered:
0x8: {  	[smem:$0x3FA5] =	sst s0  }
0x9: {  	[smem:$0x3FA6] =	sst s1  }
0xa: {  	[smem:$0x3FA7] =	sst s2  }
0xb: {  	[smem:$0x3FA8] =	sst s3  }
0xc: {  	[smem:$0x3FA9] =	sst s4  }
0xd: {  	[smem:$0x3FAA] =	sst s5  }
0xe: {  	[smem:$0x3FAB] =	sst s6  }
0xf: {  	[smem:$0x3FAC] =	sst s7  }
0x10: {  	[smem:$0x3FAD] =	sst s8  }
0x11: {  	[smem:$0x3FAE] =	sst s9;
	s0 =	simm.s32 @!p0 $0x0  }
0x12: {  	s1 =	sld [smem:$0x3F94];
	s0 =	simm.s32 @p0 $0x1  }
0x13: {  	[smem:$0x3FAF] =	sst s0;
	s0 =	simm.s32 @!p1 $0x0  }
0x14: {  	s2 =	sld [smem:$0x3F93];
	s0 =	simm.s32 @p1 $0x1  }
0x15: {  	[smem:$0x3FB0] =	sst s0;
	s0 =	simm.s32 @!p2 $0x0  }
0x16: {  	s3 =	sld [smem:$0x3FDB];
	s0 =	simm.s32 @p2 $0x1  }
0x17: {  	s4 =	simm.s32 $0x1BF5;
	[smem:$0x3FB2] =	sst s0  }
0x18: {  	s0 =	sld [smem:$0x3F95];
	_ =	swait.ge [sflag:s4], $0x0  }
0x19: {  	s7 =	sld [smem:$0x3F96]  }
0x1a: {  	s8 =	sadd.s32 $0xFFFFE003, lr  }
0x1b: {  	s9 =	sadd.s32 $0xFFFFFEF7, lr;
	s5 =	simm.s32 $0xFFFFFFFF;
	p2 =	slt.u32 s8, $0xFFFFF086  }
0x1c: {  	p1 =	slt.u32 s9, $0xF7A;
	s5 =	simm.s32 @!p2 $0x0  }
0x1d: {  	s5 =	simm.s32 @p1 $0x1;
	p0 =	seq.s32 s7, s2  }
0x1e: {  	s7 =	smul.u32 @!p0 $0xF7A, s2;
	p2 =	seq.s32 @!p0 s5, $0x0  }
0x1f: {  	s9 =	smul.u32 $0xF7A, s1;
	s8 =	simm.s32 @!p0 $0x1BF5;
	p2 =	por !p2, p0  }
0x20: {  	[sflag:s8] =	ssyncset.s32 @!p0 $0xFFFFF086;
	s6 =	sadd.s32 @!p0 s3, s7;
	s7 =	simm.s32 @!p0 $0x108  }
0x21: {  	s3 =	sadd.s32 s3, s9;
	s6 =	sadd.s32 @!p0 $0x88, s6;
	s7 =	simm.s32 @p2 $0x1082  }
0x22: {  	[simem:s7], [sflag:s8] =	dma.local @!p0 [hbm:s6], $0xF7A  }
0x23: {  	s9 =	sor.u32 $0xD0000000, s2;
	s6 =	simm.s32 $0x108;
	_ =	swait.ge @!p0 [sflag:s8], $0x0  }
0x24: {  	s3 =	sadd.s32 $0x88, s3;
	s6 =	simm.s32 @!p1 $0x1082;
	[sflag:s4] =	ssyncset.s32 $0xFFFFF086  }
0x25: {  	[simem:s6], [sflag:s4] =	dma.local [hbm:s3], $0xF7A  }
0x26: {  	[smem:$0x3F96] =	sst s1;
	(tag) =	ssettag s2;
	_ =	strace s9  }
0x27: {  	s1 =	sld [smem:$0x3FA6]  }
0x28: {  	s2 =	sld [smem:$0x3FA7]  }
0x29: {  	s4 =	sld [smem:$0x3FA9]  }
0x2a: {  	p0 =	seq.s32 s5, $0x0;
	s5 =	sld [smem:$0x3FAA]  }
0x2b: {  	s6 =	sld [smem:$0x3FAB]  }
0x2c: {  	s7 =	sld [smem:$0x3FAC]  }
0x2d: {  	s3 =	simm.s32 $0x108;
	s8 =	sld [smem:$0x3FAD]  }
0x2e: {  	s3 =	simm.s32 @!p0 $0x1082;
	s9 =	sld [smem:$0x3FAE]  }
0x2f: {  	lr =	sadd.s32 s0, s3;
	s0 =	sld [smem:$0x3FA5]  }
0x30: {  	s3 =	sld [smem:$0x3FA8]  }
0x31: {  	[smem:$0x3FB1] =	sst s10  }
0x32: {  	s10 =	sld [smem:$0x3FAF];
	_ =	sdelay $0x3  }
0x33: {  	p0 =	seq.s32 s10, $0x1;
	s10 =	sld [smem:$0x3FB1];
	_ =	sdelay $0x3  }
0x34: {  	[smem:$0x3FB1] =	sst s10  }
0x35: {  	s10 =	sld [smem:$0x3FB0];
	_ =	sdelay $0x3  }
0x36: {  	p1 =	seq.s32 s10, $0x1;
	s10 =	sld [smem:$0x3FB1];
	_ =	sdelay $0x3  }
0x37: {  	[smem:$0x3FB1] =	sst s10  }
0x38: {  	s10 =	sld [smem:$0x3FB2]  }
0x39: {  	_ = 	snop;
	(pc) =	sbr.ind lr, $3  }
0x3a: {  	_ = 	snop  }
0x3b: {  	_ = 	snop  }
0x3c: {  	p2 =	seq.s32 s10, $0x1;
	s10 =	sld [smem:$0x3FB1]  }
0x3d: {  	_ =	shalt  }
0x3e: {  	_ =	shalt  }
0x3f: {  	_ =	shalt  }
0x40: {  	_ =	shalt  }
0x41: {  	_ =	shalt  }
0x42: {  	_ =	shalt  }
0x43: {  	_ =	shalt  }
0x44: {  	_ =	shalt  }
0x45: {  	_ =	shalt  }
0x46: {  	_ =	shalt  }
0x47: {  	_ =	shalt  }
0x48: {  	_ =	shalt  }
0x49: {  	_ =	shalt  }
0x4a: {  	_ =	shalt  }
0x4b: {  	_ =	shalt  }
0x4c: {  	_ =	shalt  }
0x4d: {  	_ =	shalt  }
0x4e: {  	_ =	shalt  }
0x4f: {  	_ =	shalt  }
0x50: {  	_ =	shalt  }
0x51: {  	_ =	shalt  }
0x52: {  	_ =	shalt  }
0x53: {  	_ =	shalt  }
0x54: {  	_ =	shalt  }
0x55: {  	_ =	shalt  }
0x56: {  	_ =	shalt  }
0x57: {  	_ =	shalt  }
0x58: {  	_ =	shalt  }
0x59: {  	_ =	shalt  }
0x5a: {  	_ =	shalt  }
0x5b: {  	_ =	shalt  }
0x5c: {  	_ =	shalt  }
0x5d: {  	_ =	shalt  }
0x5e: {  	_ =	shalt  }
0x5f: {  	_ =	shalt  }
0x60: {  	_ =	shalt  }
0x61: {  	_ =	shalt  }
0x62: {  	_ =	shalt  }
0x63: {  	_ =	shalt  }
0x64: {  	_ =	shalt  }
0x65: {  	_ =	shalt  }
0x66: {  	_ =	shalt  }
0x67: {  	_ =	shalt  }
0x68: {  	_ =	shalt  }
0x69: {  	_ =	shalt  }
0x6a: {  	_ =	shalt  }
0x6b: {  	_ =	shalt  }
0x6c: {  	_ =	shalt  }
0x6d: {  	_ =	shalt  }
0x6e: {  	_ =	shalt  }
0x6f: {  	_ =	shalt  }
0x70: {  	_ =	shalt  }
0x71: {  	_ =	shalt  }
0x72: {  	_ =	shalt  }
0x73: {  	_ =	shalt  }
0x74: {  	_ =	shalt  }
0x75: {  	_ =	shalt  }
0x76: {  	_ =	shalt  }
0x77: {  	_ =	shalt  }
0x78: {  	_ =	shalt  }
0x79: {  	_ =	shalt  }
0x7a: {  	_ =	shalt  }
0x7b: {  	_ =	shalt  }
0x7c: {  	_ =	shalt  }
0x7d: {  	_ =	shalt  }
0x7e: {  	_ =	shalt  }
0x7f: {  	_ =	shalt  }
0x80: {  	_ =	shalt  }
0x81: {  	_ =	shalt  }
0x82: {  	_ =	shalt  }
0x83: {  	_ =	shalt  }
0x84: {  	_ =	shalt  }
0x85: {  	_ =	shalt  }
0x86: {  	_ =	shalt  }
0x87: {  	_ =	shalt  }
.Lfunc_end0:
.L_simem_size_0:
called_computation.1_lowered:
.L_overlay_start_0:
0x88: {  	s2 =	sld [smem:$0x3FD9]  }
0x89: {  	s3 =	sld [smem:$0x3FFE];
	_ =	sdelay $0x1  }
0x8a: {  	s1 =	srdreg.scid  }
0x8b: {  	s0 =	sand.u32 $0x1, s1  }
0x8c: {  	s16 =	sshll.u32 s0, $0xA;
	s2 =	sadd.s32 s3, s2  }
0x8d: {  	s2 =	sadd.s32 s2, s16  }
0x8e: {  	[smem:$0x3FBD] =	sst s2  }
0x8f: {  	_ = 	snop  }
0x90: {  	(tm) =	ssettm $0x1  }
0x91: {  	s17 =	sld [smem:$0x3FFB];
	_ =	sdelay $0x3  }
0x92: {  	_ =	strace s17  }
0x93: {  	s2 =	sld [smem:$0x3FFC];
	_ =	sdelay $0x3  }
0x94: {  	_ =	strace s2  }
0x95: {  	s2 =	sld [smem:$0x3FFD];
	_ =	sdelay $0x3  }
0x96: {  	_ =	strace s2  }
0x97: {  	_ =	strace $0x8FFFFFFF  }
0x98: {  	s18 =	sld [smem:$0x3FDB];
	_ =	sdelay $0x1  }
0x99: {  	s19 =	simm.s32 $_scs_section_size  }
0x9a: {  	s4 =	simm.s32 $_size__tile_overlayer_lowered;
	s5 =	simm.s32 $_tile_overlayer_lowered  }
0x9b: {  	s22 =	simm.s32 $0x1BFF;
	s21 =	sshll.u32 s5, $0x1;
	s2 =	sadd.s32 s19, s18  }
0x9c: {  	s6 =	simm.s32 $0x0;
	s20 =	sshll.u32 s4, $0x1;
	s4 =	sadd.s32 s21, s2  }
0x9d: {  	[timem:s6], [sflag:s22] =	dma.local [hbm:s4], s20  }
0x9e: {  	_ =	swait.ge [sflag:s22], s20  }
0x9f: {  	s3 =	ssub.s32 $0x0, s20;
	[sflag:s22] =	ssyncset.done $0x0  }
0xa0: {  	[sflag:s22] =	ssyncadd.s32 s3;
	_ =	sdelay $0x1  }
0xa1: {  	s23 =	simm.s32 $0x1B8B  }
0xa2: {  	_ =	swait.ge [sflag:s23], $0x1  }
0xa3: {  	[sflag:s23] =	ssyncset.done $0x0  }
0xa4: {  	s25 =	simm.s32 $0x1B8E;
	s24 =	sld [smem:$0x3FFE];
	[sflag:s23] =	ssyncadd.s32 $0xFFFFFFFF  }
0xa5: {  	s26 =	simm.s32 $execute0_lowered;
	[smem:$0x3FD2] =	sst s25  }
0xa6: {  	s4 =	sshll.u32 s26, $0x1;
	_ =	strace $0x80000049;
	[dreg:$0x1] =	wrdreg $0xFFFFFFFF  }
0xa7: {  	s28 =	simm.s32 $_size_execute0_lowered;
	s2 =	sadd.s32 s2, s4;
	[dreg:$0x0] =	wrdreg $0x0  }
0xa8: {  	s4 =	sshll.u32 s28, $0x1;
	[dreg:$0x2] =	wrdreg s2  }
0xa9: {  	[dreg:$0x3] =	wrdreg s4  }
0xaa: {  	[dreg:$0x4] =	wrdreg $0xC0  }
0xab: {  	_ =	task [dreg:s6], $0x5FFFF  }
0xac: {  	[dreg:$0x1] =	wrdreg $0xFFFFFFFF  }
0xad: {  	[dreg:$0x0] =	wrdreg $0x60  }
0xae: {  	[dreg:$0x2] =	wrdreg s24  }
0xaf: {  	[dreg:$0x3] =	wrdreg $0xB2200  }
0xb0: {  	[dreg:$0x4] =	wrdreg $0x9  }
0xb1: {  	_ =	task.clear_ibuf [dreg:s6], $0x5FFFF;
	_ =	strace $0x90000049  }
0xb2: {  	s29 =	simm.s32 $0x9;
	_ =	strace $0x8000004B  }
0xb3: {  	_ =	swait.ge [sflag:s29], $0x1  }
0xb4: {  	[sflag:s29] =	ssyncadd.s32 $0xFFFFFFFF  }
0xb5: {  	_ =	strace $0x9000004B  }
0xb6: {  	_ =	sfence  }
0xb7: {  	s30 =	sld [smem:$0x0];
	_ =	sdelay $0x2  }
0xb8: {  	s31 =	sshll.u32 s1, $0xD;
	s1 =	sshrl.u32 s1, $0x2  }
0xb9: {  	s3 =	sand.u32 $0x4000, s31;
	s1 =	sadd.s32 s1, s30  }
0xba: {  	s0 =	sor.u32 s3, s0;
	s1 =	sshll.u32 s1, $0x11  }
0xbb: {  	s0 =	sor.u32 s1, s0  }
0xbc: {  	s0 =	sadd.s32 $0x8F2B, s0  }
0xbd: {  	[sflag:s0] =	ssyncadd.remote.s32 $0x1  }
0xbe: {  	_ =	sfence.sel $0xFFFF  }
0xbf: {  	[dreg:$0x0] =	wrdreg $0xFFFFFFFF;
	(pc) =	sbr.abs _section_cstart, $3  }
0xc0: {  	[dreg:$0x1] =	wrdreg $0xFFFFFFFF  }
0xc1: {  	_ =	task.clear_ibuf [dreg:s6], $0x2FFFF;
	_ =	strace $0x9FFFFFFF  }
0xc2: {  	(tm) =	ssettm $0x7FFFFFFF  }
0xc3: {  	_ =	shalt  }
tec
execute0_lowered:
.L_overlay_start_1:
0x0: {  	(tag) =	ssettag $0x1  }
0x1: {  	s0 =	srdreg.scid;
	s8 =	rddreg [dreg:$0x0]  }
0x2: {  	s15 =	stileid.u32;
	s2 =	rddreg [dreg:$0x1]  }
0x3: {  	s4 =	simm.s32 $0x0;
	s21 =	simm.s32 $0x5;
	s28 =	simm.s32 $0x1  }
0x4: {  	s29 =	simm.s32 $0x2;
	s30 =	simm.s32 $0x3;
	s31 =	simm.s32 $0x7620  }
0x5: {  	s18 =	simm.s32 $0x0;
	s0 =	sand.u32 $0x1, s0;
	s1 =	sshll.u32 s15, $0x1  }
0x6: {  	[smem:$0x7FF] =	sst s4;
	s9 =	smul.u32 $0x13800, s15;
	s6 =	sadd.s32 $0x121200, s8  }
0x7: {  	s7 =	sadd.s32 $0x108000, s8;
	s16 =	sadd.s32 $0x6B200, s8;
	s17 =	sadd.s32 $0x92400, s8  }
0x8: {  	s22 =	sshll.u32 s15, $0x6;
	p1 =	sne.s32 s15, $0xF;
	p2 =	seq.s32 s15, $0xF  }
0x9: {  	s1 =	sor.u32 s0, s1;
	_ =	strace $0x8000004A;
	[dreg:$0x3] =	wrdreg s16  }
0xa: {  	s12 =	ssub.s32 $0x2, s0;
	p0 =	seq.s32 s0, $0x1;
	[dreg:$0x4] =	wrdreg s17  }
0xb: {  	s0 =	simm.s32 $0xA320;
	s3 =	smul.u32 $0x2710, s1;
	s13 =	sshrl.u32 s9, $0x3  }
0xc: {  	s14 =	sshrl.u32 s12, $0x1;
	s9 =	sadd.s32 s9, s2;
	s1 =	smul.u32 $0x4E20, s1  }
0xd: {  	s11 =	sadd.s32 s13, s8;
	s14 =	ssub.s32 s12, s14;
	s12 =	sadd.s32 $0x138000, s2  }
0xe: {  	s25 =	sadd.s32 s16, s13;
	s26 =	sadd.s32 s17, s13;
	s20 =	sshrl.u32 s9, $0x3  }
0xf: {  	s17 =	simm.s32 $0x4;
	s5 =	sshrl.u32 s3, $0x3;
	[dreg:$0xa] =	wrdreg s25  }
0x10: {  	s11 =	sadd.s32 $0x1BD600, s11;
	s1 =	sadd.s32 s6, s1;
	[dreg:$0xb] =	wrdreg s26  }
0x11: {  	s19 =	smax.u32 s14, $0x1;
	s25 =	simm.s32 $0xA820;
	s26 =	simm.s32 $0x9E20  }
.Ltmp0:
0x12: {  	s10 =	sadd.s32 s5, s8;
	[dreg:$0x5] =	wrdreg s11;
	(pc) =	sbr.rel .LBB2_1-.Ltmp0, $4  }
0x13: {  	s5 =	sadd.s32 $0xE0E00, s8;
	s8 =	sadd.s32 $0x1E4600, s8;
	[dreg:$0x9] =	wrdreg s1  }
0x14: {  	s11 =	sor.u32 $0x1C05, s22;
	[dreg:$0x6] =	wrdreg s8;
	s23 =	sadd.s32 $0xC3400, s10  }
0x15: {  	s1 =	simm.s32 $0xAD20;
	s24 =	sadd.s32 $0xCD200, s10;
	[dreg:$0x7] =	wrdreg s23  }
0x16: {  	[dreg:$0x8] =	wrdreg s24;
	s23 =	simm.s32 $0x50;
	s24 =	simm.s32 $0x4E20  }
.LBB2_12:
0x17: {  	s8 =	sadd.s32 $0x27000, s8;
	s9 =	sshrl.u32 s12, $0x3  }
0x18: {  	[hbm:s8], [sflag:s11] =	dma.local [spmem:s9], $0x100  }
0x19: {  	_ =	swait.ge [sflag:s21], $0x100  }
0x1a: {  	[sflag:s21] =	ssyncset.done $0x0  }
0x1b: {  	[sflag:s21] =	ssyncadd.s32 $0xFFFFFF00  }
.LBB2_13:
0x1c: {  	s18 =	sadd.s32 $0x1, s18  }
0x1d: {  	p3 =	sne.s32 s18, s19  }
.Ltmp1:
0x1e: {  	_ = 	snop;
	(pc) =	sbr.rel @!p3 .LBB2_14-.Ltmp1, $1  }
0x1f: {  	_ =	sdelay $0x3  }
.LBB2_1:
0x20: {  	s8 =	rddreg [dreg:$0x5]  }
0x21: {  	[spmem:s20], [sflag:s11] =	dma.local [hbm:s8], $0x2700  }
0x22: {  	_ =	swait.ge [sflag:s21], $0x2700  }
0x23: {  	[sflag:s21] =	ssyncset.done $0x0  }
0x24: {  	s8 =	sshrl.u32 @!p1 s12, $0x3;
	s9 =	rddreg [dreg:$0x6];
	[sflag:s21] =	ssyncadd.s32 $0xFFFFD900  }
0x25: {  	[spmem:s8], [sflag:s11] =	dma.local @!p1 [hbm:s9], $0x100  }
0x26: {  	s8 =	simm.s32 @!p1 $0x5  }
0x27: {  	_ =	swait.ge @!p1 [sflag:s8], $0x100  }
0x28: {  	[sflag:s8] =	ssyncset.done @!p1 $0x0  }
0x29: {  	s14 =	rddreg [dreg:$0x7];
	[sflag:s8] =	ssyncadd.s32 @!p1 $0xFFFFFF00  }
0x2a: {  	[tilespmem:s4], [sflag:$0x5] =	stream.linear.gather [hbm4b:s14+s4], $0x2710, $0x38;
	[tilespmem:$0x1EAA0] =	vst v63  }
0x2b: {  	_ =	swait.ge [sflag:s21], $0x2710  }
0x2c: {  	[sflag:s21] =	ssyncset.done $0x0  }
0x2d: {  	s16 =	simm.s32 $0x2710;
	s15 =	rddreg [dreg:$0x8];
	[sflag:s21] =	ssyncadd.s32 $0xFFFFD8F0  }
0x2e: {  	[tilespmem:s16], [sflag:$0x5] =	stream.linear.gather [hbm4b:s15+s4], $0x2710, $0x38;
	[tilespmem:$0x1EAA0] =	vst v63  }
0x2f: {  	_ =	swait.ge [sflag:s21], $0x2710  }
0x30: {  	[sflag:s21] =	ssyncset.done $0x0  }
0x31: {  	[sflag:s21] =	ssyncadd.s32 $0xFFFFD8F0  }
0x32: {  	[bflag:$0x0] =	sbarrier.arrive $0xFFFF  }
0x33: {  	[tilespmem:s24], [sflag:$0x1] =	stream.indirect.gather [hbm4b:s5+s23], $0x80, s4, s23, $0xb8;
	[tilespmem:$0x1EAA0] =	vst v63  }
0x34: {  	_ = 	snop  }
0x35: {  	[tilespmem:s25], [sflag:$0x2] =	stream.indirect.gather [hbm4b:s7+s23], $0x10, s16, s23, $0xb8;
	[tilespmem:$0x1EAA0] =	vst v63  }
0x36: {  	s8 =	simm.s32 $0x0;
	s22 =	rddreg [dreg:$0x9]  }
0x37: {  	[tilespmem:s26], [sflag:$0x3] =	stream.linear.gather [hbm4b:s22+s4], $0x500, $0x38;
	[tilespmem:$0x1EAA0] =	vst v63  }
.LBB2_2:
0x38: {  	_ =	swait.ge [sflag:s28], $0x2800  }
0x39: {  	[sflag:s28] =	ssyncset.done $0x0  }
0x3a: {  	[sflag:s28] =	ssyncadd.s32 $0xFFFFD800  }
0x3b: {  	_ =	swait.ge [sflag:s29], $0x500  }
0x3c: {  	[sflag:s29] =	ssyncset.done $0x0  }
0x3d: {  	[sflag:s29] =	ssyncadd.s32 $0xFFFFFB00  }
0x3e: {  	_ =	swait.ge [sflag:s30], $0x500  }
0x3f: {  	p3 =	seq.s32 s8, $0x0;
	[sflag:s30] =	ssyncset.done $0x0  }
0x40: {  	s9 =	simm.s32 @!p3 $0x4;
	[sflag:s30] =	ssyncadd.s32 $0xFFFFFB00  }
0x41: {  	s22 =	smul.u32 $0xA0, s8;
	_ =	swait.ge @!p3 [sflag:s9], $0x2800  }
0x42: {  	[sflag:s9] =	ssyncset.done @!p3 $0x0  }
0x43: {  	s10 =	sadd.s32 $0x50, s22;
	[sflag:s9] =	ssyncadd.s32 @!p3 $0xFFFFD800  }
0x44: {  	[tilespmem:s31], [sflag:$0x1] =	stream.indirect.gather [hbm4b:s5+s23], $0x80, s10, s23, $0xb8;
	[tilespmem:$0x1EAA0] =	vst v63  }
0x45: {  	s10 =	sadd.s32 s3, s10  }
0x46: {  	s9 =	sadd.s32 $0x2760, s22;
	s10 =	sshll.u32 s10, $0x1  }
0x47: {  	[tilespmem:s1], [sflag:$0x2] =	stream.indirect.gather [hbm4b:s7+s23], $0x10, s9, s23, $0xb8;
	[tilespmem:$0x1EAA0] =	vst v63  }
0x48: {  	s10 =	sand.u32 $0x1FFFFFE0, s10  }
0x49: {  	s14 =	simm.s32 $0x9E60;
	s10 =	sadd.s32 s6, s10  }
0x4a: {  	[tilespmem:s0], [sflag:$0x3] =	stream.linear.gather [hbm4b:s10+s4], $0x500, $0x38;
	[tilespmem:$0x1EAA0] =	vst v63  }
0x4b: {  	s10 =	simm.s32 $0xA860;
	v0 =	vld [tilespmem:s14+$0x30]  }
0x4c: {  	v1 =	vld [tilespmem:s10+$0x30]  }
0x4d: {  	v3 =	vld [tilespmem:s10+$0xFFFFFFC0]  }
0x4e: {  	v2 =	vld [tilespmem:s14+$0xFFFFFFD0]  }
0x4f: {  	v5 =	vld [tilespmem:s10+$0xFFFFFFD0]  }
0x50: {  	v7 =	vld [tilespmem:s14+$0xFFFFFFE0]  }
0x51: {  	v8 =	vld [tilespmem:s10+$0xFFFFFFE0]  }
0x52: {  	v9 =	vld [tilespmem:s14+$0xFFFFFFF0]  }
0x53: {  	v10 =	vld [tilespmem:s10+$0xFFFFFFF0]  }
0x54: {  	v11 =	vld [tilespmem:s14+$0x0]  }
0x55: {  	v12 =	vld [tilespmem:s10+$0x0]  }
0x56: {  	v15 =	vld [tilespmem:s14+$0x20]  }
0x57: {  	v17 =	vld [tilespmem:s10+$0x20]  }
0x58: {  	v18 =	vld [tilespmem:s14+$0xFFFFFFC0]  }
0x59: {  	s13 =	simm.s32 $0x5020  }
0x5a: {  	v6 =	vld [tilespmem:s13+$0x1F0];
	v1 =	vmul.f32 v1, v0  }
0x5b: {  	v13 =	vld [tilespmem:s14+$0x10];
	v5 =	vmul.f32 v5, v2;
	v7 =	vmul.f32 v8, v7  }
0x5c: {  	v14 =	vld [tilespmem:s10+$0x10];
	v9 =	vmul.f32 v10, v9;
	v11 =	vmul.f32 v12, v11  }
0x5d: {  	v21 =	vld [tilespmem:s13+$0xFFFFFE10];
	v18 =	vmul.f32 v3, v18;
	v3 =	vmul.f32 v17, v15  }
0x5e: {  	v25 =	vld [tilespmem:s13+$0xFFFFFE30];
	v4 =	vbroadcast v1, $0x0;
	v16 =	vbroadcast v1, $0x7  }
0x5f: {  	v29 =	vld [tilespmem:s13+$0xFFFFFE50];
	v2 =	vbroadcast v1, $0x1;
	v40 =	vbroadcast v1, $0x2  }
0x60: {  	v32 =	vld [tilespmem:s13+$0xFFFFFE70];
	v19 =	vbroadcast v5, $0x0;
	v20 =	vbroadcast v5, $0x1  }
0x61: {  	v35 =	vld [tilespmem:s13+$0xFFFFFEA0];
	v22 =	vbroadcast v5, $0x2;
	v23 =	vbroadcast v5, $0x3  }
0x62: {  	v38 =	vld [tilespmem:s13+$0xFFFFFEB0];
	v24 =	vbroadcast v5, $0x4;
	v26 =	vbroadcast v5, $0x5  }
0x63: {  	v41 =	vld [tilespmem:s13+$0xFFFFFED0];
	v27 =	vbroadcast v5, $0x6;
	v28 =	vbroadcast v5, $0x7  }
0x64: {  	v42 =	vld [tilespmem:s13+$0xFFFFFEE0];
	v30 =	vbroadcast v7, $0x0;
	v31 =	vbroadcast v7, $0x1  }
0x65: {  	v43 =	vld [tilespmem:s13+$0xFFFFFEF0];
	v5 =	vmul.f32 v14, v13;
	v14 =	vbroadcast v18, $0x0  }
0x66: {  	v45 =	vld [tilespmem:s13+$0xFFFFFF10];
	v15 =	vbroadcast v18, $0x1;
	v33 =	vbroadcast v18, $0x2  }
0x67: {  	v46 =	vld [tilespmem:s13+$0xFFFFFF30];
	v34 =	vbroadcast v18, $0x3;
	v36 =	vbroadcast v18, $0x4  }
0x68: {  	v48 =	vld [tilespmem:s13+$0xFFFFFF50];
	v37 =	vbroadcast v18, $0x5;
	v44 =	vbroadcast v7, $0x2  }
0x69: {  	v50 =	vld [tilespmem:s13+$0xFFFFFF60];
	v47 =	vbroadcast v7, $0x4;
	v49 =	vbroadcast v7, $0x5  }
0x6a: {  	v52 =	vld [tilespmem:s13+$0xFFFFFF80];
	v51 =	vbroadcast v7, $0x6;
	v55 =	vbroadcast v9, $0x0  }
0x6b: {  	v53 =	vld [tilespmem:s13+$0xFFFFFF90];
	v61 =	vbroadcast v3, $0x4;
	v63 =	vbroadcast v3, $0x6  }
0x6c: {  	v8 =	vld [tilespmem:s13+$0xFFFFFE20];
	v6 =	vmul.f32 v6, v16;
	v15 =	vmul.f32 v21, v15  }
0x6d: {  	v12 =	vld [tilespmem:s13+$0xFFFFFE60];
	v21 =	vbroadcast v18, $0x6;
	v18 =	vbroadcast v18, $0x7  }
0x6e: {  	v10 =	vld [tilespmem:s13+$0xFFFFFE40];
	v25 =	vmul.f32 v25, v34;
	v29 =	vmul.f32 v29, v37  }
0x6f: {  	v17 =	vld [tilespmem:s13+$0xFFFFFE90];
	v22 =	vmul.f32 v35, v22;
	v23 =	vmul.f32 v38, v23  }
0x70: {  	v54 =	vld [tilespmem:s13+$0xFFFFFFA0];
	v26 =	vmul.f32 v41, v26;
	v27 =	vmul.f32 v42, v27  }
0x71: {  	v56 =	vld [tilespmem:s13+$0xFFFFFFB0];
	v28 =	vmul.f32 v43, v28;
	v31 =	vmul.f32 v45, v31  }
0x72: {  	v34 =	vmul.f32 v55, v52;
	v12 =	vmul.f32 v12, v21;
	v21 =	vld [tilespmem:s13+$0xFFFFFF00]  }
0x73: {  	v57 =	vld [tilespmem:s13+$0xFFFFFFD0];
	v8 =	vmul.f32 v8, v33;
	v10 =	vmul.f32 v10, v36;
	[tilespmem:s13+$0x1F0] =	vst v6  }
0x74: {  	v13 =	vld [tilespmem:s13+$0xFFFFFE80];
	v17 =	vmul.f32 v17, v20;
	v33 =	vmul.f32 v48, v49;
	[tilespmem:s13+$0xFFFFFE10] =	vst v15  }
0x75: {  	v16 =	vld [tilespmem:s13+$0xFFFFFE00];
	v18 =	vmul.f32 v32, v18;
	v32 =	vmul.f32 v50, v51;
	[tilespmem:s13+$0xFFFFFE30] =	vst v25  }
0x76: {  	v58 =	vld [tilespmem:s13+$0xFFFFFFE0];
	v6 =	vbroadcast v9, $0x1;
	v15 =	vbroadcast v9, $0x3;
	[tilespmem:s13+$0xFFFFFE50] =	vst v29  }
0x77: {  	v25 =	vbroadcast v9, $0x5;
	[tilespmem:s13+$0xFFFFFEA0] =	vst v22;
	v21 =	vmul.f32 v30, v21;
	v30 =	vld [tilespmem:s13+$0xFFFFFF70]  }
0x78: {  	v62 =	vld [tilespmem:s13+$0x180];
	[tilespmem:s13+$0xFFFFFEB0] =	vst v23;
	v22 =	vbroadcast v11, $0x5;
	v23 =	vbroadcast v5, $0x3  }
0x79: {  	v20 =	vld [tilespmem:s13+$0xFFFFFF20];
	[tilespmem:s13+$0xFFFFFED0] =	vst v26;
	v13 =	vmul.f32 v19, v13;
	v19 =	vbroadcast v7, $0x3  }
0x7a: {  	[tilespmem:s13+$0xFFFFFEF0] =	vst v28;
	v26 =	vld [tilespmem:s13+$0xE0];
	v7 =	vbroadcast v7, $0x7;
	v14 =	vmul.f32 v14, v16  }
0x7b: {  	v28 =	vbroadcast v3, $0x1;
	[tilespmem:s13+$0xFFFFFE20] =	vst v8;
	v36 =	vmul.f32 v56, v15;
	v15 =	vld [tilespmem:s13+$0x0]  }
0x7c: {  	[tilespmem:s13+$0xFFFFFE00] =	vst v14;
	v14 =	vbroadcast v9, $0x2;
	v30 =	vmul.f32 v30, v7;
	v7 =	vld [tilespmem:s13+$0xFFFFFFC0]  }
0x7d: {  	v8 =	vbroadcast v9, $0x4;
	[tilespmem:s13+$0xFFFFFE40] =	vst v10;
	v10 =	vbroadcast v9, $0x6;
	v16 =	vld [tilespmem:s13+$0xFFFFFEC0]  }
0x7e: {  	[tilespmem:s13+$0xFFFFFE60] =	vst v12;
	v12 =	vbroadcast v11, $0x0;
	v38 =	vmul.f32 v54, v14;
	v14 =	vld [tilespmem:s13+$0xFFFFFFF0]  }
0x7f: {  	[tilespmem:s13+$0xFFFFFE90] =	vst v17;
	v17 =	vbroadcast v11, $0x4;
	v29 =	vmul.f32 v58, v10;
	v10 =	vld [tilespmem:s13+$0x30]  }
0x80: {  	v6 =	vmul.f32 v53, v6;
	v59 =	vmul.f32 v12, v15;
	v12 =	vld [tilespmem:s13+$0x50]  }
0x81: {  	v39 =	vmul.f32 v7, v8;
	v7 =	vld [tilespmem:s13+$0x10];
	v8 =	vbroadcast v9, $0x7  }
0x82: {  	v25 =	vmul.f32 v57, v25;
	[tilespmem:s13+$0xFFFFFE70] =	vst v18;
	v18 =	vbroadcast v11, $0x1;
	v9 =	vld [tilespmem:s13+$0x20]  }
0x83: {  	v19 =	vmul.f32 v46, v19;
	v0 =	vmul.f32 v14, v8;
	v14 =	vld [tilespmem:s13+$0x40]  }
0x84: {  	[tilespmem:s13+$0xFFFFFE80] =	vst v13;
	v13 =	vbroadcast v11, $0x3;
	v20 =	vmul.f32 v20, v44;
	v15 =	vld [tilespmem:s13+$0x60]  }
0x85: {  	[tilespmem:s13+$0xFFFFFF00] =	vst v21;
	v21 =	vbroadcast v5, $0x2;
	v16 =	vmul.f32 v16, v24;
	v24 =	vld [tilespmem:s13+$0xFFFFFF40]  }
0x86: {  	v8 =	vbroadcast v11, $0x2;
	v60 =	vmul.f32 v7, v18;
	v18 =	vld [tilespmem:s13+$0x70]  }
0x87: {  	[tilespmem:s13+$0xFFFFFEC0] =	vst v16;
	v16 =	vbroadcast v11, $0x6;
	v7 =	vmul.f32 v10, v13;
	v13 =	vld [tilespmem:s13+$0x80]  }
0x88: {  	v8 =	vmul.f32 v9, v8;
	v9 =	vmul.f32 v14, v17;
	v14 =	vld [tilespmem:s13+$0x90]  }
0x89: {  	v11 =	vbroadcast v11, $0x7;
	v10 =	vmul.f32 v12, v22;
	v17 =	vld [tilespmem:s13+$0xA0]  }
0x8a: {  	[tilespmem:s13+$0xFFFFFEE0] =	vst v27;
	v22 =	vbroadcast v5, $0x0;
	v12 =	vmul.f32 v15, v16;
	v15 =	vld [tilespmem:s13+$0xB0]  }
0x8b: {  	[tilespmem:s13+$0xFFFFFF30] =	vst v19;
	v24 =	vmul.f32 v24, v47;
	v11 =	vmul.f32 v18, v11;
	v18 =	vld [tilespmem:s13+$0xC0]  }
0x8c: {  	[tilespmem:s13+$0xFFFFFF20] =	vst v20;
	v16 =	vbroadcast v5, $0x1;
	v13 =	vmul.f32 v22, v13;
	v22 =	vld [tilespmem:s13+$0xD0]  }
0x8d: {  	v19 =	vbroadcast v5, $0x6;
	v20 =	vbroadcast v5, $0x4;
	[tilespmem:s13+$0xFFFFFF40] =	vst v24;
	v24 =	vld [tilespmem:s13+$0x110]  }
0x8e: {  	[tilespmem:s13+$0xFFFFFF10] =	vst v31;
	v14 =	vmul.f32 v14, v16;
	v16 =	vmul.f32 v17, v21;
	v21 =	vld [tilespmem:s13+$0xF0]  }
0x8f: {  	[tilespmem:s13+$0xFFFFFF80] =	vst v34;
	v15 =	vmul.f32 v15, v23;
	v23 =	vld [tilespmem:s13+$0x100];
	v17 =	vbroadcast v5, $0x5  }
0x90: {  	v27 =	vld [tilespmem:s13+$0x120];
	[tilespmem:s13+$0xFFFFFF50] =	vst v33;
	v5 =	vbroadcast v5, $0x7;
	v18 =	vmul.f32 v18, v20  }
0x91: {  	[tilespmem:s13+$0xFFFFFF60] =	vst v32;
	v20 =	vmul.f32 v22, v17;
	v17 =	vmul.f32 v26, v19;
	v26 =	vld [tilespmem:s13+$0x130]  }
0x92: {  	v31 =	vld [tilespmem:s13+$0x150];
	[tilespmem:s13+$0xFFFFFF90] =	vst v6;
	v6 =	vbroadcast v3, $0x3;
	v22 =	vbroadcast v3, $0x0  }
0x93: {  	[tilespmem:s13+$0xFFFFFF70] =	vst v30;
	v30 =	vbroadcast v3, $0x2;
	v19 =	vmul.f32 v21, v5;
	v5 =	vld [tilespmem:s13+$0x140]  }
0x94: {  	[tilespmem:s13+$0xFFFFFFB0] =	vst v36;
	v21 =	vmul.f32 v22, v23;
	v22 =	vmul.f32 v24, v28;
	v28 =	vld [tilespmem:s13+$0x160]  }
0x95: {  	v45 =	vbroadcast v1, $0x3;
	[tilespmem:s13+$0xFFFFFFD0] =	vst v25;
	v23 =	vmul.f32 v27, v30;
	v30 =	vld [tilespmem:s13+$0x170]  }
0x96: {  	v49 =	vbroadcast v1, $0x5;
	[tilespmem:s13+$0xFFFFFFE0] =	vst v29;
	v24 =	vmul.f32 v26, v6;
	v6 =	vld [tilespmem:s13+$0x190]  }
0x97: {  	v51 =	vbroadcast v1, $0x4;
	v34 =	vld [tilespmem:s13+$0x1D0];
	v29 =	vmul.f32 v4, v62;
	[tilespmem:s13+$0xFFFFFFA0] =	vst v38  }
0x98: {  	v33 =	vld [tilespmem:s13+$0x1C0];
	v4 =	vbroadcast v1, $0x6;
	[tilespmem:s13+$0x0] =	vst v59;
	v27 =	vbroadcast v3, $0x5  }
0x99: {  	v32 =	vld [tilespmem:s13+$0x1B0];
	[tilespmem:s13+$0xFFFFFFC0] =	vst v39;
	v26 =	vmul.f32 v5, v61;
	v5 =	vbroadcast v3, $0x7  }
0x9a: {  	v1 =	vld [tilespmem:s13+$0x1E0];
	[tilespmem:s13+$0xFFFFFFF0] =	vst v0;
	v27 =	vmul.f32 v31, v27;
	v28 =	vmul.f32 v28, v63  }
0x9b: {  	s15 =	simm.s32 $0x0;
	s16 =	simm.s32 $0x9EE0;
	s14 =	simm.s32 $0x5020;
	[tilespmem:s13+$0x10] =	vst v60;
	v31 =	vld [tilespmem:s13+$0x1A0];
	v25 =	vmul.f32 v30, v5;
	v30 =	vmul.f32 v6, v2  }
.LBB2_3:
0x9c: {  	[tilespmem:s13+$0x20] =	vst v8  }
0x9d: {  	v2 =	vld [tilespmem:s16+$0x30];
	[tilespmem:s13+$0x40] =	vst v9  }
0x9e: {  	[tilespmem:s13+$0x50] =	vst v10;
	v10 =	vld [tilespmem:s16+$0xFFFFFFE0]  }
0x9f: {  	[tilespmem:s14+$0x80] =	vst v13;
	v13 =	vld [tilespmem:s16+$0xFFFFFFF0]  }
0xa0: {  	[tilespmem:s14+$0x90] =	vst v14;
	v38 =	vld [tilespmem:s16+$0x20]  }
0xa1: {  	s10 =	sadd.s32 $0x80, s10;
	[tilespmem:s14+$0xA0] =	vst v16;
	v47 =	vld [tilespmem:s16+$0xFFFFFFC0]  }
0xa2: {  	[tilespmem:s14+$0xB0] =	vst v15;
	v0 =	vld [tilespmem:s10+$0x30]  }
0xa3: {  	[tilespmem:s14+$0xC0] =	vst v18;
	v50 =	vld [tilespmem:s10+$0xFFFFFFC0]  }
0xa4: {  	[tilespmem:s13+$0x30] =	vst v7;
	v7 =	vld [tilespmem:s16+$0xFFFFFFD0]  }
0xa5: {  	[tilespmem:s14+$0xD0] =	vst v20;
	v8 =	vld [tilespmem:s10+$0xFFFFFFD0]  }
0xa6: {  	[tilespmem:s14+$0x70] =	vst v11;
	v11 =	vld [tilespmem:s10+$0xFFFFFFE0]  }
0xa7: {  	v20 =	vld [tilespmem:s16+$0x10]  }
0xa8: {  	v36 =	vld [tilespmem:s10+$0x10];
	[tilespmem:s14+$0xE0] =	vst v17  }
0xa9: {  	v39 =	vld [tilespmem:s10+$0x20];
	[tilespmem:s14+$0x100] =	vst v21  }
0xaa: {  	s13 =	sadd.s32 $0x400, s13;
	v16 =	vld [tilespmem:s10+$0xFFFFFFF0];
	[tilespmem:s14+$0x120] =	vst v23  }
0xab: {  	[tilespmem:s14+$0x130] =	vst v24;
	v9 =	vld [tilespmem:s13+$0x1F0];
	v43 =	vmul.f32 v32, v45  }
0xac: {  	[tilespmem:s14+$0x140] =	vst v26;
	v55 =	vld [tilespmem:s13+$0xFFFFFE00];
	v45 =	vmul.f32 v1, v4;
	v4 =	vmul.f32 v0, v2  }
0xad: {  	[tilespmem:s14+$0x150] =	vst v27;
	v56 =	vld [tilespmem:s13+$0xFFFFFE10]  }
0xae: {  	[tilespmem:s14+$0x160] =	vst v28;
	v58 =	vld [tilespmem:s13+$0xFFFFFE20];
	v0 =	vbroadcast v4, $0x0  }
0xaf: {  	[tilespmem:s14+$0x170] =	vst v25;
	v59 =	vld [tilespmem:s13+$0xFFFFFE30]  }
0xb0: {  	v61 =	vld [tilespmem:s13+$0xFFFFFE40];
	[tilespmem:$0x1FFE0] =	vst v0;
	v0 =	vbroadcast v4, $0x1  }
0xb1: {  	[tilespmem:s14+$0x60] =	vst v12;
	v62 =	vld [tilespmem:s13+$0xFFFFFE50];
	v31 =	vmul.f32 v31, v40  }
0xb2: {  	v44 =	vld [tilespmem:s13+$0xFFFFFF40];
	v14 =	vmul.f32 v8, v7;
	[tilespmem:$0x1FFF0] =	vst v0;
	v0 =	vbroadcast v4, $0x2  }
0xb3: {  	[tilespmem:s14+$0x190] =	vst v30;
	v46 =	vld [tilespmem:s16+$0x0];
	v41 =	vmul.f32 v33, v51;
	v42 =	vmul.f32 v34, v49  }
0xb4: {  	v18 =	vld [tilespmem:s10+$0x0];
	v35 =	vmul.f32 v11, v10;
	[tilespmem:$0x1FF80] =	vst v0;
	v0 =	vbroadcast v14, $0x0  }
0xb5: {  	v1 =	vld [tilespmem:s13+$0xFFFFFEC0];
	v60 =	vmul.f32 v39, v38;
	v26 =	vmul.f32 v50, v47;
	[tilespmem:s14+$0x1A0] =	vst v31  }
0xb6: {  	v40 =	vld [tilespmem:s13+$0xFFFFFF00];
	v12 =	vbroadcast v4, $0x7;
	[tilespmem:$0x1FE60] =	vst v0;
	v0 =	vbroadcast v14, $0x1  }
0xb7: {  	v11 =	vld [tilespmem:s13+$0xFFFFFE60];
	[tilespmem:s14+$0x1B0] =	vst v43;
	v32 =	vbroadcast v60, $0x0;
	v48 =	vbroadcast v60, $0x3  }
0xb8: {  	v10 =	vld [tilespmem:s13+$0xFFFFFE70];
	v31 =	vbroadcast v60, $0x1;
	[tilespmem:$0x1FE70] =	vst v0;
	v0 =	vbroadcast v14, $0x2  }
0xb9: {  	v8 =	vld [tilespmem:s13+$0xFFFFFE90];
	v30 =	vbroadcast v60, $0x2;
	v50 =	vbroadcast v60, $0x5;
	[tilespmem:$0x1FF90] =	vst v48  }
0xba: {  	v2 =	vld [tilespmem:s13+$0xFFFFFEB0];
	v49 =	vbroadcast v60, $0x4;
	[tilespmem:$0x1FE80] =	vst v0;
	v0 =	vbroadcast v14, $0x3  }
0xbb: {  	v38 =	vld [tilespmem:s13+$0xFFFFFEE0];
	v51 =	vbroadcast v60, $0x6;
	v60 =	vbroadcast v60, $0x7;
	[tilespmem:$0x1FFB0] =	vst v50  }
0xbc: {  	v39 =	vld [tilespmem:s13+$0xFFFFFEF0];
	[tilespmem:$0x1FE90] =	vst v0;
	v0 =	vbroadcast v14, $0x4  }
0xbd: {  	v43 =	vld [tilespmem:s13+$0xFFFFFF30];
	v63 =	vbroadcast v26, $0x0;
	v12 =	vmul.f32 v9, v12;
	[tilespmem:$0x1FFD0] =	vst v60  }
0xbe: {  	v47 =	vld [tilespmem:s13+$0xFFFFFF70];
	v34 =	vmul.f32 v18, v46;
	[tilespmem:$0x1FEA0] =	vst v0;
	v0 =	vbroadcast v14, $0x5  }
0xbf: {  	v7 =	vbroadcast v26, $0x1;
	v46 =	vld [tilespmem:s13+$0xFFFFFF60];
	v55 =	vmul.f32 v63, v55;
	[tilespmem:s13+$0x1F0] =	vst v12  }
0xc0: {  	v9 =	vld [tilespmem:s13+$0xFFFFFEA0];
	[tilespmem:$0x1FEB0] =	vst v0;
	v0 =	vbroadcast v14, $0x6  }
0xc1: {  	v25 =	vbroadcast v26, $0x2;
	v48 =	vld [tilespmem:s13+$0xFFFFFF80];
	v7 =	vmul.f32 v56, v7;
	[tilespmem:s13+$0xFFFFFE00] =	vst v55  }
0xc2: {  	v60 =	vld [tilespmem:s13+$0xFFFFFF90];
	[tilespmem:$0x1FEC0] =	vst v0;
	v0 =	vbroadcast v14, $0x7  }
0xc3: {  	v50 =	vld [tilespmem:s13+$0xFFFFFFA0];
	v25 =	vmul.f32 v58, v25;
	[tilespmem:s13+$0xFFFFFE10] =	vst v7  }
0xc4: {  	v6 =	vbroadcast v26, $0x5;
	v56 =	vld [tilespmem:s13+$0xFFFFFFB0];
	[tilespmem:$0x1FED0] =	vst v0;
	v0 =	vbroadcast v35, $0x0  }
0xc5: {  	v58 =	vld [tilespmem:s13+$0xFFFFFFC0];
	[tilespmem:s13+$0xFFFFFE20] =	vst v25  }
0xc6: {  	v6 =	vmul.f32 v62, v6;
	v62 =	vld [tilespmem:s13+$0x70];
	[tilespmem:$0x1FEE0] =	vst v0;
	v0 =	vbroadcast v35, $0x1  }
0xc7: {  	v3 =	vbroadcast v26, $0x3;
	v55 =	vld [tilespmem:s13+$0xFFFFFFD0];
	[tilespmem:s14+$0x1C0] =	vst v41  }
0xc8: {  	v37 =	vmul.f32 v16, v13;
	v25 =	vld [tilespmem:$0x1FE70];
	[tilespmem:$0x1FEF0] =	vst v0;
	v0 =	vbroadcast v35, $0x2  }
0xc9: {  	v57 =	vmul.f32 v36, v20;
	v3 =	vmul.f32 v59, v3;
	[tilespmem:s14+$0x1D0] =	vst v42;
	v41 =	vld [tilespmem:s13+$0xFFFFFF10]  }
0xca: {  	v36 =	vbroadcast v26, $0x6;
	v42 =	vld [tilespmem:s13+$0xFFFFFF20];
	[tilespmem:$0x1FF00] =	vst v0;
	v0 =	vbroadcast v35, $0x3  }
0xcb: {  	v5 =	vbroadcast v26, $0x4;
	v15 =	vbroadcast v37, $0x5;
	[tilespmem:s13+$0xFFFFFE30] =	vst v3;
	v3 =	vld [tilespmem:$0x1FE80]  }
0xcc: {  	v7 =	vmul.f32 v11, v36;
	v11 =	vld [tilespmem:$0x1FE60];
	[tilespmem:$0x1FF10] =	vst v0;
	v0 =	vbroadcast v35, $0x4  }
0xcd: {  	[tilespmem:s14+$0x180] =	vst v29;
	v5 =	vmul.f32 v61, v5;
	v8 =	vmul.f32 v8, v25;
	v25 =	vld [tilespmem:s13+$0xFFFFFFF0]  }
0xce: {  	v55 =	vmul.f32 v55, v15;
	v15 =	vld [tilespmem:s13+$0xA0];
	[tilespmem:$0x1FF20] =	vst v0;
	v0 =	vbroadcast v35, $0x5  }
0xcf: {  	v17 =	vbroadcast v37, $0x7;
	[tilespmem:s13+$0xFFFFFE40] =	vst v5;
	v5 =	vld [tilespmem:$0x1FEA0]  }
0xd0: {  	v3 =	vmul.f32 v9, v3;
	v9 =	vld [tilespmem:$0x1FE90];
	[tilespmem:$0x1FF30] =	vst v0;
	v0 =	vbroadcast v35, $0x6  }
0xd1: {  	v13 =	vbroadcast v37, $0x3;
	[tilespmem:s13+$0xFFFFFE50] =	vst v6;
	v6 =	vld [tilespmem:$0x1FEC0]  }
0xd2: {  	v25 =	vmul.f32 v25, v17;
	v17 =	vld [tilespmem:s13+$0xB0];
	[tilespmem:$0x1FF40] =	vst v0;
	v0 =	vbroadcast v35, $0x7  }
0xd3: {  	v23 =	vbroadcast v57, $0x0;
	v24 =	vbroadcast v57, $0x1;
	[tilespmem:$0x1FFA0] =	vst v49;
	v63 =	vld [tilespmem:$0x1FED0]  }
0xd4: {  	v27 =	vbroadcast v57, $0x2;
	v35 =	vld [tilespmem:s13+$0xFFFFFE80];
	[tilespmem:$0x1FF50] =	vst v0;
	v0 =	vbroadcast v37, $0x0  }
0xd5: {  	[tilespmem:s13+$0xFFFFFE60] =	vst v7;
	v14 =	vbroadcast v37, $0x4;
	v1 =	vmul.f32 v1, v5;
	v5 =	vld [tilespmem:$0x1FEB0]  }
0xd6: {  	v2 =	vmul.f32 v2, v9;
	v9 =	vld [tilespmem:s13+$0x0];
	[tilespmem:$0x1FF60] =	vst v0;
	v0 =	vbroadcast v37, $0x1  }
0xd7: {  	v28 =	vbroadcast v57, $0x4;
	[tilespmem:s13+$0xFFFFFEC0] =	vst v1;
	v1 =	vmul.f32 v58, v14;
	v14 =	vld [tilespmem:s13+$0x90]  }
0xd8: {  	v29 =	vbroadcast v57, $0x5;
	v7 =	vld [tilespmem:$0x1FEE0];
	[tilespmem:$0x1FF70] =	vst v0;
	v0 =	vbroadcast v26, $0x7  }
0xd9: {  	[tilespmem:s13+$0xFFFFFFC0] =	vst v1;
	v1 =	vld [tilespmem:$0x1FFA0];
	v36 =	vmul.f32 v39, v63;
	v11 =	vmul.f32 v11, v35  }
0xda: {  	[tilespmem:s14+$0x110] =	vst v22;
	v63 =	vmul.f32 v56, v13;
	v13 =	vld [tilespmem:s13+$0x80];
	v0 =	vmul.f32 v10, v0  }
0xdb: {  	v33 =	vbroadcast v57, $0x7;
	v53 =	vbroadcast v34, $0x0;
	[tilespmem:s13+$0xFFFFFE80] =	vst v11;
	v11 =	vld [tilespmem:$0x1FF20]  }
0xdc: {  	v54 =	vbroadcast v34, $0x1;
	v18 =	vbroadcast v34, $0x2;
	[tilespmem:s13+$0xFFFFFE70] =	vst v0;
	v0 =	vld [tilespmem:$0x1FF00]  }
0xdd: {  	[tilespmem:s14+$0xF0] =	vst v19;
	v52 =	vbroadcast v34, $0x3;
	v14 =	vmul.f32 v14, v24;
	v24 =	vld [tilespmem:s13+$0x120]  }
0xde: {  	v20 =	vbroadcast v34, $0x4;
	v19 =	vbroadcast v34, $0x5;
	[tilespmem:s13+$0xFFFFFE90] =	vst v8;
	v8 =	vld [tilespmem:$0x1FF40]  }
0xdf: {  	v22 =	vbroadcast v34, $0x6;
	v21 =	vbroadcast v34, $0x7;
	v59 =	vld [tilespmem:$0x1FF10]  }
0xe0: {  	v34 =	vbroadcast v57, $0x6;
	v26 =	vbroadcast v57, $0x3;
	v57 =	vld [tilespmem:s13+$0xFFFFFF50]  }
0xe1: {  	v0 =	vmul.f32 v42, v0;
	v42 =	vmul.f32 v44, v11;
	v11 =	vld [tilespmem:$0x1FF30]  }
0xe2: {  	v6 =	vmul.f32 v38, v6;
	v38 =	vmul.f32 v7, v40;
	v7 =	vld [tilespmem:$0x1FEF0]  }
0xe3: {  	v44 =	vmul.f32 v46, v8;
	v8 =	vld [tilespmem:$0x1FF50]  }
0xe4: {  	v16 =	vbroadcast v37, $0x6;
	v12 =	vbroadcast v37, $0x2;
	v37 =	vld [tilespmem:s13+$0xFFFFFED0]  }
0xe5: {  	v10 =	vld [tilespmem:s13+$0xFFFFFFE0]  }
0xe6: {  	v40 =	vmul.f32 v43, v59;
	v43 =	vmul.f32 v57, v11;
	v11 =	vld [tilespmem:s13+$0x50]  }
0xe7: {  	v13 =	vmul.f32 v23, v13;
	v23 =	vld [tilespmem:s13+$0x110]  }
0xe8: {  	v46 =	vmul.f32 v47, v8;
	v47 =	vld [tilespmem:s13+$0x60]  }
0xe9: {  	v39 =	vmul.f32 v41, v7;
	v41 =	vld [tilespmem:s13+$0x40];
	v5 =	vmul.f32 v37, v5  }
0xea: {  	[tilespmem:s13+$0xFFFFFF20] =	vst v0;
	v0 =	vld [tilespmem:s13+$0xF0]  }
0xeb: {  	[tilespmem:s13+$0xFFFFFED0] =	vst v5;
	v5 =	vmul.f32 v10, v16;
	v10 =	vmul.f32 v11, v19;
	v19 =	vld [tilespmem:s13+$0xD0]  }
0xec: {  	v11 =	vmul.f32 v62, v21;
	v21 =	vld [tilespmem:s13+$0xE0]  }
0xed: {  	[tilespmem:s13+$0xFFFFFEB0] =	vst v2;
	v2 =	vmul.f32 v50, v12;
	v12 =	vmul.f32 v47, v22;
	v22 =	vld [tilespmem:s13+$0x100]  }
0xee: {  	[tilespmem:s13+$0xFFFFFEA0] =	vst v3;
	v3 =	vld [tilespmem:$0x1FF60]  }
0xef: {  	[tilespmem:s13+$0xFFFFFEE0] =	vst v6;
	v6 =	vmul.f32 v53, v9;
	v9 =	vmul.f32 v41, v20;
	v37 =	vld [tilespmem:s13+$0x20]  }
0xf0: {  	v16 =	vmul.f32 v15, v27;
	v15 =	vmul.f32 v17, v26;
	v26 =	vld [tilespmem:s13+$0x130]  }
0xf1: {  	v8 =	vld [tilespmem:$0x1FF70];
	v20 =	vmul.f32 v19, v29;
	v17 =	vmul.f32 v21, v34  }
0xf2: {  	v19 =	vmul.f32 v0, v33;
	v0 =	vld [tilespmem:s13+$0x140];
	v21 =	vmul.f32 v32, v22  }
0xf3: {  	v22 =	vmul.f32 v23, v31;
	v23 =	vmul.f32 v24, v30;
	v24 =	vld [tilespmem:$0x1FF90]  }
0xf4: {  	v3 =	vmul.f32 v3, v48;
	_ =	sdelay $0x1  }
0xf5: {  	[tilespmem:s13+$0xFFFFFF80] =	vst v3;
	v3 =	vld [tilespmem:s13+$0x150]  }
0xf6: {  	v61 =	vmul.f32 v60, v8;
	v8 =	vmul.f32 v37, v18;
	v18 =	vld [tilespmem:s13+$0xC0]  }
0xf7: {  	v24 =	vmul.f32 v26, v24;
	v26 =	vmul.f32 v0, v1;
	v1 =	vld [tilespmem:$0x1FFB0];
	_ =	sdelay $0x3  }
0xf8: {  	[tilespmem:$0x1FFC0] =	vst v51;
	v18 =	vmul.f32 v18, v28;
	v28 =	vld [tilespmem:s13+$0x160]  }
0xf9: {  	v27 =	vmul.f32 v3, v1;
	v1 =	vld [tilespmem:$0x1FFC0];
	_ =	sdelay $0x3  }
0xfa: {  	[tilespmem:s13+$0xFFFFFFA0] =	vst v2;
	v2 =	vld [tilespmem:s13+$0x170]  }
0xfb: {  	[tilespmem:s14+$0x1E0] =	vst v45;
	v28 =	vmul.f32 v28, v1;
	v1 =	vld [tilespmem:$0x1FFD0]  }
0xfc: {  	[tilespmem:s13+$0xFFFFFFD0] =	vst v55  }
0xfd: {  	[tilespmem:s13+$0xFFFFFFF0] =	vst v25;
	v35 =	vld [tilespmem:s13+$0x10]  }
0xfe: {  	[tilespmem:s13+$0xFFFFFEF0] =	vst v36  }
0xff: {  	[tilespmem:s13+$0xFFFFFFB0] =	vst v63;
	v29 =	vld [tilespmem:s13+$0x180]  }
0x100: {  	[tilespmem:s13+$0x0] =	vst v6;
	v25 =	vmul.f32 v2, v1;
	v1 =	vld [tilespmem:$0x1FFE0]  }
0x101: {  	[tilespmem:s13+$0xFFFFFF00] =	vst v38  }
0x102: {  	v7 =	vld [tilespmem:s13+$0x30];
	[tilespmem:s13+$0xFFFFFF10] =	vst v39;
	v35 =	vmul.f32 v35, v54  }
0x103: {  	[tilespmem:s13+$0xFFFFFF30] =	vst v40;
	v40 =	vld [tilespmem:$0x1FF80]  }
0x104: {  	s15 =	sadd.s32 $0x8, s15;
	[tilespmem:s13+$0x10] =	vst v35;
	v0 =	vld [tilespmem:s13+$0x190]  }
0x105: {  	p3 =	slt.u32 s15, $0x48;
	[tilespmem:s13+$0xFFFFFFE0] =	vst v5;
	v29 =	vmul.f32 v1, v29;
	v1 =	vld [tilespmem:$0x1FFF0]  }
.Ltmp2:
0x106: {  	[tilespmem:s13+$0xFFFFFF40] =	vst v42;
	v31 =	vld [tilespmem:s13+$0x1A0];
	(pc) =	sbr.rel @p3 .LBB2_3-.Ltmp2, $4  }
0x107: {  	[tilespmem:s13+$0xFFFFFF60] =	vst v44;
	v32 =	vld [tilespmem:s13+$0x1B0]  }
0x108: {  	v51 =	vbroadcast v4, $0x4;
	v49 =	vbroadcast v4, $0x5;
	[tilespmem:s13+$0xFFFFFF50] =	vst v43;
	v33 =	vld [tilespmem:s13+$0x1C0]  }
0x109: {  	v45 =	vbroadcast v4, $0x3;
	v4 =	vbroadcast v4, $0x6;
	[tilespmem:s13+$0xFFFFFF70] =	vst v46;
	v34 =	vld [tilespmem:s13+$0x1D0]  }
0x10a: {  	s16 =	sadd.s32 $0x80, s16;
	s14 =	smov.u32 s13;
	v7 =	vmul.f32 v7, v52;
	[tilespmem:s13+$0xFFFFFF90] =	vst v61;
	v30 =	vmul.f32 v0, v1;
	v1 =	vld [tilespmem:s13+$0x1E0]  }
0x10b: {  	[tilespmem:s13+$0x20] =	vst v8  }
0x10c: {  	[tilespmem:s13+$0x40] =	vst v9  }
0x10d: {  	[tilespmem:s13+$0x50] =	vst v10  }
0x10e: {  	[tilespmem:s14+$0x80] =	vst v13  }
0x10f: {  	[tilespmem:s14+$0x90] =	vst v14  }
0x110: {  	[tilespmem:s14+$0xA0] =	vst v16  }
0x111: {  	[tilespmem:s14+$0xB0] =	vst v15  }
0x112: {  	[tilespmem:s14+$0xC0] =	vst v18  }
0x113: {  	[tilespmem:s14+$0xD0] =	vst v20  }
0x114: {  	[tilespmem:s14+$0xE0] =	vst v17  }
0x115: {  	[tilespmem:s14+$0xF0] =	vst v19  }
0x116: {  	[tilespmem:s14+$0x100] =	vst v21  }
0x117: {  	[tilespmem:s14+$0x110] =	vst v22  }
0x118: {  	[tilespmem:s14+$0x120] =	vst v23  }
0x119: {  	[tilespmem:s14+$0x130] =	vst v24  }
0x11a: {  	[tilespmem:s14+$0x140] =	vst v26  }
0x11b: {  	[tilespmem:s14+$0x150] =	vst v27  }
0x11c: {  	[tilespmem:s14+$0x160] =	vst v28  }
0x11d: {  	[tilespmem:s14+$0x170] =	vst v25  }
0x11e: {  	[tilespmem:s14+$0x180] =	vst v29  }
0x11f: {  	[tilespmem:s13+$0x30] =	vst v7  }
0x120: {  	[tilespmem:s14+$0x190] =	vst v30  }
0x121: {  	v0 =	vmul.f32 v31, v40;
	[tilespmem:s14+$0x60] =	vst v12  }
0x122: {  	v2 =	vmul.f32 v32, v45;
	[tilespmem:s14+$0x70] =	vst v11  }
0x123: {  	v3 =	vmul.f32 v33, v51;
	[tilespmem:s14+$0x1A0] =	vst v0  }
0x124: {  	s10 =	smul.u32 $0x280, s8;
	v0 =	vmul.f32 v34, v49;
	[tilespmem:s14+$0x1B0] =	vst v2  }
0x125: {  	v1 =	vmul.f32 v1, v4;
	[tilespmem:s14+$0x1C0] =	vst v3  }
0x126: {  	s10 =	sshra.s32 s10, $0x2;
	[tilespmem:s14+$0x1D0] =	vst v0  }
0x127: {  	s10 =	sadd.s32 $0x2710, s10;
	[tilespmem:s14+$0x1E0] =	vst v1  }
0x128: {  	[spmem:s2] =	stream.indirect.scatter.add.f32 [tilespmem:s24], [sflag:$0x4], $0x80, s10, s23, $0xb8;
	[tilespmem:$0x1EAA0] =	vst v63  }
0x129: {  	_ =	swait.ge [sflag:s28], $0x2800  }
0x12a: {  	[sflag:s28] =	ssyncset.done $0x0  }
0x12b: {  	[sflag:s28] =	ssyncadd.s32 $0xFFFFD800  }
0x12c: {  	_ =	swait.ge [sflag:s29], $0x500  }
0x12d: {  	[sflag:s29] =	ssyncset.done $0x0  }
0x12e: {  	[sflag:s29] =	ssyncadd.s32 $0xFFFFFB00  }
0x12f: {  	_ =	swait.ge [sflag:s30], $0x500  }
0x130: {  	[sflag:s30] =	ssyncset.done $0x0  }
0x131: {  	[sflag:s30] =	ssyncadd.s32 $0xFFFFFB00  }
0x132: {  	s15 =	sadd.s32 $0xA0, s22;
	_ =	swait.ge [sflag:s17], $0x2800  }
0x133: {  	s10 =	sadd.s32 s3, s15;
	[sflag:s17] =	ssyncset.done $0x0  }
0x134: {  	s10 =	sshll.u32 s10, $0x1;
	[sflag:s17] =	ssyncadd.s32 $0xFFFFD800  }
0x135: {  	[tilespmem:s24], [sflag:$0x1] =	stream.indirect.gather [hbm4b:s5+s23], $0x80, s15, s23, $0xb8;
	[tilespmem:$0x1EAA0] =	vst v63  }
0x136: {  	s16 =	sadd.s32 $0x27B0, s22;
	s10 =	sand.u32 $0x1FFFFFE0, s10  }
0x137: {  	[tilespmem:s25], [sflag:$0x2] =	stream.indirect.gather [hbm4b:s7+s23], $0x10, s16, s23, $0xb8;
	[tilespmem:$0x1EAA0] =	vst v63  }
0x138: {  	s22 =	simm.s32 $0xA360;
	s10 =	sadd.s32 s6, s10  }
0x139: {  	[tilespmem:s26], [sflag:$0x3] =	stream.linear.gather [hbm4b:s10+s4], $0x500, $0x38;
	[tilespmem:$0x1EAA0] =	vst v63  }
0x13a: {  	s10 =	simm.s32 $0xAD60;
	v0 =	vld [tilespmem:s22+$0x30]  }
0x13b: {  	v1 =	vld [tilespmem:s10+$0x30]  }
0x13c: {  	v3 =	vld [tilespmem:s10+$0xFFFFFFC0]  }
0x13d: {  	v2 =	vld [tilespmem:s22+$0xFFFFFFD0]  }
0x13e: {  	v4 =	vld [tilespmem:s10+$0xFFFFFFD0]  }
0x13f: {  	v7 =	vld [tilespmem:s22+$0xFFFFFFE0]  }
0x140: {  	v8 =	vld [tilespmem:s10+$0xFFFFFFE0]  }
0x141: {  	v9 =	vld [tilespmem:s22+$0xFFFFFFF0]  }
0x142: {  	v10 =	vld [tilespmem:s10+$0xFFFFFFF0]  }
0x143: {  	v11 =	vld [tilespmem:s22+$0x0]  }
0x144: {  	v12 =	vld [tilespmem:s10+$0x0]  }
0x145: {  	v15 =	vld [tilespmem:s22+$0x20]  }
0x146: {  	v17 =	vld [tilespmem:s10+$0x20]  }
0x147: {  	v18 =	vld [tilespmem:s22+$0xFFFFFFC0]  }
0x148: {  	s13 =	simm.s32 $0x7820  }
0x149: {  	v6 =	vld [tilespmem:s13+$0x1F0];
	v1 =	vmul.f32 v1, v0  }
0x14a: {  	v13 =	vld [tilespmem:s22+$0x10];
	v4 =	vmul.f32 v4, v2;
	v7 =	vmul.f32 v8, v7  }
0x14b: {  	v14 =	vld [tilespmem:s10+$0x10];
	v9 =	vmul.f32 v10, v9;
	v11 =	vmul.f32 v12, v11  }
0x14c: {  	v21 =	vld [tilespmem:s13+$0xFFFFFE10];
	v18 =	vmul.f32 v3, v18;
	v3 =	vmul.f32 v17, v15  }
0x14d: {  	v25 =	vld [tilespmem:s13+$0xFFFFFE30];
	v5 =	vbroadcast v1, $0x0;
	v16 =	vbroadcast v1, $0x7  }
0x14e: {  	v29 =	vld [tilespmem:s13+$0xFFFFFE50];
	v2 =	vbroadcast v1, $0x1;
	v40 =	vbroadcast v1, $0x2  }
0x14f: {  	v61 =	vld [tilespmem:s13+$0xFFFFFE70];
	v19 =	vbroadcast v4, $0x0;
	v20 =	vbroadcast v4, $0x1  }
0x150: {  	v35 =	vld [tilespmem:s13+$0xFFFFFEA0];
	v22 =	vbroadcast v4, $0x2;
	v23 =	vbroadcast v4, $0x3  }
0x151: {  	v38 =	vld [tilespmem:s13+$0xFFFFFEB0];
	v24 =	vbroadcast v4, $0x4;
	v26 =	vbroadcast v4, $0x5  }
0x152: {  	v41 =	vld [tilespmem:s13+$0xFFFFFED0];
	v27 =	vbroadcast v4, $0x6;
	v28 =	vbroadcast v4, $0x7  }
0x153: {  	v42 =	vld [tilespmem:s13+$0xFFFFFEE0];
	v30 =	vbroadcast v7, $0x0;
	v31 =	vbroadcast v7, $0x1  }
0x154: {  	v43 =	vld [tilespmem:s13+$0xFFFFFEF0];
	v4 =	vmul.f32 v14, v13;
	v14 =	vbroadcast v18, $0x0  }
0x155: {  	v45 =	vld [tilespmem:s13+$0xFFFFFF10];
	v15 =	vbroadcast v18, $0x1;
	v62 =	vbroadcast v18, $0x2  }
0x156: {  	v46 =	vld [tilespmem:s13+$0xFFFFFF30];
	v63 =	vbroadcast v18, $0x3;
	v36 =	vbroadcast v18, $0x4  }
0x157: {  	v48 =	vld [tilespmem:s13+$0xFFFFFF50];
	v37 =	vbroadcast v18, $0x5;
	v44 =	vbroadcast v7, $0x2  }
0x158: {  	v50 =	vld [tilespmem:s13+$0xFFFFFF60];
	v47 =	vbroadcast v7, $0x4;
	v49 =	vbroadcast v7, $0x5  }
0x159: {  	v52 =	vld [tilespmem:s13+$0xFFFFFF80];
	v51 =	vbroadcast v7, $0x6;
	v55 =	vbroadcast v9, $0x0  }
0x15a: {  	v53 =	vld [tilespmem:s13+$0xFFFFFF90];
	v6 =	vmul.f32 v6, v16;
	v15 =	vmul.f32 v21, v15  }
0x15b: {  	v54 =	vld [tilespmem:s13+$0xFFFFFFA0];
	v21 =	vbroadcast v18, $0x6;
	v18 =	vbroadcast v18, $0x7  }
0x15c: {  	v12 =	vld [tilespmem:s13+$0xFFFFFE60];
	v25 =	vmul.f32 v25, v63;
	v29 =	vmul.f32 v29, v37  }
0x15d: {  	v8 =	vld [tilespmem:s13+$0xFFFFFE20];
	v22 =	vmul.f32 v35, v22;
	v23 =	vmul.f32 v38, v23  }
0x15e: {  	v10 =	vld [tilespmem:s13+$0xFFFFFE40];
	v26 =	vmul.f32 v41, v26;
	v27 =	vmul.f32 v42, v27  }
0x15f: {  	v17 =	vld [tilespmem:s13+$0xFFFFFE90];
	v28 =	vmul.f32 v43, v28;
	v31 =	vmul.f32 v45, v31  }
0x160: {  	v56 =	vld [tilespmem:s13+$0xFFFFFFB0];
	v33 =	vmul.f32 v48, v49;
	v32 =	vmul.f32 v50, v51  }
0x161: {  	v34 =	vmul.f32 v55, v52;
	v12 =	vmul.f32 v12, v21;
	v21 =	vld [tilespmem:s13+$0xFFFFFF00]  }
0x162: {  	v57 =	vld [tilespmem:s13+$0xFFFFFFD0];
	v63 =	vbroadcast v3, $0x6;
	v45 =	vbroadcast v1, $0x3;
	[tilespmem:s13+$0x1F0] =	vst v6  }
0x163: {  	v13 =	vld [tilespmem:s13+$0xFFFFFE80];
	v8 =	vmul.f32 v8, v62;
	v10 =	vmul.f32 v10, v36;
	[tilespmem:s13+$0xFFFFFE10] =	vst v15  }
0x164: {  	v16 =	vld [tilespmem:s13+$0xFFFFFE00];
	v17 =	vmul.f32 v17, v20;
	v18 =	vmul.f32 v61, v18;
	[tilespmem:s13+$0xFFFFFE30] =	vst v25  }
0x165: {  	v58 =	vld [tilespmem:s13+$0xFFFFFFE0];
	v6 =	vbroadcast v9, $0x1;
	v15 =	vbroadcast v9, $0x3;
	[tilespmem:s13+$0xFFFFFE50] =	vst v29  }
0x166: {  	v25 =	vbroadcast v9, $0x5;
	[tilespmem:s13+$0xFFFFFEA0] =	vst v22;
	v21 =	vmul.f32 v30, v21;
	v30 =	vld [tilespmem:s13+$0xFFFFFF70]  }
0x167: {  	v20 =	vld [tilespmem:s13+$0xFFFFFF20];
	[tilespmem:s13+$0xFFFFFEB0] =	vst v23;
	v22 =	vbroadcast v11, $0x5;
	v23 =	vbroadcast v4, $0x3  }
0x168: {  	v62 =	vld [tilespmem:s13+$0x180];
	[tilespmem:s13+$0xFFFFFED0] =	vst v26;
	v13 =	vmul.f32 v19, v13;
	v19 =	vbroadcast v7, $0x3  }
0x169: {  	[tilespmem:s13+$0xFFFFFEF0] =	vst v28;
	v26 =	vld [tilespmem:s13+$0xE0];
	v7 =	vbroadcast v7, $0x7;
	v14 =	vmul.f32 v14, v16  }
0x16a: {  	v28 =	vbroadcast v3, $0x1;
	[tilespmem:s13+$0xFFFFFE20] =	vst v8;
	v36 =	vmul.f32 v56, v15;
	v15 =	vld [tilespmem:s13+$0x0]  }
0x16b: {  	[tilespmem:s13+$0xFFFFFE00] =	vst v14;
	v14 =	vbroadcast v9, $0x2;
	v30 =	vmul.f32 v30, v7;
	v7 =	vld [tilespmem:s13+$0xFFFFFFC0]  }
0x16c: {  	v8 =	vbroadcast v9, $0x4;
	[tilespmem:s13+$0xFFFFFE40] =	vst v10;
	v10 =	vbroadcast v9, $0x6;
	v16 =	vld [tilespmem:s13+$0xFFFFFEC0]  }
0x16d: {  	[tilespmem:s13+$0xFFFFFE60] =	vst v12;
	v12 =	vbroadcast v11, $0x0;
	v38 =	vmul.f32 v54, v14;
	v14 =	vld [tilespmem:s13+$0xFFFFFFF0]  }
0x16e: {  	[tilespmem:s13+$0xFFFFFE90] =	vst v17;
	v17 =	vbroadcast v11, $0x4;
	v29 =	vmul.f32 v58, v10;
	v10 =	vld [tilespmem:s13+$0x30]  }
0x16f: {  	v6 =	vmul.f32 v53, v6;
	v59 =	vmul.f32 v12, v15;
	v12 =	vld [tilespmem:s13+$0x50]  }
0x170: {  	v39 =	vmul.f32 v7, v8;
	v7 =	vld [tilespmem:s13+$0x10];
	v8 =	vbroadcast v9, $0x7  }
0x171: {  	v25 =	vmul.f32 v57, v25;
	[tilespmem:s13+$0xFFFFFE70] =	vst v18;
	v18 =	vbroadcast v11, $0x1;
	v9 =	vld [tilespmem:s13+$0x20]  }
0x172: {  	v19 =	vmul.f32 v46, v19;
	v0 =	vmul.f32 v14, v8;
	v14 =	vld [tilespmem:s13+$0x40]  }
0x173: {  	[tilespmem:s13+$0xFFFFFE80] =	vst v13;
	v13 =	vbroadcast v11, $0x3;
	v20 =	vmul.f32 v20, v44;
	v15 =	vld [tilespmem:s13+$0x60]  }
0x174: {  	[tilespmem:s13+$0xFFFFFF00] =	vst v21;
	v21 =	vbroadcast v4, $0x2;
	v16 =	vmul.f32 v16, v24;
	v24 =	vld [tilespmem:s13+$0xFFFFFF40]  }
0x175: {  	v8 =	vbroadcast v11, $0x2;
	v60 =	vmul.f32 v7, v18;
	v18 =	vld [tilespmem:s13+$0x70]  }
0x176: {  	[tilespmem:s13+$0xFFFFFEC0] =	vst v16;
	v16 =	vbroadcast v11, $0x6;
	v7 =	vmul.f32 v10, v13;
	v13 =	vld [tilespmem:s13+$0x80]  }
0x177: {  	v8 =	vmul.f32 v9, v8;
	v9 =	vmul.f32 v14, v17;
	v14 =	vld [tilespmem:s13+$0x90]  }
0x178: {  	v11 =	vbroadcast v11, $0x7;
	v10 =	vmul.f32 v12, v22;
	v17 =	vld [tilespmem:s13+$0xA0]  }
0x179: {  	[tilespmem:s13+$0xFFFFFEE0] =	vst v27;
	v22 =	vbroadcast v4, $0x0;
	v12 =	vmul.f32 v15, v16;
	v15 =	vld [tilespmem:s13+$0xB0]  }
0x17a: {  	[tilespmem:s13+$0xFFFFFF30] =	vst v19;
	v24 =	vmul.f32 v24, v47;
	v11 =	vmul.f32 v18, v11;
	v18 =	vld [tilespmem:s13+$0xC0]  }
0x17b: {  	[tilespmem:s13+$0xFFFFFF20] =	vst v20;
	v16 =	vbroadcast v4, $0x1;
	v13 =	vmul.f32 v22, v13;
	v22 =	vld [tilespmem:s13+$0xD0]  }
0x17c: {  	v19 =	vbroadcast v4, $0x6;
	v20 =	vbroadcast v4, $0x4;
	[tilespmem:s13+$0xFFFFFF40] =	vst v24;
	v24 =	vld [tilespmem:s13+$0x110]  }
0x17d: {  	[tilespmem:s13+$0xFFFFFF10] =	vst v31;
	v14 =	vmul.f32 v14, v16;
	v16 =	vmul.f32 v17, v21;
	v21 =	vld [tilespmem:s13+$0xF0]  }
0x17e: {  	[tilespmem:s13+$0xFFFFFF50] =	vst v33;
	v15 =	vmul.f32 v15, v23;
	v23 =	vld [tilespmem:s13+$0x100];
	v17 =	vbroadcast v4, $0x5  }
0x17f: {  	v27 =	vld [tilespmem:s13+$0x120];
	[tilespmem:s13+$0xFFFFFF60] =	vst v32;
	v4 =	vbroadcast v4, $0x7;
	v18 =	vmul.f32 v18, v20  }
0x180: {  	[tilespmem:s13+$0xFFFFFF80] =	vst v34;
	v20 =	vmul.f32 v22, v17;
	v17 =	vmul.f32 v26, v19;
	v26 =	vld [tilespmem:s13+$0x130]  }
0x181: {  	v31 =	vld [tilespmem:s13+$0x150];
	[tilespmem:s13+$0xFFFFFF90] =	vst v6;
	v6 =	vbroadcast v3, $0x3;
	v22 =	vbroadcast v3, $0x0  }
0x182: {  	[tilespmem:s13+$0xFFFFFF70] =	vst v30;
	v30 =	vbroadcast v3, $0x2;
	v19 =	vmul.f32 v21, v4;
	v4 =	vld [tilespmem:s13+$0x140]  }
0x183: {  	[tilespmem:s13+$0xFFFFFFB0] =	vst v36;
	v21 =	vmul.f32 v22, v23;
	v22 =	vmul.f32 v24, v28;
	v28 =	vld [tilespmem:s13+$0x160]  }
0x184: {  	v51 =	vbroadcast v1, $0x4;
	[tilespmem:s13+$0xFFFFFFD0] =	vst v25;
	v23 =	vmul.f32 v27, v30;
	v30 =	vld [tilespmem:s13+$0x170]  }
0x185: {  	v49 =	vbroadcast v1, $0x5;
	[tilespmem:s13+$0xFFFFFFE0] =	vst v29;
	v24 =	vmul.f32 v26, v6;
	v6 =	vld [tilespmem:s13+$0x190]  }
0x186: {  	v61 =	vbroadcast v3, $0x4;
	v32 =	vld [tilespmem:s13+$0x1B0];
	v29 =	vmul.f32 v5, v62;
	[tilespmem:s13+$0xFFFFFFA0] =	vst v38  }
0x187: {  	v33 =	vld [tilespmem:s13+$0x1C0];
	v5 =	vbroadcast v1, $0x6;
	[tilespmem:s13+$0x0] =	vst v59;
	v27 =	vbroadcast v3, $0x5  }
0x188: {  	v34 =	vld [tilespmem:s13+$0x1D0];
	[tilespmem:s13+$0xFFFFFFC0] =	vst v39;
	v26 =	vmul.f32 v4, v61;
	v4 =	vbroadcast v3, $0x7  }
0x189: {  	v1 =	vld [tilespmem:s13+$0x1E0];
	[tilespmem:s13+$0xFFFFFFF0] =	vst v0;
	v27 =	vmul.f32 v31, v27;
	v28 =	vmul.f32 v28, v63  }
0x18a: {  	s14 =	simm.s32 $0x7820;
	s15 =	simm.s32 $0x0;
	s16 =	simm.s32 $0xA3E0;
	[tilespmem:s13+$0x10] =	vst v60;
	v31 =	vld [tilespmem:s13+$0x1A0];
	v25 =	vmul.f32 v30, v4;
	v30 =	vmul.f32 v6, v2  }
.LBB2_5:
0x18b: {  	[tilespmem:s13+$0x20] =	vst v8  }
0x18c: {  	v2 =	vld [tilespmem:s16+$0x30];
	[tilespmem:s13+$0x40] =	vst v9  }
0x18d: {  	[tilespmem:s13+$0x50] =	vst v10;
	v10 =	vld [tilespmem:s16+$0xFFFFFFE0]  }
0x18e: {  	[tilespmem:s14+$0x80] =	vst v13;
	v13 =	vld [tilespmem:s16+$0xFFFFFFF0]  }
0x18f: {  	[tilespmem:s14+$0x90] =	vst v14;
	v38 =	vld [tilespmem:s16+$0x20]  }
0x190: {  	s10 =	sadd.s32 $0x80, s10;
	[tilespmem:s14+$0xA0] =	vst v16;
	v47 =	vld [tilespmem:s16+$0xFFFFFFC0]  }
0x191: {  	[tilespmem:s14+$0xB0] =	vst v15;
	v0 =	vld [tilespmem:s10+$0x30]  }
0x192: {  	[tilespmem:s14+$0xC0] =	vst v18;
	v50 =	vld [tilespmem:s10+$0xFFFFFFC0]  }
0x193: {  	[tilespmem:s13+$0x30] =	vst v7;
	v7 =	vld [tilespmem:s16+$0xFFFFFFD0]  }
0x194: {  	[tilespmem:s14+$0xD0] =	vst v20;
	v8 =	vld [tilespmem:s10+$0xFFFFFFD0]  }
0x195: {  	[tilespmem:s14+$0x70] =	vst v11;
	v11 =	vld [tilespmem:s10+$0xFFFFFFE0]  }
0x196: {  	v20 =	vld [tilespmem:s16+$0x10]  }
0x197: {  	v36 =	vld [tilespmem:s10+$0x10];
	[tilespmem:s14+$0xE0] =	vst v17  }
0x198: {  	v39 =	vld [tilespmem:s10+$0x20];
	[tilespmem:s14+$0x100] =	vst v21  }
0x199: {  	s13 =	sadd.s32 $0x400, s13;
	v16 =	vld [tilespmem:s10+$0xFFFFFFF0];
	[tilespmem:s14+$0x120] =	vst v23  }
0x19a: {  	[tilespmem:s14+$0x130] =	vst v24;
	v9 =	vld [tilespmem:s13+$0x1F0];
	v43 =	vmul.f32 v32, v45  }
0x19b: {  	[tilespmem:s14+$0x140] =	vst v26;
	v55 =	vld [tilespmem:s13+$0xFFFFFE00];
	v45 =	vmul.f32 v1, v5;
	v5 =	vmul.f32 v0, v2  }
0x19c: {  	[tilespmem:s14+$0x150] =	vst v27;
	v56 =	vld [tilespmem:s13+$0xFFFFFE10]  }
0x19d: {  	[tilespmem:s14+$0x160] =	vst v28;
	v58 =	vld [tilespmem:s13+$0xFFFFFE20];
	v0 =	vbroadcast v5, $0x0  }
0x19e: {  	[tilespmem:s14+$0x170] =	vst v25;
	v59 =	vld [tilespmem:s13+$0xFFFFFE30]  }
0x19f: {  	v61 =	vld [tilespmem:s13+$0xFFFFFE40];
	[tilespmem:$0x1FE40] =	vst v0;
	v0 =	vbroadcast v5, $0x1  }
0x1a0: {  	[tilespmem:s14+$0x60] =	vst v12;
	v62 =	vld [tilespmem:s13+$0xFFFFFE50];
	v31 =	vmul.f32 v31, v40  }
0x1a1: {  	v44 =	vld [tilespmem:s13+$0xFFFFFF40];
	v14 =	vmul.f32 v8, v7;
	[tilespmem:$0x1FE50] =	vst v0;
	v0 =	vbroadcast v5, $0x2  }
0x1a2: {  	[tilespmem:s14+$0x190] =	vst v30;
	v46 =	vld [tilespmem:s16+$0x0];
	v41 =	vmul.f32 v33, v51;
	v42 =	vmul.f32 v34, v49  }
0x1a3: {  	v18 =	vld [tilespmem:s10+$0x0];
	v35 =	vmul.f32 v11, v10;
	[tilespmem:$0x1FDE0] =	vst v0;
	v0 =	vbroadcast v14, $0x0  }
0x1a4: {  	v1 =	vld [tilespmem:s13+$0xFFFFFEC0];
	v60 =	vmul.f32 v39, v38;
	v26 =	vmul.f32 v50, v47;
	[tilespmem:s14+$0x1A0] =	vst v31  }
0x1a5: {  	v40 =	vld [tilespmem:s13+$0xFFFFFF00];
	v12 =	vbroadcast v5, $0x7;
	[tilespmem:$0x1FCC0] =	vst v0;
	v0 =	vbroadcast v14, $0x1  }
0x1a6: {  	v11 =	vld [tilespmem:s13+$0xFFFFFE60];
	[tilespmem:s14+$0x1B0] =	vst v43;
	v32 =	vbroadcast v60, $0x0;
	v48 =	vbroadcast v60, $0x3  }
0x1a7: {  	v10 =	vld [tilespmem:s13+$0xFFFFFE70];
	v31 =	vbroadcast v60, $0x1;
	[tilespmem:$0x1FCD0] =	vst v0;
	v0 =	vbroadcast v14, $0x2  }
0x1a8: {  	v8 =	vld [tilespmem:s13+$0xFFFFFE90];
	v30 =	vbroadcast v60, $0x2;
	v50 =	vbroadcast v60, $0x5;
	[tilespmem:$0x1FDF0] =	vst v48  }
0x1a9: {  	v2 =	vld [tilespmem:s13+$0xFFFFFEB0];
	v49 =	vbroadcast v60, $0x4;
	[tilespmem:$0x1FCE0] =	vst v0;
	v0 =	vbroadcast v14, $0x3  }
0x1aa: {  	v38 =	vld [tilespmem:s13+$0xFFFFFEE0];
	v51 =	vbroadcast v60, $0x6;
	v60 =	vbroadcast v60, $0x7;
	[tilespmem:$0x1FE10] =	vst v50  }
0x1ab: {  	v39 =	vld [tilespmem:s13+$0xFFFFFEF0];
	[tilespmem:$0x1FCF0] =	vst v0;
	v0 =	vbroadcast v14, $0x4  }
0x1ac: {  	v43 =	vld [tilespmem:s13+$0xFFFFFF30];
	v63 =	vbroadcast v26, $0x0;
	v12 =	vmul.f32 v9, v12;
	[tilespmem:$0x1FE30] =	vst v60  }
0x1ad: {  	v47 =	vld [tilespmem:s13+$0xFFFFFF70];
	v34 =	vmul.f32 v18, v46;
	[tilespmem:$0x1FD00] =	vst v0;
	v0 =	vbroadcast v14, $0x5  }
0x1ae: {  	v7 =	vbroadcast v26, $0x1;
	v46 =	vld [tilespmem:s13+$0xFFFFFF60];
	v55 =	vmul.f32 v63, v55;
	[tilespmem:s13+$0x1F0] =	vst v12  }
0x1af: {  	v9 =	vld [tilespmem:s13+$0xFFFFFEA0];
	[tilespmem:$0x1FD10] =	vst v0;
	v0 =	vbroadcast v14, $0x6  }
0x1b0: {  	v25 =	vbroadcast v26, $0x2;
	v48 =	vld [tilespmem:s13+$0xFFFFFF80];
	v7 =	vmul.f32 v56, v7;
	[tilespmem:s13+$0xFFFFFE00] =	vst v55  }
0x1b1: {  	v60 =	vld [tilespmem:s13+$0xFFFFFF90];
	[tilespmem:$0x1FD20] =	vst v0;
	v0 =	vbroadcast v14, $0x7  }
0x1b2: {  	v50 =	vld [tilespmem:s13+$0xFFFFFFA0];
	v25 =	vmul.f32 v58, v25;
	[tilespmem:s13+$0xFFFFFE10] =	vst v7  }
0x1b3: {  	v6 =	vbroadcast v26, $0x5;
	v56 =	vld [tilespmem:s13+$0xFFFFFFB0];
	[tilespmem:$0x1FD30] =	vst v0;
	v0 =	vbroadcast v35, $0x0  }
0x1b4: {  	v58 =	vld [tilespmem:s13+$0xFFFFFFC0];
	[tilespmem:s13+$0xFFFFFE20] =	vst v25  }
0x1b5: {  	v6 =	vmul.f32 v62, v6;
	v62 =	vld [tilespmem:s13+$0x70];
	[tilespmem:$0x1FD40] =	vst v0;
	v0 =	vbroadcast v35, $0x1  }
0x1b6: {  	v3 =	vbroadcast v26, $0x3;
	v55 =	vld [tilespmem:s13+$0xFFFFFFD0];
	[tilespmem:s14+$0x1C0] =	vst v41  }
0x1b7: {  	v37 =	vmul.f32 v16, v13;
	v25 =	vld [tilespmem:$0x1FCD0];
	[tilespmem:$0x1FD50] =	vst v0;
	v0 =	vbroadcast v35, $0x2  }
0x1b8: {  	v57 =	vmul.f32 v36, v20;
	v3 =	vmul.f32 v59, v3;
	[tilespmem:s14+$0x1D0] =	vst v42;
	v41 =	vld [tilespmem:s13+$0xFFFFFF10]  }
0x1b9: {  	v36 =	vbroadcast v26, $0x6;
	v42 =	vld [tilespmem:s13+$0xFFFFFF20];
	[tilespmem:$0x1FD60] =	vst v0;
	v0 =	vbroadcast v35, $0x3  }
0x1ba: {  	v4 =	vbroadcast v26, $0x4;
	v15 =	vbroadcast v37, $0x5;
	[tilespmem:s13+$0xFFFFFE30] =	vst v3;
	v3 =	vld [tilespmem:$0x1FCE0]  }
0x1bb: {  	v7 =	vmul.f32 v11, v36;
	v11 =	vld [tilespmem:$0x1FCC0];
	[tilespmem:$0x1FD70] =	vst v0;
	v0 =	vbroadcast v35, $0x4  }
0x1bc: {  	[tilespmem:s14+$0x180] =	vst v29;
	v4 =	vmul.f32 v61, v4;
	v8 =	vmul.f32 v8, v25;
	v25 =	vld [tilespmem:s13+$0xFFFFFFF0]  }
0x1bd: {  	v55 =	vmul.f32 v55, v15;
	v15 =	vld [tilespmem:s13+$0xA0];
	[tilespmem:$0x1FD80] =	vst v0;
	v0 =	vbroadcast v35, $0x5  }
0x1be: {  	v17 =	vbroadcast v37, $0x7;
	[tilespmem:s13+$0xFFFFFE40] =	vst v4;
	v4 =	vld [tilespmem:$0x1FD00]  }
0x1bf: {  	v3 =	vmul.f32 v9, v3;
	v9 =	vld [tilespmem:$0x1FCF0];
	[tilespmem:$0x1FD90] =	vst v0;
	v0 =	vbroadcast v35, $0x6  }
0x1c0: {  	v13 =	vbroadcast v37, $0x3;
	[tilespmem:s13+$0xFFFFFE50] =	vst v6;
	v6 =	vld [tilespmem:$0x1FD20]  }
0x1c1: {  	v25 =	vmul.f32 v25, v17;
	v17 =	vld [tilespmem:s13+$0xB0];
	[tilespmem:$0x1FDA0] =	vst v0;
	v0 =	vbroadcast v35, $0x7  }
0x1c2: {  	v23 =	vbroadcast v57, $0x0;
	v24 =	vbroadcast v57, $0x1;
	[tilespmem:$0x1FE00] =	vst v49;
	v63 =	vld [tilespmem:$0x1FD30]  }
0x1c3: {  	v27 =	vbroadcast v57, $0x2;
	v35 =	vld [tilespmem:s13+$0xFFFFFE80];
	[tilespmem:$0x1FDB0] =	vst v0;
	v0 =	vbroadcast v37, $0x0  }
0x1c4: {  	[tilespmem:s13+$0xFFFFFE60] =	vst v7;
	v14 =	vbroadcast v37, $0x4;
	v1 =	vmul.f32 v1, v4;
	v4 =	vld [tilespmem:$0x1FD10]  }
0x1c5: {  	v2 =	vmul.f32 v2, v9;
	v9 =	vld [tilespmem:s13+$0x0];
	[tilespmem:$0x1FDC0] =	vst v0;
	v0 =	vbroadcast v37, $0x1  }
0x1c6: {  	v28 =	vbroadcast v57, $0x4;
	[tilespmem:s13+$0xFFFFFEC0] =	vst v1;
	v1 =	vmul.f32 v58, v14;
	v14 =	vld [tilespmem:s13+$0x90]  }
0x1c7: {  	v29 =	vbroadcast v57, $0x5;
	v7 =	vld [tilespmem:$0x1FD40];
	[tilespmem:$0x1FDD0] =	vst v0;
	v0 =	vbroadcast v26, $0x7  }
0x1c8: {  	[tilespmem:s13+$0xFFFFFFC0] =	vst v1;
	v1 =	vld [tilespmem:$0x1FE00];
	v36 =	vmul.f32 v39, v63;
	v11 =	vmul.f32 v11, v35  }
0x1c9: {  	[tilespmem:s14+$0x110] =	vst v22;
	v63 =	vmul.f32 v56, v13;
	v13 =	vld [tilespmem:s13+$0x80];
	v0 =	vmul.f32 v10, v0  }
0x1ca: {  	v33 =	vbroadcast v57, $0x7;
	v53 =	vbroadcast v34, $0x0;
	[tilespmem:s13+$0xFFFFFE80] =	vst v11;
	v11 =	vld [tilespmem:$0x1FD80]  }
0x1cb: {  	v54 =	vbroadcast v34, $0x1;
	v18 =	vbroadcast v34, $0x2;
	[tilespmem:s13+$0xFFFFFE70] =	vst v0;
	v0 =	vld [tilespmem:$0x1FD60]  }
0x1cc: {  	[tilespmem:s14+$0xF0] =	vst v19;
	v52 =	vbroadcast v34, $0x3;
	v14 =	vmul.f32 v14, v24;
	v24 =	vld [tilespmem:s13+$0x120]  }
0x1cd: {  	v20 =	vbroadcast v34, $0x4;
	v19 =	vbroadcast v34, $0x5;
	[tilespmem:s13+$0xFFFFFE90] =	vst v8;
	v8 =	vld [tilespmem:$0x1FDA0]  }
0x1ce: {  	v22 =	vbroadcast v34, $0x6;
	v21 =	vbroadcast v34, $0x7;
	v59 =	vld [tilespmem:$0x1FD70]  }
0x1cf: {  	v34 =	vbroadcast v57, $0x6;
	v26 =	vbroadcast v57, $0x3;
	v57 =	vld [tilespmem:s13+$0xFFFFFF50]  }
0x1d0: {  	v0 =	vmul.f32 v42, v0;
	v42 =	vmul.f32 v44, v11;
	v11 =	vld [tilespmem:$0x1FD90]  }
0x1d1: {  	v6 =	vmul.f32 v38, v6;
	v38 =	vmul.f32 v7, v40;
	v7 =	vld [tilespmem:$0x1FD50]  }
0x1d2: {  	v44 =	vmul.f32 v46, v8;
	v8 =	vld [tilespmem:$0x1FDB0]  }
0x1d3: {  	v16 =	vbroadcast v37, $0x6;
	v12 =	vbroadcast v37, $0x2;
	v37 =	vld [tilespmem:s13+$0xFFFFFED0]  }
0x1d4: {  	v10 =	vld [tilespmem:s13+$0xFFFFFFE0]  }
0x1d5: {  	v40 =	vmul.f32 v43, v59;
	v43 =	vmul.f32 v57, v11;
	v11 =	vld [tilespmem:s13+$0x50]  }
0x1d6: {  	v13 =	vmul.f32 v23, v13;
	v23 =	vld [tilespmem:s13+$0x110]  }
0x1d7: {  	v46 =	vmul.f32 v47, v8;
	v47 =	vld [tilespmem:s13+$0x60]  }
0x1d8: {  	v39 =	vmul.f32 v41, v7;
	v41 =	vld [tilespmem:s13+$0x40];
	v4 =	vmul.f32 v37, v4  }
0x1d9: {  	[tilespmem:s13+$0xFFFFFF20] =	vst v0;
	v0 =	vld [tilespmem:s13+$0xF0]  }
0x1da: {  	[tilespmem:s13+$0xFFFFFED0] =	vst v4;
	v4 =	vmul.f32 v10, v16;
	v10 =	vmul.f32 v11, v19;
	v19 =	vld [tilespmem:s13+$0xD0]  }
0x1db: {  	v11 =	vmul.f32 v62, v21;
	v21 =	vld [tilespmem:s13+$0xE0]  }
0x1dc: {  	[tilespmem:s13+$0xFFFFFEB0] =	vst v2;
	v2 =	vmul.f32 v50, v12;
	v12 =	vmul.f32 v47, v22;
	v22 =	vld [tilespmem:s13+$0x100]  }
0x1dd: {  	[tilespmem:s13+$0xFFFFFEA0] =	vst v3;
	v3 =	vld [tilespmem:$0x1FDC0]  }
0x1de: {  	[tilespmem:s13+$0xFFFFFEE0] =	vst v6;
	v6 =	vmul.f32 v53, v9;
	v9 =	vmul.f32 v41, v20;
	v37 =	vld [tilespmem:s13+$0x20]  }
0x1df: {  	v16 =	vmul.f32 v15, v27;
	v15 =	vmul.f32 v17, v26;
	v26 =	vld [tilespmem:s13+$0x130]  }
0x1e0: {  	v8 =	vld [tilespmem:$0x1FDD0];
	v20 =	vmul.f32 v19, v29;
	v17 =	vmul.f32 v21, v34  }
0x1e1: {  	v19 =	vmul.f32 v0, v33;
	v0 =	vld [tilespmem:s13+$0x140];
	v21 =	vmul.f32 v32, v22  }
0x1e2: {  	v22 =	vmul.f32 v23, v31;
	v23 =	vmul.f32 v24, v30;
	v24 =	vld [tilespmem:$0x1FDF0]  }
0x1e3: {  	v3 =	vmul.f32 v3, v48;
	_ =	sdelay $0x1  }
0x1e4: {  	[tilespmem:s13+$0xFFFFFF80] =	vst v3;
	v3 =	vld [tilespmem:s13+$0x150]  }
0x1e5: {  	v61 =	vmul.f32 v60, v8;
	v8 =	vmul.f32 v37, v18;
	v18 =	vld [tilespmem:s13+$0xC0]  }
0x1e6: {  	v24 =	vmul.f32 v26, v24;
	v26 =	vmul.f32 v0, v1;
	v1 =	vld [tilespmem:$0x1FE10];
	_ =	sdelay $0x3  }
0x1e7: {  	[tilespmem:$0x1FE20] =	vst v51;
	v18 =	vmul.f32 v18, v28;
	v28 =	vld [tilespmem:s13+$0x160]  }
0x1e8: {  	v27 =	vmul.f32 v3, v1;
	v1 =	vld [tilespmem:$0x1FE20];
	_ =	sdelay $0x3  }
0x1e9: {  	[tilespmem:s13+$0xFFFFFFA0] =	vst v2;
	v2 =	vld [tilespmem:s13+$0x170]  }
0x1ea: {  	[tilespmem:s14+$0x1E0] =	vst v45;
	v28 =	vmul.f32 v28, v1;
	v1 =	vld [tilespmem:$0x1FE30]  }
0x1eb: {  	[tilespmem:s13+$0xFFFFFFD0] =	vst v55  }
0x1ec: {  	[tilespmem:s13+$0xFFFFFFF0] =	vst v25;
	v35 =	vld [tilespmem:s13+$0x10]  }
0x1ed: {  	[tilespmem:s13+$0xFFFFFEF0] =	vst v36  }
0x1ee: {  	[tilespmem:s13+$0xFFFFFFB0] =	vst v63;
	v29 =	vld [tilespmem:s13+$0x180]  }
0x1ef: {  	[tilespmem:s13+$0x0] =	vst v6;
	v25 =	vmul.f32 v2, v1;
	v1 =	vld [tilespmem:$0x1FE40]  }
0x1f0: {  	[tilespmem:s13+$0xFFFFFF00] =	vst v38  }
0x1f1: {  	v7 =	vld [tilespmem:s13+$0x30];
	[tilespmem:s13+$0xFFFFFF10] =	vst v39;
	v35 =	vmul.f32 v35, v54  }
0x1f2: {  	[tilespmem:s13+$0xFFFFFF30] =	vst v40;
	v40 =	vld [tilespmem:$0x1FDE0]  }
0x1f3: {  	s15 =	sadd.s32 $0x8, s15;
	[tilespmem:s13+$0x10] =	vst v35;
	v0 =	vld [tilespmem:s13+$0x190]  }
0x1f4: {  	p3 =	slt.u32 s15, $0x48;
	[tilespmem:s13+$0xFFFFFFE0] =	vst v4;
	v29 =	vmul.f32 v1, v29;
	v1 =	vld [tilespmem:$0x1FE50]  }
.Ltmp3:
0x1f5: {  	[tilespmem:s13+$0xFFFFFF40] =	vst v42;
	v31 =	vld [tilespmem:s13+$0x1A0];
	(pc) =	sbr.rel @p3 .LBB2_5-.Ltmp3, $4  }
0x1f6: {  	[tilespmem:s13+$0xFFFFFF60] =	vst v44;
	v32 =	vld [tilespmem:s13+$0x1B0]  }
0x1f7: {  	v51 =	vbroadcast v5, $0x4;
	v49 =	vbroadcast v5, $0x5;
	[tilespmem:s13+$0xFFFFFF50] =	vst v43;
	v33 =	vld [tilespmem:s13+$0x1C0]  }
0x1f8: {  	v45 =	vbroadcast v5, $0x3;
	v5 =	vbroadcast v5, $0x6;
	[tilespmem:s13+$0xFFFFFF70] =	vst v46;
	v34 =	vld [tilespmem:s13+$0x1D0]  }
0x1f9: {  	s16 =	sadd.s32 $0x80, s16;
	s14 =	smov.u32 s13;
	v7 =	vmul.f32 v7, v52;
	[tilespmem:s13+$0xFFFFFF90] =	vst v61;
	v30 =	vmul.f32 v0, v1;
	v1 =	vld [tilespmem:s13+$0x1E0]  }
0x1fa: {  	[tilespmem:s13+$0x20] =	vst v8  }
0x1fb: {  	[tilespmem:s13+$0x40] =	vst v9  }
0x1fc: {  	[tilespmem:s13+$0x50] =	vst v10  }
0x1fd: {  	[tilespmem:s14+$0x80] =	vst v13  }
0x1fe: {  	[tilespmem:s14+$0x90] =	vst v14  }
0x1ff: {  	[tilespmem:s14+$0xA0] =	vst v16  }
0x200: {  	[tilespmem:s14+$0xB0] =	vst v15  }
0x201: {  	[tilespmem:s14+$0xC0] =	vst v18  }
0x202: {  	[tilespmem:s14+$0xD0] =	vst v20  }
0x203: {  	[tilespmem:s14+$0xE0] =	vst v17  }
0x204: {  	[tilespmem:s14+$0xF0] =	vst v19  }
0x205: {  	[tilespmem:s14+$0x100] =	vst v21  }
0x206: {  	[tilespmem:s14+$0x110] =	vst v22  }
0x207: {  	[tilespmem:s14+$0x120] =	vst v23  }
0x208: {  	[tilespmem:s14+$0x130] =	vst v24  }
0x209: {  	[tilespmem:s14+$0x140] =	vst v26  }
0x20a: {  	[tilespmem:s14+$0x150] =	vst v27  }
0x20b: {  	[tilespmem:s14+$0x160] =	vst v28  }
0x20c: {  	[tilespmem:s14+$0x170] =	vst v25  }
0x20d: {  	[tilespmem:s14+$0x180] =	vst v29  }
0x20e: {  	[tilespmem:s13+$0x30] =	vst v7  }
0x20f: {  	[tilespmem:s14+$0x190] =	vst v30  }
0x210: {  	v0 =	vmul.f32 v31, v40;
	[tilespmem:s14+$0x60] =	vst v12  }
0x211: {  	s8 =	sadd.s32 $0x1, s8;
	v2 =	vmul.f32 v32, v45;
	[tilespmem:s14+$0x70] =	vst v11  }
0x212: {  	p3 =	sne.s32 s8, $0x3E;
	v3 =	vmul.f32 v33, v51;
	[tilespmem:s14+$0x1A0] =	vst v0  }
.Ltmp4:
0x213: {  	v63 =	vmul.f32 v34, v49;
	[tilespmem:s14+$0x1B0] =	vst v2;
	(pc) =	sbr.rel @p3 .LBB2_2-.Ltmp4, $4  }
0x214: {  	v1 =	vmul.f32 v1, v5;
	[tilespmem:s14+$0x1C0] =	vst v3  }
0x215: {  	[tilespmem:s14+$0x1D0] =	vst v63  }
0x216: {  	[tilespmem:s14+$0x1E0] =	vst v1  }
0x217: {  	[spmem:s2] =	stream.indirect.scatter.add.f32 [tilespmem:s31], [sflag:$0x4], $0x80, s9, s23, $0xb8;
	[tilespmem:$0x1EAA0] =	vst v63  }
0x218: {  	_ =	swait.ge [sflag:s28], $0x2800  }
0x219: {  	[sflag:s28] =	ssyncset.done $0x0  }
0x21a: {  	[sflag:s28] =	ssyncadd.s32 $0xFFFFD800  }
0x21b: {  	_ =	swait.ge [sflag:s29], $0x500  }
0x21c: {  	[sflag:s29] =	ssyncset.done $0x0  }
0x21d: {  	[sflag:s29] =	ssyncadd.s32 $0xFFFFFB00  }
0x21e: {  	_ =	swait.ge [sflag:s30], $0x500  }
0x21f: {  	[sflag:s30] =	ssyncset.done $0x0  }
0x220: {  	[sflag:s30] =	ssyncadd.s32 $0xFFFFFB00  }
0x221: {  	_ =	swait.ge [sflag:s17], $0x2800  }
0x222: {  	[sflag:s17] =	ssyncset.done $0x0  }
0x223: {  	s10 =	simm.s32 $0x9E60;
	[sflag:s17] =	ssyncadd.s32 $0xFFFFD800  }
0x224: {  	s8 =	simm.s32 $0xA860;
	v0 =	vld [tilespmem:s10+$0x30]  }
0x225: {  	v1 =	vld [tilespmem:s8+$0x30]  }
0x226: {  	v3 =	vld [tilespmem:s8+$0xFFFFFFC0]  }
0x227: {  	v2 =	vld [tilespmem:s10+$0xFFFFFFD0]  }
0x228: {  	v4 =	vld [tilespmem:s8+$0xFFFFFFD0]  }
0x229: {  	v7 =	vld [tilespmem:s10+$0xFFFFFFE0]  }
0x22a: {  	v8 =	vld [tilespmem:s8+$0xFFFFFFE0]  }
0x22b: {  	v9 =	vld [tilespmem:s10+$0xFFFFFFF0]  }
0x22c: {  	v10 =	vld [tilespmem:s8+$0xFFFFFFF0]  }
0x22d: {  	v11 =	vld [tilespmem:s10+$0x0]  }
0x22e: {  	v12 =	vld [tilespmem:s8+$0x0]  }
0x22f: {  	v15 =	vld [tilespmem:s10+$0x20]  }
0x230: {  	v17 =	vld [tilespmem:s8+$0x20]  }
0x231: {  	v18 =	vld [tilespmem:s10+$0xFFFFFFC0]  }
0x232: {  	s9 =	simm.s32 $0x5020  }
0x233: {  	v6 =	vld [tilespmem:s9+$0x1F0];
	v1 =	vmul.f32 v1, v0  }
0x234: {  	v13 =	vld [tilespmem:s10+$0x10];
	v4 =	vmul.f32 v4, v2;
	v7 =	vmul.f32 v8, v7  }
0x235: {  	v14 =	vld [tilespmem:s8+$0x10];
	v9 =	vmul.f32 v10, v9;
	v11 =	vmul.f32 v12, v11  }
0x236: {  	v21 =	vld [tilespmem:s9+$0xFFFFFE10];
	v18 =	vmul.f32 v3, v18;
	v3 =	vmul.f32 v17, v15  }
0x237: {  	v25 =	vld [tilespmem:s9+$0xFFFFFE30];
	v5 =	vbroadcast v1, $0x0;
	v16 =	vbroadcast v1, $0x7  }
0x238: {  	v29 =	vld [tilespmem:s9+$0xFFFFFE50];
	v2 =	vbroadcast v1, $0x1;
	v40 =	vbroadcast v1, $0x2  }
0x239: {  	v32 =	vld [tilespmem:s9+$0xFFFFFE70];
	v19 =	vbroadcast v4, $0x0;
	v20 =	vbroadcast v4, $0x1  }
0x23a: {  	v35 =	vld [tilespmem:s9+$0xFFFFFEA0];
	v22 =	vbroadcast v4, $0x2;
	v23 =	vbroadcast v4, $0x3  }
0x23b: {  	v38 =	vld [tilespmem:s9+$0xFFFFFEB0];
	v24 =	vbroadcast v4, $0x4;
	v26 =	vbroadcast v4, $0x5  }
0x23c: {  	v41 =	vld [tilespmem:s9+$0xFFFFFED0];
	v27 =	vbroadcast v4, $0x6;
	v28 =	vbroadcast v4, $0x7  }
0x23d: {  	v42 =	vld [tilespmem:s9+$0xFFFFFEE0];
	v30 =	vbroadcast v7, $0x0;
	v31 =	vbroadcast v7, $0x1  }
0x23e: {  	v43 =	vld [tilespmem:s9+$0xFFFFFEF0];
	v4 =	vmul.f32 v14, v13;
	v14 =	vbroadcast v18, $0x0  }
0x23f: {  	v45 =	vld [tilespmem:s9+$0xFFFFFF10];
	v15 =	vbroadcast v18, $0x1;
	v33 =	vbroadcast v18, $0x2  }
0x240: {  	v46 =	vld [tilespmem:s9+$0xFFFFFF30];
	v34 =	vbroadcast v18, $0x3;
	v36 =	vbroadcast v18, $0x4  }
0x241: {  	v48 =	vld [tilespmem:s9+$0xFFFFFF50];
	v37 =	vbroadcast v18, $0x5;
	v44 =	vbroadcast v7, $0x2  }
0x242: {  	v50 =	vld [tilespmem:s9+$0xFFFFFF60];
	v47 =	vbroadcast v7, $0x4;
	v49 =	vbroadcast v7, $0x5  }
0x243: {  	v52 =	vld [tilespmem:s9+$0xFFFFFF80];
	v51 =	vbroadcast v7, $0x6;
	v55 =	vbroadcast v9, $0x0  }
0x244: {  	v53 =	vld [tilespmem:s9+$0xFFFFFF90];
	v61 =	vbroadcast v3, $0x4;
	v63 =	vbroadcast v3, $0x6  }
0x245: {  	v8 =	vld [tilespmem:s9+$0xFFFFFE20];
	v6 =	vmul.f32 v6, v16;
	v15 =	vmul.f32 v21, v15  }
0x246: {  	v12 =	vld [tilespmem:s9+$0xFFFFFE60];
	v21 =	vbroadcast v18, $0x6;
	v18 =	vbroadcast v18, $0x7  }
0x247: {  	v10 =	vld [tilespmem:s9+$0xFFFFFE40];
	v25 =	vmul.f32 v25, v34;
	v29 =	vmul.f32 v29, v37  }
0x248: {  	v17 =	vld [tilespmem:s9+$0xFFFFFE90];
	v22 =	vmul.f32 v35, v22;
	v23 =	vmul.f32 v38, v23  }
0x249: {  	v54 =	vld [tilespmem:s9+$0xFFFFFFA0];
	v26 =	vmul.f32 v41, v26;
	v27 =	vmul.f32 v42, v27  }
0x24a: {  	v56 =	vld [tilespmem:s9+$0xFFFFFFB0];
	v28 =	vmul.f32 v43, v28;
	v31 =	vmul.f32 v45, v31  }
0x24b: {  	v34 =	vmul.f32 v55, v52;
	v12 =	vmul.f32 v12, v21;
	v21 =	vld [tilespmem:s9+$0xFFFFFF00]  }
0x24c: {  	v57 =	vld [tilespmem:s9+$0xFFFFFFD0];
	v8 =	vmul.f32 v8, v33;
	v10 =	vmul.f32 v10, v36;
	[tilespmem:s9+$0x1F0] =	vst v6  }
0x24d: {  	v13 =	vld [tilespmem:s9+$0xFFFFFE80];
	v17 =	vmul.f32 v17, v20;
	v33 =	vmul.f32 v48, v49;
	[tilespmem:s9+$0xFFFFFE10] =	vst v15  }
0x24e: {  	v16 =	vld [tilespmem:s9+$0xFFFFFE00];
	v18 =	vmul.f32 v32, v18;
	v32 =	vmul.f32 v50, v51;
	[tilespmem:s9+$0xFFFFFE30] =	vst v25  }
0x24f: {  	v58 =	vld [tilespmem:s9+$0xFFFFFFE0];
	v6 =	vbroadcast v9, $0x1;
	v15 =	vbroadcast v9, $0x3;
	[tilespmem:s9+$0xFFFFFE50] =	vst v29  }
0x250: {  	v25 =	vbroadcast v9, $0x5;
	[tilespmem:s9+$0xFFFFFEA0] =	vst v22;
	v21 =	vmul.f32 v30, v21;
	v30 =	vld [tilespmem:s9+$0xFFFFFF70]  }
0x251: {  	v62 =	vld [tilespmem:s9+$0x180];
	[tilespmem:s9+$0xFFFFFEB0] =	vst v23;
	v22 =	vbroadcast v11, $0x5;
	v23 =	vbroadcast v4, $0x3  }
0x252: {  	v20 =	vld [tilespmem:s9+$0xFFFFFF20];
	[tilespmem:s9+$0xFFFFFED0] =	vst v26;
	v13 =	vmul.f32 v19, v13;
	v19 =	vbroadcast v7, $0x3  }
0x253: {  	[tilespmem:s9+$0xFFFFFEF0] =	vst v28;
	v26 =	vld [tilespmem:s9+$0xE0];
	v7 =	vbroadcast v7, $0x7;
	v14 =	vmul.f32 v14, v16  }
0x254: {  	v28 =	vbroadcast v3, $0x1;
	[tilespmem:s9+$0xFFFFFE20] =	vst v8;
	v36 =	vmul.f32 v56, v15;
	v15 =	vld [tilespmem:s9+$0x0]  }
0x255: {  	[tilespmem:s9+$0xFFFFFE00] =	vst v14;
	v14 =	vbroadcast v9, $0x2;
	v30 =	vmul.f32 v30, v7;
	v7 =	vld [tilespmem:s9+$0xFFFFFFC0]  }
0x256: {  	v8 =	vbroadcast v9, $0x4;
	[tilespmem:s9+$0xFFFFFE40] =	vst v10;
	v10 =	vbroadcast v9, $0x6;
	v16 =	vld [tilespmem:s9+$0xFFFFFEC0]  }
0x257: {  	[tilespmem:s9+$0xFFFFFE60] =	vst v12;
	v12 =	vbroadcast v11, $0x0;
	v38 =	vmul.f32 v54, v14;
	v14 =	vld [tilespmem:s9+$0xFFFFFFF0]  }
0x258: {  	[tilespmem:s9+$0xFFFFFE90] =	vst v17;
	v17 =	vbroadcast v11, $0x4;
	v29 =	vmul.f32 v58, v10;
	v10 =	vld [tilespmem:s9+$0x30]  }
0x259: {  	v6 =	vmul.f32 v53, v6;
	v59 =	vmul.f32 v12, v15;
	v12 =	vld [tilespmem:s9+$0x50]  }
0x25a: {  	v39 =	vmul.f32 v7, v8;
	v7 =	vld [tilespmem:s9+$0x10];
	v8 =	vbroadcast v9, $0x7  }
0x25b: {  	v25 =	vmul.f32 v57, v25;
	[tilespmem:s9+$0xFFFFFE70] =	vst v18;
	v18 =	vbroadcast v11, $0x1;
	v9 =	vld [tilespmem:s9+$0x20]  }
0x25c: {  	v19 =	vmul.f32 v46, v19;
	v0 =	vmul.f32 v14, v8;
	v14 =	vld [tilespmem:s9+$0x40]  }
0x25d: {  	[tilespmem:s9+$0xFFFFFE80] =	vst v13;
	v13 =	vbroadcast v11, $0x3;
	v20 =	vmul.f32 v20, v44;
	v15 =	vld [tilespmem:s9+$0x60]  }
0x25e: {  	[tilespmem:s9+$0xFFFFFF00] =	vst v21;
	v21 =	vbroadcast v4, $0x2;
	v16 =	vmul.f32 v16, v24;
	v24 =	vld [tilespmem:s9+$0xFFFFFF40]  }
0x25f: {  	v8 =	vbroadcast v11, $0x2;
	v60 =	vmul.f32 v7, v18;
	v18 =	vld [tilespmem:s9+$0x70]  }
0x260: {  	[tilespmem:s9+$0xFFFFFEC0] =	vst v16;
	v16 =	vbroadcast v11, $0x6;
	v7 =	vmul.f32 v10, v13;
	v13 =	vld [tilespmem:s9+$0x80]  }
0x261: {  	v8 =	vmul.f32 v9, v8;
	v9 =	vmul.f32 v14, v17;
	v14 =	vld [tilespmem:s9+$0x90]  }
0x262: {  	v11 =	vbroadcast v11, $0x7;
	v10 =	vmul.f32 v12, v22;
	v17 =	vld [tilespmem:s9+$0xA0]  }
0x263: {  	[tilespmem:s9+$0xFFFFFEE0] =	vst v27;
	v22 =	vbroadcast v4, $0x0;
	v12 =	vmul.f32 v15, v16;
	v15 =	vld [tilespmem:s9+$0xB0]  }
0x264: {  	[tilespmem:s9+$0xFFFFFF30] =	vst v19;
	v24 =	vmul.f32 v24, v47;
	v11 =	vmul.f32 v18, v11;
	v18 =	vld [tilespmem:s9+$0xC0]  }
0x265: {  	[tilespmem:s9+$0xFFFFFF20] =	vst v20;
	v16 =	vbroadcast v4, $0x1;
	v13 =	vmul.f32 v22, v13;
	v22 =	vld [tilespmem:s9+$0xD0]  }
0x266: {  	v19 =	vbroadcast v4, $0x6;
	v20 =	vbroadcast v4, $0x4;
	[tilespmem:s9+$0xFFFFFF40] =	vst v24;
	v24 =	vld [tilespmem:s9+$0x110]  }
0x267: {  	[tilespmem:s9+$0xFFFFFF10] =	vst v31;
	v14 =	vmul.f32 v14, v16;
	v16 =	vmul.f32 v17, v21;
	v21 =	vld [tilespmem:s9+$0xF0]  }
0x268: {  	[tilespmem:s9+$0xFFFFFF80] =	vst v34;
	v15 =	vmul.f32 v15, v23;
	v23 =	vld [tilespmem:s9+$0x100];
	v17 =	vbroadcast v4, $0x5  }
0x269: {  	v27 =	vld [tilespmem:s9+$0x120];
	[tilespmem:s9+$0xFFFFFF50] =	vst v33;
	v4 =	vbroadcast v4, $0x7;
	v18 =	vmul.f32 v18, v20  }
0x26a: {  	[tilespmem:s9+$0xFFFFFF60] =	vst v32;
	v20 =	vmul.f32 v22, v17;
	v17 =	vmul.f32 v26, v19;
	v26 =	vld [tilespmem:s9+$0x130]  }
0x26b: {  	v31 =	vld [tilespmem:s9+$0x150];
	[tilespmem:s9+$0xFFFFFF90] =	vst v6;
	v6 =	vbroadcast v3, $0x3;
	v22 =	vbroadcast v3, $0x0  }
0x26c: {  	[tilespmem:s9+$0xFFFFFF70] =	vst v30;
	v30 =	vbroadcast v3, $0x2;
	v19 =	vmul.f32 v21, v4;
	v4 =	vld [tilespmem:s9+$0x140]  }
0x26d: {  	[tilespmem:s9+$0xFFFFFFB0] =	vst v36;
	v21 =	vmul.f32 v22, v23;
	v22 =	vmul.f32 v24, v28;
	v28 =	vld [tilespmem:s9+$0x160]  }
0x26e: {  	v45 =	vbroadcast v1, $0x3;
	[tilespmem:s9+$0xFFFFFFD0] =	vst v25;
	v23 =	vmul.f32 v27, v30;
	v30 =	vld [tilespmem:s9+$0x170]  }
0x26f: {  	v49 =	vbroadcast v1, $0x5;
	[tilespmem:s9+$0xFFFFFFE0] =	vst v29;
	v24 =	vmul.f32 v26, v6;
	v6 =	vld [tilespmem:s9+$0x190]  }
0x270: {  	v51 =	vbroadcast v1, $0x4;
	v34 =	vld [tilespmem:s9+$0x1D0];
	v29 =	vmul.f32 v5, v62;
	[tilespmem:s9+$0xFFFFFFA0] =	vst v38  }
0x271: {  	v33 =	vld [tilespmem:s9+$0x1C0];
	v5 =	vbroadcast v1, $0x6;
	[tilespmem:s9+$0x0] =	vst v59;
	v27 =	vbroadcast v3, $0x5  }
0x272: {  	v32 =	vld [tilespmem:s9+$0x1B0];
	[tilespmem:s9+$0xFFFFFFC0] =	vst v39;
	v26 =	vmul.f32 v4, v61;
	v4 =	vbroadcast v3, $0x7  }
0x273: {  	v1 =	vld [tilespmem:s9+$0x1E0];
	[tilespmem:s9+$0xFFFFFFF0] =	vst v0;
	v27 =	vmul.f32 v31, v27;
	v28 =	vmul.f32 v28, v63  }
0x274: {  	s13 =	simm.s32 $0x0;
	s14 =	simm.s32 $0x9EE0;
	s10 =	simm.s32 $0x5020;
	[tilespmem:s9+$0x10] =	vst v60;
	v31 =	vld [tilespmem:s9+$0x1A0];
	v25 =	vmul.f32 v30, v4;
	v30 =	vmul.f32 v6, v2  }
.LBB2_8:
0x275: {  	[tilespmem:s9+$0x20] =	vst v8  }
0x276: {  	v2 =	vld [tilespmem:s14+$0x30];
	[tilespmem:s9+$0x40] =	vst v9  }
0x277: {  	[tilespmem:s9+$0x50] =	vst v10;
	v10 =	vld [tilespmem:s14+$0xFFFFFFE0]  }
0x278: {  	[tilespmem:s10+$0x80] =	vst v13;
	v13 =	vld [tilespmem:s14+$0xFFFFFFF0]  }
0x279: {  	[tilespmem:s10+$0x90] =	vst v14;
	v38 =	vld [tilespmem:s14+$0x20]  }
0x27a: {  	s8 =	sadd.s32 $0x80, s8;
	[tilespmem:s10+$0xA0] =	vst v16;
	v47 =	vld [tilespmem:s14+$0xFFFFFFC0]  }
0x27b: {  	[tilespmem:s10+$0xB0] =	vst v15;
	v0 =	vld [tilespmem:s8+$0x30]  }
0x27c: {  	[tilespmem:s10+$0xC0] =	vst v18;
	v50 =	vld [tilespmem:s8+$0xFFFFFFC0]  }
0x27d: {  	[tilespmem:s9+$0x30] =	vst v7;
	v7 =	vld [tilespmem:s14+$0xFFFFFFD0]  }
0x27e: {  	[tilespmem:s10+$0xD0] =	vst v20;
	v8 =	vld [tilespmem:s8+$0xFFFFFFD0]  }
0x27f: {  	[tilespmem:s10+$0x70] =	vst v11;
	v11 =	vld [tilespmem:s8+$0xFFFFFFE0]  }
0x280: {  	v20 =	vld [tilespmem:s14+$0x10]  }
0x281: {  	v36 =	vld [tilespmem:s8+$0x10];
	[tilespmem:s10+$0xE0] =	vst v17  }
0x282: {  	v39 =	vld [tilespmem:s8+$0x20];
	[tilespmem:s10+$0x100] =	vst v21  }
0x283: {  	s9 =	sadd.s32 $0x400, s9;
	v16 =	vld [tilespmem:s8+$0xFFFFFFF0];
	[tilespmem:s10+$0x120] =	vst v23  }
0x284: {  	[tilespmem:s10+$0x130] =	vst v24;
	v9 =	vld [tilespmem:s9+$0x1F0];
	v43 =	vmul.f32 v32, v45  }
0x285: {  	[tilespmem:s10+$0x140] =	vst v26;
	v55 =	vld [tilespmem:s9+$0xFFFFFE00];
	v45 =	vmul.f32 v1, v5;
	v5 =	vmul.f32 v0, v2  }
0x286: {  	[tilespmem:s10+$0x150] =	vst v27;
	v56 =	vld [tilespmem:s9+$0xFFFFFE10]  }
0x287: {  	[tilespmem:s10+$0x160] =	vst v28;
	v58 =	vld [tilespmem:s9+$0xFFFFFE20];
	v0 =	vbroadcast v5, $0x0  }
0x288: {  	[tilespmem:s10+$0x170] =	vst v25;
	v59 =	vld [tilespmem:s9+$0xFFFFFE30]  }
0x289: {  	v61 =	vld [tilespmem:s9+$0xFFFFFE40];
	[tilespmem:$0x1FCA0] =	vst v0;
	v0 =	vbroadcast v5, $0x1  }
0x28a: {  	[tilespmem:s10+$0x60] =	vst v12;
	v62 =	vld [tilespmem:s9+$0xFFFFFE50];
	v31 =	vmul.f32 v31, v40  }
0x28b: {  	v44 =	vld [tilespmem:s9+$0xFFFFFF40];
	v14 =	vmul.f32 v8, v7;
	[tilespmem:$0x1FCB0] =	vst v0;
	v0 =	vbroadcast v5, $0x2  }
0x28c: {  	[tilespmem:s10+$0x190] =	vst v30;
	v46 =	vld [tilespmem:s14+$0x0];
	v41 =	vmul.f32 v33, v51;
	v42 =	vmul.f32 v34, v49  }
0x28d: {  	v18 =	vld [tilespmem:s8+$0x0];
	v35 =	vmul.f32 v11, v10;
	[tilespmem:$0x1FC40] =	vst v0;
	v0 =	vbroadcast v14, $0x0  }
0x28e: {  	v1 =	vld [tilespmem:s9+$0xFFFFFEC0];
	v60 =	vmul.f32 v39, v38;
	v26 =	vmul.f32 v50, v47;
	[tilespmem:s10+$0x1A0] =	vst v31  }
0x28f: {  	v40 =	vld [tilespmem:s9+$0xFFFFFF00];
	v12 =	vbroadcast v5, $0x7;
	[tilespmem:$0x1FB20] =	vst v0;
	v0 =	vbroadcast v14, $0x1  }
0x290: {  	v11 =	vld [tilespmem:s9+$0xFFFFFE60];
	[tilespmem:s10+$0x1B0] =	vst v43;
	v32 =	vbroadcast v60, $0x0;
	v48 =	vbroadcast v60, $0x3  }
0x291: {  	v10 =	vld [tilespmem:s9+$0xFFFFFE70];
	v31 =	vbroadcast v60, $0x1;
	[tilespmem:$0x1FB30] =	vst v0;
	v0 =	vbroadcast v14, $0x2  }
0x292: {  	v8 =	vld [tilespmem:s9+$0xFFFFFE90];
	v30 =	vbroadcast v60, $0x2;
	v50 =	vbroadcast v60, $0x5;
	[tilespmem:$0x1FC50] =	vst v48  }
0x293: {  	v2 =	vld [tilespmem:s9+$0xFFFFFEB0];
	v49 =	vbroadcast v60, $0x4;
	[tilespmem:$0x1FB40] =	vst v0;
	v0 =	vbroadcast v14, $0x3  }
0x294: {  	v38 =	vld [tilespmem:s9+$0xFFFFFEE0];
	v51 =	vbroadcast v60, $0x6;
	v60 =	vbroadcast v60, $0x7;
	[tilespmem:$0x1FC70] =	vst v50  }
0x295: {  	v39 =	vld [tilespmem:s9+$0xFFFFFEF0];
	[tilespmem:$0x1FB50] =	vst v0;
	v0 =	vbroadcast v14, $0x4  }
0x296: {  	v43 =	vld [tilespmem:s9+$0xFFFFFF30];
	v63 =	vbroadcast v26, $0x0;
	v12 =	vmul.f32 v9, v12;
	[tilespmem:$0x1FC90] =	vst v60  }
0x297: {  	v47 =	vld [tilespmem:s9+$0xFFFFFF70];
	v34 =	vmul.f32 v18, v46;
	[tilespmem:$0x1FB60] =	vst v0;
	v0 =	vbroadcast v14, $0x5  }
0x298: {  	v7 =	vbroadcast v26, $0x1;
	v46 =	vld [tilespmem:s9+$0xFFFFFF60];
	v55 =	vmul.f32 v63, v55;
	[tilespmem:s9+$0x1F0] =	vst v12  }
0x299: {  	v9 =	vld [tilespmem:s9+$0xFFFFFEA0];
	[tilespmem:$0x1FB70] =	vst v0;
	v0 =	vbroadcast v14, $0x6  }
0x29a: {  	v25 =	vbroadcast v26, $0x2;
	v48 =	vld [tilespmem:s9+$0xFFFFFF80];
	v7 =	vmul.f32 v56, v7;
	[tilespmem:s9+$0xFFFFFE00] =	vst v55  }
0x29b: {  	v60 =	vld [tilespmem:s9+$0xFFFFFF90];
	[tilespmem:$0x1FB80] =	vst v0;
	v0 =	vbroadcast v14, $0x7  }
0x29c: {  	v50 =	vld [tilespmem:s9+$0xFFFFFFA0];
	v25 =	vmul.f32 v58, v25;
	[tilespmem:s9+$0xFFFFFE10] =	vst v7  }
0x29d: {  	v6 =	vbroadcast v26, $0x5;
	v56 =	vld [tilespmem:s9+$0xFFFFFFB0];
	[tilespmem:$0x1FB90] =	vst v0;
	v0 =	vbroadcast v35, $0x0  }
0x29e: {  	v58 =	vld [tilespmem:s9+$0xFFFFFFC0];
	[tilespmem:s9+$0xFFFFFE20] =	vst v25  }
0x29f: {  	v6 =	vmul.f32 v62, v6;
	v62 =	vld [tilespmem:s9+$0x70];
	[tilespmem:$0x1FBA0] =	vst v0;
	v0 =	vbroadcast v35, $0x1  }
0x2a0: {  	v3 =	vbroadcast v26, $0x3;
	v55 =	vld [tilespmem:s9+$0xFFFFFFD0];
	[tilespmem:s10+$0x1C0] =	vst v41  }
0x2a1: {  	v37 =	vmul.f32 v16, v13;
	v25 =	vld [tilespmem:$0x1FB30];
	[tilespmem:$0x1FBB0] =	vst v0;
	v0 =	vbroadcast v35, $0x2  }
0x2a2: {  	v57 =	vmul.f32 v36, v20;
	v3 =	vmul.f32 v59, v3;
	[tilespmem:s10+$0x1D0] =	vst v42;
	v41 =	vld [tilespmem:s9+$0xFFFFFF10]  }
0x2a3: {  	v36 =	vbroadcast v26, $0x6;
	v42 =	vld [tilespmem:s9+$0xFFFFFF20];
	[tilespmem:$0x1FBC0] =	vst v0;
	v0 =	vbroadcast v35, $0x3  }
0x2a4: {  	v4 =	vbroadcast v26, $0x4;
	v15 =	vbroadcast v37, $0x5;
	[tilespmem:s9+$0xFFFFFE30] =	vst v3;
	v3 =	vld [tilespmem:$0x1FB40]  }
0x2a5: {  	v7 =	vmul.f32 v11, v36;
	v11 =	vld [tilespmem:$0x1FB20];
	[tilespmem:$0x1FBD0] =	vst v0;
	v0 =	vbroadcast v35, $0x4  }
0x2a6: {  	[tilespmem:s10+$0x180] =	vst v29;
	v4 =	vmul.f32 v61, v4;
	v8 =	vmul.f32 v8, v25;
	v25 =	vld [tilespmem:s9+$0xFFFFFFF0]  }
0x2a7: {  	v55 =	vmul.f32 v55, v15;
	v15 =	vld [tilespmem:s9+$0xA0];
	[tilespmem:$0x1FBE0] =	vst v0;
	v0 =	vbroadcast v35, $0x5  }
0x2a8: {  	v17 =	vbroadcast v37, $0x7;
	[tilespmem:s9+$0xFFFFFE40] =	vst v4;
	v4 =	vld [tilespmem:$0x1FB60]  }
0x2a9: {  	v3 =	vmul.f32 v9, v3;
	v9 =	vld [tilespmem:$0x1FB50];
	[tilespmem:$0x1FBF0] =	vst v0;
	v0 =	vbroadcast v35, $0x6  }
0x2aa: {  	v13 =	vbroadcast v37, $0x3;
	[tilespmem:s9+$0xFFFFFE50] =	vst v6;
	v6 =	vld [tilespmem:$0x1FB80]  }
0x2ab: {  	v25 =	vmul.f32 v25, v17;
	v17 =	vld [tilespmem:s9+$0xB0];
	[tilespmem:$0x1FC00] =	vst v0;
	v0 =	vbroadcast v35, $0x7  }
0x2ac: {  	v23 =	vbroadcast v57, $0x0;
	v24 =	vbroadcast v57, $0x1;
	[tilespmem:$0x1FC60] =	vst v49;
	v63 =	vld [tilespmem:$0x1FB90]  }
0x2ad: {  	v27 =	vbroadcast v57, $0x2;
	v35 =	vld [tilespmem:s9+$0xFFFFFE80];
	[tilespmem:$0x1FC10] =	vst v0;
	v0 =	vbroadcast v37, $0x0  }
0x2ae: {  	[tilespmem:s9+$0xFFFFFE60] =	vst v7;
	v14 =	vbroadcast v37, $0x4;
	v1 =	vmul.f32 v1, v4;
	v4 =	vld [tilespmem:$0x1FB70]  }
0x2af: {  	v2 =	vmul.f32 v2, v9;
	v9 =	vld [tilespmem:s9+$0x0];
	[tilespmem:$0x1FC20] =	vst v0;
	v0 =	vbroadcast v37, $0x1  }
0x2b0: {  	v28 =	vbroadcast v57, $0x4;
	[tilespmem:s9+$0xFFFFFEC0] =	vst v1;
	v1 =	vmul.f32 v58, v14;
	v14 =	vld [tilespmem:s9+$0x90]  }
0x2b1: {  	v29 =	vbroadcast v57, $0x5;
	v7 =	vld [tilespmem:$0x1FBA0];
	[tilespmem:$0x1FC30] =	vst v0;
	v0 =	vbroadcast v26, $0x7  }
0x2b2: {  	[tilespmem:s9+$0xFFFFFFC0] =	vst v1;
	v1 =	vld [tilespmem:$0x1FC60];
	v36 =	vmul.f32 v39, v63;
	v11 =	vmul.f32 v11, v35  }
0x2b3: {  	[tilespmem:s10+$0x110] =	vst v22;
	v63 =	vmul.f32 v56, v13;
	v13 =	vld [tilespmem:s9+$0x80];
	v0 =	vmul.f32 v10, v0  }
0x2b4: {  	v33 =	vbroadcast v57, $0x7;
	v53 =	vbroadcast v34, $0x0;
	[tilespmem:s9+$0xFFFFFE80] =	vst v11;
	v11 =	vld [tilespmem:$0x1FBE0]  }
0x2b5: {  	v54 =	vbroadcast v34, $0x1;
	v18 =	vbroadcast v34, $0x2;
	[tilespmem:s9+$0xFFFFFE70] =	vst v0;
	v0 =	vld [tilespmem:$0x1FBC0]  }
0x2b6: {  	[tilespmem:s10+$0xF0] =	vst v19;
	v52 =	vbroadcast v34, $0x3;
	v14 =	vmul.f32 v14, v24;
	v24 =	vld [tilespmem:s9+$0x120]  }
0x2b7: {  	v20 =	vbroadcast v34, $0x4;
	v19 =	vbroadcast v34, $0x5;
	[tilespmem:s9+$0xFFFFFE90] =	vst v8;
	v8 =	vld [tilespmem:$0x1FC00]  }
0x2b8: {  	v22 =	vbroadcast v34, $0x6;
	v21 =	vbroadcast v34, $0x7;
	v59 =	vld [tilespmem:$0x1FBD0]  }
0x2b9: {  	v34 =	vbroadcast v57, $0x6;
	v26 =	vbroadcast v57, $0x3;
	v57 =	vld [tilespmem:s9+$0xFFFFFF50]  }
0x2ba: {  	v0 =	vmul.f32 v42, v0;
	v42 =	vmul.f32 v44, v11;
	v11 =	vld [tilespmem:$0x1FBF0]  }
0x2bb: {  	v6 =	vmul.f32 v38, v6;
	v38 =	vmul.f32 v7, v40;
	v7 =	vld [tilespmem:$0x1FBB0]  }
0x2bc: {  	v44 =	vmul.f32 v46, v8;
	v8 =	vld [tilespmem:$0x1FC10]  }
0x2bd: {  	v16 =	vbroadcast v37, $0x6;
	v12 =	vbroadcast v37, $0x2;
	v37 =	vld [tilespmem:s9+$0xFFFFFED0]  }
0x2be: {  	v10 =	vld [tilespmem:s9+$0xFFFFFFE0]  }
0x2bf: {  	v40 =	vmul.f32 v43, v59;
	v43 =	vmul.f32 v57, v11;
	v11 =	vld [tilespmem:s9+$0x50]  }
0x2c0: {  	v13 =	vmul.f32 v23, v13;
	v23 =	vld [tilespmem:s9+$0x110]  }
0x2c1: {  	v46 =	vmul.f32 v47, v8;
	v47 =	vld [tilespmem:s9+$0x60]  }
0x2c2: {  	v39 =	vmul.f32 v41, v7;
	v41 =	vld [tilespmem:s9+$0x40];
	v4 =	vmul.f32 v37, v4  }
0x2c3: {  	[tilespmem:s9+$0xFFFFFF20] =	vst v0;
	v0 =	vld [tilespmem:s9+$0xF0]  }
0x2c4: {  	[tilespmem:s9+$0xFFFFFED0] =	vst v4;
	v4 =	vmul.f32 v10, v16;
	v10 =	vmul.f32 v11, v19;
	v19 =	vld [tilespmem:s9+$0xD0]  }
0x2c5: {  	v11 =	vmul.f32 v62, v21;
	v21 =	vld [tilespmem:s9+$0xE0]  }
0x2c6: {  	[tilespmem:s9+$0xFFFFFEB0] =	vst v2;
	v2 =	vmul.f32 v50, v12;
	v12 =	vmul.f32 v47, v22;
	v22 =	vld [tilespmem:s9+$0x100]  }
0x2c7: {  	[tilespmem:s9+$0xFFFFFEA0] =	vst v3;
	v3 =	vld [tilespmem:$0x1FC20]  }
0x2c8: {  	[tilespmem:s9+$0xFFFFFEE0] =	vst v6;
	v6 =	vmul.f32 v53, v9;
	v9 =	vmul.f32 v41, v20;
	v37 =	vld [tilespmem:s9+$0x20]  }
0x2c9: {  	v16 =	vmul.f32 v15, v27;
	v15 =	vmul.f32 v17, v26;
	v26 =	vld [tilespmem:s9+$0x130]  }
0x2ca: {  	v8 =	vld [tilespmem:$0x1FC30];
	v20 =	vmul.f32 v19, v29;
	v17 =	vmul.f32 v21, v34  }
0x2cb: {  	v19 =	vmul.f32 v0, v33;
	v0 =	vld [tilespmem:s9+$0x140];
	v21 =	vmul.f32 v32, v22  }
0x2cc: {  	v22 =	vmul.f32 v23, v31;
	v23 =	vmul.f32 v24, v30;
	v24 =	vld [tilespmem:$0x1FC50]  }
0x2cd: {  	v3 =	vmul.f32 v3, v48;
	_ =	sdelay $0x1  }
0x2ce: {  	[tilespmem:s9+$0xFFFFFF80] =	vst v3;
	v3 =	vld [tilespmem:s9+$0x150]  }
0x2cf: {  	v61 =	vmul.f32 v60, v8;
	v8 =	vmul.f32 v37, v18;
	v18 =	vld [tilespmem:s9+$0xC0]  }
0x2d0: {  	v24 =	vmul.f32 v26, v24;
	v26 =	vmul.f32 v0, v1;
	v1 =	vld [tilespmem:$0x1FC70];
	_ =	sdelay $0x3  }
0x2d1: {  	[tilespmem:$0x1FC80] =	vst v51;
	v18 =	vmul.f32 v18, v28;
	v28 =	vld [tilespmem:s9+$0x160]  }
0x2d2: {  	v27 =	vmul.f32 v3, v1;
	v1 =	vld [tilespmem:$0x1FC80];
	_ =	sdelay $0x3  }
0x2d3: {  	[tilespmem:s9+$0xFFFFFFA0] =	vst v2;
	v2 =	vld [tilespmem:s9+$0x170]  }
0x2d4: {  	[tilespmem:s10+$0x1E0] =	vst v45;
	v28 =	vmul.f32 v28, v1;
	v1 =	vld [tilespmem:$0x1FC90]  }
0x2d5: {  	[tilespmem:s9+$0xFFFFFFD0] =	vst v55  }
0x2d6: {  	[tilespmem:s9+$0xFFFFFFF0] =	vst v25;
	v35 =	vld [tilespmem:s9+$0x10]  }
0x2d7: {  	[tilespmem:s9+$0xFFFFFEF0] =	vst v36  }
0x2d8: {  	[tilespmem:s9+$0xFFFFFFB0] =	vst v63;
	v29 =	vld [tilespmem:s9+$0x180]  }
0x2d9: {  	[tilespmem:s9+$0x0] =	vst v6;
	v25 =	vmul.f32 v2, v1;
	v1 =	vld [tilespmem:$0x1FCA0]  }
0x2da: {  	[tilespmem:s9+$0xFFFFFF00] =	vst v38  }
0x2db: {  	v7 =	vld [tilespmem:s9+$0x30];
	[tilespmem:s9+$0xFFFFFF10] =	vst v39;
	v35 =	vmul.f32 v35, v54  }
0x2dc: {  	[tilespmem:s9+$0xFFFFFF30] =	vst v40;
	v40 =	vld [tilespmem:$0x1FC40]  }
0x2dd: {  	s13 =	sadd.s32 $0x8, s13;
	[tilespmem:s9+$0x10] =	vst v35;
	v0 =	vld [tilespmem:s9+$0x190]  }
0x2de: {  	p3 =	slt.u32 s13, $0x48;
	[tilespmem:s9+$0xFFFFFFE0] =	vst v4;
	v29 =	vmul.f32 v1, v29;
	v1 =	vld [tilespmem:$0x1FCB0]  }
.Ltmp5:
0x2df: {  	[tilespmem:s9+$0xFFFFFF40] =	vst v42;
	v31 =	vld [tilespmem:s9+$0x1A0];
	(pc) =	sbr.rel @p3 .LBB2_8-.Ltmp5, $4  }
0x2e0: {  	[tilespmem:s9+$0xFFFFFF60] =	vst v44;
	v32 =	vld [tilespmem:s9+$0x1B0]  }
0x2e1: {  	v51 =	vbroadcast v5, $0x4;
	v49 =	vbroadcast v5, $0x5;
	[tilespmem:s9+$0xFFFFFF50] =	vst v43;
	v33 =	vld [tilespmem:s9+$0x1C0]  }
0x2e2: {  	v45 =	vbroadcast v5, $0x3;
	v5 =	vbroadcast v5, $0x6;
	[tilespmem:s9+$0xFFFFFF70] =	vst v46;
	v34 =	vld [tilespmem:s9+$0x1D0]  }
0x2e3: {  	s14 =	sadd.s32 $0x80, s14;
	s10 =	smov.u32 s9;
	v7 =	vmul.f32 v7, v52;
	[tilespmem:s9+$0xFFFFFF90] =	vst v61;
	v30 =	vmul.f32 v0, v1;
	v1 =	vld [tilespmem:s9+$0x1E0]  }
0x2e4: {  	[tilespmem:s9+$0x20] =	vst v8  }
0x2e5: {  	[tilespmem:s9+$0x40] =	vst v9  }
0x2e6: {  	[tilespmem:s9+$0x50] =	vst v10  }
0x2e7: {  	[tilespmem:s10+$0x80] =	vst v13  }
0x2e8: {  	[tilespmem:s10+$0x90] =	vst v14  }
0x2e9: {  	[tilespmem:s10+$0xA0] =	vst v16  }
0x2ea: {  	[tilespmem:s10+$0xB0] =	vst v15  }
0x2eb: {  	[tilespmem:s10+$0xC0] =	vst v18  }
0x2ec: {  	[tilespmem:s10+$0xD0] =	vst v20  }
0x2ed: {  	[tilespmem:s10+$0xE0] =	vst v17  }
0x2ee: {  	[tilespmem:s10+$0xF0] =	vst v19  }
0x2ef: {  	[tilespmem:s10+$0x100] =	vst v21  }
0x2f0: {  	[tilespmem:s10+$0x110] =	vst v22  }
0x2f1: {  	[tilespmem:s10+$0x120] =	vst v23  }
0x2f2: {  	[tilespmem:s10+$0x130] =	vst v24  }
0x2f3: {  	[tilespmem:s10+$0x140] =	vst v26  }
0x2f4: {  	[tilespmem:s10+$0x150] =	vst v27  }
0x2f5: {  	[tilespmem:s10+$0x160] =	vst v28  }
0x2f6: {  	[tilespmem:s10+$0x170] =	vst v25  }
0x2f7: {  	[tilespmem:s10+$0x180] =	vst v29  }
0x2f8: {  	[tilespmem:s9+$0x30] =	vst v7  }
0x2f9: {  	[tilespmem:s10+$0x190] =	vst v30  }
0x2fa: {  	v0 =	vmul.f32 v31, v40;
	[tilespmem:s10+$0x60] =	vst v12  }
0x2fb: {  	v2 =	vmul.f32 v32, v45;
	[tilespmem:s10+$0x70] =	vst v11  }
0x2fc: {  	v3 =	vmul.f32 v33, v51;
	[tilespmem:s10+$0x1A0] =	vst v0  }
0x2fd: {  	v63 =	vmul.f32 v34, v49;
	[tilespmem:s10+$0x1B0] =	vst v2  }
0x2fe: {  	v1 =	vmul.f32 v1, v5;
	[tilespmem:s10+$0x1C0] =	vst v3  }
0x2ff: {  	[tilespmem:s10+$0x1D0] =	vst v63  }
0x300: {  	s8 =	simm.s32 $0x4DD0;
	[tilespmem:s10+$0x1E0] =	vst v1  }
0x301: {  	[spmem:s2] =	stream.indirect.scatter.add.f32 [tilespmem:s24], [sflag:$0x4], $0x80, s8, s23, $0xb8;
	[tilespmem:$0x1EAA0] =	vst v63  }
.Ltmp6:
0x302: {  	_ =	swait.ge [sflag:s17], $0x2800;
	(pc) =	sbr.rel @!p0 .LBB2_10-.Ltmp6, $3  }
0x303: {  	[sflag:s17] =	ssyncset.done $0x0  }
0x304: {  	[sflag:s17] =	ssyncadd.s32 $0xFFFFD800  }
0x305: {  	[bflag:$0x0] =	sbarrier.arrive $0xFFFF;
	_ =	sdelay $0x1  }
0x306: {  	s8 =	rddreg [dreg:$0xb]  }
0x307: {  	[hbm:s8], [sflag:s11] =	dma.local [spmem:s20], $0x2700  }
.Ltmp7:
0x308: {  	_ = 	snop;
	(pc) =	sbr.rel @p1 .LBB2_13-.Ltmp7, $4  }
.Ltmp8:
0x309: {  	_ = 	snop;
	(pc) =	sbr.rel @!p1 .LBB2_12-.Ltmp8, $4  }
0x30a: {  	_ =	swait.ge [sflag:s21], $0x2700  }
0x30b: {  	[sflag:s21] =	ssyncset.done $0x0  }
0x30c: {  	s8 =	rddreg [dreg:$0x4];
	[sflag:s21] =	ssyncadd.s32 $0xFFFFD900  }
0x30d: {  	_ = 	snop  }
.LBB2_10:
0x30e: {  	s8 =	rddreg [dreg:$0xa]  }
0x30f: {  	[hbm:s8], [sflag:s11] =	dma.local [spmem:s20], $0x2700  }
.Ltmp9:
0x310: {  	_ = 	snop;
	(pc) =	sbr.rel @p2 .LBB2_12-.Ltmp9, $4  }
.Ltmp10:
0x311: {  	_ = 	snop;
	(pc) =	sbr.rel @!p2 .LBB2_13-.Ltmp10, $4  }
0x312: {  	_ =	swait.ge [sflag:s21], $0x2700  }
0x313: {  	[sflag:s21] =	ssyncset.done $0x0  }
0x314: {  	s8 =	rddreg [dreg:$0x3];
	[sflag:s21] =	ssyncadd.s32 $0xFFFFD900  }
0x315: {  	_ = 	snop  }
.LBB2_14:
0x316: {  	_ =	sfence.sel $0x180000  }
0x317: {  	[bflag:$0x0] =	sbarrier.arrive $0xFFFF  }
0x318: {  	_ =	strace $0x9000004A  }
0x319: {  	s0 =	stileid.u32;
	[bflag:$0x2] =	sbarrier.arrive $0xFFFF  }
0x31a: {  	p0 =	sne.s32 s0, $0x0;
	s0 =	rddreg [dreg:$0x2]  }
0x31b: {  	s0 =	sadd.s32 @!p0 $0x100000, s0  }
0x31c: {  	[sflag:s0] =	ssyncadd.tile.s32 @!p0 $0x1;
	_ =	shalt  }
.Lfunc_end2:
_tile_overlayer_lowered:
.L_overlay_start_2:
0x31d: {  	(tag) =	ssettag $0x2  }
0x31e: {  	s0 =	rddreg [dreg:$0x0];
	s2 =	stileid.u32  }
0x31f: {  	s1 =	rddreg [dreg:$0x1];
	p0 =	sne.s32 s2, $0x0  }
0x320: {  	s3 =	rddreg [dreg:$0x2];
	[bflag:$0x3] =	sbarrier.arrive $0xFFFF;
	s2 =	simm.s32 @!p0 $0x1C05  }
0x321: {  	[timem:s3], [sflag:s2] =	dma.local @!p0 [hbm:s0], s1  }
0x322: {  	s0 =	simm.s32 @!p0 $0x5  }
0x323: {  	_ =	swait.ge @!p0 [sflag:s0], s1  }
0x324: {  	s1 =	ssub.s32 @!p0 $0x0, s1;
	[sflag:s0] =	ssyncset.done @!p0 $0x0  }
0x325: {  	[sflag:s0] =	ssyncadd.s32 @!p0 s1  }
0x326: {  	[bflag:$0x3] =	sbarrier.arrive $0xFFFF  }
0x327: {  	_ =	shalt  }

</sc_bundles>
